<compile_context>
chip_gen: v7x
topology: tpu7x:2x2x1
jax: 0.10.2.dev20260603
libtpu: 0.0.44.dev20260713+nightly
codegen_flags: <defaults>
</compile_context>

<pallas_src>
import functools

import jax
import jax.numpy as jnp
from jax import lax
from jax.experimental import pallas as pl
from jax.experimental.pallas import tpu as pltpu
from jax.experimental.pallas import tpu_sc as plsc

B = 4096
L = 200
E = 128
V = 1000

NC = 2
NS = 16
NW = NC * NS

ROWS = B * L
RPW = ROWS // NW
G = L
NG = RPW // G
NBUF = 4
NCIDX = 3
GAHEAD = 2
VLO = 960
VHI = V - VLO
NBLK = 13

_mesh = plsc.VectorSubcoreMesh(core_axis_name="c", subcore_axis_name="s")


@functools.partial(
    pl.kernel,
    out_type=jax.ShapeDtypeStruct((ROWS, E), jnp.float32),
    mesh=_mesh,
    compiler_params=pltpu.CompilerParams(needs_layout_passes=False),
    scratch_types=[
        pltpu.VMEM_SHARED((VLO, E), jnp.float32),
        pltpu.VMEM((VHI, E), jnp.float32),
        pltpu.VMEM((NBUF, G, E), jnp.float32),
        pltpu.VMEM((NBUF * 208,), jnp.int32),
        pltpu.VMEM((NCIDX * 208,), jnp.int32),
        pltpu.SemaphoreType.DMA((NBUF,)),
        pltpu.SemaphoreType.DMA((NBUF,)),
        pltpu.SemaphoreType.DMA((NBUF,)),
    ],
)
def _emb_kernel(table_hbm, xflat_hbm, out_hbm, table_sp, high_v, bufs,
                iring, cidx, isem, gsem, wsem):
    wid = lax.axis_index("s") * NC + lax.axis_index("c")
    base = wid * RPW
    lanes = jnp.arange(16, dtype=jnp.int32)

    pltpu.sync_copy(table_hbm.at[pl.ds(0, VLO)], table_sp)
    pltpu.sync_copy(table_hbm.at[pl.ds(VLO, VHI)], high_v)

    def ifetch_desc(g, slot):
        return pltpu.make_async_copy(
            xflat_hbm.at[pl.ds(base + g * G, G)],
            iring.at[pl.ds(slot * 208, G)],
            isem.at[slot],
        )

    def clamp_group(g):
        s4 = lax.rem(g, NBUF)
        s3 = lax.rem(g, NCIDX)
        for k in range(NBLK):
            v = iring[pl.ds(s4 * 208 + k * 16, 16)]
            cidx[pl.ds(s3 * 208 + k * 16, 16)] = jnp.minimum(
                v, jnp.int32(VLO - 1))

    def gather_descs(g):
        slot = lax.rem(g, NBUF)
        s3 = lax.rem(g, NCIDX)
        d1 = pltpu.make_async_copy(
            table_sp.at[cidx.at[pl.ds(s3 * 208, 128)]],
            bufs.at[slot, pl.ds(0, 128)],
            gsem.at[slot],
        )
        d2 = pltpu.make_async_copy(
            table_sp.at[cidx.at[pl.ds(s3 * 208 + 128, G - 128)]],
            bufs.at[slot, pl.ds(128, G - 128)],
            gsem.at[slot],
        )
        return d1, d2

    def write_desc(g, slot):
        return pltpu.make_async_copy(
            bufs.at[slot],
            out_hbm.at[pl.ds(base + g * G, G)],
            wsem.at[slot],
        )

    for g in range(3):
        ifetch_desc(g, g).start()
    for g in range(GAHEAD):
        ifetch_desc(g, g).wait()
        clamp_group(g)
        d1, d2 = gather_descs(g)
        d1.start()
        d2.start()

    def group(g, carry):
        slot = lax.rem(g, NBUF)

        @pl.when(g + 3 < NG)
        def _():
            ifetch_desc(g + 3, lax.rem(g + 3, NBUF)).start()

        @pl.when(g + GAHEAD < NG)
        def _():
            g2 = g + GAHEAD
            ifetch_desc(g2, lax.rem(g2, NBUF)).wait()
            clamp_group(g2)

            @pl.when(g2 >= NBUF)
            def _():
                write_desc(g2 - NBUF, lax.rem(g2, NBUF)).wait()

            d1, d2 = gather_descs(g2)
            d1.start()
            d2.start()

        d1, d2 = gather_descs(g)
        d1.wait()
        d2.wait()

        for blk in range(NBLK):
            off = blk * 16
            idxo = iring[pl.ds(slot * 208 + off, 16)]
            valid = idxo >= jnp.int32(VLO)
            if off + 16 > G:
                valid = valid & (lanes < (G - off))

            @pl.when(jnp.any(valid))
            def _(off=off, idxo=idxo, valid=valid):
                def fix_one(m):
                    lane = lax.reduce_max(
                        jnp.where(m, lanes, jnp.int32(-1)), (0,))
                    hv = lax.reduce_max(
                        jnp.where(lanes == lane, idxo, jnp.int32(-1)), (0,))
                    row = off + lane
                    hrow = hv - jnp.int32(VLO)
                    for e in range(E // 16):
                        bufs[slot, row, pl.ds(e * 16, 16)] = (
                            high_v[hrow, pl.ds(e * 16, 16)])
                    return m & (lanes != lane)

                lax.while_loop(lambda m: jnp.any(m), fix_one, valid)

        def addodd(i, carry2):
            for e in range(E // 16):
                bufs[slot, 2 * i + 1, pl.ds(e * 16, 16)] = (
                    bufs[slot, 2 * i + 1, pl.ds(e * 16, 16)]
                    + jnp.float32(1.0))
            return carry2

        lax.fori_loop(0, G // 2, addodd, 0, unroll=4)

        write_desc(g, slot).start()
        return carry

    lax.fori_loop(0, NG, group, 0)

    for g in range(NG - NBUF, NG):
        write_desc(g, g % NBUF).wait()


def kernel(x, input_table):
    x_flat = x.reshape(ROWS).astype(jnp.int32)
    out = _emb_kernel(input_table, x_flat)
    return out.reshape(B, L, E)

# --- scband reference (transcript-rebuilt; emitter-appended) ---
"""Pipeline reference for scband-transformer-83021717831867 (READ-ONLY COPY).

The authoritative reference and input builder live on the scoring server;
editing this copy changes nothing except your own understanding.
"""

import jax, jax.numpy as jnp
import numpy as np

VOCAB = 1000
EMBED = 128
B = 4096
L = 200


def _pos_enc(seq_len, d):
    # Faithful to the original code: the exponent is 2*embedding[i].shape[0]/inputEmbeddingSize
    # where embedding[i].shape[0] == inputEmbeddingSize, so the exponent is always exactly 2.0
    # (this is a bug in the original module, preserved here). posEnc has shape [L, 1] and is
    # broadcast-added across the embedding dimension.
    i = jnp.arange(seq_len, dtype=jnp.float32)
    denom = jnp.power(jnp.float32(10000.0), jnp.float32(2.0 * d / d))  # == 1e8
    vals = jnp.where(jnp.arange(seq_len) % 2 == 0, jnp.sin(i / denom), jnp.cos(i / denom))
    return vals[:, None]  # [L, 1]


def setup_inputs(seed: int = 0) -> dict:
    key = jax.random.key(seed)
    k1, k2 = jax.random.split(key)
    x = jax.random.randint(k1, (B, L), 0, VOCAB)  # token ids (in-vocab)
    input_table = jax.random.normal(k2, (VOCAB, EMBED), dtype=jnp.float32)
    return {"x": x, "input_table": input_table}


def reference(x, input_table):
    # embedWords: nn.Embedding lookup, then .detach() -> stop_gradient
    emb = jax.lax.stop_gradient(jnp.take(input_table, x, axis=0))  # [B, L, EMBED]
    # embedBatch: embedding += posEnc for every sentence
    pe = _pos_enc(x.shape[1], input_table.shape[1])  # [L, 1]
    out = emb + pe[None, :, :]  # broadcast over batch and embed dim
    # Original forward() prints and returns None; the meaningful computation is the
    # embedBatch output (list of per-sentence embeddings), returned here stacked.
    return out

if __name__ == "__main__":
    import jax
    _d = setup_inputs()
    print(jax.jit(kernel)(*tuple(_d.values())))

</pallas_src>

<mosaic_0001>
#map = affine_map<(d0, d1) -> (0, 0)>
#map1 = affine_map<(d0, d1) -> (0)>
module attributes {stable_mosaic.version = 14 : i64} {
  func.func @_emb_kernel(%arg0: i32, %arg1: i32, %arg2: memref<1000x128xf32, #tpu.memory_space<hbm>>, %arg3: memref<819200xi32, #tpu.memory_space<hbm>>, %arg4: memref<819200x128xf32, #tpu.memory_space<hbm>>, %arg5: memref<960x128xf32, #tpu.memory_space<vmem_shared>>, %arg6: memref<40x128xf32, #tpu.memory_space<vmem>>, %arg7: memref<4x200x128xf32, #tpu.memory_space<vmem>>, %arg8: memref<832xi32, #tpu.memory_space<vmem>>, %arg9: memref<624xi32, #tpu.memory_space<vmem>>, %arg10: memref<4x!tpu.dma_semaphore, #tpu.memory_space<semaphore_mem>>, %arg11: memref<4x!tpu.dma_semaphore, #tpu.memory_space<semaphore_mem>>, %arg12: memref<4x!tpu.dma_semaphore, #tpu.memory_space<semaphore_mem>>) attributes {dimension_semantics = [#tpu.dimension_semantics<core_parallel>, #tpu.dimension_semantics<subcore_parallel>], iteration_bounds = array<i64: 2, 16>, scalar_prefetch = 0 : i64, scratch_operands = 8 : i64, tpu.core_type = #tpu.core_type<sc_vector_subcore>, window_params = [{transform_indices = #map}, {transform_indices = #map1}, {transform_indices = #map}]} {
    %mul3A = arith.constant 2 : i32
    %mul3A_0 = arith.muli %arg1, %mul3A : i32
    %add3A = arith.addi %mul3A_0, %arg0 : i32
    %mul3A_1 = arith.constant 25600 : i32
    %mul3A_2 = arith.muli %add3A, %mul3A_1 : i32
    %iota3A = tpu.iota {dimensions = array<i32: 0>} : vector<16xi32>
    "tpu.region"() ({
      %run_scoped3A = tpu.sem_alloc : memref<!tpu.dma_semaphore, #tpu.memory_space<semaphore_mem>>
      %dma_start3A_595 = arith.constant 0 : i32
      %dma_start3A_596 = arith.constant 0 : i32
      %dma_start3A_597 = tpu.memref_slice %arg2[%dma_start3A_595, %dma_start3A_596] : memref<1000x128xf32, #tpu.memory_space<hbm>> -> memref<960x128xf32, #tpu.memory_space<hbm>>
      tpu.enqueue_dma source(%dma_start3A_597 : memref<960x128xf32, #tpu.memory_space<hbm>>) target(%arg5 : memref<960x128xf32, #tpu.memory_space<vmem_shared>>) target_semaphore(%run_scoped3A : memref<!tpu.dma_semaphore, #tpu.memory_space<semaphore_mem>>)
      %dma_wait3A_598 = arith.constant 0 : i32
      %dma_wait3A_599 = arith.constant 0 : i32
      %dma_wait3A_600 = tpu.memref_slice %arg2[%dma_wait3A_598, %dma_wait3A_599] : memref<1000x128xf32, #tpu.memory_space<hbm>> -> memref<960x128xf32, #tpu.memory_space<hbm>>
      tpu.wait_dma2 semaphore(%run_scoped3A : memref<!tpu.dma_semaphore, #tpu.memory_space<semaphore_mem>>) src(%dma_wait3A_600 : memref<960x128xf32, #tpu.memory_space<hbm>>) dst(%arg5 : memref<960x128xf32, #tpu.memory_space<vmem_shared>>)
      tpu.yield
    }) : () -> ()
    "tpu.region"() ({
      %run_scoped3A = tpu.sem_alloc : memref<!tpu.dma_semaphore, #tpu.memory_space<semaphore_mem>>
      %dma_start3A_595 = arith.constant 960 : i32
      %dma_start3A_596 = arith.constant 0 : i32
      %dma_start3A_597 = tpu.memref_slice %arg2[%dma_start3A_595, %dma_start3A_596] : memref<1000x128xf32, #tpu.memory_space<hbm>> -> memref<40x128xf32, #tpu.memory_space<hbm>>
      %dma_start3A_598 = arith.constant 960 : i32
      %dma_start3A_599 = arith.constant 0 : i32
      %dma_start3A_600 = tpu.memref_slice %arg2[%dma_start3A_598, %dma_start3A_599] : memref<1000x128xf32, #tpu.memory_space<hbm>> -> memref<40x128xf32, #tpu.memory_space<hbm>>
      tpu.enqueue_dma source(%dma_start3A_600 : memref<40x128xf32, #tpu.memory_space<hbm>>) target(%arg6 : memref<40x128xf32, #tpu.memory_space<vmem>>) target_semaphore(%run_scoped3A : memref<!tpu.dma_semaphore, #tpu.memory_space<semaphore_mem>>)
      %dma_wait3A_601 = arith.constant 960 : i32
      %dma_wait3A_602 = arith.constant 0 : i32
      %dma_wait3A_603 = tpu.memref_slice %arg2[%dma_wait3A_601, %dma_wait3A_602] : memref<1000x128xf32, #tpu.memory_space<hbm>> -> memref<40x128xf32, #tpu.memory_space<hbm>>
      %dma_wait3A_604 = arith.constant 960 : i32
      %dma_wait3A_605 = arith.constant 0 : i32
      %dma_wait3A_606 = tpu.memref_slice %arg2[%dma_wait3A_604, %dma_wait3A_605] : memref<1000x128xf32, #tpu.memory_space<hbm>> -> memref<40x128xf32, #tpu.memory_space<hbm>>
      tpu.wait_dma2 semaphore(%run_scoped3A : memref<!tpu.dma_semaphore, #tpu.memory_space<semaphore_mem>>) src(%dma_wait3A_606 : memref<40x128xf32, #tpu.memory_space<hbm>>) dst(%arg6 : memref<40x128xf32, #tpu.memory_space<vmem>>)
      tpu.yield
    }) : () -> ()
    %add3A_3 = arith.constant 0 : i32
    %add3A_4 = arith.addi %mul3A_2, %add3A_3 : i32
    %dma_start3A = arith.constant 0 : i32
    %dma_start3A_5 = arith.constant 0 : i32
    %dma_start3A_6 = tpu.memref_slice %arg8[%dma_start3A_5] : memref<832xi32, #tpu.memory_space<vmem>> -> memref<200xi32, #tpu.memory_space<vmem>>
    %dma_start3A_7 = tpu.memref_slice %arg3[%add3A_4] : memref<819200xi32, #tpu.memory_space<hbm>> -> memref<200xi32, #tpu.memory_space<hbm>>
    %dma_start3A_8 = tpu.memref_slice %arg10[%dma_start3A] : memref<4x!tpu.dma_semaphore, #tpu.memory_space<semaphore_mem>> -> memref<1x!tpu.dma_semaphore, #tpu.memory_space<semaphore_mem>>
    %dma_start3A_9 = tpu.memref_squeeze %dma_start3A_8 : memref<1x!tpu.dma_semaphore, #tpu.memory_space<semaphore_mem>> -> memref<!tpu.dma_semaphore, #tpu.memory_space<semaphore_mem>>
    %dma_start3A_10 = arith.constant 0 : i32
    %dma_start3A_11 = tpu.memref_slice %arg8[%dma_start3A_10] : memref<832xi32, #tpu.memory_space<vmem>> -> memref<200xi32, #tpu.memory_space<vmem>>
    %dma_start3A_12 = tpu.memref_slice %arg3[%add3A_4] : memref<819200xi32, #tpu.memory_space<hbm>> -> memref<200xi32, #tpu.memory_space<hbm>>
    tpu.enqueue_dma source(%dma_start3A_12 : memref<200xi32, #tpu.memory_space<hbm>>) target(%dma_start3A_11 : memref<200xi32, #tpu.memory_space<vmem>>) target_semaphore(%dma_start3A_9 : memref<!tpu.dma_semaphore, #tpu.memory_space<semaphore_mem>>)
    %add3A_13 = arith.constant 200 : i32
    %add3A_14 = arith.addi %mul3A_2, %add3A_13 : i32
    %dma_start3A_15 = arith.constant 1 : i32
    %dma_start3A_16 = arith.constant 208 : i32
    %dma_start3A_17 = tpu.memref_slice %arg8[%dma_start3A_16] : memref<832xi32, #tpu.memory_space<vmem>> -> memref<200xi32, #tpu.memory_space<vmem>>
    %dma_start3A_18 = tpu.memref_slice %arg3[%add3A_14] : memref<819200xi32, #tpu.memory_space<hbm>> -> memref<200xi32, #tpu.memory_space<hbm>>
    %dma_start3A_19 = tpu.memref_slice %arg10[%dma_start3A_15] : memref<4x!tpu.dma_semaphore, #tpu.memory_space<semaphore_mem>> -> memref<1x!tpu.dma_semaphore, #tpu.memory_space<semaphore_mem>>
    %dma_start3A_20 = tpu.memref_squeeze %dma_start3A_19 : memref<1x!tpu.dma_semaphore, #tpu.memory_space<semaphore_mem>> -> memref<!tpu.dma_semaphore, #tpu.memory_space<semaphore_mem>>
    %dma_start3A_21 = arith.constant 208 : i32
    %dma_start3A_22 = tpu.memref_slice %arg8[%dma_start3A_21] : memref<832xi32, #tpu.memory_space<vmem>> -> memref<200xi32, #tpu.memory_space<vmem>>
    %dma_start3A_23 = tpu.memref_slice %arg3[%add3A_14] : memref<819200xi32, #tpu.memory_space<hbm>> -> memref<200xi32, #tpu.memory_space<hbm>>
    tpu.enqueue_dma source(%dma_start3A_23 : memref<200xi32, #tpu.memory_space<hbm>>) target(%dma_start3A_22 : memref<200xi32, #tpu.memory_space<vmem>>) target_semaphore(%dma_start3A_20 : memref<!tpu.dma_semaphore, #tpu.memory_space<semaphore_mem>>)
    %add3A_24 = arith.constant 400 : i32
    %add3A_25 = arith.addi %mul3A_2, %add3A_24 : i32
    %dma_start3A_26 = arith.constant 2 : i32
    %dma_start3A_27 = arith.constant 416 : i32
    %dma_start3A_28 = tpu.memref_slice %arg8[%dma_start3A_27] : memref<832xi32, #tpu.memory_space<vmem>> -> memref<200xi32, #tpu.memory_space<vmem>>
    %dma_start3A_29 = tpu.memref_slice %arg3[%add3A_25] : memref<819200xi32, #tpu.memory_space<hbm>> -> memref<200xi32, #tpu.memory_space<hbm>>
    %dma_start3A_30 = tpu.memref_slice %arg10[%dma_start3A_26] : memref<4x!tpu.dma_semaphore, #tpu.memory_space<semaphore_mem>> -> memref<1x!tpu.dma_semaphore, #tpu.memory_space<semaphore_mem>>
    %dma_start3A_31 = tpu.memref_squeeze %dma_start3A_30 : memref<1x!tpu.dma_semaphore, #tpu.memory_space<semaphore_mem>> -> memref<!tpu.dma_semaphore, #tpu.memory_space<semaphore_mem>>
    %dma_start3A_32 = arith.constant 416 : i32
    %dma_start3A_33 = tpu.memref_slice %arg8[%dma_start3A_32] : memref<832xi32, #tpu.memory_space<vmem>> -> memref<200xi32, #tpu.memory_space<vmem>>
    %dma_start3A_34 = tpu.memref_slice %arg3[%add3A_25] : memref<819200xi32, #tpu.memory_space<hbm>> -> memref<200xi32, #tpu.memory_space<hbm>>
    tpu.enqueue_dma source(%dma_start3A_34 : memref<200xi32, #tpu.memory_space<hbm>>) target(%dma_start3A_33 : memref<200xi32, #tpu.memory_space<vmem>>) target_semaphore(%dma_start3A_31 : memref<!tpu.dma_semaphore, #tpu.memory_space<semaphore_mem>>)
    %add3A_35 = arith.constant 0 : i32
    %add3A_36 = arith.addi %mul3A_2, %add3A_35 : i32
    %dma_wait3A = arith.constant 0 : i32
    %dma_wait3A_37 = arith.constant 0 : i32
    %dma_wait3A_38 = tpu.memref_slice %arg8[%dma_wait3A_37] : memref<832xi32, #tpu.memory_space<vmem>> -> memref<200xi32, #tpu.memory_space<vmem>>
    %dma_wait3A_39 = tpu.memref_slice %arg3[%add3A_36] : memref<819200xi32, #tpu.memory_space<hbm>> -> memref<200xi32, #tpu.memory_space<hbm>>
    %dma_wait3A_40 = tpu.memref_slice %arg10[%dma_wait3A] : memref<4x!tpu.dma_semaphore, #tpu.memory_space<semaphore_mem>> -> memref<1x!tpu.dma_semaphore, #tpu.memory_space<semaphore_mem>>
    %dma_wait3A_41 = tpu.memref_squeeze %dma_wait3A_40 : memref<1x!tpu.dma_semaphore, #tpu.memory_space<semaphore_mem>> -> memref<!tpu.dma_semaphore, #tpu.memory_space<semaphore_mem>>
    %dma_wait3A_42 = arith.constant 0 : i32
    %dma_wait3A_43 = tpu.memref_slice %arg8[%dma_wait3A_42] : memref<832xi32, #tpu.memory_space<vmem>> -> memref<200xi32, #tpu.memory_space<vmem>>
    %dma_wait3A_44 = tpu.memref_slice %arg3[%add3A_36] : memref<819200xi32, #tpu.memory_space<hbm>> -> memref<200xi32, #tpu.memory_space<hbm>>
    tpu.wait_dma2 semaphore(%dma_wait3A_41 : memref<!tpu.dma_semaphore, #tpu.memory_space<semaphore_mem>>) src(%dma_wait3A_44 : memref<200xi32, #tpu.memory_space<hbm>>) dst(%dma_wait3A_43 : memref<200xi32, #tpu.memory_space<vmem>>)
    %rem3A = arith.constant 0 : i32
    %rem3A_45 = arith.constant 4 : i32
    %rem3A_46 = arith.remsi %rem3A, %rem3A_45 : i32
    %rem3A_47 = arith.constant 0 : i32
    %rem3A_48 = arith.constant 3 : i32
    %rem3A_49 = arith.remsi %rem3A_47, %rem3A_48 : i32
    %mul3A_50 = arith.constant 208 : i32
    %mul3A_51 = arith.muli %rem3A_46, %mul3A_50 : i32
    %add3A_52 = arith.constant 0 : i32
    %add3A_53 = arith.addi %mul3A_51, %add3A_52 : i32
    %get3A = arith.index_cast %add3A_53 : i32 to index
    %get3A_54 = tpu.vector_load %arg8[%get3A] {strides = array<i32>} : memref<832xi32, #tpu.memory_space<vmem>>, vector<16xi32>,
    %min3A = arith.constant 959 : i32
    %min3A_55 = vector.broadcast %min3A : i32 to vector<16xi32>
    %min3A_56 = arith.minsi %get3A_54, %min3A_55 : vector<16xi32>
    %mul3A_57 = arith.constant 208 : i32
    %mul3A_58 = arith.muli %rem3A_49, %mul3A_57 : i32
    %add3A_59 = arith.constant 0 : i32
    %add3A_60 = arith.addi %mul3A_58, %add3A_59 : i32
    %swap3A = arith.index_cast %add3A_60 : i32 to index
    %swap3A_61 = tpu.vector_load %arg9[%swap3A] {strides = array<i32>} : memref<624xi32, #tpu.memory_space<vmem>>, vector<16xi32>,
    tpu.vector_store %arg9[%swap3A], %min3A_56 {strides = array<i32>} : memref<624xi32, #tpu.memory_space<vmem>>, vector<16xi32>,
    %mul3A_62 = arith.constant 208 : i32
    %mul3A_63 = arith.muli %rem3A_46, %mul3A_62 : i32
    %add3A_64 = arith.constant 16 : i32
    %add3A_65 = arith.addi %mul3A_63, %add3A_64 : i32
    %get3A_66 = arith.index_cast %add3A_65 : i32 to index
    %get3A_67 = tpu.vector_load %arg8[%get3A_66] {strides = array<i32>} : memref<832xi32, #tpu.memory_space<vmem>>, vector<16xi32>,
    %min3A_68 = arith.constant 959 : i32
    %min3A_69 = vector.broadcast %min3A_68 : i32 to vector<16xi32>
    %min3A_70 = arith.minsi %get3A_67, %min3A_69 : vector<16xi32>
    %mul3A_71 = arith.constant 208 : i32
    %mul3A_72 = arith.muli %rem3A_49, %mul3A_71 : i32
    %add3A_73 = arith.constant 16 : i32
    %add3A_74 = arith.addi %mul3A_72, %add3A_73 : i32
    %swap3A_75 = arith.index_cast %add3A_74 : i32 to index
    %swap3A_76 = tpu.vector_load %arg9[%swap3A_75] {strides = array<i32>} : memref<624xi32, #tpu.memory_space<vmem>>, vector<16xi32>,
    tpu.vector_store %arg9[%swap3A_75], %min3A_70 {strides = array<i32>} : memref<624xi32, #tpu.memory_space<vmem>>, vector<16xi32>,
    %mul3A_77 = arith.constant 208 : i32
    %mul3A_78 = arith.muli %rem3A_46, %mul3A_77 : i32
    %add3A_79 = arith.constant 32 : i32
    %add3A_80 = arith.addi %mul3A_78, %add3A_79 : i32
    %get3A_81 = arith.index_cast %add3A_80 : i32 to index
    %get3A_82 = tpu.vector_load %arg8[%get3A_81] {strides = array<i32>} : memref<832xi32, #tpu.memory_space<vmem>>, vector<16xi32>,
    %min3A_83 = arith.constant 959 : i32
    %min3A_84 = vector.broadcast %min3A_83 : i32 to vector<16xi32>
    %min3A_85 = arith.minsi %get3A_82, %min3A_84 : vector<16xi32>
    %mul3A_86 = arith.constant 208 : i32
    %mul3A_87 = arith.muli %rem3A_49, %mul3A_86 : i32
    %add3A_88 = arith.constant 32 : i32
    %add3A_89 = arith.addi %mul3A_87, %add3A_88 : i32
    %swap3A_90 = arith.index_cast %add3A_89 : i32 to index
    %swap3A_91 = tpu.vector_load %arg9[%swap3A_90] {strides = array<i32>} : memref<624xi32, #tpu.memory_space<vmem>>, vector<16xi32>,
    tpu.vector_store %arg9[%swap3A_90], %min3A_85 {strides = array<i32>} : memref<624xi32, #tpu.memory_space<vmem>>, vector<16xi32>,
    %mul3A_92 = arith.constant 208 : i32
    %mul3A_93 = arith.muli %rem3A_46, %mul3A_92 : i32
    %add3A_94 = arith.constant 48 : i32
    %add3A_95 = arith.addi %mul3A_93, %add3A_94 : i32
    %get3A_96 = arith.index_cast %add3A_95 : i32 to index
    %get3A_97 = tpu.vector_load %arg8[%get3A_96] {strides = array<i32>} : memref<832xi32, #tpu.memory_space<vmem>>, vector<16xi32>,
    %min3A_98 = arith.constant 959 : i32
    %min3A_99 = vector.broadcast %min3A_98 : i32 to vector<16xi32>
    %min3A_100 = arith.minsi %get3A_97, %min3A_99 : vector<16xi32>
    %mul3A_101 = arith.constant 208 : i32
    %mul3A_102 = arith.muli %rem3A_49, %mul3A_101 : i32
    %add3A_103 = arith.constant 48 : i32
    %add3A_104 = arith.addi %mul3A_102, %add3A_103 : i32
    %swap3A_105 = arith.index_cast %add3A_104 : i32 to index
    %swap3A_106 = tpu.vector_load %arg9[%swap3A_105] {strides = array<i32>} : memref<624xi32, #tpu.memory_space<vmem>>, vector<16xi32>,
    tpu.vector_store %arg9[%swap3A_105], %min3A_100 {strides = array<i32>} : memref<624xi32, #tpu.memory_space<vmem>>, vector<16xi32>,
    %mul3A_107 = arith.constant 208 : i32
    %mul3A_108 = arith.muli %rem3A_46, %mul3A_107 : i32
    %add3A_109 = arith.constant 64 : i32
    %add3A_110 = arith.addi %mul3A_108, %add3A_109 : i32
    %get3A_111 = arith.index_cast %add3A_110 : i32 to index
    %get3A_112 = tpu.vector_load %arg8[%get3A_111] {strides = array<i32>} : memref<832xi32, #tpu.memory_space<vmem>>, vector<16xi32>,
    %min3A_113 = arith.constant 959 : i32
    %min3A_114 = vector.broadcast %min3A_113 : i32 to vector<16xi32>
    %min3A_115 = arith.minsi %get3A_112, %min3A_114 : vector<16xi32>
    %mul3A_116 = arith.constant 208 : i32
    %mul3A_117 = arith.muli %rem3A_49, %mul3A_116 : i32
    %add3A_118 = arith.constant 64 : i32
    %add3A_119 = arith.addi %mul3A_117, %add3A_118 : i32
    %swap3A_120 = arith.index_cast %add3A_119 : i32 to index
    %swap3A_121 = tpu.vector_load %arg9[%swap3A_120] {strides = array<i32>} : memref<624xi32, #tpu.memory_space<vmem>>, vector<16xi32>,
    tpu.vector_store %arg9[%swap3A_120], %min3A_115 {strides = array<i32>} : memref<624xi32, #tpu.memory_space<vmem>>, vector<16xi32>,
    %mul3A_122 = arith.constant 208 : i32
    %mul3A_123 = arith.muli %rem3A_46, %mul3A_122 : i32
    %add3A_124 = arith.constant 80 : i32
    %add3A_125 = arith.addi %mul3A_123, %add3A_124 : i32
    %get3A_126 = arith.index_cast %add3A_125 : i32 to index
    %get3A_127 = tpu.vector_load %arg8[%get3A_126] {strides = array<i32>} : memref<832xi32, #tpu.memory_space<vmem>>, vector<16xi32>,
    %min3A_128 = arith.constant 959 : i32
    %min3A_129 = vector.broadcast %min3A_128 : i32 to vector<16xi32>
    %min3A_130 = arith.minsi %get3A_127, %min3A_129 : vector<16xi32>
    %mul3A_131 = arith.constant 208 : i32
    %mul3A_132 = arith.muli %rem3A_49, %mul3A_131 : i32
    %add3A_133 = arith.constant 80 : i32
    %add3A_134 = arith.addi %mul3A_132, %add3A_133 : i32
    %swap3A_135 = arith.index_cast %add3A_134 : i32 to index
    %swap3A_136 = tpu.vector_load %arg9[%swap3A_135] {strides = array<i32>} : memref<624xi32, #tpu.memory_space<vmem>>, vector<16xi32>,
    tpu.vector_store %arg9[%swap3A_135], %min3A_130 {strides = array<i32>} : memref<624xi32, #tpu.memory_space<vmem>>, vector<16xi32>,
    %mul3A_137 = arith.constant 208 : i32
    %mul3A_138 = arith.muli %rem3A_46, %mul3A_137 : i32
    %add3A_139 = arith.constant 96 : i32
    %add3A_140 = arith.addi %mul3A_138, %add3A_139 : i32
    %get3A_141 = arith.index_cast %add3A_140 : i32 to index
    %get3A_142 = tpu.vector_load %arg8[%get3A_141] {strides = array<i32>} : memref<832xi32, #tpu.memory_space<vmem>>, vector<16xi32>,
    %min3A_143 = arith.constant 959 : i32
    %min3A_144 = vector.broadcast %min3A_143 : i32 to vector<16xi32>
    %min3A_145 = arith.minsi %get3A_142, %min3A_144 : vector<16xi32>
    %mul3A_146 = arith.constant 208 : i32
    %mul3A_147 = arith.muli %rem3A_49, %mul3A_146 : i32
    %add3A_148 = arith.constant 96 : i32
    %add3A_149 = arith.addi %mul3A_147, %add3A_148 : i32
    %swap3A_150 = arith.index_cast %add3A_149 : i32 to index
    %swap3A_151 = tpu.vector_load %arg9[%swap3A_150] {strides = array<i32>} : memref<624xi32, #tpu.memory_space<vmem>>, vector<16xi32>,
    tpu.vector_store %arg9[%swap3A_150], %min3A_145 {strides = array<i32>} : memref<624xi32, #tpu.memory_space<vmem>>, vector<16xi32>,
    %mul3A_152 = arith.constant 208 : i32
    %mul3A_153 = arith.muli %rem3A_46, %mul3A_152 : i32
    %add3A_154 = arith.constant 112 : i32
    %add3A_155 = arith.addi %mul3A_153, %add3A_154 : i32
    %get3A_156 = arith.index_cast %add3A_155 : i32 to index
    %get3A_157 = tpu.vector_load %arg8[%get3A_156] {strides = array<i32>} : memref<832xi32, #tpu.memory_space<vmem>>, vector<16xi32>,
    %min3A_158 = arith.constant 959 : i32
    %min3A_159 = vector.broadcast %min3A_158 : i32 to vector<16xi32>
    %min3A_160 = arith.minsi %get3A_157, %min3A_159 : vector<16xi32>
    %mul3A_161 = arith.constant 208 : i32
    %mul3A_162 = arith.muli %rem3A_49, %mul3A_161 : i32
    %add3A_163 = arith.constant 112 : i32
    %add3A_164 = arith.addi %mul3A_162, %add3A_163 : i32
    %swap3A_165 = arith.index_cast %add3A_164 : i32 to index
    %swap3A_166 = tpu.vector_load %arg9[%swap3A_165] {strides = array<i32>} : memref<624xi32, #tpu.memory_space<vmem>>, vector<16xi32>,
    tpu.vector_store %arg9[%swap3A_165], %min3A_160 {strides = array<i32>} : memref<624xi32, #tpu.memory_space<vmem>>, vector<16xi32>,
    %mul3A_167 = arith.constant 208 : i32
    %mul3A_168 = arith.muli %rem3A_46, %mul3A_167 : i32
    %add3A_169 = arith.constant 128 : i32
    %add3A_170 = arith.addi %mul3A_168, %add3A_169 : i32
    %get3A_171 = arith.index_cast %add3A_170 : i32 to index
    %get3A_172 = tpu.vector_load %arg8[%get3A_171] {strides = array<i32>} : memref<832xi32, #tpu.memory_space<vmem>>, vector<16xi32>,
    %min3A_173 = arith.constant 959 : i32
    %min3A_174 = vector.broadcast %min3A_173 : i32 to vector<16xi32>
    %min3A_175 = arith.minsi %get3A_172, %min3A_174 : vector<16xi32>
    %mul3A_176 = arith.constant 208 : i32
    %mul3A_177 = arith.muli %rem3A_49, %mul3A_176 : i32
    %add3A_178 = arith.constant 128 : i32
    %add3A_179 = arith.addi %mul3A_177, %add3A_178 : i32
    %swap3A_180 = arith.index_cast %add3A_179 : i32 to index
    %swap3A_181 = tpu.vector_load %arg9[%swap3A_180] {strides = array<i32>} : memref<624xi32, #tpu.memory_space<vmem>>, vector<16xi32>,
    tpu.vector_store %arg9[%swap3A_180], %min3A_175 {strides = array<i32>} : memref<624xi32, #tpu.memory_space<vmem>>, vector<16xi32>,
    %mul3A_182 = arith.constant 208 : i32
    %mul3A_183 = arith.muli %rem3A_46, %mul3A_182 : i32
    %add3A_184 = arith.constant 144 : i32
    %add3A_185 = arith.addi %mul3A_183, %add3A_184 : i32
    %get3A_186 = arith.index_cast %add3A_185 : i32 to index
    %get3A_187 = tpu.vector_load %arg8[%get3A_186] {strides = array<i32>} : memref<832xi32, #tpu.memory_space<vmem>>, vector<16xi32>,
    %min3A_188 = arith.constant 959 : i32
    %min3A_189 = vector.broadcast %min3A_188 : i32 to vector<16xi32>
    %min3A_190 = arith.minsi %get3A_187, %min3A_189 : vector<16xi32>
    %mul3A_191 = arith.constant 208 : i32
    %mul3A_192 = arith.muli %rem3A_49, %mul3A_191 : i32
    %add3A_193 = arith.constant 144 : i32
    %add3A_194 = arith.addi %mul3A_192, %add3A_193 : i32
    %swap3A_195 = arith.index_cast %add3A_194 : i32 to index
    %swap3A_196 = tpu.vector_load %arg9[%swap3A_195] {strides = array<i32>} : memref<624xi32, #tpu.memory_space<vmem>>, vector<16xi32>,
    tpu.vector_store %arg9[%swap3A_195], %min3A_190 {strides = array<i32>} : memref<624xi32, #tpu.memory_space<vmem>>, vector<16xi32>,
    %mul3A_197 = arith.constant 208 : i32
    %mul3A_198 = arith.muli %rem3A_46, %mul3A_197 : i32
    %add3A_199 = arith.constant 160 : i32
    %add3A_200 = arith.addi %mul3A_198, %add3A_199 : i32
    %get3A_201 = arith.index_cast %add3A_200 : i32 to index
    %get3A_202 = tpu.vector_load %arg8[%get3A_201] {strides = array<i32>} : memref<832xi32, #tpu.memory_space<vmem>>, vector<16xi32>,
    %min3A_203 = arith.constant 959 : i32
    %min3A_204 = vector.broadcast %min3A_203 : i32 to vector<16xi32>
    %min3A_205 = arith.minsi %get3A_202, %min3A_204 : vector<16xi32>
    %mul3A_206 = arith.constant 208 : i32
    %mul3A_207 = arith.muli %rem3A_49, %mul3A_206 : i32
    %add3A_208 = arith.constant 160 : i32
    %add3A_209 = arith.addi %mul3A_207, %add3A_208 : i32
    %swap3A_210 = arith.index_cast %add3A_209 : i32 to index
    %swap3A_211 = tpu.vector_load %arg9[%swap3A_210] {strides = array<i32>} : memref<624xi32, #tpu.memory_space<vmem>>, vector<16xi32>,
    tpu.vector_store %arg9[%swap3A_210], %min3A_205 {strides = array<i32>} : memref<624xi32, #tpu.memory_space<vmem>>, vector<16xi32>,
    %mul3A_212 = arith.constant 208 : i32
    %mul3A_213 = arith.muli %rem3A_46, %mul3A_212 : i32
    %add3A_214 = arith.constant 176 : i32
    %add3A_215 = arith.addi %mul3A_213, %add3A_214 : i32
    %get3A_216 = arith.index_cast %add3A_215 : i32 to index
    %get3A_217 = tpu.vector_load %arg8[%get3A_216] {strides = array<i32>} : memref<832xi32, #tpu.memory_space<vmem>>, vector<16xi32>,
    %min3A_218 = arith.constant 959 : i32
    %min3A_219 = vector.broadcast %min3A_218 : i32 to vector<16xi32>
    %min3A_220 = arith.minsi %get3A_217, %min3A_219 : vector<16xi32>
    %mul3A_221 = arith.constant 208 : i32
    %mul3A_222 = arith.muli %rem3A_49, %mul3A_221 : i32
    %add3A_223 = arith.constant 176 : i32
    %add3A_224 = arith.addi %mul3A_222, %add3A_223 : i32
    %swap3A_225 = arith.index_cast %add3A_224 : i32 to index
    %swap3A_226 = tpu.vector_load %arg9[%swap3A_225] {strides = array<i32>} : memref<624xi32, #tpu.memory_space<vmem>>, vector<16xi32>,
    tpu.vector_store %arg9[%swap3A_225], %min3A_220 {strides = array<i32>} : memref<624xi32, #tpu.memory_space<vmem>>, vector<16xi32>,
    %mul3A_227 = arith.constant 208 : i32
    %mul3A_228 = arith.muli %rem3A_46, %mul3A_227 : i32
    %add3A_229 = arith.constant 192 : i32
    %add3A_230 = arith.addi %mul3A_228, %add3A_229 : i32
    %get3A_231 = arith.index_cast %add3A_230 : i32 to index
    %get3A_232 = tpu.vector_load %arg8[%get3A_231] {strides = array<i32>} : memref<832xi32, #tpu.memory_space<vmem>>, vector<16xi32>,
    %min3A_233 = arith.constant 959 : i32
    %min3A_234 = vector.broadcast %min3A_233 : i32 to vector<16xi32>
    %min3A_235 = arith.minsi %get3A_232, %min3A_234 : vector<16xi32>
    %mul3A_236 = arith.constant 208 : i32
    %mul3A_237 = arith.muli %rem3A_49, %mul3A_236 : i32
    %add3A_238 = arith.constant 192 : i32
    %add3A_239 = arith.addi %mul3A_237, %add3A_238 : i32
    %swap3A_240 = arith.index_cast %add3A_239 : i32 to index
    %swap3A_241 = tpu.vector_load %arg9[%swap3A_240] {strides = array<i32>} : memref<624xi32, #tpu.memory_space<vmem>>, vector<16xi32>,
    tpu.vector_store %arg9[%swap3A_240], %min3A_235 {strides = array<i32>} : memref<624xi32, #tpu.memory_space<vmem>>, vector<16xi32>,
    %rem3A_242 = arith.constant 0 : i32
    %rem3A_243 = arith.constant 4 : i32
    %rem3A_244 = arith.remsi %rem3A_242, %rem3A_243 : i32
    %rem3A_245 = arith.constant 0 : i32
    %rem3A_246 = arith.constant 3 : i32
    %rem3A_247 = arith.remsi %rem3A_245, %rem3A_246 : i32
    %mul3A_248 = arith.constant 208 : i32
    %mul3A_249 = arith.muli %rem3A_247, %mul3A_248 : i32
    %mul3A_250 = arith.constant 208 : i32
    %mul3A_251 = arith.muli %rem3A_247, %mul3A_250 : i32
    %add3A_252 = arith.constant 128 : i32
    %add3A_253 = arith.addi %mul3A_251, %add3A_252 : i32
    %dma_start3A_254 = arith.constant 0 : i32
    %dma_start3A_255 = arith.constant 0 : i32
    %dma_start3A_256 = tpu.memref_slice %arg7[%rem3A_244, %dma_start3A_254, %dma_start3A_255] : memref<4x200x128xf32, #tpu.memory_space<vmem>> -> memref<1x128x128xf32, #tpu.memory_space<vmem>>
    %dma_start3A_257 = tpu.memref_squeeze %dma_start3A_256 : memref<1x128x128xf32, #tpu.memory_space<vmem>> -> memref<128x128xf32, #tpu.memory_space<vmem>>
    %dma_start3A_258 = tpu.memref_slice %arg9[%mul3A_249] : memref<624xi32, #tpu.memory_space<vmem>> -> memref<128xi32, #tpu.memory_space<vmem>>
    %dma_start3A_259 = arith.constant 0 : i32
    %dma_start3A_260 = arith.constant 0 : i32
    %dma_start3A_261 = tpu.memref_slice %arg5[%dma_start3A_259, %dma_start3A_260] : memref<960x128xf32, #tpu.memory_space<vmem_shared>> -> memref<960x128xf32, #tpu.memory_space<vmem_shared>>
    %dma_start3A_262 = tpu.memref_slice %arg11[%rem3A_244] : memref<4x!tpu.dma_semaphore, #tpu.memory_space<semaphore_mem>> -> memref<1x!tpu.dma_semaphore, #tpu.memory_space<semaphore_mem>>
    %dma_start3A_263 = tpu.memref_squeeze %dma_start3A_262 : memref<1x!tpu.dma_semaphore, #tpu.memory_space<semaphore_mem>> -> memref<!tpu.dma_semaphore, #tpu.memory_space<semaphore_mem>>
    tpu.enqueue_indirect_dma source(%dma_start3A_261 : memref<960x128xf32, #tpu.memory_space<vmem_shared>>) target(%dma_start3A_257 : memref<128x128xf32, #tpu.memory_space<vmem>>) offsets(%dma_start3A_258 : memref<128xi32, #tpu.memory_space<vmem>>) semaphore(%dma_start3A_263 : memref<!tpu.dma_semaphore, #tpu.memory_space<semaphore_mem>>)
    %dma_start3A_264 = arith.constant 128 : i32
    %dma_start3A_265 = arith.constant 0 : i32
    %dma_start3A_266 = tpu.memref_slice %arg7[%rem3A_244, %dma_start3A_264, %dma_start3A_265] : memref<4x200x128xf32, #tpu.memory_space<vmem>> -> memref<1x72x128xf32, #tpu.memory_space<vmem>>
    %dma_start3A_267 = tpu.memref_squeeze %dma_start3A_266 : memref<1x72x128xf32, #tpu.memory_space<vmem>> -> memref<72x128xf32, #tpu.memory_space<vmem>>
    %dma_start3A_268 = tpu.memref_slice %arg9[%add3A_253] : memref<624xi32, #tpu.memory_space<vmem>> -> memref<72xi32, #tpu.memory_space<vmem>>
    %dma_start3A_269 = arith.constant 0 : i32
    %dma_start3A_270 = arith.constant 0 : i32
    %dma_start3A_271 = tpu.memref_slice %arg5[%dma_start3A_269, %dma_start3A_270] : memref<960x128xf32, #tpu.memory_space<vmem_shared>> -> memref<960x128xf32, #tpu.memory_space<vmem_shared>>
    %dma_start3A_272 = tpu.memref_slice %arg11[%rem3A_244] : memref<4x!tpu.dma_semaphore, #tpu.memory_space<semaphore_mem>> -> memref<1x!tpu.dma_semaphore, #tpu.memory_space<semaphore_mem>>
    %dma_start3A_273 = tpu.memref_squeeze %dma_start3A_272 : memref<1x!tpu.dma_semaphore, #tpu.memory_space<semaphore_mem>> -> memref<!tpu.dma_semaphore, #tpu.memory_space<semaphore_mem>>
    tpu.enqueue_indirect_dma source(%dma_start3A_271 : memref<960x128xf32, #tpu.memory_space<vmem_shared>>) target(%dma_start3A_267 : memref<72x128xf32, #tpu.memory_space<vmem>>) offsets(%dma_start3A_268 : memref<72xi32, #tpu.memory_space<vmem>>) semaphore(%dma_start3A_273 : memref<!tpu.dma_semaphore, #tpu.memory_space<semaphore_mem>>)
    %add3A_274 = arith.constant 200 : i32
    %add3A_275 = arith.addi %mul3A_2, %add3A_274 : i32
    %dma_wait3A_276 = arith.constant 1 : i32
    %dma_wait3A_277 = arith.constant 208 : i32
    %dma_wait3A_278 = tpu.memref_slice %arg8[%dma_wait3A_277] : memref<832xi32, #tpu.memory_space<vmem>> -> memref<200xi32, #tpu.memory_space<vmem>>
    %dma_wait3A_279 = tpu.memref_slice %arg3[%add3A_275] : memref<819200xi32, #tpu.memory_space<hbm>> -> memref<200xi32, #tpu.memory_space<hbm>>
    %dma_wait3A_280 = tpu.memref_slice %arg10[%dma_wait3A_276] : memref<4x!tpu.dma_semaphore, #tpu.memory_space<semaphore_mem>> -> memref<1x!tpu.dma_semaphore, #tpu.memory_space<semaphore_mem>>
    %dma_wait3A_281 = tpu.memref_squeeze %dma_wait3A_280 : memref<1x!tpu.dma_semaphore, #tpu.memory_space<semaphore_mem>> -> memref<!tpu.dma_semaphore, #tpu.memory_space<semaphore_mem>>
    %dma_wait3A_282 = arith.constant 208 : i32
    %dma_wait3A_283 = tpu.memref_slice %arg8[%dma_wait3A_282] : memref<832xi32, #tpu.memory_space<vmem>> -> memref<200xi32, #tpu.memory_space<vmem>>
    %dma_wait3A_284 = tpu.memref_slice %arg3[%add3A_275] : memref<819200xi32, #tpu.memory_space<hbm>> -> memref<200xi32, #tpu.memory_space<hbm>>
    tpu.wait_dma2 semaphore(%dma_wait3A_281 : memref<!tpu.dma_semaphore, #tpu.memory_space<semaphore_mem>>) src(%dma_wait3A_284 : memref<200xi32, #tpu.memory_space<hbm>>) dst(%dma_wait3A_283 : memref<200xi32, #tpu.memory_space<vmem>>)
    %rem3A_285 = arith.constant 1 : i32
    %rem3A_286 = arith.constant 4 : i32
    %rem3A_287 = arith.remsi %rem3A_285, %rem3A_286 : i32
    %rem3A_288 = arith.constant 1 : i32
    %rem3A_289 = arith.constant 3 : i32
    %rem3A_290 = arith.remsi %rem3A_288, %rem3A_289 : i32
    %mul3A_291 = arith.constant 208 : i32
    %mul3A_292 = arith.muli %rem3A_287, %mul3A_291 : i32
    %add3A_293 = arith.constant 0 : i32
    %add3A_294 = arith.addi %mul3A_292, %add3A_293 : i32
    %get3A_295 = arith.index_cast %add3A_294 : i32 to index
    %get3A_296 = tpu.vector_load %arg8[%get3A_295] {strides = array<i32>} : memref<832xi32, #tpu.memory_space<vmem>>, vector<16xi32>,
    %min3A_297 = arith.constant 959 : i32
    %min3A_298 = vector.broadcast %min3A_297 : i32 to vector<16xi32>
    %min3A_299 = arith.minsi %get3A_296, %min3A_298 : vector<16xi32>
    %mul3A_300 = arith.constant 208 : i32
    %mul3A_301 = arith.muli %rem3A_290, %mul3A_300 : i32
    %add3A_302 = arith.constant 0 : i32
    %add3A_303 = arith.addi %mul3A_301, %add3A_302 : i32
    %swap3A_304 = arith.index_cast %add3A_303 : i32 to index
    %swap3A_305 = tpu.vector_load %arg9[%swap3A_304] {strides = array<i32>} : memref<624xi32, #tpu.memory_space<vmem>>, vector<16xi32>,
    tpu.vector_store %arg9[%swap3A_304], %min3A_299 {strides = array<i32>} : memref<624xi32, #tpu.memory_space<vmem>>, vector<16xi32>,
    %mul3A_306 = arith.constant 208 : i32
    %mul3A_307 = arith.muli %rem3A_287, %mul3A_306 : i32
    %add3A_308 = arith.constant 16 : i32
    %add3A_309 = arith.addi %mul3A_307, %add3A_308 : i32
    %get3A_310 = arith.index_cast %add3A_309 : i32 to index
    %get3A_311 = tpu.vector_load %arg8[%get3A_310] {strides = array<i32>} : memref<832xi32, #tpu.memory_space<vmem>>, vector<16xi32>,
    %min3A_312 = arith.constant 959 : i32
    %min3A_313 = vector.broadcast %min3A_312 : i32 to vector<16xi32>
    %min3A_314 = arith.minsi %get3A_311, %min3A_313 : vector<16xi32>
    %mul3A_315 = arith.constant 208 : i32
    %mul3A_316 = arith.muli %rem3A_290, %mul3A_315 : i32
    %add3A_317 = arith.constant 16 : i32
    %add3A_318 = arith.addi %mul3A_316, %add3A_317 : i32
    %swap3A_319 = arith.index_cast %add3A_318 : i32 to index
    %swap3A_320 = tpu.vector_load %arg9[%swap3A_319] {strides = array<i32>} : memref<624xi32, #tpu.memory_space<vmem>>, vector<16xi32>,
    tpu.vector_store %arg9[%swap3A_319], %min3A_314 {strides = array<i32>} : memref<624xi32, #tpu.memory_space<vmem>>, vector<16xi32>,
    %mul3A_321 = arith.constant 208 : i32
    %mul3A_322 = arith.muli %rem3A_287, %mul3A_321 : i32
    %add3A_323 = arith.constant 32 : i32
    %add3A_324 = arith.addi %mul3A_322, %add3A_323 : i32
    %get3A_325 = arith.index_cast %add3A_324 : i32 to index
    %get3A_326 = tpu.vector_load %arg8[%get3A_325] {strides = array<i32>} : memref<832xi32, #tpu.memory_space<vmem>>, vector<16xi32>,
    %min3A_327 = arith.constant 959 : i32
    %min3A_328 = vector.broadcast %min3A_327 : i32 to vector<16xi32>
    %min3A_329 = arith.minsi %get3A_326, %min3A_328 : vector<16xi32>
    %mul3A_330 = arith.constant 208 : i32
    %mul3A_331 = arith.muli %rem3A_290, %mul3A_330 : i32
    %add3A_332 = arith.constant 32 : i32
    %add3A_333 = arith.addi %mul3A_331, %add3A_332 : i32
    %swap3A_334 = arith.index_cast %add3A_333 : i32 to index
    %swap3A_335 = tpu.vector_load %arg9[%swap3A_334] {strides = array<i32>} : memref<624xi32, #tpu.memory_space<vmem>>, vector<16xi32>,
    tpu.vector_store %arg9[%swap3A_334], %min3A_329 {strides = array<i32>} : memref<624xi32, #tpu.memory_space<vmem>>, vector<16xi32>,
    %mul3A_336 = arith.constant 208 : i32
    %mul3A_337 = arith.muli %rem3A_287, %mul3A_336 : i32
    %add3A_338 = arith.constant 48 : i32
    %add3A_339 = arith.addi %mul3A_337, %add3A_338 : i32
    %get3A_340 = arith.index_cast %add3A_339 : i32 to index
    %get3A_341 = tpu.vector_load %arg8[%get3A_340] {strides = array<i32>} : memref<832xi32, #tpu.memory_space<vmem>>, vector<16xi32>,
    %min3A_342 = arith.constant 959 : i32
    %min3A_343 = vector.broadcast %min3A_342 : i32 to vector<16xi32>
    %min3A_344 = arith.minsi %get3A_341, %min3A_343 : vector<16xi32>
    %mul3A_345 = arith.constant 208 : i32
    %mul3A_346 = arith.muli %rem3A_290, %mul3A_345 : i32
    %add3A_347 = arith.constant 48 : i32
    %add3A_348 = arith.addi %mul3A_346, %add3A_347 : i32
    %swap3A_349 = arith.index_cast %add3A_348 : i32 to index
    %swap3A_350 = tpu.vector_load %arg9[%swap3A_349] {strides = array<i32>} : memref<624xi32, #tpu.memory_space<vmem>>, vector<16xi32>,
    tpu.vector_store %arg9[%swap3A_349], %min3A_344 {strides = array<i32>} : memref<624xi32, #tpu.memory_space<vmem>>, vector<16xi32>,
    %mul3A_351 = arith.constant 208 : i32
    %mul3A_352 = arith.muli %rem3A_287, %mul3A_351 : i32
    %add3A_353 = arith.constant 64 : i32
    %add3A_354 = arith.addi %mul3A_352, %add3A_353 : i32
    %get3A_355 = arith.index_cast %add3A_354 : i32 to index
    %get3A_356 = tpu.vector_load %arg8[%get3A_355] {strides = array<i32>} : memref<832xi32, #tpu.memory_space<vmem>>, vector<16xi32>,
    %min3A_357 = arith.constant 959 : i32
    %min3A_358 = vector.broadcast %min3A_357 : i32 to vector<16xi32>
    %min3A_359 = arith.minsi %get3A_356, %min3A_358 : vector<16xi32>
    %mul3A_360 = arith.constant 208 : i32
    %mul3A_361 = arith.muli %rem3A_290, %mul3A_360 : i32
    %add3A_362 = arith.constant 64 : i32
    %add3A_363 = arith.addi %mul3A_361, %add3A_362 : i32
    %swap3A_364 = arith.index_cast %add3A_363 : i32 to index
    %swap3A_365 = tpu.vector_load %arg9[%swap3A_364] {strides = array<i32>} : memref<624xi32, #tpu.memory_space<vmem>>, vector<16xi32>,
    tpu.vector_store %arg9[%swap3A_364], %min3A_359 {strides = array<i32>} : memref<624xi32, #tpu.memory_space<vmem>>, vector<16xi32>,
    %mul3A_366 = arith.constant 208 : i32
    %mul3A_367 = arith.muli %rem3A_287, %mul3A_366 : i32
    %add3A_368 = arith.constant 80 : i32
    %add3A_369 = arith.addi %mul3A_367, %add3A_368 : i32
    %get3A_370 = arith.index_cast %add3A_369 : i32 to index
    %get3A_371 = tpu.vector_load %arg8[%get3A_370] {strides = array<i32>} : memref<832xi32, #tpu.memory_space<vmem>>, vector<16xi32>,
    %min3A_372 = arith.constant 959 : i32
    %min3A_373 = vector.broadcast %min3A_372 : i32 to vector<16xi32>
    %min3A_374 = arith.minsi %get3A_371, %min3A_373 : vector<16xi32>
    %mul3A_375 = arith.constant 208 : i32
    %mul3A_376 = arith.muli %rem3A_290, %mul3A_375 : i32
    %add3A_377 = arith.constant 80 : i32
    %add3A_378 = arith.addi %mul3A_376, %add3A_377 : i32
    %swap3A_379 = arith.index_cast %add3A_378 : i32 to index
    %swap3A_380 = tpu.vector_load %arg9[%swap3A_379] {strides = array<i32>} : memref<624xi32, #tpu.memory_space<vmem>>, vector<16xi32>,
    tpu.vector_store %arg9[%swap3A_379], %min3A_374 {strides = array<i32>} : memref<624xi32, #tpu.memory_space<vmem>>, vector<16xi32>,
    %mul3A_381 = arith.constant 208 : i32
    %mul3A_382 = arith.muli %rem3A_287, %mul3A_381 : i32
    %add3A_383 = arith.constant 96 : i32
    %add3A_384 = arith.addi %mul3A_382, %add3A_383 : i32
    %get3A_385 = arith.index_cast %add3A_384 : i32 to index
    %get3A_386 = tpu.vector_load %arg8[%get3A_385] {strides = array<i32>} : memref<832xi32, #tpu.memory_space<vmem>>, vector<16xi32>,
    %min3A_387 = arith.constant 959 : i32
    %min3A_388 = vector.broadcast %min3A_387 : i32 to vector<16xi32>
    %min3A_389 = arith.minsi %get3A_386, %min3A_388 : vector<16xi32>
    %mul3A_390 = arith.constant 208 : i32
    %mul3A_391 = arith.muli %rem3A_290, %mul3A_390 : i32
    %add3A_392 = arith.constant 96 : i32
    %add3A_393 = arith.addi %mul3A_391, %add3A_392 : i32
    %swap3A_394 = arith.index_cast %add3A_393 : i32 to index
    %swap3A_395 = tpu.vector_load %arg9[%swap3A_394] {strides = array<i32>} : memref<624xi32, #tpu.memory_space<vmem>>, vector<16xi32>,
    tpu.vector_store %arg9[%swap3A_394], %min3A_389 {strides = array<i32>} : memref<624xi32, #tpu.memory_space<vmem>>, vector<16xi32>,
    %mul3A_396 = arith.constant 208 : i32
    %mul3A_397 = arith.muli %rem3A_287, %mul3A_396 : i32
    %add3A_398 = arith.constant 112 : i32
    %add3A_399 = arith.addi %mul3A_397, %add3A_398 : i32
    %get3A_400 = arith.index_cast %add3A_399 : i32 to index
    %get3A_401 = tpu.vector_load %arg8[%get3A_400] {strides = array<i32>} : memref<832xi32, #tpu.memory_space<vmem>>, vector<16xi32>,
    %min3A_402 = arith.constant 959 : i32
    %min3A_403 = vector.broadcast %min3A_402 : i32 to vector<16xi32>
    %min3A_404 = arith.minsi %get3A_401, %min3A_403 : vector<16xi32>
    %mul3A_405 = arith.constant 208 : i32
    %mul3A_406 = arith.muli %rem3A_290, %mul3A_405 : i32
    %add3A_407 = arith.constant 112 : i32
    %add3A_408 = arith.addi %mul3A_406, %add3A_407 : i32
    %swap3A_409 = arith.index_cast %add3A_408 : i32 to index
    %swap3A_410 = tpu.vector_load %arg9[%swap3A_409] {strides = array<i32>} : memref<624xi32, #tpu.memory_space<vmem>>, vector<16xi32>,
    tpu.vector_store %arg9[%swap3A_409], %min3A_404 {strides = array<i32>} : memref<624xi32, #tpu.memory_space<vmem>>, vector<16xi32>,
    %mul3A_411 = arith.constant 208 : i32
    %mul3A_412 = arith.muli %rem3A_287, %mul3A_411 : i32
    %add3A_413 = arith.constant 128 : i32
    %add3A_414 = arith.addi %mul3A_412, %add3A_413 : i32
    %get3A_415 = arith.index_cast %add3A_414 : i32 to index
    %get3A_416 = tpu.vector_load %arg8[%get3A_415] {strides = array<i32>} : memref<832xi32, #tpu.memory_space<vmem>>, vector<16xi32>,
    %min3A_417 = arith.constant 959 : i32
    %min3A_418 = vector.broadcast %min3A_417 : i32 to vector<16xi32>
    %min3A_419 = arith.minsi %get3A_416, %min3A_418 : vector<16xi32>
    %mul3A_420 = arith.constant 208 : i32
    %mul3A_421 = arith.muli %rem3A_290, %mul3A_420 : i32
    %add3A_422 = arith.constant 128 : i32
    %add3A_423 = arith.addi %mul3A_421, %add3A_422 : i32
    %swap3A_424 = arith.index_cast %add3A_423 : i32 to index
    %swap3A_425 = tpu.vector_load %arg9[%swap3A_424] {strides = array<i32>} : memref<624xi32, #tpu.memory_space<vmem>>, vector<16xi32>,
    tpu.vector_store %arg9[%swap3A_424], %min3A_419 {strides = array<i32>} : memref<624xi32, #tpu.memory_space<vmem>>, vector<16xi32>,
    %mul3A_426 = arith.constant 208 : i32
    %mul3A_427 = arith.muli %rem3A_287, %mul3A_426 : i32
    %add3A_428 = arith.constant 144 : i32
    %add3A_429 = arith.addi %mul3A_427, %add3A_428 : i32
    %get3A_430 = arith.index_cast %add3A_429 : i32 to index
    %get3A_431 = tpu.vector_load %arg8[%get3A_430] {strides = array<i32>} : memref<832xi32, #tpu.memory_space<vmem>>, vector<16xi32>,
    %min3A_432 = arith.constant 959 : i32
    %min3A_433 = vector.broadcast %min3A_432 : i32 to vector<16xi32>
    %min3A_434 = arith.minsi %get3A_431, %min3A_433 : vector<16xi32>
    %mul3A_435 = arith.constant 208 : i32
    %mul3A_436 = arith.muli %rem3A_290, %mul3A_435 : i32
    %add3A_437 = arith.constant 144 : i32
    %add3A_438 = arith.addi %mul3A_436, %add3A_437 : i32
    %swap3A_439 = arith.index_cast %add3A_438 : i32 to index
    %swap3A_440 = tpu.vector_load %arg9[%swap3A_439] {strides = array<i32>} : memref<624xi32, #tpu.memory_space<vmem>>, vector<16xi32>,
    tpu.vector_store %arg9[%swap3A_439], %min3A_434 {strides = array<i32>} : memref<624xi32, #tpu.memory_space<vmem>>, vector<16xi32>,
    %mul3A_441 = arith.constant 208 : i32
    %mul3A_442 = arith.muli %rem3A_287, %mul3A_441 : i32
    %add3A_443 = arith.constant 160 : i32
    %add3A_444 = arith.addi %mul3A_442, %add3A_443 : i32
    %get3A_445 = arith.index_cast %add3A_444 : i32 to index
    %get3A_446 = tpu.vector_load %arg8[%get3A_445] {strides = array<i32>} : memref<832xi32, #tpu.memory_space<vmem>>, vector<16xi32>,
    %min3A_447 = arith.constant 959 : i32
    %min3A_448 = vector.broadcast %min3A_447 : i32 to vector<16xi32>
    %min3A_449 = arith.minsi %get3A_446, %min3A_448 : vector<16xi32>
    %mul3A_450 = arith.constant 208 : i32
    %mul3A_451 = arith.muli %rem3A_290, %mul3A_450 : i32
    %add3A_452 = arith.constant 160 : i32
    %add3A_453 = arith.addi %mul3A_451, %add3A_452 : i32
    %swap3A_454 = arith.index_cast %add3A_453 : i32 to index
    %swap3A_455 = tpu.vector_load %arg9[%swap3A_454] {strides = array<i32>} : memref<624xi32, #tpu.memory_space<vmem>>, vector<16xi32>,
    tpu.vector_store %arg9[%swap3A_454], %min3A_449 {strides = array<i32>} : memref<624xi32, #tpu.memory_space<vmem>>, vector<16xi32>,
    %mul3A_456 = arith.constant 208 : i32
    %mul3A_457 = arith.muli %rem3A_287, %mul3A_456 : i32
    %add3A_458 = arith.constant 176 : i32
    %add3A_459 = arith.addi %mul3A_457, %add3A_458 : i32
    %get3A_460 = arith.index_cast %add3A_459 : i32 to index
    %get3A_461 = tpu.vector_load %arg8[%get3A_460] {strides = array<i32>} : memref<832xi32, #tpu.memory_space<vmem>>, vector<16xi32>,
    %min3A_462 = arith.constant 959 : i32
    %min3A_463 = vector.broadcast %min3A_462 : i32 to vector<16xi32>
    %min3A_464 = arith.minsi %get3A_461, %min3A_463 : vector<16xi32>
    %mul3A_465 = arith.constant 208 : i32
    %mul3A_466 = arith.muli %rem3A_290, %mul3A_465 : i32
    %add3A_467 = arith.constant 176 : i32
    %add3A_468 = arith.addi %mul3A_466, %add3A_467 : i32
    %swap3A_469 = arith.index_cast %add3A_468 : i32 to index
    %swap3A_470 = tpu.vector_load %arg9[%swap3A_469] {strides = array<i32>} : memref<624xi32, #tpu.memory_space<vmem>>, vector<16xi32>,
    tpu.vector_store %arg9[%swap3A_469], %min3A_464 {strides = array<i32>} : memref<624xi32, #tpu.memory_space<vmem>>, vector<16xi32>,
    %mul3A_471 = arith.constant 208 : i32
    %mul3A_472 = arith.muli %rem3A_287, %mul3A_471 : i32
    %add3A_473 = arith.constant 192 : i32
    %add3A_474 = arith.addi %mul3A_472, %add3A_473 : i32
    %get3A_475 = arith.index_cast %add3A_474 : i32 to index
    %get3A_476 = tpu.vector_load %arg8[%get3A_475] {strides = array<i32>} : memref<832xi32, #tpu.memory_space<vmem>>, vector<16xi32>,
    %min3A_477 = arith.constant 959 : i32
    %min3A_478 = vector.broadcast %min3A_477 : i32 to vector<16xi32>
    %min3A_479 = arith.minsi %get3A_476, %min3A_478 : vector<16xi32>
    %mul3A_480 = arith.constant 208 : i32
    %mul3A_481 = arith.muli %rem3A_290, %mul3A_480 : i32
    %add3A_482 = arith.constant 192 : i32
    %add3A_483 = arith.addi %mul3A_481, %add3A_482 : i32
    %swap3A_484 = arith.index_cast %add3A_483 : i32 to index
    %swap3A_485 = tpu.vector_load %arg9[%swap3A_484] {strides = array<i32>} : memref<624xi32, #tpu.memory_space<vmem>>, vector<16xi32>,
    tpu.vector_store %arg9[%swap3A_484], %min3A_479 {strides = array<i32>} : memref<624xi32, #tpu.memory_space<vmem>>, vector<16xi32>,
    %rem3A_486 = arith.constant 1 : i32
    %rem3A_487 = arith.constant 4 : i32
    %rem3A_488 = arith.remsi %rem3A_486, %rem3A_487 : i32
    %rem3A_489 = arith.constant 1 : i32
    %rem3A_490 = arith.constant 3 : i32
    %rem3A_491 = arith.remsi %rem3A_489, %rem3A_490 : i32
    %mul3A_492 = arith.constant 208 : i32
    %mul3A_493 = arith.muli %rem3A_491, %mul3A_492 : i32
    %mul3A_494 = arith.constant 208 : i32
    %mul3A_495 = arith.muli %rem3A_491, %mul3A_494 : i32
    %add3A_496 = arith.constant 128 : i32
    %add3A_497 = arith.addi %mul3A_495, %add3A_496 : i32
    %dma_start3A_498 = arith.constant 0 : i32
    %dma_start3A_499 = arith.constant 0 : i32
    %dma_start3A_500 = tpu.memref_slice %arg7[%rem3A_488, %dma_start3A_498, %dma_start3A_499] : memref<4x200x128xf32, #tpu.memory_space<vmem>> -> memref<1x128x128xf32, #tpu.memory_space<vmem>>
    %dma_start3A_501 = tpu.memref_squeeze %dma_start3A_500 : memref<1x128x128xf32, #tpu.memory_space<vmem>> -> memref<128x128xf32, #tpu.memory_space<vmem>>
    %dma_start3A_502 = tpu.memref_slice %arg9[%mul3A_493] : memref<624xi32, #tpu.memory_space<vmem>> -> memref<128xi32, #tpu.memory_space<vmem>>
    %dma_start3A_503 = arith.constant 0 : i32
    %dma_start3A_504 = arith.constant 0 : i32
    %dma_start3A_505 = tpu.memref_slice %arg5[%dma_start3A_503, %dma_start3A_504] : memref<960x128xf32, #tpu.memory_space<vmem_shared>> -> memref<960x128xf32, #tpu.memory_space<vmem_shared>>
    %dma_start3A_506 = tpu.memref_slice %arg11[%rem3A_488] : memref<4x!tpu.dma_semaphore, #tpu.memory_space<semaphore_mem>> -> memref<1x!tpu.dma_semaphore, #tpu.memory_space<semaphore_mem>>
    %dma_start3A_507 = tpu.memref_squeeze %dma_start3A_506 : memref<1x!tpu.dma_semaphore, #tpu.memory_space<semaphore_mem>> -> memref<!tpu.dma_semaphore, #tpu.memory_space<semaphore_mem>>
    tpu.enqueue_indirect_dma source(%dma_start3A_505 : memref<960x128xf32, #tpu.memory_space<vmem_shared>>) target(%dma_start3A_501 : memref<128x128xf32, #tpu.memory_space<vmem>>) offsets(%dma_start3A_502 : memref<128xi32, #tpu.memory_space<vmem>>) semaphore(%dma_start3A_507 : memref<!tpu.dma_semaphore, #tpu.memory_space<semaphore_mem>>)
    %dma_start3A_508 = arith.constant 128 : i32
    %dma_start3A_509 = arith.constant 0 : i32
    %dma_start3A_510 = tpu.memref_slice %arg7[%rem3A_488, %dma_start3A_508, %dma_start3A_509] : memref<4x200x128xf32, #tpu.memory_space<vmem>> -> memref<1x72x128xf32, #tpu.memory_space<vmem>>
    %dma_start3A_511 = tpu.memref_squeeze %dma_start3A_510 : memref<1x72x128xf32, #tpu.memory_space<vmem>> -> memref<72x128xf32, #tpu.memory_space<vmem>>
    %dma_start3A_512 = tpu.memref_slice %arg9[%add3A_497] : memref<624xi32, #tpu.memory_space<vmem>> -> memref<72xi32, #tpu.memory_space<vmem>>
    %dma_start3A_513 = arith.constant 0 : i32
    %dma_start3A_514 = arith.constant 0 : i32
    %dma_start3A_515 = tpu.memref_slice %arg5[%dma_start3A_513, %dma_start3A_514] : memref<960x128xf32, #tpu.memory_space<vmem_shared>> -> memref<960x128xf32, #tpu.memory_space<vmem_shared>>
    %dma_start3A_516 = tpu.memref_slice %arg11[%rem3A_488] : memref<4x!tpu.dma_semaphore, #tpu.memory_space<semaphore_mem>> -> memref<1x!tpu.dma_semaphore, #tpu.memory_space<semaphore_mem>>
    %dma_start3A_517 = tpu.memref_squeeze %dma_start3A_516 : memref<1x!tpu.dma_semaphore, #tpu.memory_space<semaphore_mem>> -> memref<!tpu.dma_semaphore, #tpu.memory_space<semaphore_mem>>
    tpu.enqueue_indirect_dma source(%dma_start3A_515 : memref<960x128xf32, #tpu.memory_space<vmem_shared>>) target(%dma_start3A_511 : memref<72x128xf32, #tpu.memory_space<vmem>>) offsets(%dma_start3A_512 : memref<72xi32, #tpu.memory_space<vmem>>) semaphore(%dma_start3A_517 : memref<!tpu.dma_semaphore, #tpu.memory_space<semaphore_mem>>)
    %scan3A = arith.constant 0 : i32
    %scan3A_518 = arith.constant 0 : i32
    %scan3A_519 = arith.constant 128 : i32
    %scan3A_520 = arith.addi %scan3A_518, %scan3A_519 : i32
    %scan3A_521 = arith.constant 1 : i32
    scf.for %scan3A_595 = %scan3A_518 to %scan3A_520 step %scan3A_521  : i32 {
      %rem3A_596 = arith.constant 4 : i32
      %rem3A_597 = arith.remsi %scan3A_595, %rem3A_596 : i32
      %add3A_598 = arith.constant 3 : i32
      %add3A_599 = arith.addi %scan3A_595, %add3A_598 : i32
      %lt3A = arith.constant 128 : i32
      %lt3A_600 = arith.cmpi slt, %add3A_599, %lt3A : i32
      %convert_element_type3A = arith.extui %lt3A_600 : i1 to i32
      %cond3A = arith.constant 0 : i32
      %cond3A_601 = arith.cmpi ne, %convert_element_type3A, %cond3A : i32
      scf.if %cond3A_601 {
        %add3A_962 = arith.constant 3 : i32
        %add3A_963 = arith.addi %scan3A_595, %add3A_962 : i32
        %add3A_964 = arith.constant 3 : i32
        %add3A_965 = arith.addi %scan3A_595, %add3A_964 : i32
        %rem3A_966 = arith.constant 4 : i32
        %rem3A_967 = arith.remsi %add3A_965, %rem3A_966 : i32
        %mul3A_968 = arith.constant 200 : i32
        %mul3A_969 = arith.muli %add3A_963, %mul3A_968 : i32
        %add3A_970 = arith.addi %mul3A_2, %mul3A_969 : i32
        %mul3A_971 = arith.constant 208 : i32
        %mul3A_972 = arith.muli %rem3A_967, %mul3A_971 : i32
        %dma_start3A_973 = tpu.memref_slice %arg8[%mul3A_972] : memref<832xi32, #tpu.memory_space<vmem>> -> memref<200xi32, #tpu.memory_space<vmem>>
        %dma_start3A_974 = tpu.memref_slice %arg3[%add3A_970] : memref<819200xi32, #tpu.memory_space<hbm>> -> memref<200xi32, #tpu.memory_space<hbm>>
        %dma_start3A_975 = tpu.memref_slice %arg10[%rem3A_967] : memref<4x!tpu.dma_semaphore, #tpu.memory_space<semaphore_mem>> -> memref<1x!tpu.dma_semaphore, #tpu.memory_space<semaphore_mem>>
        %dma_start3A_976 = tpu.memref_squeeze %dma_start3A_975 : memref<1x!tpu.dma_semaphore, #tpu.memory_space<semaphore_mem>> -> memref<!tpu.dma_semaphore, #tpu.memory_space<semaphore_mem>>
        %dma_start3A_977 = tpu.memref_slice %arg8[%mul3A_972] : memref<832xi32, #tpu.memory_space<vmem>> -> memref<200xi32, #tpu.memory_space<vmem>>
        %dma_start3A_978 = tpu.memref_slice %arg3[%add3A_970] : memref<819200xi32, #tpu.memory_space<hbm>> -> memref<200xi32, #tpu.memory_space<hbm>>
        tpu.enqueue_dma source(%dma_start3A_978 : memref<200xi32, #tpu.memory_space<hbm>>) target(%dma_start3A_977 : memref<200xi32, #tpu.memory_space<vmem>>) target_semaphore(%dma_start3A_976 : memref<!tpu.dma_semaphore, #tpu.memory_space<semaphore_mem>>)
      } else {
      }
      %add3A_602 = arith.constant 2 : i32
      %add3A_603 = arith.addi %scan3A_595, %add3A_602 : i32
      %lt3A_604 = arith.constant 128 : i32
      %lt3A_605 = arith.cmpi slt, %add3A_603, %lt3A_604 : i32
      %convert_element_type3A_606 = arith.extui %lt3A_605 : i1 to i32
      %cond3A_607 = arith.constant 0 : i32
      %cond3A_608 = arith.cmpi ne, %convert_element_type3A_606, %cond3A_607 : i32
      scf.if %cond3A_608 {
        %add3A_962 = arith.constant 2 : i32
        %add3A_963 = arith.addi %scan3A_595, %add3A_962 : i32
        %rem3A_964 = arith.constant 4 : i32
        %rem3A_965 = arith.remsi %add3A_963, %rem3A_964 : i32
        %mul3A_966 = arith.constant 200 : i32
        %mul3A_967 = arith.muli %add3A_963, %mul3A_966 : i32
        %add3A_968 = arith.addi %mul3A_2, %mul3A_967 : i32
        %mul3A_969 = arith.constant 208 : i32
        %mul3A_970 = arith.muli %rem3A_965, %mul3A_969 : i32
        %dma_wait3A_971 = tpu.memref_slice %arg8[%mul3A_970] : memref<832xi32, #tpu.memory_space<vmem>> -> memref<200xi32, #tpu.memory_space<vmem>>
        %dma_wait3A_972 = tpu.memref_slice %arg3[%add3A_968] : memref<819200xi32, #tpu.memory_space<hbm>> -> memref<200xi32, #tpu.memory_space<hbm>>
        %dma_wait3A_973 = tpu.memref_slice %arg10[%rem3A_965] : memref<4x!tpu.dma_semaphore, #tpu.memory_space<semaphore_mem>> -> memref<1x!tpu.dma_semaphore, #tpu.memory_space<semaphore_mem>>
        %dma_wait3A_974 = tpu.memref_squeeze %dma_wait3A_973 : memref<1x!tpu.dma_semaphore, #tpu.memory_space<semaphore_mem>> -> memref<!tpu.dma_semaphore, #tpu.memory_space<semaphore_mem>>
        %dma_wait3A_975 = tpu.memref_slice %arg8[%mul3A_970] : memref<832xi32, #tpu.memory_space<vmem>> -> memref<200xi32, #tpu.memory_space<vmem>>
        %dma_wait3A_976 = tpu.memref_slice %arg3[%add3A_968] : memref<819200xi32, #tpu.memory_space<hbm>> -> memref<200xi32, #tpu.memory_space<hbm>>
        tpu.wait_dma2 semaphore(%dma_wait3A_974 : memref<!tpu.dma_semaphore, #tpu.memory_space<semaphore_mem>>) src(%dma_wait3A_976 : memref<200xi32, #tpu.memory_space<hbm>>) dst(%dma_wait3A_975 : memref<200xi32, #tpu.memory_space<vmem>>)
        %rem3A_977 = arith.constant 4 : i32
        %rem3A_978 = arith.remsi %add3A_963, %rem3A_977 : i32
        %rem3A_979 = arith.constant 3 : i32
        %rem3A_980 = arith.remsi %add3A_963, %rem3A_979 : i32
        %mul3A_981 = arith.constant 208 : i32
        %mul3A_982 = arith.muli %rem3A_978, %mul3A_981 : i32
        %add3A_983 = arith.constant 0 : i32
        %add3A_984 = arith.addi %mul3A_982, %add3A_983 : i32
        %get3A_985 = arith.index_cast %add3A_984 : i32 to index
        %get3A_986 = tpu.vector_load %arg8[%get3A_985] {strides = array<i32>} : memref<832xi32, #tpu.memory_space<vmem>>, vector<16xi32>,
        %min3A_987 = arith.constant 959 : i32
        %min3A_988 = vector.broadcast %min3A_987 : i32 to vector<16xi32>
        %min3A_989 = arith.minsi %get3A_986, %min3A_988 : vector<16xi32>
        %mul3A_990 = arith.constant 208 : i32
        %mul3A_991 = arith.muli %rem3A_980, %mul3A_990 : i32
        %add3A_992 = arith.constant 0 : i32
        %add3A_993 = arith.addi %mul3A_991, %add3A_992 : i32
        %swap3A_994 = arith.index_cast %add3A_993 : i32 to index
        %swap3A_995 = tpu.vector_load %arg9[%swap3A_994] {strides = array<i32>} : memref<624xi32, #tpu.memory_space<vmem>>, vector<16xi32>,
        tpu.vector_store %arg9[%swap3A_994], %min3A_989 {strides = array<i32>} : memref<624xi32, #tpu.memory_space<vmem>>, vector<16xi32>,
        %mul3A_996 = arith.constant 208 : i32
        %mul3A_997 = arith.muli %rem3A_978, %mul3A_996 : i32
        %add3A_998 = arith.constant 16 : i32
        %add3A_999 = arith.addi %mul3A_997, %add3A_998 : i32
        %get3A_1000 = arith.index_cast %add3A_999 : i32 to index
        %get3A_1001 = tpu.vector_load %arg8[%get3A_1000] {strides = array<i32>} : memref<832xi32, #tpu.memory_space<vmem>>, vector<16xi32>,
        %min3A_1002 = arith.constant 959 : i32
        %min3A_1003 = vector.broadcast %min3A_1002 : i32 to vector<16xi32>
        %min3A_1004 = arith.minsi %get3A_1001, %min3A_1003 : vector<16xi32>
        %mul3A_1005 = arith.constant 208 : i32
        %mul3A_1006 = arith.muli %rem3A_980, %mul3A_1005 : i32
        %add3A_1007 = arith.constant 16 : i32
        %add3A_1008 = arith.addi %mul3A_1006, %add3A_1007 : i32
        %swap3A_1009 = arith.index_cast %add3A_1008 : i32 to index
        %swap3A_1010 = tpu.vector_load %arg9[%swap3A_1009] {strides = array<i32>} : memref<624xi32, #tpu.memory_space<vmem>>, vector<16xi32>,
        tpu.vector_store %arg9[%swap3A_1009], %min3A_1004 {strides = array<i32>} : memref<624xi32, #tpu.memory_space<vmem>>, vector<16xi32>,
        %mul3A_1011 = arith.constant 208 : i32
        %mul3A_1012 = arith.muli %rem3A_978, %mul3A_1011 : i32
        %add3A_1013 = arith.constant 32 : i32
        %add3A_1014 = arith.addi %mul3A_1012, %add3A_1013 : i32
        %get3A_1015 = arith.index_cast %add3A_1014 : i32 to index
        %get3A_1016 = tpu.vector_load %arg8[%get3A_1015] {strides = array<i32>} : memref<832xi32, #tpu.memory_space<vmem>>, vector<16xi32>,
        %min3A_1017 = arith.constant 959 : i32
        %min3A_1018 = vector.broadcast %min3A_1017 : i32 to vector<16xi32>
        %min3A_1019 = arith.minsi %get3A_1016, %min3A_1018 : vector<16xi32>
        %mul3A_1020 = arith.constant 208 : i32
        %mul3A_1021 = arith.muli %rem3A_980, %mul3A_1020 : i32
        %add3A_1022 = arith.constant 32 : i32
        %add3A_1023 = arith.addi %mul3A_1021, %add3A_1022 : i32
        %swap3A_1024 = arith.index_cast %add3A_1023 : i32 to index
        %swap3A_1025 = tpu.vector_load %arg9[%swap3A_1024] {strides = array<i32>} : memref<624xi32, #tpu.memory_space<vmem>>, vector<16xi32>,
        tpu.vector_store %arg9[%swap3A_1024], %min3A_1019 {strides = array<i32>} : memref<624xi32, #tpu.memory_space<vmem>>, vector<16xi32>,
        %mul3A_1026 = arith.constant 208 : i32
        %mul3A_1027 = arith.muli %rem3A_978, %mul3A_1026 : i32
        %add3A_1028 = arith.constant 48 : i32
        %add3A_1029 = arith.addi %mul3A_1027, %add3A_1028 : i32
        %get3A_1030 = arith.index_cast %add3A_1029 : i32 to index
        %get3A_1031 = tpu.vector_load %arg8[%get3A_1030] {strides = array<i32>} : memref<832xi32, #tpu.memory_space<vmem>>, vector<16xi32>,
        %min3A_1032 = arith.constant 959 : i32
        %min3A_1033 = vector.broadcast %min3A_1032 : i32 to vector<16xi32>
        %min3A_1034 = arith.minsi %get3A_1031, %min3A_1033 : vector<16xi32>
        %mul3A_1035 = arith.constant 208 : i32
        %mul3A_1036 = arith.muli %rem3A_980, %mul3A_1035 : i32
        %add3A_1037 = arith.constant 48 : i32
        %add3A_1038 = arith.addi %mul3A_1036, %add3A_1037 : i32
        %swap3A_1039 = arith.index_cast %add3A_1038 : i32 to index
        %swap3A_1040 = tpu.vector_load %arg9[%swap3A_1039] {strides = array<i32>} : memref<624xi32, #tpu.memory_space<vmem>>, vector<16xi32>,
        tpu.vector_store %arg9[%swap3A_1039], %min3A_1034 {strides = array<i32>} : memref<624xi32, #tpu.memory_space<vmem>>, vector<16xi32>,
        %mul3A_1041 = arith.constant 208 : i32
        %mul3A_1042 = arith.muli %rem3A_978, %mul3A_1041 : i32
        %add3A_1043 = arith.constant 64 : i32
        %add3A_1044 = arith.addi %mul3A_1042, %add3A_1043 : i32
        %get3A_1045 = arith.index_cast %add3A_1044 : i32 to index
        %get3A_1046 = tpu.vector_load %arg8[%get3A_1045] {strides = array<i32>} : memref<832xi32, #tpu.memory_space<vmem>>, vector<16xi32>,
        %min3A_1047 = arith.constant 959 : i32
        %min3A_1048 = vector.broadcast %min3A_1047 : i32 to vector<16xi32>
        %min3A_1049 = arith.minsi %get3A_1046, %min3A_1048 : vector<16xi32>
        %mul3A_1050 = arith.constant 208 : i32
        %mul3A_1051 = arith.muli %rem3A_980, %mul3A_1050 : i32
        %add3A_1052 = arith.constant 64 : i32
        %add3A_1053 = arith.addi %mul3A_1051, %add3A_1052 : i32
        %swap3A_1054 = arith.index_cast %add3A_1053 : i32 to index
        %swap3A_1055 = tpu.vector_load %arg9[%swap3A_1054] {strides = array<i32>} : memref<624xi32, #tpu.memory_space<vmem>>, vector<16xi32>,
        tpu.vector_store %arg9[%swap3A_1054], %min3A_1049 {strides = array<i32>} : memref<624xi32, #tpu.memory_space<vmem>>, vector<16xi32>,
        %mul3A_1056 = arith.constant 208 : i32
        %mul3A_1057 = arith.muli %rem3A_978, %mul3A_1056 : i32
        %add3A_1058 = arith.constant 80 : i32
        %add3A_1059 = arith.addi %mul3A_1057, %add3A_1058 : i32
        %get3A_1060 = arith.index_cast %add3A_1059 : i32 to index
        %get3A_1061 = tpu.vector_load %arg8[%get3A_1060] {strides = array<i32>} : memref<832xi32, #tpu.memory_space<vmem>>, vector<16xi32>,
        %min3A_1062 = arith.constant 959 : i32
        %min3A_1063 = vector.broadcast %min3A_1062 : i32 to vector<16xi32>
        %min3A_1064 = arith.minsi %get3A_1061, %min3A_1063 : vector<16xi32>
        %mul3A_1065 = arith.constant 208 : i32
        %mul3A_1066 = arith.muli %rem3A_980, %mul3A_1065 : i32
        %add3A_1067 = arith.constant 80 : i32
        %add3A_1068 = arith.addi %mul3A_1066, %add3A_1067 : i32
        %swap3A_1069 = arith.index_cast %add3A_1068 : i32 to index
        %swap3A_1070 = tpu.vector_load %arg9[%swap3A_1069] {strides = array<i32>} : memref<624xi32, #tpu.memory_space<vmem>>, vector<16xi32>,
        tpu.vector_store %arg9[%swap3A_1069], %min3A_1064 {strides = array<i32>} : memref<624xi32, #tpu.memory_space<vmem>>, vector<16xi32>,
        %mul3A_1071 = arith.constant 208 : i32
        %mul3A_1072 = arith.muli %rem3A_978, %mul3A_1071 : i32
        %add3A_1073 = arith.constant 96 : i32
        %add3A_1074 = arith.addi %mul3A_1072, %add3A_1073 : i32
        %get3A_1075 = arith.index_cast %add3A_1074 : i32 to index
        %get3A_1076 = tpu.vector_load %arg8[%get3A_1075] {strides = array<i32>} : memref<832xi32, #tpu.memory_space<vmem>>, vector<16xi32>,
        %min3A_1077 = arith.constant 959 : i32
        %min3A_1078 = vector.broadcast %min3A_1077 : i32 to vector<16xi32>
        %min3A_1079 = arith.minsi %get3A_1076, %min3A_1078 : vector<16xi32>
        %mul3A_1080 = arith.constant 208 : i32
        %mul3A_1081 = arith.muli %rem3A_980, %mul3A_1080 : i32
        %add3A_1082 = arith.constant 96 : i32
        %add3A_1083 = arith.addi %mul3A_1081, %add3A_1082 : i32
        %swap3A_1084 = arith.index_cast %add3A_1083 : i32 to index
        %swap3A_1085 = tpu.vector_load %arg9[%swap3A_1084] {strides = array<i32>} : memref<624xi32, #tpu.memory_space<vmem>>, vector<16xi32>,
        tpu.vector_store %arg9[%swap3A_1084], %min3A_1079 {strides = array<i32>} : memref<624xi32, #tpu.memory_space<vmem>>, vector<16xi32>,
        %mul3A_1086 = arith.constant 208 : i32
        %mul3A_1087 = arith.muli %rem3A_978, %mul3A_1086 : i32
        %add3A_1088 = arith.constant 112 : i32
        %add3A_1089 = arith.addi %mul3A_1087, %add3A_1088 : i32
        %get3A_1090 = arith.index_cast %add3A_1089 : i32 to index
        %get3A_1091 = tpu.vector_load %arg8[%get3A_1090] {strides = array<i32>} : memref<832xi32, #tpu.memory_space<vmem>>, vector<16xi32>,
        %min3A_1092 = arith.constant 959 : i32
        %min3A_1093 = vector.broadcast %min3A_1092 : i32 to vector<16xi32>
        %min3A_1094 = arith.minsi %get3A_1091, %min3A_1093 : vector<16xi32>
        %mul3A_1095 = arith.constant 208 : i32
        %mul3A_1096 = arith.muli %rem3A_980, %mul3A_1095 : i32
        %add3A_1097 = arith.constant 112 : i32
        %add3A_1098 = arith.addi %mul3A_1096, %add3A_1097 : i32
        %swap3A_1099 = arith.index_cast %add3A_1098 : i32 to index
        %swap3A_1100 = tpu.vector_load %arg9[%swap3A_1099] {strides = array<i32>} : memref<624xi32, #tpu.memory_space<vmem>>, vector<16xi32>,
        tpu.vector_store %arg9[%swap3A_1099], %min3A_1094 {strides = array<i32>} : memref<624xi32, #tpu.memory_space<vmem>>, vector<16xi32>,
        %mul3A_1101 = arith.constant 208 : i32
        %mul3A_1102 = arith.muli %rem3A_978, %mul3A_1101 : i32
        %add3A_1103 = arith.constant 128 : i32
        %add3A_1104 = arith.addi %mul3A_1102, %add3A_1103 : i32
        %get3A_1105 = arith.index_cast %add3A_1104 : i32 to index
        %get3A_1106 = tpu.vector_load %arg8[%get3A_1105] {strides = array<i32>} : memref<832xi32, #tpu.memory_space<vmem>>, vector<16xi32>,
        %min3A_1107 = arith.constant 959 : i32
        %min3A_1108 = vector.broadcast %min3A_1107 : i32 to vector<16xi32>
        %min3A_1109 = arith.minsi %get3A_1106, %min3A_1108 : vector<16xi32>
        %mul3A_1110 = arith.constant 208 : i32
        %mul3A_1111 = arith.muli %rem3A_980, %mul3A_1110 : i32
        %add3A_1112 = arith.constant 128 : i32
        %add3A_1113 = arith.addi %mul3A_1111, %add3A_1112 : i32
        %swap3A_1114 = arith.index_cast %add3A_1113 : i32 to index
        %swap3A_1115 = tpu.vector_load %arg9[%swap3A_1114] {strides = array<i32>} : memref<624xi32, #tpu.memory_space<vmem>>, vector<16xi32>,
        tpu.vector_store %arg9[%swap3A_1114], %min3A_1109 {strides = array<i32>} : memref<624xi32, #tpu.memory_space<vmem>>, vector<16xi32>,
        %mul3A_1116 = arith.constant 208 : i32
        %mul3A_1117 = arith.muli %rem3A_978, %mul3A_1116 : i32
        %add3A_1118 = arith.constant 144 : i32
        %add3A_1119 = arith.addi %mul3A_1117, %add3A_1118 : i32
        %get3A_1120 = arith.index_cast %add3A_1119 : i32 to index
        %get3A_1121 = tpu.vector_load %arg8[%get3A_1120] {strides = array<i32>} : memref<832xi32, #tpu.memory_space<vmem>>, vector<16xi32>,
        %min3A_1122 = arith.constant 959 : i32
        %min3A_1123 = vector.broadcast %min3A_1122 : i32 to vector<16xi32>
        %min3A_1124 = arith.minsi %get3A_1121, %min3A_1123 : vector<16xi32>
        %mul3A_1125 = arith.constant 208 : i32
        %mul3A_1126 = arith.muli %rem3A_980, %mul3A_1125 : i32
        %add3A_1127 = arith.constant 144 : i32
        %add3A_1128 = arith.addi %mul3A_1126, %add3A_1127 : i32
        %swap3A_1129 = arith.index_cast %add3A_1128 : i32 to index
        %swap3A_1130 = tpu.vector_load %arg9[%swap3A_1129] {strides = array<i32>} : memref<624xi32, #tpu.memory_space<vmem>>, vector<16xi32>,
        tpu.vector_store %arg9[%swap3A_1129], %min3A_1124 {strides = array<i32>} : memref<624xi32, #tpu.memory_space<vmem>>, vector<16xi32>,
        %mul3A_1131 = arith.constant 208 : i32
        %mul3A_1132 = arith.muli %rem3A_978, %mul3A_1131 : i32
        %add3A_1133 = arith.constant 160 : i32
        %add3A_1134 = arith.addi %mul3A_1132, %add3A_1133 : i32
        %get3A_1135 = arith.index_cast %add3A_1134 : i32 to index
        %get3A_1136 = tpu.vector_load %arg8[%get3A_1135] {strides = array<i32>} : memref<832xi32, #tpu.memory_space<vmem>>, vector<16xi32>,
        %min3A_1137 = arith.constant 959 : i32
        %min3A_1138 = vector.broadcast %min3A_1137 : i32 to vector<16xi32>
        %min3A_1139 = arith.minsi %get3A_1136, %min3A_1138 : vector<16xi32>
        %mul3A_1140 = arith.constant 208 : i32
        %mul3A_1141 = arith.muli %rem3A_980, %mul3A_1140 : i32
        %add3A_1142 = arith.constant 160 : i32
        %add3A_1143 = arith.addi %mul3A_1141, %add3A_1142 : i32
        %swap3A_1144 = arith.index_cast %add3A_1143 : i32 to index
        %swap3A_1145 = tpu.vector_load %arg9[%swap3A_1144] {strides = array<i32>} : memref<624xi32, #tpu.memory_space<vmem>>, vector<16xi32>,
        tpu.vector_store %arg9[%swap3A_1144], %min3A_1139 {strides = array<i32>} : memref<624xi32, #tpu.memory_space<vmem>>, vector<16xi32>,
        %mul3A_1146 = arith.constant 208 : i32
        %mul3A_1147 = arith.muli %rem3A_978, %mul3A_1146 : i32
        %add3A_1148 = arith.constant 176 : i32
        %add3A_1149 = arith.addi %mul3A_1147, %add3A_1148 : i32
        %get3A_1150 = arith.index_cast %add3A_1149 : i32 to index
        %get3A_1151 = tpu.vector_load %arg8[%get3A_1150] {strides = array<i32>} : memref<832xi32, #tpu.memory_space<vmem>>, vector<16xi32>,
        %min3A_1152 = arith.constant 959 : i32
        %min3A_1153 = vector.broadcast %min3A_1152 : i32 to vector<16xi32>
        %min3A_1154 = arith.minsi %get3A_1151, %min3A_1153 : vector<16xi32>
        %mul3A_1155 = arith.constant 208 : i32
        %mul3A_1156 = arith.muli %rem3A_980, %mul3A_1155 : i32
        %add3A_1157 = arith.constant 176 : i32
        %add3A_1158 = arith.addi %mul3A_1156, %add3A_1157 : i32
        %swap3A_1159 = arith.index_cast %add3A_1158 : i32 to index
        %swap3A_1160 = tpu.vector_load %arg9[%swap3A_1159] {strides = array<i32>} : memref<624xi32, #tpu.memory_space<vmem>>, vector<16xi32>,
        tpu.vector_store %arg9[%swap3A_1159], %min3A_1154 {strides = array<i32>} : memref<624xi32, #tpu.memory_space<vmem>>, vector<16xi32>,
        %mul3A_1161 = arith.constant 208 : i32
        %mul3A_1162 = arith.muli %rem3A_978, %mul3A_1161 : i32
        %add3A_1163 = arith.constant 192 : i32
        %add3A_1164 = arith.addi %mul3A_1162, %add3A_1163 : i32
        %get3A_1165 = arith.index_cast %add3A_1164 : i32 to index
        %get3A_1166 = tpu.vector_load %arg8[%get3A_1165] {strides = array<i32>} : memref<832xi32, #tpu.memory_space<vmem>>, vector<16xi32>,
        %min3A_1167 = arith.constant 959 : i32
        %min3A_1168 = vector.broadcast %min3A_1167 : i32 to vector<16xi32>
        %min3A_1169 = arith.minsi %get3A_1166, %min3A_1168 : vector<16xi32>
        %mul3A_1170 = arith.constant 208 : i32
        %mul3A_1171 = arith.muli %rem3A_980, %mul3A_1170 : i32
        %add3A_1172 = arith.constant 192 : i32
        %add3A_1173 = arith.addi %mul3A_1171, %add3A_1172 : i32
        %swap3A_1174 = arith.index_cast %add3A_1173 : i32 to index
        %swap3A_1175 = tpu.vector_load %arg9[%swap3A_1174] {strides = array<i32>} : memref<624xi32, #tpu.memory_space<vmem>>, vector<16xi32>,
        tpu.vector_store %arg9[%swap3A_1174], %min3A_1169 {strides = array<i32>} : memref<624xi32, #tpu.memory_space<vmem>>, vector<16xi32>,
        %ge3A_1176 = arith.constant 4 : i32
        %ge3A_1177 = arith.cmpi sge, %add3A_963, %ge3A_1176 : i32
        %convert_element_type3A_1178 = arith.extui %ge3A_1177 : i1 to i32
        %cond3A_1179 = arith.constant 0 : i32
        %cond3A_1180 = arith.cmpi ne, %convert_element_type3A_1178, %cond3A_1179 : i32
        scf.if %cond3A_1180 {
          %sub3A = arith.constant 4 : i32
          %sub3A_1211 = arith.subi %add3A_963, %sub3A : i32
          %rem3A_1212 = arith.constant 4 : i32
          %rem3A_1213 = arith.remsi %add3A_963, %rem3A_1212 : i32
          %mul3A_1214 = arith.constant 200 : i32
          %mul3A_1215 = arith.muli %sub3A_1211, %mul3A_1214 : i32
          %add3A_1216 = arith.addi %mul3A_2, %mul3A_1215 : i32
          %dma_wait3A_1217 = arith.constant 0 : i32
          %dma_wait3A_1218 = arith.constant 0 : i32
          %dma_wait3A_1219 = tpu.memref_slice %arg7[%rem3A_1213, %dma_wait3A_1217, %dma_wait3A_1218] : memref<4x200x128xf32, #tpu.memory_space<vmem>> -> memref<1x200x128xf32, #tpu.memory_space<vmem>>
          %dma_wait3A_1220 = tpu.memref_squeeze %dma_wait3A_1219 : memref<1x200x128xf32, #tpu.memory_space<vmem>> -> memref<200x128xf32, #tpu.memory_space<vmem>>
          %dma_wait3A_1221 = arith.constant 0 : i32
          %dma_wait3A_1222 = tpu.memref_slice %arg4[%add3A_1216, %dma_wait3A_1221] : memref<819200x128xf32, #tpu.memory_space<hbm>> -> memref<200x128xf32, #tpu.memory_space<hbm>>
          %dma_wait3A_1223 = tpu.memref_slice %arg12[%rem3A_1213] : memref<4x!tpu.dma_semaphore, #tpu.memory_space<semaphore_mem>> -> memref<1x!tpu.dma_semaphore, #tpu.memory_space<semaphore_mem>>
          %dma_wait3A_1224 = tpu.memref_squeeze %dma_wait3A_1223 : memref<1x!tpu.dma_semaphore, #tpu.memory_space<semaphore_mem>> -> memref<!tpu.dma_semaphore, #tpu.memory_space<semaphore_mem>>
          %dma_wait3A_1225 = arith.constant 0 : i32
          %dma_wait3A_1226 = tpu.memref_slice %arg4[%add3A_1216, %dma_wait3A_1225] : memref<819200x128xf32, #tpu.memory_space<hbm>> -> memref<200x128xf32, #tpu.memory_space<hbm>>
          %dma_wait3A_1227 = arith.constant 0 : i32
          %dma_wait3A_1228 = arith.constant 0 : i32
          %dma_wait3A_1229 = tpu.memref_slice %arg7[%rem3A_1213, %dma_wait3A_1227, %dma_wait3A_1228] : memref<4x200x128xf32, #tpu.memory_space<vmem>> -> memref<1x200x128xf32, #tpu.memory_space<vmem>>
          %dma_wait3A_1230 = tpu.memref_squeeze %dma_wait3A_1229 : memref<1x200x128xf32, #tpu.memory_space<vmem>> -> memref<200x128xf32, #tpu.memory_space<vmem>>
          tpu.wait_dma2 semaphore(%dma_wait3A_1224 : memref<!tpu.dma_semaphore, #tpu.memory_space<semaphore_mem>>) src(%dma_wait3A_1230 : memref<200x128xf32, #tpu.memory_space<vmem>>) dst(%dma_wait3A_1226 : memref<200x128xf32, #tpu.memory_space<hbm>>)
        } else {
        }
        %rem3A_1181 = arith.constant 4 : i32
        %rem3A_1182 = arith.remsi %add3A_963, %rem3A_1181 : i32
        %rem3A_1183 = arith.constant 3 : i32
        %rem3A_1184 = arith.remsi %add3A_963, %rem3A_1183 : i32
        %mul3A_1185 = arith.constant 208 : i32
        %mul3A_1186 = arith.muli %rem3A_1184, %mul3A_1185 : i32
        %mul3A_1187 = arith.constant 208 : i32
        %mul3A_1188 = arith.muli %rem3A_1184, %mul3A_1187 : i32
        %add3A_1189 = arith.constant 128 : i32
        %add3A_1190 = arith.addi %mul3A_1188, %add3A_1189 : i32
        %dma_start3A_1191 = arith.constant 0 : i32
        %dma_start3A_1192 = arith.constant 0 : i32
        %dma_start3A_1193 = tpu.memref_slice %arg7[%rem3A_1182, %dma_start3A_1191, %dma_start3A_1192] : memref<4x200x128xf32, #tpu.memory_space<vmem>> -> memref<1x128x128xf32, #tpu.memory_space<vmem>>
        %dma_start3A_1194 = tpu.memref_squeeze %dma_start3A_1193 : memref<1x128x128xf32, #tpu.memory_space<vmem>> -> memref<128x128xf32, #tpu.memory_space<vmem>>
        %dma_start3A_1195 = tpu.memref_slice %arg9[%mul3A_1186] : memref<624xi32, #tpu.memory_space<vmem>> -> memref<128xi32, #tpu.memory_space<vmem>>
        %dma_start3A_1196 = arith.constant 0 : i32
        %dma_start3A_1197 = arith.constant 0 : i32
        %dma_start3A_1198 = tpu.memref_slice %arg5[%dma_start3A_1196, %dma_start3A_1197] : memref<960x128xf32, #tpu.memory_space<vmem_shared>> -> memref<960x128xf32, #tpu.memory_space<vmem_shared>>
        %dma_start3A_1199 = tpu.memref_slice %arg11[%rem3A_1182] : memref<4x!tpu.dma_semaphore, #tpu.memory_space<semaphore_mem>> -> memref<1x!tpu.dma_semaphore, #tpu.memory_space<semaphore_mem>>
        %dma_start3A_1200 = tpu.memref_squeeze %dma_start3A_1199 : memref<1x!tpu.dma_semaphore, #tpu.memory_space<semaphore_mem>> -> memref<!tpu.dma_semaphore, #tpu.memory_space<semaphore_mem>>
        tpu.enqueue_indirect_dma source(%dma_start3A_1198 : memref<960x128xf32, #tpu.memory_space<vmem_shared>>) target(%dma_start3A_1194 : memref<128x128xf32, #tpu.memory_space<vmem>>) offsets(%dma_start3A_1195 : memref<128xi32, #tpu.memory_space<vmem>>) semaphore(%dma_start3A_1200 : memref<!tpu.dma_semaphore, #tpu.memory_space<semaphore_mem>>)
        %dma_start3A_1201 = arith.constant 128 : i32
        %dma_start3A_1202 = arith.constant 0 : i32
        %dma_start3A_1203 = tpu.memref_slice %arg7[%rem3A_1182, %dma_start3A_1201, %dma_start3A_1202] : memref<4x200x128xf32, #tpu.memory_space<vmem>> -> memref<1x72x128xf32, #tpu.memory_space<vmem>>
        %dma_start3A_1204 = tpu.memref_squeeze %dma_start3A_1203 : memref<1x72x128xf32, #tpu.memory_space<vmem>> -> memref<72x128xf32, #tpu.memory_space<vmem>>
        %dma_start3A_1205 = tpu.memref_slice %arg9[%add3A_1190] : memref<624xi32, #tpu.memory_space<vmem>> -> memref<72xi32, #tpu.memory_space<vmem>>
        %dma_start3A_1206 = arith.constant 0 : i32
        %dma_start3A_1207 = arith.constant 0 : i32
        %dma_start3A_1208 = tpu.memref_slice %arg5[%dma_start3A_1206, %dma_start3A_1207] : memref<960x128xf32, #tpu.memory_space<vmem_shared>> -> memref<960x128xf32, #tpu.memory_space<vmem_shared>>
        %dma_start3A_1209 = tpu.memref_slice %arg11[%rem3A_1182] : memref<4x!tpu.dma_semaphore, #tpu.memory_space<semaphore_mem>> -> memref<1x!tpu.dma_semaphore, #tpu.memory_space<semaphore_mem>>
        %dma_start3A_1210 = tpu.memref_squeeze %dma_start3A_1209 : memref<1x!tpu.dma_semaphore, #tpu.memory_space<semaphore_mem>> -> memref<!tpu.dma_semaphore, #tpu.memory_space<semaphore_mem>>
        tpu.enqueue_indirect_dma source(%dma_start3A_1208 : memref<960x128xf32, #tpu.memory_space<vmem_shared>>) target(%dma_start3A_1204 : memref<72x128xf32, #tpu.memory_space<vmem>>) offsets(%dma_start3A_1205 : memref<72xi32, #tpu.memory_space<vmem>>) semaphore(%dma_start3A_1210 : memref<!tpu.dma_semaphore, #tpu.memory_space<semaphore_mem>>)
      } else {
      }
      %rem3A_609 = arith.constant 4 : i32
      %rem3A_610 = arith.remsi %scan3A_595, %rem3A_609 : i32
      %rem3A_611 = arith.constant 3 : i32
      %rem3A_612 = arith.remsi %scan3A_595, %rem3A_611 : i32
      %mul3A_613 = arith.constant 208 : i32
      %mul3A_614 = arith.muli %rem3A_612, %mul3A_613 : i32
      %mul3A_615 = arith.constant 208 : i32
      %mul3A_616 = arith.muli %rem3A_612, %mul3A_615 : i32
      %add3A_617 = arith.constant 128 : i32
      %add3A_618 = arith.addi %mul3A_616, %add3A_617 : i32
      %dma_wait3A_619 = arith.constant 0 : i32
      %dma_wait3A_620 = arith.constant 0 : i32
      %dma_wait3A_621 = tpu.memref_slice %arg7[%rem3A_610, %dma_wait3A_619, %dma_wait3A_620] : memref<4x200x128xf32, #tpu.memory_space<vmem>> -> memref<1x128x128xf32, #tpu.memory_space<vmem>>
      %dma_wait3A_622 = tpu.memref_squeeze %dma_wait3A_621 : memref<1x128x128xf32, #tpu.memory_space<vmem>> -> memref<128x128xf32, #tpu.memory_space<vmem>>
      %dma_wait3A_623 = tpu.memref_slice %arg9[%mul3A_614] : memref<624xi32, #tpu.memory_space<vmem>> -> memref<128xi32, #tpu.memory_space<vmem>>
      %dma_wait3A_624 = arith.constant 0 : i32
      %dma_wait3A_625 = arith.constant 0 : i32
      %dma_wait3A_626 = tpu.memref_slice %arg5[%dma_wait3A_624, %dma_wait3A_625] : memref<960x128xf32, #tpu.memory_space<vmem_shared>> -> memref<960x128xf32, #tpu.memory_space<vmem_shared>>
      %dma_wait3A_627 = tpu.memref_slice %arg11[%rem3A_610] : memref<4x!tpu.dma_semaphore, #tpu.memory_space<semaphore_mem>> -> memref<1x!tpu.dma_semaphore, #tpu.memory_space<semaphore_mem>>
      %dma_wait3A_628 = tpu.memref_squeeze %dma_wait3A_627 : memref<1x!tpu.dma_semaphore, #tpu.memory_space<semaphore_mem>> -> memref<!tpu.dma_semaphore, #tpu.memory_space<semaphore_mem>>
      tpu.wait_indirect_dma semaphore(%dma_wait3A_628 : memref<!tpu.dma_semaphore, #tpu.memory_space<semaphore_mem>>) src(%dma_wait3A_626 : memref<960x128xf32, #tpu.memory_space<vmem_shared>>) dst(%dma_wait3A_622 : memref<128x128xf32, #tpu.memory_space<vmem>>)
      %dma_wait3A_629 = arith.constant 128 : i32
      %dma_wait3A_630 = arith.constant 0 : i32
      %dma_wait3A_631 = tpu.memref_slice %arg7[%rem3A_610, %dma_wait3A_629, %dma_wait3A_630] : memref<4x200x128xf32, #tpu.memory_space<vmem>> -> memref<1x72x128xf32, #tpu.memory_space<vmem>>
      %dma_wait3A_632 = tpu.memref_squeeze %dma_wait3A_631 : memref<1x72x128xf32, #tpu.memory_space<vmem>> -> memref<72x128xf32, #tpu.memory_space<vmem>>
      %dma_wait3A_633 = tpu.memref_slice %arg9[%add3A_618] : memref<624xi32, #tpu.memory_space<vmem>> -> memref<72xi32, #tpu.memory_space<vmem>>
      %dma_wait3A_634 = arith.constant 0 : i32
      %dma_wait3A_635 = arith.constant 0 : i32
      %dma_wait3A_636 = tpu.memref_slice %arg5[%dma_wait3A_634, %dma_wait3A_635] : memref<960x128xf32, #tpu.memory_space<vmem_shared>> -> memref<960x128xf32, #tpu.memory_space<vmem_shared>>
      %dma_wait3A_637 = tpu.memref_slice %arg11[%rem3A_610] : memref<4x!tpu.dma_semaphore, #tpu.memory_space<semaphore_mem>> -> memref<1x!tpu.dma_semaphore, #tpu.memory_space<semaphore_mem>>
      %dma_wait3A_638 = tpu.memref_squeeze %dma_wait3A_637 : memref<1x!tpu.dma_semaphore, #tpu.memory_space<semaphore_mem>> -> memref<!tpu.dma_semaphore, #tpu.memory_space<semaphore_mem>>
      tpu.wait_indirect_dma semaphore(%dma_wait3A_638 : memref<!tpu.dma_semaphore, #tpu.memory_space<semaphore_mem>>) src(%dma_wait3A_636 : memref<960x128xf32, #tpu.memory_space<vmem_shared>>) dst(%dma_wait3A_632 : memref<72x128xf32, #tpu.memory_space<vmem>>)
      %mul3A_639 = arith.constant 208 : i32
      %mul3A_640 = arith.muli %rem3A_597, %mul3A_639 : i32
      %add3A_641 = arith.constant 0 : i32
      %add3A_642 = arith.addi %mul3A_640, %add3A_641 : i32
      %get3A_643 = arith.index_cast %add3A_642 : i32 to index
      %get3A_644 = tpu.vector_load %arg8[%get3A_643] {strides = array<i32>} : memref<832xi32, #tpu.memory_space<vmem>>, vector<16xi32>,
      %ge3A = arith.constant 960 : i32
      %ge3A_645 = vector.broadcast %ge3A : i32 to vector<16xi32>
      %ge3A_646 = arith.cmpi sge, %get3A_644, %ge3A_645 : vector<16xi32>
      %reduce_or3A = arith.constant 1.000000e+00 : f32
      %reduce_or3A_647 = arith.constant 0.000000e+00 : f32
      %reduce_or3A_648 = vector.broadcast %reduce_or3A : f32 to vector<16xf32>
      %reduce_or3A_649 = vector.broadcast %reduce_or3A_647 : f32 to vector<16xf32>
      %reduce_or3A_650 = arith.select %ge3A_646, %reduce_or3A_648, %reduce_or3A_649 : vector<16xi1>, vector<16xf32>
      %reduce_or3A_651 = arith.constant true
      %reduce_or3A_652 = vector.broadcast %reduce_or3A_651 : i1 to vector<16xi1>
      %reduce_or3A_653 = tpu.scan <max>, %reduce_or3A_650 masked %reduce_or3A_652 : vector<16xf32>, vector<16xi1> -> vector<16xf32>
      %reduce_or3A_654 = vector.extract %reduce_or3A_653[15] : f32 from vector<16xf32>
      %reduce_or3A_655 = arith.constant 0.000000e+00 : f32
      %reduce_or3A_656 = arith.cmpf ogt, %reduce_or3A_654, %reduce_or3A_655 : f32
      %convert_element_type3A_657 = arith.extui %reduce_or3A_656 : i1 to i32
      %cond3A_658 = arith.constant 0 : i32
      %cond3A_659 = arith.cmpi ne, %convert_element_type3A_657, %cond3A_658 : i32
      scf.if %cond3A_659 {
        %while3A = scf.while (%while3A_962 = %ge3A_646) : (vector<16xi1>) -> vector<16xi1> {
          %reduce_or3A_963 = arith.constant 1.000000e+00 : f32
          %reduce_or3A_964 = arith.constant 0.000000e+00 : f32
          %reduce_or3A_965 = vector.broadcast %reduce_or3A_963 : f32 to vector<16xf32>
          %reduce_or3A_966 = vector.broadcast %reduce_or3A_964 : f32 to vector<16xf32>
          %reduce_or3A_967 = arith.select %while3A_962, %reduce_or3A_965, %reduce_or3A_966 : vector<16xi1>, vector<16xf32>
          %reduce_or3A_968 = arith.constant true
          %reduce_or3A_969 = vector.broadcast %reduce_or3A_968 : i1 to vector<16xi1>
          %reduce_or3A_970 = tpu.scan <max>, %reduce_or3A_967 masked %reduce_or3A_969 : vector<16xf32>, vector<16xi1> -> vector<16xf32>
          %reduce_or3A_971 = vector.extract %reduce_or3A_970[15] : f32 from vector<16xf32>
          %reduce_or3A_972 = arith.constant 0.000000e+00 : f32
          %reduce_or3A_973 = arith.cmpf ogt, %reduce_or3A_971, %reduce_or3A_972 : f32
          scf.condition(%reduce_or3A_973) %while3A_962 : vector<16xi1>
        } do {
        ^bb0(%while3A_962: vector<16xi1>):
          %jit3A = arith.constant -1 : i32
          %broadcast_in_dim3A = vector.broadcast %jit3A : i32 to vector<16xi32>
          %select_n3A = arith.select %while3A_962, %iota3A, %broadcast_in_dim3A : vector<16xi1>, vector<16xi32>
          %reduce_max3A = arith.constant true
          %reduce_max3A_963 = vector.broadcast %reduce_max3A : i1 to vector<16xi1>
          %reduce_max3A_964 = arith.constant -2147483648 : i32
          %reduce_max3A_965 = vector.broadcast %reduce_max3A_964 : i32 to vector<16xi32>
          %reduce_max3A_966 = arith.xori %select_n3A, %reduce_max3A_965 : vector<16xi32>
          %reduce_max3A_967 = tpu.scan <max>, %reduce_max3A_966 masked %reduce_max3A_963 : vector<16xi32>, vector<16xi1> -> vector<16xi32>
          %reduce_max3A_968 = arith.xori %reduce_max3A_967, %reduce_max3A_965 : vector<16xi32>
          %reduce_max3A_969 = vector.extract %reduce_max3A_968[15] : i32 from vector<16xi32>
          %eq3A = vector.broadcast %reduce_max3A_969 : i32 to vector<16xi32>
          %eq3A_970 = arith.cmpi eq, %iota3A, %eq3A : vector<16xi32>
          %jit3A_971 = arith.constant -1 : i32
          %broadcast_in_dim3A_972 = vector.broadcast %jit3A_971 : i32 to vector<16xi32>
          %select_n3A_973 = arith.select %eq3A_970, %get3A_644, %broadcast_in_dim3A_972 : vector<16xi1>, vector<16xi32>
          %reduce_max3A_974 = arith.constant true
          %reduce_max3A_975 = vector.broadcast %reduce_max3A_974 : i1 to vector<16xi1>
          %reduce_max3A_976 = arith.constant -2147483648 : i32
          %reduce_max3A_977 = vector.broadcast %reduce_max3A_976 : i32 to vector<16xi32>
          %reduce_max3A_978 = arith.xori %select_n3A_973, %reduce_max3A_977 : vector<16xi32>
          %reduce_max3A_979 = tpu.scan <max>, %reduce_max3A_978 masked %reduce_max3A_975 : vector<16xi32>, vector<16xi1> -> vector<16xi32>
          %reduce_max3A_980 = arith.xori %reduce_max3A_979, %reduce_max3A_977 : vector<16xi32>
          %reduce_max3A_981 = vector.extract %reduce_max3A_980[15] : i32 from vector<16xi32>
          %add3A_982 = arith.constant 0 : i32
          %add3A_983 = arith.addi %add3A_982, %reduce_max3A_969 : i32
          %sub3A = arith.constant 960 : i32
          %sub3A_984 = arith.subi %reduce_max3A_981, %sub3A : i32
          %get3A_985 = arith.index_cast %sub3A_984 : i32 to index
          %get3A_986 = arith.constant 0 : index
          %get3A_987 = tpu.vector_load %arg6[%get3A_985, %get3A_986] {strides = array<i32>} : memref<40x128xf32, #tpu.memory_space<vmem>>, vector<16xf32>,
          %swap3A_988 = arith.index_cast %rem3A_597 : i32 to index
          %swap3A_989 = arith.index_cast %add3A_983 : i32 to index
          %swap3A_990 = arith.constant 0 : index
          %swap3A_991 = tpu.vector_load %arg7[%swap3A_988, %swap3A_989, %swap3A_990] {strides = array<i32>} : memref<4x200x128xf32, #tpu.memory_space<vmem>>, vector<16xf32>,
          tpu.vector_store %arg7[%swap3A_988, %swap3A_989, %swap3A_990], %get3A_987 {strides = array<i32>} : memref<4x200x128xf32, #tpu.memory_space<vmem>>, vector<16xf32>,
          %get3A_992 = arith.index_cast %sub3A_984 : i32 to index
          %get3A_993 = arith.constant 16 : index
          %get3A_994 = tpu.vector_load %arg6[%get3A_992, %get3A_993] {strides = array<i32>} : memref<40x128xf32, #tpu.memory_space<vmem>>, vector<16xf32>,
          %swap3A_995 = arith.index_cast %rem3A_597 : i32 to index
          %swap3A_996 = arith.index_cast %add3A_983 : i32 to index
          %swap3A_997 = arith.constant 16 : index
          %swap3A_998 = tpu.vector_load %arg7[%swap3A_995, %swap3A_996, %swap3A_997] {strides = array<i32>} : memref<4x200x128xf32, #tpu.memory_space<vmem>>, vector<16xf32>,
          tpu.vector_store %arg7[%swap3A_995, %swap3A_996, %swap3A_997], %get3A_994 {strides = array<i32>} : memref<4x200x128xf32, #tpu.memory_space<vmem>>, vector<16xf32>,
          %get3A_999 = arith.index_cast %sub3A_984 : i32 to index
          %get3A_1000 = arith.constant 32 : index
          %get3A_1001 = tpu.vector_load %arg6[%get3A_999, %get3A_1000] {strides = array<i32>} : memref<40x128xf32, #tpu.memory_space<vmem>>, vector<16xf32>,
          %swap3A_1002 = arith.index_cast %rem3A_597 : i32 to index
          %swap3A_1003 = arith.index_cast %add3A_983 : i32 to index
          %swap3A_1004 = arith.constant 32 : index
          %swap3A_1005 = tpu.vector_load %arg7[%swap3A_1002, %swap3A_1003, %swap3A_1004] {strides = array<i32>} : memref<4x200x128xf32, #tpu.memory_space<vmem>>, vector<16xf32>,
          tpu.vector_store %arg7[%swap3A_1002, %swap3A_1003, %swap3A_1004], %get3A_1001 {strides = array<i32>} : memref<4x200x128xf32, #tpu.memory_space<vmem>>, vector<16xf32>,
          %get3A_1006 = arith.index_cast %sub3A_984 : i32 to index
          %get3A_1007 = arith.constant 48 : index
          %get3A_1008 = tpu.vector_load %arg6[%get3A_1006, %get3A_1007] {strides = array<i32>} : memref<40x128xf32, #tpu.memory_space<vmem>>, vector<16xf32>,
          %swap3A_1009 = arith.index_cast %rem3A_597 : i32 to index
          %swap3A_1010 = arith.index_cast %add3A_983 : i32 to index
          %swap3A_1011 = arith.constant 48 : index
          %swap3A_1012 = tpu.vector_load %arg7[%swap3A_1009, %swap3A_1010, %swap3A_1011] {strides = array<i32>} : memref<4x200x128xf32, #tpu.memory_space<vmem>>, vector<16xf32>,
          tpu.vector_store %arg7[%swap3A_1009, %swap3A_1010, %swap3A_1011], %get3A_1008 {strides = array<i32>} : memref<4x200x128xf32, #tpu.memory_space<vmem>>, vector<16xf32>,
          %get3A_1013 = arith.index_cast %sub3A_984 : i32 to index
          %get3A_1014 = arith.constant 64 : index
          %get3A_1015 = tpu.vector_load %arg6[%get3A_1013, %get3A_1014] {strides = array<i32>} : memref<40x128xf32, #tpu.memory_space<vmem>>, vector<16xf32>,
          %swap3A_1016 = arith.index_cast %rem3A_597 : i32 to index
          %swap3A_1017 = arith.index_cast %add3A_983 : i32 to index
          %swap3A_1018 = arith.constant 64 : index
          %swap3A_1019 = tpu.vector_load %arg7[%swap3A_1016, %swap3A_1017, %swap3A_1018] {strides = array<i32>} : memref<4x200x128xf32, #tpu.memory_space<vmem>>, vector<16xf32>,
          tpu.vector_store %arg7[%swap3A_1016, %swap3A_1017, %swap3A_1018], %get3A_1015 {strides = array<i32>} : memref<4x200x128xf32, #tpu.memory_space<vmem>>, vector<16xf32>,
          %get3A_1020 = arith.index_cast %sub3A_984 : i32 to index
          %get3A_1021 = arith.constant 80 : index
          %get3A_1022 = tpu.vector_load %arg6[%get3A_1020, %get3A_1021] {strides = array<i32>} : memref<40x128xf32, #tpu.memory_space<vmem>>, vector<16xf32>,
          %swap3A_1023 = arith.index_cast %rem3A_597 : i32 to index
          %swap3A_1024 = arith.index_cast %add3A_983 : i32 to index
          %swap3A_1025 = arith.constant 80 : index
          %swap3A_1026 = tpu.vector_load %arg7[%swap3A_1023, %swap3A_1024, %swap3A_1025] {strides = array<i32>} : memref<4x200x128xf32, #tpu.memory_space<vmem>>, vector<16xf32>,
          tpu.vector_store %arg7[%swap3A_1023, %swap3A_1024, %swap3A_1025], %get3A_1022 {strides = array<i32>} : memref<4x200x128xf32, #tpu.memory_space<vmem>>, vector<16xf32>,
          %get3A_1027 = arith.index_cast %sub3A_984 : i32 to index
          %get3A_1028 = arith.constant 96 : index
          %get3A_1029 = tpu.vector_load %arg6[%get3A_1027, %get3A_1028] {strides = array<i32>} : memref<40x128xf32, #tpu.memory_space<vmem>>, vector<16xf32>,
          %swap3A_1030 = arith.index_cast %rem3A_597 : i32 to index
          %swap3A_1031 = arith.index_cast %add3A_983 : i32 to index
          %swap3A_1032 = arith.constant 96 : index
          %swap3A_1033 = tpu.vector_load %arg7[%swap3A_1030, %swap3A_1031, %swap3A_1032] {strides = array<i32>} : memref<4x200x128xf32, #tpu.memory_space<vmem>>, vector<16xf32>,
          tpu.vector_store %arg7[%swap3A_1030, %swap3A_1031, %swap3A_1032], %get3A_1029 {strides = array<i32>} : memref<4x200x128xf32, #tpu.memory_space<vmem>>, vector<16xf32>,
          %get3A_1034 = arith.index_cast %sub3A_984 : i32 to index
          %get3A_1035 = arith.constant 112 : index
          %get3A_1036 = tpu.vector_load %arg6[%get3A_1034, %get3A_1035] {strides = array<i32>} : memref<40x128xf32, #tpu.memory_space<vmem>>, vector<16xf32>,
          %swap3A_1037 = arith.index_cast %rem3A_597 : i32 to index
          %swap3A_1038 = arith.index_cast %add3A_983 : i32 to index
          %swap3A_1039 = arith.constant 112 : index
          %swap3A_1040 = tpu.vector_load %arg7[%swap3A_1037, %swap3A_1038, %swap3A_1039] {strides = array<i32>} : memref<4x200x128xf32, #tpu.memory_space<vmem>>, vector<16xf32>,
          tpu.vector_store %arg7[%swap3A_1037, %swap3A_1038, %swap3A_1039], %get3A_1036 {strides = array<i32>} : memref<4x200x128xf32, #tpu.memory_space<vmem>>, vector<16xf32>,
          %ne3A = vector.broadcast %reduce_max3A_969 : i32 to vector<16xi32>
          %ne3A_1041 = arith.cmpi ne, %iota3A, %ne3A : vector<16xi32>
          %and3A_1042 = arith.andi %while3A_962, %ne3A_1041 : vector<16xi1>
          scf.yield %and3A_1042 : vector<16xi1>
        }
      } else {
      }
      %mul3A_660 = arith.constant 208 : i32
      %mul3A_661 = arith.muli %rem3A_597, %mul3A_660 : i32
      %add3A_662 = arith.constant 16 : i32
      %add3A_663 = arith.addi %mul3A_661, %add3A_662 : i32
      %get3A_664 = arith.index_cast %add3A_663 : i32 to index
      %get3A_665 = tpu.vector_load %arg8[%get3A_664] {strides = array<i32>} : memref<832xi32, #tpu.memory_space<vmem>>, vector<16xi32>,
      %ge3A_666 = arith.constant 960 : i32
      %ge3A_667 = vector.broadcast %ge3A_666 : i32 to vector<16xi32>
      %ge3A_668 = arith.cmpi sge, %get3A_665, %ge3A_667 : vector<16xi32>
      %reduce_or3A_669 = arith.constant 1.000000e+00 : f32
      %reduce_or3A_670 = arith.constant 0.000000e+00 : f32
      %reduce_or3A_671 = vector.broadcast %reduce_or3A_669 : f32 to vector<16xf32>
      %reduce_or3A_672 = vector.broadcast %reduce_or3A_670 : f32 to vector<16xf32>
      %reduce_or3A_673 = arith.select %ge3A_668, %reduce_or3A_671, %reduce_or3A_672 : vector<16xi1>, vector<16xf32>
      %reduce_or3A_674 = arith.constant true
      %reduce_or3A_675 = vector.broadcast %reduce_or3A_674 : i1 to vector<16xi1>
      %reduce_or3A_676 = tpu.scan <max>, %reduce_or3A_673 masked %reduce_or3A_675 : vector<16xf32>, vector<16xi1> -> vector<16xf32>
      %reduce_or3A_677 = vector.extract %reduce_or3A_676[15] : f32 from vector<16xf32>
      %reduce_or3A_678 = arith.constant 0.000000e+00 : f32
      %reduce_or3A_679 = arith.cmpf ogt, %reduce_or3A_677, %reduce_or3A_678 : f32
      %convert_element_type3A_680 = arith.extui %reduce_or3A_679 : i1 to i32
      %cond3A_681 = arith.constant 0 : i32
      %cond3A_682 = arith.cmpi ne, %convert_element_type3A_680, %cond3A_681 : i32
      scf.if %cond3A_682 {
        %while3A = scf.while (%while3A_962 = %ge3A_668) : (vector<16xi1>) -> vector<16xi1> {
          %reduce_or3A_963 = arith.constant 1.000000e+00 : f32
          %reduce_or3A_964 = arith.constant 0.000000e+00 : f32
          %reduce_or3A_965 = vector.broadcast %reduce_or3A_963 : f32 to vector<16xf32>
          %reduce_or3A_966 = vector.broadcast %reduce_or3A_964 : f32 to vector<16xf32>
          %reduce_or3A_967 = arith.select %while3A_962, %reduce_or3A_965, %reduce_or3A_966 : vector<16xi1>, vector<16xf32>
          %reduce_or3A_968 = arith.constant true
          %reduce_or3A_969 = vector.broadcast %reduce_or3A_968 : i1 to vector<16xi1>
          %reduce_or3A_970 = tpu.scan <max>, %reduce_or3A_967 masked %reduce_or3A_969 : vector<16xf32>, vector<16xi1> -> vector<16xf32>
          %reduce_or3A_971 = vector.extract %reduce_or3A_970[15] : f32 from vector<16xf32>
          %reduce_or3A_972 = arith.constant 0.000000e+00 : f32
          %reduce_or3A_973 = arith.cmpf ogt, %reduce_or3A_971, %reduce_or3A_972 : f32
          scf.condition(%reduce_or3A_973) %while3A_962 : vector<16xi1>
        } do {
        ^bb0(%while3A_962: vector<16xi1>):
          %jit3A = arith.constant -1 : i32
          %broadcast_in_dim3A = vector.broadcast %jit3A : i32 to vector<16xi32>
          %select_n3A = arith.select %while3A_962, %iota3A, %broadcast_in_dim3A : vector<16xi1>, vector<16xi32>
          %reduce_max3A = arith.constant true
          %reduce_max3A_963 = vector.broadcast %reduce_max3A : i1 to vector<16xi1>
          %reduce_max3A_964 = arith.constant -2147483648 : i32
          %reduce_max3A_965 = vector.broadcast %reduce_max3A_964 : i32 to vector<16xi32>
          %reduce_max3A_966 = arith.xori %select_n3A, %reduce_max3A_965 : vector<16xi32>
          %reduce_max3A_967 = tpu.scan <max>, %reduce_max3A_966 masked %reduce_max3A_963 : vector<16xi32>, vector<16xi1> -> vector<16xi32>
          %reduce_max3A_968 = arith.xori %reduce_max3A_967, %reduce_max3A_965 : vector<16xi32>
          %reduce_max3A_969 = vector.extract %reduce_max3A_968[15] : i32 from vector<16xi32>
          %eq3A = vector.broadcast %reduce_max3A_969 : i32 to vector<16xi32>
          %eq3A_970 = arith.cmpi eq, %iota3A, %eq3A : vector<16xi32>
          %jit3A_971 = arith.constant -1 : i32
          %broadcast_in_dim3A_972 = vector.broadcast %jit3A_971 : i32 to vector<16xi32>
          %select_n3A_973 = arith.select %eq3A_970, %get3A_665, %broadcast_in_dim3A_972 : vector<16xi1>, vector<16xi32>
          %reduce_max3A_974 = arith.constant true
          %reduce_max3A_975 = vector.broadcast %reduce_max3A_974 : i1 to vector<16xi1>
          %reduce_max3A_976 = arith.constant -2147483648 : i32
          %reduce_max3A_977 = vector.broadcast %reduce_max3A_976 : i32 to vector<16xi32>
          %reduce_max3A_978 = arith.xori %select_n3A_973, %reduce_max3A_977 : vector<16xi32>
          %reduce_max3A_979 = tpu.scan <max>, %reduce_max3A_978 masked %reduce_max3A_975 : vector<16xi32>, vector<16xi1> -> vector<16xi32>
          %reduce_max3A_980 = arith.xori %reduce_max3A_979, %reduce_max3A_977 : vector<16xi32>
          %reduce_max3A_981 = vector.extract %reduce_max3A_980[15] : i32 from vector<16xi32>
          %add3A_982 = arith.constant 16 : i32
          %add3A_983 = arith.addi %add3A_982, %reduce_max3A_969 : i32
          %sub3A = arith.constant 960 : i32
          %sub3A_984 = arith.subi %reduce_max3A_981, %sub3A : i32
          %get3A_985 = arith.index_cast %sub3A_984 : i32 to index
          %get3A_986 = arith.constant 0 : index
          %get3A_987 = tpu.vector_load %arg6[%get3A_985, %get3A_986] {strides = array<i32>} : memref<40x128xf32, #tpu.memory_space<vmem>>, vector<16xf32>,
          %swap3A_988 = arith.index_cast %rem3A_597 : i32 to index
          %swap3A_989 = arith.index_cast %add3A_983 : i32 to index
          %swap3A_990 = arith.constant 0 : index
          %swap3A_991 = tpu.vector_load %arg7[%swap3A_988, %swap3A_989, %swap3A_990] {strides = array<i32>} : memref<4x200x128xf32, #tpu.memory_space<vmem>>, vector<16xf32>,
          tpu.vector_store %arg7[%swap3A_988, %swap3A_989, %swap3A_990], %get3A_987 {strides = array<i32>} : memref<4x200x128xf32, #tpu.memory_space<vmem>>, vector<16xf32>,
          %get3A_992 = arith.index_cast %sub3A_984 : i32 to index
          %get3A_993 = arith.constant 16 : index
          %get3A_994 = tpu.vector_load %arg6[%get3A_992, %get3A_993] {strides = array<i32>} : memref<40x128xf32, #tpu.memory_space<vmem>>, vector<16xf32>,
          %swap3A_995 = arith.index_cast %rem3A_597 : i32 to index
          %swap3A_996 = arith.index_cast %add3A_983 : i32 to index
          %swap3A_997 = arith.constant 16 : index
          %swap3A_998 = tpu.vector_load %arg7[%swap3A_995, %swap3A_996, %swap3A_997] {strides = array<i32>} : memref<4x200x128xf32, #tpu.memory_space<vmem>>, vector<16xf32>,
          tpu.vector_store %arg7[%swap3A_995, %swap3A_996, %swap3A_997], %get3A_994 {strides = array<i32>} : memref<4x200x128xf32, #tpu.memory_space<vmem>>, vector<16xf32>,
          %get3A_999 = arith.index_cast %sub3A_984 : i32 to index
          %get3A_1000 = arith.constant 32 : index
          %get3A_1001 = tpu.vector_load %arg6[%get3A_999, %get3A_1000] {strides = array<i32>} : memref<40x128xf32, #tpu.memory_space<vmem>>, vector<16xf32>,
          %swap3A_1002 = arith.index_cast %rem3A_597 : i32 to index
          %swap3A_1003 = arith.index_cast %add3A_983 : i32 to index
          %swap3A_1004 = arith.constant 32 : index
          %swap3A_1005 = tpu.vector_load %arg7[%swap3A_1002, %swap3A_1003, %swap3A_1004] {strides = array<i32>} : memref<4x200x128xf32, #tpu.memory_space<vmem>>, vector<16xf32>,
          tpu.vector_store %arg7[%swap3A_1002, %swap3A_1003, %swap3A_1004], %get3A_1001 {strides = array<i32>} : memref<4x200x128xf32, #tpu.memory_space<vmem>>, vector<16xf32>,
          %get3A_1006 = arith.index_cast %sub3A_984 : i32 to index
          %get3A_1007 = arith.constant 48 : index
          %get3A_1008 = tpu.vector_load %arg6[%get3A_1006, %get3A_1007] {strides = array<i32>} : memref<40x128xf32, #tpu.memory_space<vmem>>, vector<16xf32>,
          %swap3A_1009 = arith.index_cast %rem3A_597 : i32 to index
          %swap3A_1010 = arith.index_cast %add3A_983 : i32 to index
          %swap3A_1011 = arith.constant 48 : index
          %swap3A_1012 = tpu.vector_load %arg7[%swap3A_1009, %swap3A_1010, %swap3A_1011] {strides = array<i32>} : memref<4x200x128xf32, #tpu.memory_space<vmem>>, vector<16xf32>,
          tpu.vector_store %arg7[%swap3A_1009, %swap3A_1010, %swap3A_1011], %get3A_1008 {strides = array<i32>} : memref<4x200x128xf32, #tpu.memory_space<vmem>>, vector<16xf32>,
          %get3A_1013 = arith.index_cast %sub3A_984 : i32 to index
          %get3A_1014 = arith.constant 64 : index
          %get3A_1015 = tpu.vector_load %arg6[%get3A_1013, %get3A_1014] {strides = array<i32>} : memref<40x128xf32, #tpu.memory_space<vmem>>, vector<16xf32>,
          %swap3A_1016 = arith.index_cast %rem3A_597 : i32 to index
          %swap3A_1017 = arith.index_cast %add3A_983 : i32 to index
          %swap3A_1018 = arith.constant 64 : index
          %swap3A_1019 = tpu.vector_load %arg7[%swap3A_1016, %swap3A_1017, %swap3A_1018] {strides = array<i32>} : memref<4x200x128xf32, #tpu.memory_space<vmem>>, vector<16xf32>,
          tpu.vector_store %arg7[%swap3A_1016, %swap3A_1017, %swap3A_1018], %get3A_1015 {strides = array<i32>} : memref<4x200x128xf32, #tpu.memory_space<vmem>>, vector<16xf32>,
          %get3A_1020 = arith.index_cast %sub3A_984 : i32 to index
          %get3A_1021 = arith.constant 80 : index
          %get3A_1022 = tpu.vector_load %arg6[%get3A_1020, %get3A_1021] {strides = array<i32>} : memref<40x128xf32, #tpu.memory_space<vmem>>, vector<16xf32>,
          %swap3A_1023 = arith.index_cast %rem3A_597 : i32 to index
          %swap3A_1024 = arith.index_cast %add3A_983 : i32 to index
          %swap3A_1025 = arith.constant 80 : index
          %swap3A_1026 = tpu.vector_load %arg7[%swap3A_1023, %swap3A_1024, %swap3A_1025] {strides = array<i32>} : memref<4x200x128xf32, #tpu.memory_space<vmem>>, vector<16xf32>,
          tpu.vector_store %arg7[%swap3A_1023, %swap3A_1024, %swap3A_1025], %get3A_1022 {strides = array<i32>} : memref<4x200x128xf32, #tpu.memory_space<vmem>>, vector<16xf32>,
          %get3A_1027 = arith.index_cast %sub3A_984 : i32 to index
          %get3A_1028 = arith.constant 96 : index
          %get3A_1029 = tpu.vector_load %arg6[%get3A_1027, %get3A_1028] {strides = array<i32>} : memref<40x128xf32, #tpu.memory_space<vmem>>, vector<16xf32>,
          %swap3A_1030 = arith.index_cast %rem3A_597 : i32 to index
          %swap3A_1031 = arith.index_cast %add3A_983 : i32 to index
          %swap3A_1032 = arith.constant 96 : index
          %swap3A_1033 = tpu.vector_load %arg7[%swap3A_1030, %swap3A_1031, %swap3A_1032] {strides = array<i32>} : memref<4x200x128xf32, #tpu.memory_space<vmem>>, vector<16xf32>,
          tpu.vector_store %arg7[%swap3A_1030, %swap3A_1031, %swap3A_1032], %get3A_1029 {strides = array<i32>} : memref<4x200x128xf32, #tpu.memory_space<vmem>>, vector<16xf32>,
          %get3A_1034 = arith.index_cast %sub3A_984 : i32 to index
          %get3A_1035 = arith.constant 112 : index
          %get3A_1036 = tpu.vector_load %arg6[%get3A_1034, %get3A_1035] {strides = array<i32>} : memref<40x128xf32, #tpu.memory_space<vmem>>, vector<16xf32>,
          %swap3A_1037 = arith.index_cast %rem3A_597 : i32 to index
          %swap3A_1038 = arith.index_cast %add3A_983 : i32 to index
          %swap3A_1039 = arith.constant 112 : index
          %swap3A_1040 = tpu.vector_load %arg7[%swap3A_1037, %swap3A_1038, %swap3A_1039] {strides = array<i32>} : memref<4x200x128xf32, #tpu.memory_space<vmem>>, vector<16xf32>,
          tpu.vector_store %arg7[%swap3A_1037, %swap3A_1038, %swap3A_1039], %get3A_1036 {strides = array<i32>} : memref<4x200x128xf32, #tpu.memory_space<vmem>>, vector<16xf32>,
          %ne3A = vector.broadcast %reduce_max3A_969 : i32 to vector<16xi32>
          %ne3A_1041 = arith.cmpi ne, %iota3A, %ne3A : vector<16xi32>
          %and3A_1042 = arith.andi %while3A_962, %ne3A_1041 : vector<16xi1>
          scf.yield %and3A_1042 : vector<16xi1>
        }
      } else {
      }
      %mul3A_683 = arith.constant 208 : i32
      %mul3A_684 = arith.muli %rem3A_597, %mul3A_683 : i32
      %add3A_685 = arith.constant 32 : i32
      %add3A_686 = arith.addi %mul3A_684, %add3A_685 : i32
      %get3A_687 = arith.index_cast %add3A_686 : i32 to index
      %get3A_688 = tpu.vector_load %arg8[%get3A_687] {strides = array<i32>} : memref<832xi32, #tpu.memory_space<vmem>>, vector<16xi32>,
      %ge3A_689 = arith.constant 960 : i32
      %ge3A_690 = vector.broadcast %ge3A_689 : i32 to vector<16xi32>
      %ge3A_691 = arith.cmpi sge, %get3A_688, %ge3A_690 : vector<16xi32>
      %reduce_or3A_692 = arith.constant 1.000000e+00 : f32
      %reduce_or3A_693 = arith.constant 0.000000e+00 : f32
      %reduce_or3A_694 = vector.broadcast %reduce_or3A_692 : f32 to vector<16xf32>
      %reduce_or3A_695 = vector.broadcast %reduce_or3A_693 : f32 to vector<16xf32>
      %reduce_or3A_696 = arith.select %ge3A_691, %reduce_or3A_694, %reduce_or3A_695 : vector<16xi1>, vector<16xf32>
      %reduce_or3A_697 = arith.constant true
      %reduce_or3A_698 = vector.broadcast %reduce_or3A_697 : i1 to vector<16xi1>
      %reduce_or3A_699 = tpu.scan <max>, %reduce_or3A_696 masked %reduce_or3A_698 : vector<16xf32>, vector<16xi1> -> vector<16xf32>
      %reduce_or3A_700 = vector.extract %reduce_or3A_699[15] : f32 from vector<16xf32>
      %reduce_or3A_701 = arith.constant 0.000000e+00 : f32
      %reduce_or3A_702 = arith.cmpf ogt, %reduce_or3A_700, %reduce_or3A_701 : f32
      %convert_element_type3A_703 = arith.extui %reduce_or3A_702 : i1 to i32
      %cond3A_704 = arith.constant 0 : i32
      %cond3A_705 = arith.cmpi ne, %convert_element_type3A_703, %cond3A_704 : i32
      scf.if %cond3A_705 {
        %while3A = scf.while (%while3A_962 = %ge3A_691) : (vector<16xi1>) -> vector<16xi1> {
          %reduce_or3A_963 = arith.constant 1.000000e+00 : f32
          %reduce_or3A_964 = arith.constant 0.000000e+00 : f32
          %reduce_or3A_965 = vector.broadcast %reduce_or3A_963 : f32 to vector<16xf32>
          %reduce_or3A_966 = vector.broadcast %reduce_or3A_964 : f32 to vector<16xf32>
          %reduce_or3A_967 = arith.select %while3A_962, %reduce_or3A_965, %reduce_or3A_966 : vector<16xi1>, vector<16xf32>
          %reduce_or3A_968 = arith.constant true
          %reduce_or3A_969 = vector.broadcast %reduce_or3A_968 : i1 to vector<16xi1>
          %reduce_or3A_970 = tpu.scan <max>, %reduce_or3A_967 masked %reduce_or3A_969 : vector<16xf32>, vector<16xi1> -> vector<16xf32>
          %reduce_or3A_971 = vector.extract %reduce_or3A_970[15] : f32 from vector<16xf32>
          %reduce_or3A_972 = arith.constant 0.000000e+00 : f32
          %reduce_or3A_973 = arith.cmpf ogt, %reduce_or3A_971, %reduce_or3A_972 : f32
          scf.condition(%reduce_or3A_973) %while3A_962 : vector<16xi1>
        } do {
        ^bb0(%while3A_962: vector<16xi1>):
          %jit3A = arith.constant -1 : i32
          %broadcast_in_dim3A = vector.broadcast %jit3A : i32 to vector<16xi32>
          %select_n3A = arith.select %while3A_962, %iota3A, %broadcast_in_dim3A : vector<16xi1>, vector<16xi32>
          %reduce_max3A = arith.constant true
          %reduce_max3A_963 = vector.broadcast %reduce_max3A : i1 to vector<16xi1>
          %reduce_max3A_964 = arith.constant -2147483648 : i32
          %reduce_max3A_965 = vector.broadcast %reduce_max3A_964 : i32 to vector<16xi32>
          %reduce_max3A_966 = arith.xori %select_n3A, %reduce_max3A_965 : vector<16xi32>
          %reduce_max3A_967 = tpu.scan <max>, %reduce_max3A_966 masked %reduce_max3A_963 : vector<16xi32>, vector<16xi1> -> vector<16xi32>
          %reduce_max3A_968 = arith.xori %reduce_max3A_967, %reduce_max3A_965 : vector<16xi32>
          %reduce_max3A_969 = vector.extract %reduce_max3A_968[15] : i32 from vector<16xi32>
          %eq3A = vector.broadcast %reduce_max3A_969 : i32 to vector<16xi32>
          %eq3A_970 = arith.cmpi eq, %iota3A, %eq3A : vector<16xi32>
          %jit3A_971 = arith.constant -1 : i32
          %broadcast_in_dim3A_972 = vector.broadcast %jit3A_971 : i32 to vector<16xi32>
          %select_n3A_973 = arith.select %eq3A_970, %get3A_688, %broadcast_in_dim3A_972 : vector<16xi1>, vector<16xi32>
          %reduce_max3A_974 = arith.constant true
          %reduce_max3A_975 = vector.broadcast %reduce_max3A_974 : i1 to vector<16xi1>
          %reduce_max3A_976 = arith.constant -2147483648 : i32
          %reduce_max3A_977 = vector.broadcast %reduce_max3A_976 : i32 to vector<16xi32>
          %reduce_max3A_978 = arith.xori %select_n3A_973, %reduce_max3A_977 : vector<16xi32>
          %reduce_max3A_979 = tpu.scan <max>, %reduce_max3A_978 masked %reduce_max3A_975 : vector<16xi32>, vector<16xi1> -> vector<16xi32>
          %reduce_max3A_980 = arith.xori %reduce_max3A_979, %reduce_max3A_977 : vector<16xi32>
          %reduce_max3A_981 = vector.extract %reduce_max3A_980[15] : i32 from vector<16xi32>
          %add3A_982 = arith.constant 32 : i32
          %add3A_983 = arith.addi %add3A_982, %reduce_max3A_969 : i32
          %sub3A = arith.constant 960 : i32
          %sub3A_984 = arith.subi %reduce_max3A_981, %sub3A : i32
          %get3A_985 = arith.index_cast %sub3A_984 : i32 to index
          %get3A_986 = arith.constant 0 : index
          %get3A_987 = tpu.vector_load %arg6[%get3A_985, %get3A_986] {strides = array<i32>} : memref<40x128xf32, #tpu.memory_space<vmem>>, vector<16xf32>,
          %swap3A_988 = arith.index_cast %rem3A_597 : i32 to index
          %swap3A_989 = arith.index_cast %add3A_983 : i32 to index
          %swap3A_990 = arith.constant 0 : index
          %swap3A_991 = tpu.vector_load %arg7[%swap3A_988, %swap3A_989, %swap3A_990] {strides = array<i32>} : memref<4x200x128xf32, #tpu.memory_space<vmem>>, vector<16xf32>,
          tpu.vector_store %arg7[%swap3A_988, %swap3A_989, %swap3A_990], %get3A_987 {strides = array<i32>} : memref<4x200x128xf32, #tpu.memory_space<vmem>>, vector<16xf32>,
          %get3A_992 = arith.index_cast %sub3A_984 : i32 to index
          %get3A_993 = arith.constant 16 : index
          %get3A_994 = tpu.vector_load %arg6[%get3A_992, %get3A_993] {strides = array<i32>} : memref<40x128xf32, #tpu.memory_space<vmem>>, vector<16xf32>,
          %swap3A_995 = arith.index_cast %rem3A_597 : i32 to index
          %swap3A_996 = arith.index_cast %add3A_983 : i32 to index
          %swap3A_997 = arith.constant 16 : index
          %swap3A_998 = tpu.vector_load %arg7[%swap3A_995, %swap3A_996, %swap3A_997] {strides = array<i32>} : memref<4x200x128xf32, #tpu.memory_space<vmem>>, vector<16xf32>,
          tpu.vector_store %arg7[%swap3A_995, %swap3A_996, %swap3A_997], %get3A_994 {strides = array<i32>} : memref<4x200x128xf32, #tpu.memory_space<vmem>>, vector<16xf32>,
          %get3A_999 = arith.index_cast %sub3A_984 : i32 to index
          %get3A_1000 = arith.constant 32 : index
          %get3A_1001 = tpu.vector_load %arg6[%get3A_999, %get3A_1000] {strides = array<i32>} : memref<40x128xf32, #tpu.memory_space<vmem>>, vector<16xf32>,
          %swap3A_1002 = arith.index_cast %rem3A_597 : i32 to index
          %swap3A_1003 = arith.index_cast %add3A_983 : i32 to index
          %swap3A_1004 = arith.constant 32 : index
          %swap3A_1005 = tpu.vector_load %arg7[%swap3A_1002, %swap3A_1003, %swap3A_1004] {strides = array<i32>} : memref<4x200x128xf32, #tpu.memory_space<vmem>>, vector<16xf32>,
          tpu.vector_store %arg7[%swap3A_1002, %swap3A_1003, %swap3A_1004], %get3A_1001 {strides = array<i32>} : memref<4x200x128xf32, #tpu.memory_space<vmem>>, vector<16xf32>,
          %get3A_1006 = arith.index_cast %sub3A_984 : i32 to index
          %get3A_1007 = arith.constant 48 : index
          %get3A_1008 = tpu.vector_load %arg6[%get3A_1006, %get3A_1007] {strides = array<i32>} : memref<40x128xf32, #tpu.memory_space<vmem>>, vector<16xf32>,
          %swap3A_1009 = arith.index_cast %rem3A_597 : i32 to index
          %swap3A_1010 = arith.index_cast %add3A_983 : i32 to index
          %swap3A_1011 = arith.constant 48 : index
          %swap3A_1012 = tpu.vector_load %arg7[%swap3A_1009, %swap3A_1010, %swap3A_1011] {strides = array<i32>} : memref<4x200x128xf32, #tpu.memory_space<vmem>>, vector<16xf32>,
          tpu.vector_store %arg7[%swap3A_1009, %swap3A_1010, %swap3A_1011], %get3A_1008 {strides = array<i32>} : memref<4x200x128xf32, #tpu.memory_space<vmem>>, vector<16xf32>,
          %get3A_1013 = arith.index_cast %sub3A_984 : i32 to index
          %get3A_1014 = arith.constant 64 : index
          %get3A_1015 = tpu.vector_load %arg6[%get3A_1013, %get3A_1014] {strides = array<i32>} : memref<40x128xf32, #tpu.memory_space<vmem>>, vector<16xf32>,
          %swap3A_1016 = arith.index_cast %rem3A_597 : i32 to index
          %swap3A_1017 = arith.index_cast %add3A_983 : i32 to index
          %swap3A_1018 = arith.constant 64 : index
          %swap3A_1019 = tpu.vector_load %arg7[%swap3A_1016, %swap3A_1017, %swap3A_1018] {strides = array<i32>} : memref<4x200x128xf32, #tpu.memory_space<vmem>>, vector<16xf32>,
          tpu.vector_store %arg7[%swap3A_1016, %swap3A_1017, %swap3A_1018], %get3A_1015 {strides = array<i32>} : memref<4x200x128xf32, #tpu.memory_space<vmem>>, vector<16xf32>,
          %get3A_1020 = arith.index_cast %sub3A_984 : i32 to index
          %get3A_1021 = arith.constant 80 : index
          %get3A_1022 = tpu.vector_load %arg6[%get3A_1020, %get3A_1021] {strides = array<i32>} : memref<40x128xf32, #tpu.memory_space<vmem>>, vector<16xf32>,
          %swap3A_1023 = arith.index_cast %rem3A_597 : i32 to index
          %swap3A_1024 = arith.index_cast %add3A_983 : i32 to index
          %swap3A_1025 = arith.constant 80 : index
          %swap3A_1026 = tpu.vector_load %arg7[%swap3A_1023, %swap3A_1024, %swap3A_1025] {strides = array<i32>} : memref<4x200x128xf32, #tpu.memory_space<vmem>>, vector<16xf32>,
          tpu.vector_store %arg7[%swap3A_1023, %swap3A_1024, %swap3A_1025], %get3A_1022 {strides = array<i32>} : memref<4x200x128xf32, #tpu.memory_space<vmem>>, vector<16xf32>,
          %get3A_1027 = arith.index_cast %sub3A_984 : i32 to index
          %get3A_1028 = arith.constant 96 : index
          %get3A_1029 = tpu.vector_load %arg6[%get3A_1027, %get3A_1028] {strides = array<i32>} : memref<40x128xf32, #tpu.memory_space<vmem>>, vector<16xf32>,
          %swap3A_1030 = arith.index_cast %rem3A_597 : i32 to index
          %swap3A_1031 = arith.index_cast %add3A_983 : i32 to index
          %swap3A_1032 = arith.constant 96 : index
          %swap3A_1033 = tpu.vector_load %arg7[%swap3A_1030, %swap3A_1031, %swap3A_1032] {strides = array<i32>} : memref<4x200x128xf32, #tpu.memory_space<vmem>>, vector<16xf32>,
          tpu.vector_store %arg7[%swap3A_1030, %swap3A_1031, %swap3A_1032], %get3A_1029 {strides = array<i32>} : memref<4x200x128xf32, #tpu.memory_space<vmem>>, vector<16xf32>,
          %get3A_1034 = arith.index_cast %sub3A_984 : i32 to index
          %get3A_1035 = arith.constant 112 : index
          %get3A_1036 = tpu.vector_load %arg6[%get3A_1034, %get3A_1035] {strides = array<i32>} : memref<40x128xf32, #tpu.memory_space<vmem>>, vector<16xf32>,
          %swap3A_1037 = arith.index_cast %rem3A_597 : i32 to index
          %swap3A_1038 = arith.index_cast %add3A_983 : i32 to index
          %swap3A_1039 = arith.constant 112 : index
          %swap3A_1040 = tpu.vector_load %arg7[%swap3A_1037, %swap3A_1038, %swap3A_1039] {strides = array<i32>} : memref<4x200x128xf32, #tpu.memory_space<vmem>>, vector<16xf32>,
          tpu.vector_store %arg7[%swap3A_1037, %swap3A_1038, %swap3A_1039], %get3A_1036 {strides = array<i32>} : memref<4x200x128xf32, #tpu.memory_space<vmem>>, vector<16xf32>,
          %ne3A = vector.broadcast %reduce_max3A_969 : i32 to vector<16xi32>
          %ne3A_1041 = arith.cmpi ne, %iota3A, %ne3A : vector<16xi32>
          %and3A_1042 = arith.andi %while3A_962, %ne3A_1041 : vector<16xi1>
          scf.yield %and3A_1042 : vector<16xi1>
        }
      } else {
      }
      %mul3A_706 = arith.constant 208 : i32
      %mul3A_707 = arith.muli %rem3A_597, %mul3A_706 : i32
      %add3A_708 = arith.constant 48 : i32
      %add3A_709 = arith.addi %mul3A_707, %add3A_708 : i32
      %get3A_710 = arith.index_cast %add3A_709 : i32 to index
      %get3A_711 = tpu.vector_load %arg8[%get3A_710] {strides = array<i32>} : memref<832xi32, #tpu.memory_space<vmem>>, vector<16xi32>,
      %ge3A_712 = arith.constant 960 : i32
      %ge3A_713 = vector.broadcast %ge3A_712 : i32 to vector<16xi32>
      %ge3A_714 = arith.cmpi sge, %get3A_711, %ge3A_713 : vector<16xi32>
      %reduce_or3A_715 = arith.constant 1.000000e+00 : f32
      %reduce_or3A_716 = arith.constant 0.000000e+00 : f32
      %reduce_or3A_717 = vector.broadcast %reduce_or3A_715 : f32 to vector<16xf32>
      %reduce_or3A_718 = vector.broadcast %reduce_or3A_716 : f32 to vector<16xf32>
      %reduce_or3A_719 = arith.select %ge3A_714, %reduce_or3A_717, %reduce_or3A_718 : vector<16xi1>, vector<16xf32>
      %reduce_or3A_720 = arith.constant true
      %reduce_or3A_721 = vector.broadcast %reduce_or3A_720 : i1 to vector<16xi1>
      %reduce_or3A_722 = tpu.scan <max>, %reduce_or3A_719 masked %reduce_or3A_721 : vector<16xf32>, vector<16xi1> -> vector<16xf32>
      %reduce_or3A_723 = vector.extract %reduce_or3A_722[15] : f32 from vector<16xf32>
      %reduce_or3A_724 = arith.constant 0.000000e+00 : f32
      %reduce_or3A_725 = arith.cmpf ogt, %reduce_or3A_723, %reduce_or3A_724 : f32
      %convert_element_type3A_726 = arith.extui %reduce_or3A_725 : i1 to i32
      %cond3A_727 = arith.constant 0 : i32
      %cond3A_728 = arith.cmpi ne, %convert_element_type3A_726, %cond3A_727 : i32
      scf.if %cond3A_728 {
        %while3A = scf.while (%while3A_962 = %ge3A_714) : (vector<16xi1>) -> vector<16xi1> {
          %reduce_or3A_963 = arith.constant 1.000000e+00 : f32
          %reduce_or3A_964 = arith.constant 0.000000e+00 : f32
          %reduce_or3A_965 = vector.broadcast %reduce_or3A_963 : f32 to vector<16xf32>
          %reduce_or3A_966 = vector.broadcast %reduce_or3A_964 : f32 to vector<16xf32>
          %reduce_or3A_967 = arith.select %while3A_962, %reduce_or3A_965, %reduce_or3A_966 : vector<16xi1>, vector<16xf32>
          %reduce_or3A_968 = arith.constant true
          %reduce_or3A_969 = vector.broadcast %reduce_or3A_968 : i1 to vector<16xi1>
          %reduce_or3A_970 = tpu.scan <max>, %reduce_or3A_967 masked %reduce_or3A_969 : vector<16xf32>, vector<16xi1> -> vector<16xf32>
          %reduce_or3A_971 = vector.extract %reduce_or3A_970[15] : f32 from vector<16xf32>
          %reduce_or3A_972 = arith.constant 0.000000e+00 : f32
          %reduce_or3A_973 = arith.cmpf ogt, %reduce_or3A_971, %reduce_or3A_972 : f32
          scf.condition(%reduce_or3A_973) %while3A_962 : vector<16xi1>
        } do {
        ^bb0(%while3A_962: vector<16xi1>):
          %jit3A = arith.constant -1 : i32
          %broadcast_in_dim3A = vector.broadcast %jit3A : i32 to vector<16xi32>
          %select_n3A = arith.select %while3A_962, %iota3A, %broadcast_in_dim3A : vector<16xi1>, vector<16xi32>
          %reduce_max3A = arith.constant true
          %reduce_max3A_963 = vector.broadcast %reduce_max3A : i1 to vector<16xi1>
          %reduce_max3A_964 = arith.constant -2147483648 : i32
          %reduce_max3A_965 = vector.broadcast %reduce_max3A_964 : i32 to vector<16xi32>
          %reduce_max3A_966 = arith.xori %select_n3A, %reduce_max3A_965 : vector<16xi32>
          %reduce_max3A_967 = tpu.scan <max>, %reduce_max3A_966 masked %reduce_max3A_963 : vector<16xi32>, vector<16xi1> -> vector<16xi32>
          %reduce_max3A_968 = arith.xori %reduce_max3A_967, %reduce_max3A_965 : vector<16xi32>
          %reduce_max3A_969 = vector.extract %reduce_max3A_968[15] : i32 from vector<16xi32>
          %eq3A = vector.broadcast %reduce_max3A_969 : i32 to vector<16xi32>
          %eq3A_970 = arith.cmpi eq, %iota3A, %eq3A : vector<16xi32>
          %jit3A_971 = arith.constant -1 : i32
          %broadcast_in_dim3A_972 = vector.broadcast %jit3A_971 : i32 to vector<16xi32>
          %select_n3A_973 = arith.select %eq3A_970, %get3A_711, %broadcast_in_dim3A_972 : vector<16xi1>, vector<16xi32>
          %reduce_max3A_974 = arith.constant true
          %reduce_max3A_975 = vector.broadcast %reduce_max3A_974 : i1 to vector<16xi1>
          %reduce_max3A_976 = arith.constant -2147483648 : i32
          %reduce_max3A_977 = vector.broadcast %reduce_max3A_976 : i32 to vector<16xi32>
          %reduce_max3A_978 = arith.xori %select_n3A_973, %reduce_max3A_977 : vector<16xi32>
          %reduce_max3A_979 = tpu.scan <max>, %reduce_max3A_978 masked %reduce_max3A_975 : vector<16xi32>, vector<16xi1> -> vector<16xi32>
          %reduce_max3A_980 = arith.xori %reduce_max3A_979, %reduce_max3A_977 : vector<16xi32>
          %reduce_max3A_981 = vector.extract %reduce_max3A_980[15] : i32 from vector<16xi32>
          %add3A_982 = arith.constant 48 : i32
          %add3A_983 = arith.addi %add3A_982, %reduce_max3A_969 : i32
          %sub3A = arith.constant 960 : i32
          %sub3A_984 = arith.subi %reduce_max3A_981, %sub3A : i32
          %get3A_985 = arith.index_cast %sub3A_984 : i32 to index
          %get3A_986 = arith.constant 0 : index
          %get3A_987 = tpu.vector_load %arg6[%get3A_985, %get3A_986] {strides = array<i32>} : memref<40x128xf32, #tpu.memory_space<vmem>>, vector<16xf32>,
          %swap3A_988 = arith.index_cast %rem3A_597 : i32 to index
          %swap3A_989 = arith.index_cast %add3A_983 : i32 to index
          %swap3A_990 = arith.constant 0 : index
          %swap3A_991 = tpu.vector_load %arg7[%swap3A_988, %swap3A_989, %swap3A_990] {strides = array<i32>} : memref<4x200x128xf32, #tpu.memory_space<vmem>>, vector<16xf32>,
          tpu.vector_store %arg7[%swap3A_988, %swap3A_989, %swap3A_990], %get3A_987 {strides = array<i32>} : memref<4x200x128xf32, #tpu.memory_space<vmem>>, vector<16xf32>,
          %get3A_992 = arith.index_cast %sub3A_984 : i32 to index
          %get3A_993 = arith.constant 16 : index
          %get3A_994 = tpu.vector_load %arg6[%get3A_992, %get3A_993] {strides = array<i32>} : memref<40x128xf32, #tpu.memory_space<vmem>>, vector<16xf32>,
          %swap3A_995 = arith.index_cast %rem3A_597 : i32 to index
          %swap3A_996 = arith.index_cast %add3A_983 : i32 to index
          %swap3A_997 = arith.constant 16 : index
          %swap3A_998 = tpu.vector_load %arg7[%swap3A_995, %swap3A_996, %swap3A_997] {strides = array<i32>} : memref<4x200x128xf32, #tpu.memory_space<vmem>>, vector<16xf32>,
          tpu.vector_store %arg7[%swap3A_995, %swap3A_996, %swap3A_997], %get3A_994 {strides = array<i32>} : memref<4x200x128xf32, #tpu.memory_space<vmem>>, vector<16xf32>,
          %get3A_999 = arith.index_cast %sub3A_984 : i32 to index
          %get3A_1000 = arith.constant 32 : index
          %get3A_1001 = tpu.vector_load %arg6[%get3A_999, %get3A_1000] {strides = array<i32>} : memref<40x128xf32, #tpu.memory_space<vmem>>, vector<16xf32>,
          %swap3A_1002 = arith.index_cast %rem3A_597 : i32 to index
          %swap3A_1003 = arith.index_cast %add3A_983 : i32 to index
          %swap3A_1004 = arith.constant 32 : index
          %swap3A_1005 = tpu.vector_load %arg7[%swap3A_1002, %swap3A_1003, %swap3A_1004] {strides = array<i32>} : memref<4x200x128xf32, #tpu.memory_space<vmem>>, vector<16xf32>,
          tpu.vector_store %arg7[%swap3A_1002, %swap3A_1003, %swap3A_1004], %get3A_1001 {strides = array<i32>} : memref<4x200x128xf32, #tpu.memory_space<vmem>>, vector<16xf32>,
          %get3A_1006 = arith.index_cast %sub3A_984 : i32 to index
          %get3A_1007 = arith.constant 48 : index
          %get3A_1008 = tpu.vector_load %arg6[%get3A_1006, %get3A_1007] {strides = array<i32>} : memref<40x128xf32, #tpu.memory_space<vmem>>, vector<16xf32>,
          %swap3A_1009 = arith.index_cast %rem3A_597 : i32 to index
          %swap3A_1010 = arith.index_cast %add3A_983 : i32 to index
          %swap3A_1011 = arith.constant 48 : index
          %swap3A_1012 = tpu.vector_load %arg7[%swap3A_1009, %swap3A_1010, %swap3A_1011] {strides = array<i32>} : memref<4x200x128xf32, #tpu.memory_space<vmem>>, vector<16xf32>,
          tpu.vector_store %arg7[%swap3A_1009, %swap3A_1010, %swap3A_1011], %get3A_1008 {strides = array<i32>} : memref<4x200x128xf32, #tpu.memory_space<vmem>>, vector<16xf32>,
          %get3A_1013 = arith.index_cast %sub3A_984 : i32 to index
          %get3A_1014 = arith.constant 64 : index
          %get3A_1015 = tpu.vector_load %arg6[%get3A_1013, %get3A_1014] {strides = array<i32>} : memref<40x128xf32, #tpu.memory_space<vmem>>, vector<16xf32>,
          %swap3A_1016 = arith.index_cast %rem3A_597 : i32 to index
          %swap3A_1017 = arith.index_cast %add3A_983 : i32 to index
          %swap3A_1018 = arith.constant 64 : index
          %swap3A_1019 = tpu.vector_load %arg7[%swap3A_1016, %swap3A_1017, %swap3A_1018] {strides = array<i32>} : memref<4x200x128xf32, #tpu.memory_space<vmem>>, vector<16xf32>,
          tpu.vector_store %arg7[%swap3A_1016, %swap3A_1017, %swap3A_1018], %get3A_1015 {strides = array<i32>} : memref<4x200x128xf32, #tpu.memory_space<vmem>>, vector<16xf32>,
          %get3A_1020 = arith.index_cast %sub3A_984 : i32 to index
          %get3A_1021 = arith.constant 80 : index
          %get3A_1022 = tpu.vector_load %arg6[%get3A_1020, %get3A_1021] {strides = array<i32>} : memref<40x128xf32, #tpu.memory_space<vmem>>, vector<16xf32>,
          %swap3A_1023 = arith.index_cast %rem3A_597 : i32 to index
          %swap3A_1024 = arith.index_cast %add3A_983 : i32 to index
          %swap3A_1025 = arith.constant 80 : index
          %swap3A_1026 = tpu.vector_load %arg7[%swap3A_1023, %swap3A_1024, %swap3A_1025] {strides = array<i32>} : memref<4x200x128xf32, #tpu.memory_space<vmem>>, vector<16xf32>,
          tpu.vector_store %arg7[%swap3A_1023, %swap3A_1024, %swap3A_1025], %get3A_1022 {strides = array<i32>} : memref<4x200x128xf32, #tpu.memory_space<vmem>>, vector<16xf32>,
          %get3A_1027 = arith.index_cast %sub3A_984 : i32 to index
          %get3A_1028 = arith.constant 96 : index
          %get3A_1029 = tpu.vector_load %arg6[%get3A_1027, %get3A_1028] {strides = array<i32>} : memref<40x128xf32, #tpu.memory_space<vmem>>, vector<16xf32>,
          %swap3A_1030 = arith.index_cast %rem3A_597 : i32 to index
          %swap3A_1031 = arith.index_cast %add3A_983 : i32 to index
          %swap3A_1032 = arith.constant 96 : index
          %swap3A_1033 = tpu.vector_load %arg7[%swap3A_1030, %swap3A_1031, %swap3A_1032] {strides = array<i32>} : memref<4x200x128xf32, #tpu.memory_space<vmem>>, vector<16xf32>,
          tpu.vector_store %arg7[%swap3A_1030, %swap3A_1031, %swap3A_1032], %get3A_1029 {strides = array<i32>} : memref<4x200x128xf32, #tpu.memory_space<vmem>>, vector<16xf32>,
          %get3A_1034 = arith.index_cast %sub3A_984 : i32 to index
          %get3A_1035 = arith.constant 112 : index
          %get3A_1036 = tpu.vector_load %arg6[%get3A_1034, %get3A_1035] {strides = array<i32>} : memref<40x128xf32, #tpu.memory_space<vmem>>, vector<16xf32>,
          %swap3A_1037 = arith.index_cast %rem3A_597 : i32 to index
          %swap3A_1038 = arith.index_cast %add3A_983 : i32 to index
          %swap3A_1039 = arith.constant 112 : index
          %swap3A_1040 = tpu.vector_load %arg7[%swap3A_1037, %swap3A_1038, %swap3A_1039] {strides = array<i32>} : memref<4x200x128xf32, #tpu.memory_space<vmem>>, vector<16xf32>,
          tpu.vector_store %arg7[%swap3A_1037, %swap3A_1038, %swap3A_1039], %get3A_1036 {strides = array<i32>} : memref<4x200x128xf32, #tpu.memory_space<vmem>>, vector<16xf32>,
          %ne3A = vector.broadcast %reduce_max3A_969 : i32 to vector<16xi32>
          %ne3A_1041 = arith.cmpi ne, %iota3A, %ne3A : vector<16xi32>
          %and3A_1042 = arith.andi %while3A_962, %ne3A_1041 : vector<16xi1>
          scf.yield %and3A_1042 : vector<16xi1>
        }
      } else {
      }
      %mul3A_729 = arith.constant 208 : i32
      %mul3A_730 = arith.muli %rem3A_597, %mul3A_729 : i32
      %add3A_731 = arith.constant 64 : i32
      %add3A_732 = arith.addi %mul3A_730, %add3A_731 : i32
      %get3A_733 = arith.index_cast %add3A_732 : i32 to index
      %get3A_734 = tpu.vector_load %arg8[%get3A_733] {strides = array<i32>} : memref<832xi32, #tpu.memory_space<vmem>>, vector<16xi32>,
      %ge3A_735 = arith.constant 960 : i32
      %ge3A_736 = vector.broadcast %ge3A_735 : i32 to vector<16xi32>
      %ge3A_737 = arith.cmpi sge, %get3A_734, %ge3A_736 : vector<16xi32>
      %reduce_or3A_738 = arith.constant 1.000000e+00 : f32
      %reduce_or3A_739 = arith.constant 0.000000e+00 : f32
      %reduce_or3A_740 = vector.broadcast %reduce_or3A_738 : f32 to vector<16xf32>
      %reduce_or3A_741 = vector.broadcast %reduce_or3A_739 : f32 to vector<16xf32>
      %reduce_or3A_742 = arith.select %ge3A_737, %reduce_or3A_740, %reduce_or3A_741 : vector<16xi1>, vector<16xf32>
      %reduce_or3A_743 = arith.constant true
      %reduce_or3A_744 = vector.broadcast %reduce_or3A_743 : i1 to vector<16xi1>
      %reduce_or3A_745 = tpu.scan <max>, %reduce_or3A_742 masked %reduce_or3A_744 : vector<16xf32>, vector<16xi1> -> vector<16xf32>
      %reduce_or3A_746 = vector.extract %reduce_or3A_745[15] : f32 from vector<16xf32>
      %reduce_or3A_747 = arith.constant 0.000000e+00 : f32
      %reduce_or3A_748 = arith.cmpf ogt, %reduce_or3A_746, %reduce_or3A_747 : f32
      %convert_element_type3A_749 = arith.extui %reduce_or3A_748 : i1 to i32
      %cond3A_750 = arith.constant 0 : i32
      %cond3A_751 = arith.cmpi ne, %convert_element_type3A_749, %cond3A_750 : i32
      scf.if %cond3A_751 {
        %while3A = scf.while (%while3A_962 = %ge3A_737) : (vector<16xi1>) -> vector<16xi1> {
          %reduce_or3A_963 = arith.constant 1.000000e+00 : f32
          %reduce_or3A_964 = arith.constant 0.000000e+00 : f32
          %reduce_or3A_965 = vector.broadcast %reduce_or3A_963 : f32 to vector<16xf32>
          %reduce_or3A_966 = vector.broadcast %reduce_or3A_964 : f32 to vector<16xf32>
          %reduce_or3A_967 = arith.select %while3A_962, %reduce_or3A_965, %reduce_or3A_966 : vector<16xi1>, vector<16xf32>
          %reduce_or3A_968 = arith.constant true
          %reduce_or3A_969 = vector.broadcast %reduce_or3A_968 : i1 to vector<16xi1>
          %reduce_or3A_970 = tpu.scan <max>, %reduce_or3A_967 masked %reduce_or3A_969 : vector<16xf32>, vector<16xi1> -> vector<16xf32>
          %reduce_or3A_971 = vector.extract %reduce_or3A_970[15] : f32 from vector<16xf32>
          %reduce_or3A_972 = arith.constant 0.000000e+00 : f32
          %reduce_or3A_973 = arith.cmpf ogt, %reduce_or3A_971, %reduce_or3A_972 : f32
          scf.condition(%reduce_or3A_973) %while3A_962 : vector<16xi1>
        } do {
        ^bb0(%while3A_962: vector<16xi1>):
          %jit3A = arith.constant -1 : i32
          %broadcast_in_dim3A = vector.broadcast %jit3A : i32 to vector<16xi32>
          %select_n3A = arith.select %while3A_962, %iota3A, %broadcast_in_dim3A : vector<16xi1>, vector<16xi32>
          %reduce_max3A = arith.constant true
          %reduce_max3A_963 = vector.broadcast %reduce_max3A : i1 to vector<16xi1>
          %reduce_max3A_964 = arith.constant -2147483648 : i32
          %reduce_max3A_965 = vector.broadcast %reduce_max3A_964 : i32 to vector<16xi32>
          %reduce_max3A_966 = arith.xori %select_n3A, %reduce_max3A_965 : vector<16xi32>
          %reduce_max3A_967 = tpu.scan <max>, %reduce_max3A_966 masked %reduce_max3A_963 : vector<16xi32>, vector<16xi1> -> vector<16xi32>
          %reduce_max3A_968 = arith.xori %reduce_max3A_967, %reduce_max3A_965 : vector<16xi32>
          %reduce_max3A_969 = vector.extract %reduce_max3A_968[15] : i32 from vector<16xi32>
          %eq3A = vector.broadcast %reduce_max3A_969 : i32 to vector<16xi32>
          %eq3A_970 = arith.cmpi eq, %iota3A, %eq3A : vector<16xi32>
          %jit3A_971 = arith.constant -1 : i32
          %broadcast_in_dim3A_972 = vector.broadcast %jit3A_971 : i32 to vector<16xi32>
          %select_n3A_973 = arith.select %eq3A_970, %get3A_734, %broadcast_in_dim3A_972 : vector<16xi1>, vector<16xi32>
          %reduce_max3A_974 = arith.constant true
          %reduce_max3A_975 = vector.broadcast %reduce_max3A_974 : i1 to vector<16xi1>
          %reduce_max3A_976 = arith.constant -2147483648 : i32
          %reduce_max3A_977 = vector.broadcast %reduce_max3A_976 : i32 to vector<16xi32>
          %reduce_max3A_978 = arith.xori %select_n3A_973, %reduce_max3A_977 : vector<16xi32>
          %reduce_max3A_979 = tpu.scan <max>, %reduce_max3A_978 masked %reduce_max3A_975 : vector<16xi32>, vector<16xi1> -> vector<16xi32>
          %reduce_max3A_980 = arith.xori %reduce_max3A_979, %reduce_max3A_977 : vector<16xi32>
          %reduce_max3A_981 = vector.extract %reduce_max3A_980[15] : i32 from vector<16xi32>
          %add3A_982 = arith.constant 64 : i32
          %add3A_983 = arith.addi %add3A_982, %reduce_max3A_969 : i32
          %sub3A = arith.constant 960 : i32
          %sub3A_984 = arith.subi %reduce_max3A_981, %sub3A : i32
          %get3A_985 = arith.index_cast %sub3A_984 : i32 to index
          %get3A_986 = arith.constant 0 : index
          %get3A_987 = tpu.vector_load %arg6[%get3A_985, %get3A_986] {strides = array<i32>} : memref<40x128xf32, #tpu.memory_space<vmem>>, vector<16xf32>,
          %swap3A_988 = arith.index_cast %rem3A_597 : i32 to index
          %swap3A_989 = arith.index_cast %add3A_983 : i32 to index
          %swap3A_990 = arith.constant 0 : index
          %swap3A_991 = tpu.vector_load %arg7[%swap3A_988, %swap3A_989, %swap3A_990] {strides = array<i32>} : memref<4x200x128xf32, #tpu.memory_space<vmem>>, vector<16xf32>,
          tpu.vector_store %arg7[%swap3A_988, %swap3A_989, %swap3A_990], %get3A_987 {strides = array<i32>} : memref<4x200x128xf32, #tpu.memory_space<vmem>>, vector<16xf32>,
          %get3A_992 = arith.index_cast %sub3A_984 : i32 to index
          %get3A_993 = arith.constant 16 : index
          %get3A_994 = tpu.vector_load %arg6[%get3A_992, %get3A_993] {strides = array<i32>} : memref<40x128xf32, #tpu.memory_space<vmem>>, vector<16xf32>,
          %swap3A_995 = arith.index_cast %rem3A_597 : i32 to index
          %swap3A_996 = arith.index_cast %add3A_983 : i32 to index
          %swap3A_997 = arith.constant 16 : index
          %swap3A_998 = tpu.vector_load %arg7[%swap3A_995, %swap3A_996, %swap3A_997] {strides = array<i32>} : memref<4x200x128xf32, #tpu.memory_space<vmem>>, vector<16xf32>,
          tpu.vector_store %arg7[%swap3A_995, %swap3A_996, %swap3A_997], %get3A_994 {strides = array<i32>} : memref<4x200x128xf32, #tpu.memory_space<vmem>>, vector<16xf32>,
          %get3A_999 = arith.index_cast %sub3A_984 : i32 to index
          %get3A_1000 = arith.constant 32 : index
          %get3A_1001 = tpu.vector_load %arg6[%get3A_999, %get3A_1000] {strides = array<i32>} : memref<40x128xf32, #tpu.memory_space<vmem>>, vector<16xf32>,
          %swap3A_1002 = arith.index_cast %rem3A_597 : i32 to index
          %swap3A_1003 = arith.index_cast %add3A_983 : i32 to index
          %swap3A_1004 = arith.constant 32 : index
          %swap3A_1005 = tpu.vector_load %arg7[%swap3A_1002, %swap3A_1003, %swap3A_1004] {strides = array<i32>} : memref<4x200x128xf32, #tpu.memory_space<vmem>>, vector<16xf32>,
          tpu.vector_store %arg7[%swap3A_1002, %swap3A_1003, %swap3A_1004], %get3A_1001 {strides = array<i32>} : memref<4x200x128xf32, #tpu.memory_space<vmem>>, vector<16xf32>,
          %get3A_1006 = arith.index_cast %sub3A_984 : i32 to index
          %get3A_1007 = arith.constant 48 : index
          %get3A_1008 = tpu.vector_load %arg6[%get3A_1006, %get3A_1007] {strides = array<i32>} : memref<40x128xf32, #tpu.memory_space<vmem>>, vector<16xf32>,
          %swap3A_1009 = arith.index_cast %rem3A_597 : i32 to index
          %swap3A_1010 = arith.index_cast %add3A_983 : i32 to index
          %swap3A_1011 = arith.constant 48 : index
          %swap3A_1012 = tpu.vector_load %arg7[%swap3A_1009, %swap3A_1010, %swap3A_1011] {strides = array<i32>} : memref<4x200x128xf32, #tpu.memory_space<vmem>>, vector<16xf32>,
          tpu.vector_store %arg7[%swap3A_1009, %swap3A_1010, %swap3A_1011], %get3A_1008 {strides = array<i32>} : memref<4x200x128xf32, #tpu.memory_space<vmem>>, vector<16xf32>,
          %get3A_1013 = arith.index_cast %sub3A_984 : i32 to index
          %get3A_1014 = arith.constant 64 : index
          %get3A_1015 = tpu.vector_load %arg6[%get3A_1013, %get3A_1014] {strides = array<i32>} : memref<40x128xf32, #tpu.memory_space<vmem>>, vector<16xf32>,
          %swap3A_1016 = arith.index_cast %rem3A_597 : i32 to index
          %swap3A_1017 = arith.index_cast %add3A_983 : i32 to index
          %swap3A_1018 = arith.constant 64 : index
          %swap3A_1019 = tpu.vector_load %arg7[%swap3A_1016, %swap3A_1017, %swap3A_1018] {strides = array<i32>} : memref<4x200x128xf32, #tpu.memory_space<vmem>>, vector<16xf32>,
          tpu.vector_store %arg7[%swap3A_1016, %swap3A_1017, %swap3A_1018], %get3A_1015 {strides = array<i32>} : memref<4x200x128xf32, #tpu.memory_space<vmem>>, vector<16xf32>,
          %get3A_1020 = arith.index_cast %sub3A_984 : i32 to index
          %get3A_1021 = arith.constant 80 : index
          %get3A_1022 = tpu.vector_load %arg6[%get3A_1020, %get3A_1021] {strides = array<i32>} : memref<40x128xf32, #tpu.memory_space<vmem>>, vector<16xf32>,
          %swap3A_1023 = arith.index_cast %rem3A_597 : i32 to index
          %swap3A_1024 = arith.index_cast %add3A_983 : i32 to index
          %swap3A_1025 = arith.constant 80 : index
          %swap3A_1026 = tpu.vector_load %arg7[%swap3A_1023, %swap3A_1024, %swap3A_1025] {strides = array<i32>} : memref<4x200x128xf32, #tpu.memory_space<vmem>>, vector<16xf32>,
          tpu.vector_store %arg7[%swap3A_1023, %swap3A_1024, %swap3A_1025], %get3A_1022 {strides = array<i32>} : memref<4x200x128xf32, #tpu.memory_space<vmem>>, vector<16xf32>,
          %get3A_1027 = arith.index_cast %sub3A_984 : i32 to index
          %get3A_1028 = arith.constant 96 : index
          %get3A_1029 = tpu.vector_load %arg6[%get3A_1027, %get3A_1028] {strides = array<i32>} : memref<40x128xf32, #tpu.memory_space<vmem>>, vector<16xf32>,
          %swap3A_1030 = arith.index_cast %rem3A_597 : i32 to index
          %swap3A_1031 = arith.index_cast %add3A_983 : i32 to index
          %swap3A_1032 = arith.constant 96 : index
          %swap3A_1033 = tpu.vector_load %arg7[%swap3A_1030, %swap3A_1031, %swap3A_1032] {strides = array<i32>} : memref<4x200x128xf32, #tpu.memory_space<vmem>>, vector<16xf32>,
          tpu.vector_store %arg7[%swap3A_1030, %swap3A_1031, %swap3A_1032], %get3A_1029 {strides = array<i32>} : memref<4x200x128xf32, #tpu.memory_space<vmem>>, vector<16xf32>,
          %get3A_1034 = arith.index_cast %sub3A_984 : i32 to index
          %get3A_1035 = arith.constant 112 : index
          %get3A_1036 = tpu.vector_load %arg6[%get3A_1034, %get3A_1035] {strides = array<i32>} : memref<40x128xf32, #tpu.memory_space<vmem>>, vector<16xf32>,
          %swap3A_1037 = arith.index_cast %rem3A_597 : i32 to index
          %swap3A_1038 = arith.index_cast %add3A_983 : i32 to index
          %swap3A_1039 = arith.constant 112 : index
          %swap3A_1040 = tpu.vector_load %arg7[%swap3A_1037, %swap3A_1038, %swap3A_1039] {strides = array<i32>} : memref<4x200x128xf32, #tpu.memory_space<vmem>>, vector<16xf32>,
          tpu.vector_store %arg7[%swap3A_1037, %swap3A_1038, %swap3A_1039], %get3A_1036 {strides = array<i32>} : memref<4x200x128xf32, #tpu.memory_space<vmem>>, vector<16xf32>,
          %ne3A = vector.broadcast %reduce_max3A_969 : i32 to vector<16xi32>
          %ne3A_1041 = arith.cmpi ne, %iota3A, %ne3A : vector<16xi32>
          %and3A_1042 = arith.andi %while3A_962, %ne3A_1041 : vector<16xi1>
          scf.yield %and3A_1042 : vector<16xi1>
        }
      } else {
      }
      %mul3A_752 = arith.constant 208 : i32
      %mul3A_753 = arith.muli %rem3A_597, %mul3A_752 : i32
      %add3A_754 = arith.constant 80 : i32
      %add3A_755 = arith.addi %mul3A_753, %add3A_754 : i32
      %get3A_756 = arith.index_cast %add3A_755 : i32 to index
      %get3A_757 = tpu.vector_load %arg8[%get3A_756] {strides = array<i32>} : memref<832xi32, #tpu.memory_space<vmem>>, vector<16xi32>,
      %ge3A_758 = arith.constant 960 : i32
      %ge3A_759 = vector.broadcast %ge3A_758 : i32 to vector<16xi32>
      %ge3A_760 = arith.cmpi sge, %get3A_757, %ge3A_759 : vector<16xi32>
      %reduce_or3A_761 = arith.constant 1.000000e+00 : f32
      %reduce_or3A_762 = arith.constant 0.000000e+00 : f32
      %reduce_or3A_763 = vector.broadcast %reduce_or3A_761 : f32 to vector<16xf32>
      %reduce_or3A_764 = vector.broadcast %reduce_or3A_762 : f32 to vector<16xf32>
      %reduce_or3A_765 = arith.select %ge3A_760, %reduce_or3A_763, %reduce_or3A_764 : vector<16xi1>, vector<16xf32>
      %reduce_or3A_766 = arith.constant true
      %reduce_or3A_767 = vector.broadcast %reduce_or3A_766 : i1 to vector<16xi1>
      %reduce_or3A_768 = tpu.scan <max>, %reduce_or3A_765 masked %reduce_or3A_767 : vector<16xf32>, vector<16xi1> -> vector<16xf32>
      %reduce_or3A_769 = vector.extract %reduce_or3A_768[15] : f32 from vector<16xf32>
      %reduce_or3A_770 = arith.constant 0.000000e+00 : f32
      %reduce_or3A_771 = arith.cmpf ogt, %reduce_or3A_769, %reduce_or3A_770 : f32
      %convert_element_type3A_772 = arith.extui %reduce_or3A_771 : i1 to i32
      %cond3A_773 = arith.constant 0 : i32
      %cond3A_774 = arith.cmpi ne, %convert_element_type3A_772, %cond3A_773 : i32
      scf.if %cond3A_774 {
        %while3A = scf.while (%while3A_962 = %ge3A_760) : (vector<16xi1>) -> vector<16xi1> {
          %reduce_or3A_963 = arith.constant 1.000000e+00 : f32
          %reduce_or3A_964 = arith.constant 0.000000e+00 : f32
          %reduce_or3A_965 = vector.broadcast %reduce_or3A_963 : f32 to vector<16xf32>
          %reduce_or3A_966 = vector.broadcast %reduce_or3A_964 : f32 to vector<16xf32>
          %reduce_or3A_967 = arith.select %while3A_962, %reduce_or3A_965, %reduce_or3A_966 : vector<16xi1>, vector<16xf32>
          %reduce_or3A_968 = arith.constant true
          %reduce_or3A_969 = vector.broadcast %reduce_or3A_968 : i1 to vector<16xi1>
          %reduce_or3A_970 = tpu.scan <max>, %reduce_or3A_967 masked %reduce_or3A_969 : vector<16xf32>, vector<16xi1> -> vector<16xf32>
          %reduce_or3A_971 = vector.extract %reduce_or3A_970[15] : f32 from vector<16xf32>
          %reduce_or3A_972 = arith.constant 0.000000e+00 : f32
          %reduce_or3A_973 = arith.cmpf ogt, %reduce_or3A_971, %reduce_or3A_972 : f32
          scf.condition(%reduce_or3A_973) %while3A_962 : vector<16xi1>
        } do {
        ^bb0(%while3A_962: vector<16xi1>):
          %jit3A = arith.constant -1 : i32
          %broadcast_in_dim3A = vector.broadcast %jit3A : i32 to vector<16xi32>
          %select_n3A = arith.select %while3A_962, %iota3A, %broadcast_in_dim3A : vector<16xi1>, vector<16xi32>
          %reduce_max3A = arith.constant true
          %reduce_max3A_963 = vector.broadcast %reduce_max3A : i1 to vector<16xi1>
          %reduce_max3A_964 = arith.constant -2147483648 : i32
          %reduce_max3A_965 = vector.broadcast %reduce_max3A_964 : i32 to vector<16xi32>
          %reduce_max3A_966 = arith.xori %select_n3A, %reduce_max3A_965 : vector<16xi32>
          %reduce_max3A_967 = tpu.scan <max>, %reduce_max3A_966 masked %reduce_max3A_963 : vector<16xi32>, vector<16xi1> -> vector<16xi32>
          %reduce_max3A_968 = arith.xori %reduce_max3A_967, %reduce_max3A_965 : vector<16xi32>
          %reduce_max3A_969 = vector.extract %reduce_max3A_968[15] : i32 from vector<16xi32>
          %eq3A = vector.broadcast %reduce_max3A_969 : i32 to vector<16xi32>
          %eq3A_970 = arith.cmpi eq, %iota3A, %eq3A : vector<16xi32>
          %jit3A_971 = arith.constant -1 : i32
          %broadcast_in_dim3A_972 = vector.broadcast %jit3A_971 : i32 to vector<16xi32>
          %select_n3A_973 = arith.select %eq3A_970, %get3A_757, %broadcast_in_dim3A_972 : vector<16xi1>, vector<16xi32>
          %reduce_max3A_974 = arith.constant true
          %reduce_max3A_975 = vector.broadcast %reduce_max3A_974 : i1 to vector<16xi1>
          %reduce_max3A_976 = arith.constant -2147483648 : i32
          %reduce_max3A_977 = vector.broadcast %reduce_max3A_976 : i32 to vector<16xi32>
          %reduce_max3A_978 = arith.xori %select_n3A_973, %reduce_max3A_977 : vector<16xi32>
          %reduce_max3A_979 = tpu.scan <max>, %reduce_max3A_978 masked %reduce_max3A_975 : vector<16xi32>, vector<16xi1> -> vector<16xi32>
          %reduce_max3A_980 = arith.xori %reduce_max3A_979, %reduce_max3A_977 : vector<16xi32>
          %reduce_max3A_981 = vector.extract %reduce_max3A_980[15] : i32 from vector<16xi32>
          %add3A_982 = arith.constant 80 : i32
          %add3A_983 = arith.addi %add3A_982, %reduce_max3A_969 : i32
          %sub3A = arith.constant 960 : i32
          %sub3A_984 = arith.subi %reduce_max3A_981, %sub3A : i32
          %get3A_985 = arith.index_cast %sub3A_984 : i32 to index
          %get3A_986 = arith.constant 0 : index
          %get3A_987 = tpu.vector_load %arg6[%get3A_985, %get3A_986] {strides = array<i32>} : memref<40x128xf32, #tpu.memory_space<vmem>>, vector<16xf32>,
          %swap3A_988 = arith.index_cast %rem3A_597 : i32 to index
          %swap3A_989 = arith.index_cast %add3A_983 : i32 to index
          %swap3A_990 = arith.constant 0 : index
          %swap3A_991 = tpu.vector_load %arg7[%swap3A_988, %swap3A_989, %swap3A_990] {strides = array<i32>} : memref<4x200x128xf32, #tpu.memory_space<vmem>>, vector<16xf32>,
          tpu.vector_store %arg7[%swap3A_988, %swap3A_989, %swap3A_990], %get3A_987 {strides = array<i32>} : memref<4x200x128xf32, #tpu.memory_space<vmem>>, vector<16xf32>,
          %get3A_992 = arith.index_cast %sub3A_984 : i32 to index
          %get3A_993 = arith.constant 16 : index
          %get3A_994 = tpu.vector_load %arg6[%get3A_992, %get3A_993] {strides = array<i32>} : memref<40x128xf32, #tpu.memory_space<vmem>>, vector<16xf32>,
          %swap3A_995 = arith.index_cast %rem3A_597 : i32 to index
          %swap3A_996 = arith.index_cast %add3A_983 : i32 to index
          %swap3A_997 = arith.constant 16 : index
          %swap3A_998 = tpu.vector_load %arg7[%swap3A_995, %swap3A_996, %swap3A_997] {strides = array<i32>} : memref<4x200x128xf32, #tpu.memory_space<vmem>>, vector<16xf32>,
          tpu.vector_store %arg7[%swap3A_995, %swap3A_996, %swap3A_997], %get3A_994 {strides = array<i32>} : memref<4x200x128xf32, #tpu.memory_space<vmem>>, vector<16xf32>,
          %get3A_999 = arith.index_cast %sub3A_984 : i32 to index
          %get3A_1000 = arith.constant 32 : index
          %get3A_1001 = tpu.vector_load %arg6[%get3A_999, %get3A_1000] {strides = array<i32>} : memref<40x128xf32, #tpu.memory_space<vmem>>, vector<16xf32>,
          %swap3A_1002 = arith.index_cast %rem3A_597 : i32 to index
          %swap3A_1003 = arith.index_cast %add3A_983 : i32 to index
          %swap3A_1004 = arith.constant 32 : index
          %swap3A_1005 = tpu.vector_load %arg7[%swap3A_1002, %swap3A_1003, %swap3A_1004] {strides = array<i32>} : memref<4x200x128xf32, #tpu.memory_space<vmem>>, vector<16xf32>,
          tpu.vector_store %arg7[%swap3A_1002, %swap3A_1003, %swap3A_1004], %get3A_1001 {strides = array<i32>} : memref<4x200x128xf32, #tpu.memory_space<vmem>>, vector<16xf32>,
          %get3A_1006 = arith.index_cast %sub3A_984 : i32 to index
          %get3A_1007 = arith.constant 48 : index
          %get3A_1008 = tpu.vector_load %arg6[%get3A_1006, %get3A_1007] {strides = array<i32>} : memref<40x128xf32, #tpu.memory_space<vmem>>, vector<16xf32>,
          %swap3A_1009 = arith.index_cast %rem3A_597 : i32 to index
          %swap3A_1010 = arith.index_cast %add3A_983 : i32 to index
          %swap3A_1011 = arith.constant 48 : index
          %swap3A_1012 = tpu.vector_load %arg7[%swap3A_1009, %swap3A_1010, %swap3A_1011] {strides = array<i32>} : memref<4x200x128xf32, #tpu.memory_space<vmem>>, vector<16xf32>,
          tpu.vector_store %arg7[%swap3A_1009, %swap3A_1010, %swap3A_1011], %get3A_1008 {strides = array<i32>} : memref<4x200x128xf32, #tpu.memory_space<vmem>>, vector<16xf32>,
          %get3A_1013 = arith.index_cast %sub3A_984 : i32 to index
          %get3A_1014 = arith.constant 64 : index
          %get3A_1015 = tpu.vector_load %arg6[%get3A_1013, %get3A_1014] {strides = array<i32>} : memref<40x128xf32, #tpu.memory_space<vmem>>, vector<16xf32>,
          %swap3A_1016 = arith.index_cast %rem3A_597 : i32 to index
          %swap3A_1017 = arith.index_cast %add3A_983 : i32 to index
          %swap3A_1018 = arith.constant 64 : index
          %swap3A_1019 = tpu.vector_load %arg7[%swap3A_1016, %swap3A_1017, %swap3A_1018] {strides = array<i32>} : memref<4x200x128xf32, #tpu.memory_space<vmem>>, vector<16xf32>,
          tpu.vector_store %arg7[%swap3A_1016, %swap3A_1017, %swap3A_1018], %get3A_1015 {strides = array<i32>} : memref<4x200x128xf32, #tpu.memory_space<vmem>>, vector<16xf32>,
          %get3A_1020 = arith.index_cast %sub3A_984 : i32 to index
          %get3A_1021 = arith.constant 80 : index
          %get3A_1022 = tpu.vector_load %arg6[%get3A_1020, %get3A_1021] {strides = array<i32>} : memref<40x128xf32, #tpu.memory_space<vmem>>, vector<16xf32>,
          %swap3A_1023 = arith.index_cast %rem3A_597 : i32 to index
          %swap3A_1024 = arith.index_cast %add3A_983 : i32 to index
          %swap3A_1025 = arith.constant 80 : index
          %swap3A_1026 = tpu.vector_load %arg7[%swap3A_1023, %swap3A_1024, %swap3A_1025] {strides = array<i32>} : memref<4x200x128xf32, #tpu.memory_space<vmem>>, vector<16xf32>,
          tpu.vector_store %arg7[%swap3A_1023, %swap3A_1024, %swap3A_1025], %get3A_1022 {strides = array<i32>} : memref<4x200x128xf32, #tpu.memory_space<vmem>>, vector<16xf32>,
          %get3A_1027 = arith.index_cast %sub3A_984 : i32 to index
          %get3A_1028 = arith.constant 96 : index
          %get3A_1029 = tpu.vector_load %arg6[%get3A_1027, %get3A_1028] {strides = array<i32>} : memref<40x128xf32, #tpu.memory_space<vmem>>, vector<16xf32>,
          %swap3A_1030 = arith.index_cast %rem3A_597 : i32 to index
          %swap3A_1031 = arith.index_cast %add3A_983 : i32 to index
          %swap3A_1032 = arith.constant 96 : index
          %swap3A_1033 = tpu.vector_load %arg7[%swap3A_1030, %swap3A_1031, %swap3A_1032] {strides = array<i32>} : memref<4x200x128xf32, #tpu.memory_space<vmem>>, vector<16xf32>,
          tpu.vector_store %arg7[%swap3A_1030, %swap3A_1031, %swap3A_1032], %get3A_1029 {strides = array<i32>} : memref<4x200x128xf32, #tpu.memory_space<vmem>>, vector<16xf32>,
          %get3A_1034 = arith.index_cast %sub3A_984 : i32 to index
          %get3A_1035 = arith.constant 112 : index
          %get3A_1036 = tpu.vector_load %arg6[%get3A_1034, %get3A_1035] {strides = array<i32>} : memref<40x128xf32, #tpu.memory_space<vmem>>, vector<16xf32>,
          %swap3A_1037 = arith.index_cast %rem3A_597 : i32 to index
          %swap3A_1038 = arith.index_cast %add3A_983 : i32 to index
          %swap3A_1039 = arith.constant 112 : index
          %swap3A_1040 = tpu.vector_load %arg7[%swap3A_1037, %swap3A_1038, %swap3A_1039] {strides = array<i32>} : memref<4x200x128xf32, #tpu.memory_space<vmem>>, vector<16xf32>,
          tpu.vector_store %arg7[%swap3A_1037, %swap3A_1038, %swap3A_1039], %get3A_1036 {strides = array<i32>} : memref<4x200x128xf32, #tpu.memory_space<vmem>>, vector<16xf32>,
          %ne3A = vector.broadcast %reduce_max3A_969 : i32 to vector<16xi32>
          %ne3A_1041 = arith.cmpi ne, %iota3A, %ne3A : vector<16xi32>
          %and3A_1042 = arith.andi %while3A_962, %ne3A_1041 : vector<16xi1>
          scf.yield %and3A_1042 : vector<16xi1>
        }
      } else {
      }
      %mul3A_775 = arith.constant 208 : i32
      %mul3A_776 = arith.muli %rem3A_597, %mul3A_775 : i32
      %add3A_777 = arith.constant 96 : i32
      %add3A_778 = arith.addi %mul3A_776, %add3A_777 : i32
      %get3A_779 = arith.index_cast %add3A_778 : i32 to index
      %get3A_780 = tpu.vector_load %arg8[%get3A_779] {strides = array<i32>} : memref<832xi32, #tpu.memory_space<vmem>>, vector<16xi32>,
      %ge3A_781 = arith.constant 960 : i32
      %ge3A_782 = vector.broadcast %ge3A_781 : i32 to vector<16xi32>
      %ge3A_783 = arith.cmpi sge, %get3A_780, %ge3A_782 : vector<16xi32>
      %reduce_or3A_784 = arith.constant 1.000000e+00 : f32
      %reduce_or3A_785 = arith.constant 0.000000e+00 : f32
      %reduce_or3A_786 = vector.broadcast %reduce_or3A_784 : f32 to vector<16xf32>
      %reduce_or3A_787 = vector.broadcast %reduce_or3A_785 : f32 to vector<16xf32>
      %reduce_or3A_788 = arith.select %ge3A_783, %reduce_or3A_786, %reduce_or3A_787 : vector<16xi1>, vector<16xf32>
      %reduce_or3A_789 = arith.constant true
      %reduce_or3A_790 = vector.broadcast %reduce_or3A_789 : i1 to vector<16xi1>
      %reduce_or3A_791 = tpu.scan <max>, %reduce_or3A_788 masked %reduce_or3A_790 : vector<16xf32>, vector<16xi1> -> vector<16xf32>
      %reduce_or3A_792 = vector.extract %reduce_or3A_791[15] : f32 from vector<16xf32>
      %reduce_or3A_793 = arith.constant 0.000000e+00 : f32
      %reduce_or3A_794 = arith.cmpf ogt, %reduce_or3A_792, %reduce_or3A_793 : f32
      %convert_element_type3A_795 = arith.extui %reduce_or3A_794 : i1 to i32
      %cond3A_796 = arith.constant 0 : i32
      %cond3A_797 = arith.cmpi ne, %convert_element_type3A_795, %cond3A_796 : i32
      scf.if %cond3A_797 {
        %while3A = scf.while (%while3A_962 = %ge3A_783) : (vector<16xi1>) -> vector<16xi1> {
          %reduce_or3A_963 = arith.constant 1.000000e+00 : f32
          %reduce_or3A_964 = arith.constant 0.000000e+00 : f32
          %reduce_or3A_965 = vector.broadcast %reduce_or3A_963 : f32 to vector<16xf32>
          %reduce_or3A_966 = vector.broadcast %reduce_or3A_964 : f32 to vector<16xf32>
          %reduce_or3A_967 = arith.select %while3A_962, %reduce_or3A_965, %reduce_or3A_966 : vector<16xi1>, vector<16xf32>
          %reduce_or3A_968 = arith.constant true
          %reduce_or3A_969 = vector.broadcast %reduce_or3A_968 : i1 to vector<16xi1>
          %reduce_or3A_970 = tpu.scan <max>, %reduce_or3A_967 masked %reduce_or3A_969 : vector<16xf32>, vector<16xi1> -> vector<16xf32>
          %reduce_or3A_971 = vector.extract %reduce_or3A_970[15] : f32 from vector<16xf32>
          %reduce_or3A_972 = arith.constant 0.000000e+00 : f32
          %reduce_or3A_973 = arith.cmpf ogt, %reduce_or3A_971, %reduce_or3A_972 : f32
          scf.condition(%reduce_or3A_973) %while3A_962 : vector<16xi1>
        } do {
        ^bb0(%while3A_962: vector<16xi1>):
          %jit3A = arith.constant -1 : i32
          %broadcast_in_dim3A = vector.broadcast %jit3A : i32 to vector<16xi32>
          %select_n3A = arith.select %while3A_962, %iota3A, %broadcast_in_dim3A : vector<16xi1>, vector<16xi32>
          %reduce_max3A = arith.constant true
          %reduce_max3A_963 = vector.broadcast %reduce_max3A : i1 to vector<16xi1>
          %reduce_max3A_964 = arith.constant -2147483648 : i32
          %reduce_max3A_965 = vector.broadcast %reduce_max3A_964 : i32 to vector<16xi32>
          %reduce_max3A_966 = arith.xori %select_n3A, %reduce_max3A_965 : vector<16xi32>
          %reduce_max3A_967 = tpu.scan <max>, %reduce_max3A_966 masked %reduce_max3A_963 : vector<16xi32>, vector<16xi1> -> vector<16xi32>
          %reduce_max3A_968 = arith.xori %reduce_max3A_967, %reduce_max3A_965 : vector<16xi32>
          %reduce_max3A_969 = vector.extract %reduce_max3A_968[15] : i32 from vector<16xi32>
          %eq3A = vector.broadcast %reduce_max3A_969 : i32 to vector<16xi32>
          %eq3A_970 = arith.cmpi eq, %iota3A, %eq3A : vector<16xi32>
          %jit3A_971 = arith.constant -1 : i32
          %broadcast_in_dim3A_972 = vector.broadcast %jit3A_971 : i32 to vector<16xi32>
          %select_n3A_973 = arith.select %eq3A_970, %get3A_780, %broadcast_in_dim3A_972 : vector<16xi1>, vector<16xi32>
          %reduce_max3A_974 = arith.constant true
          %reduce_max3A_975 = vector.broadcast %reduce_max3A_974 : i1 to vector<16xi1>
          %reduce_max3A_976 = arith.constant -2147483648 : i32
          %reduce_max3A_977 = vector.broadcast %reduce_max3A_976 : i32 to vector<16xi32>
          %reduce_max3A_978 = arith.xori %select_n3A_973, %reduce_max3A_977 : vector<16xi32>
          %reduce_max3A_979 = tpu.scan <max>, %reduce_max3A_978 masked %reduce_max3A_975 : vector<16xi32>, vector<16xi1> -> vector<16xi32>
          %reduce_max3A_980 = arith.xori %reduce_max3A_979, %reduce_max3A_977 : vector<16xi32>
          %reduce_max3A_981 = vector.extract %reduce_max3A_980[15] : i32 from vector<16xi32>
          %add3A_982 = arith.constant 96 : i32
          %add3A_983 = arith.addi %add3A_982, %reduce_max3A_969 : i32
          %sub3A = arith.constant 960 : i32
          %sub3A_984 = arith.subi %reduce_max3A_981, %sub3A : i32
          %get3A_985 = arith.index_cast %sub3A_984 : i32 to index
          %get3A_986 = arith.constant 0 : index
          %get3A_987 = tpu.vector_load %arg6[%get3A_985, %get3A_986] {strides = array<i32>} : memref<40x128xf32, #tpu.memory_space<vmem>>, vector<16xf32>,
          %swap3A_988 = arith.index_cast %rem3A_597 : i32 to index
          %swap3A_989 = arith.index_cast %add3A_983 : i32 to index
          %swap3A_990 = arith.constant 0 : index
          %swap3A_991 = tpu.vector_load %arg7[%swap3A_988, %swap3A_989, %swap3A_990] {strides = array<i32>} : memref<4x200x128xf32, #tpu.memory_space<vmem>>, vector<16xf32>,
          tpu.vector_store %arg7[%swap3A_988, %swap3A_989, %swap3A_990], %get3A_987 {strides = array<i32>} : memref<4x200x128xf32, #tpu.memory_space<vmem>>, vector<16xf32>,
          %get3A_992 = arith.index_cast %sub3A_984 : i32 to index
          %get3A_993 = arith.constant 16 : index
          %get3A_994 = tpu.vector_load %arg6[%get3A_992, %get3A_993] {strides = array<i32>} : memref<40x128xf32, #tpu.memory_space<vmem>>, vector<16xf32>,
          %swap3A_995 = arith.index_cast %rem3A_597 : i32 to index
          %swap3A_996 = arith.index_cast %add3A_983 : i32 to index
          %swap3A_997 = arith.constant 16 : index
          %swap3A_998 = tpu.vector_load %arg7[%swap3A_995, %swap3A_996, %swap3A_997] {strides = array<i32>} : memref<4x200x128xf32, #tpu.memory_space<vmem>>, vector<16xf32>,
          tpu.vector_store %arg7[%swap3A_995, %swap3A_996, %swap3A_997], %get3A_994 {strides = array<i32>} : memref<4x200x128xf32, #tpu.memory_space<vmem>>, vector<16xf32>,
          %get3A_999 = arith.index_cast %sub3A_984 : i32 to index
          %get3A_1000 = arith.constant 32 : index
          %get3A_1001 = tpu.vector_load %arg6[%get3A_999, %get3A_1000] {strides = array<i32>} : memref<40x128xf32, #tpu.memory_space<vmem>>, vector<16xf32>,
          %swap3A_1002 = arith.index_cast %rem3A_597 : i32 to index
          %swap3A_1003 = arith.index_cast %add3A_983 : i32 to index
          %swap3A_1004 = arith.constant 32 : index
          %swap3A_1005 = tpu.vector_load %arg7[%swap3A_1002, %swap3A_1003, %swap3A_1004] {strides = array<i32>} : memref<4x200x128xf32, #tpu.memory_space<vmem>>, vector<16xf32>,
          tpu.vector_store %arg7[%swap3A_1002, %swap3A_1003, %swap3A_1004], %get3A_1001 {strides = array<i32>} : memref<4x200x128xf32, #tpu.memory_space<vmem>>, vector<16xf32>,
          %get3A_1006 = arith.index_cast %sub3A_984 : i32 to index
          %get3A_1007 = arith.constant 48 : index
          %get3A_1008 = tpu.vector_load %arg6[%get3A_1006, %get3A_1007] {strides = array<i32>} : memref<40x128xf32, #tpu.memory_space<vmem>>, vector<16xf32>,
          %swap3A_1009 = arith.index_cast %rem3A_597 : i32 to index
          %swap3A_1010 = arith.index_cast %add3A_983 : i32 to index
          %swap3A_1011 = arith.constant 48 : index
          %swap3A_1012 = tpu.vector_load %arg7[%swap3A_1009, %swap3A_1010, %swap3A_1011] {strides = array<i32>} : memref<4x200x128xf32, #tpu.memory_space<vmem>>, vector<16xf32>,
          tpu.vector_store %arg7[%swap3A_1009, %swap3A_1010, %swap3A_1011], %get3A_1008 {strides = array<i32>} : memref<4x200x128xf32, #tpu.memory_space<vmem>>, vector<16xf32>,
          %get3A_1013 = arith.index_cast %sub3A_984 : i32 to index
          %get3A_1014 = arith.constant 64 : index
          %get3A_1015 = tpu.vector_load %arg6[%get3A_1013, %get3A_1014] {strides = array<i32>} : memref<40x128xf32, #tpu.memory_space<vmem>>, vector<16xf32>,
          %swap3A_1016 = arith.index_cast %rem3A_597 : i32 to index
          %swap3A_1017 = arith.index_cast %add3A_983 : i32 to index
          %swap3A_1018 = arith.constant 64 : index
          %swap3A_1019 = tpu.vector_load %arg7[%swap3A_1016, %swap3A_1017, %swap3A_1018] {strides = array<i32>} : memref<4x200x128xf32, #tpu.memory_space<vmem>>, vector<16xf32>,
          tpu.vector_store %arg7[%swap3A_1016, %swap3A_1017, %swap3A_1018], %get3A_1015 {strides = array<i32>} : memref<4x200x128xf32, #tpu.memory_space<vmem>>, vector<16xf32>,
          %get3A_1020 = arith.index_cast %sub3A_984 : i32 to index
          %get3A_1021 = arith.constant 80 : index
          %get3A_1022 = tpu.vector_load %arg6[%get3A_1020, %get3A_1021] {strides = array<i32>} : memref<40x128xf32, #tpu.memory_space<vmem>>, vector<16xf32>,
          %swap3A_1023 = arith.index_cast %rem3A_597 : i32 to index
          %swap3A_1024 = arith.index_cast %add3A_983 : i32 to index
          %swap3A_1025 = arith.constant 80 : index
          %swap3A_1026 = tpu.vector_load %arg7[%swap3A_1023, %swap3A_1024, %swap3A_1025] {strides = array<i32>} : memref<4x200x128xf32, #tpu.memory_space<vmem>>, vector<16xf32>,
          tpu.vector_store %arg7[%swap3A_1023, %swap3A_1024, %swap3A_1025], %get3A_1022 {strides = array<i32>} : memref<4x200x128xf32, #tpu.memory_space<vmem>>, vector<16xf32>,
          %get3A_1027 = arith.index_cast %sub3A_984 : i32 to index
          %get3A_1028 = arith.constant 96 : index
          %get3A_1029 = tpu.vector_load %arg6[%get3A_1027, %get3A_1028] {strides = array<i32>} : memref<40x128xf32, #tpu.memory_space<vmem>>, vector<16xf32>,
          %swap3A_1030 = arith.index_cast %rem3A_597 : i32 to index
          %swap3A_1031 = arith.index_cast %add3A_983 : i32 to index
          %swap3A_1032 = arith.constant 96 : index
          %swap3A_1033 = tpu.vector_load %arg7[%swap3A_1030, %swap3A_1031, %swap3A_1032] {strides = array<i32>} : memref<4x200x128xf32, #tpu.memory_space<vmem>>, vector<16xf32>,
          tpu.vector_store %arg7[%swap3A_1030, %swap3A_1031, %swap3A_1032], %get3A_1029 {strides = array<i32>} : memref<4x200x128xf32, #tpu.memory_space<vmem>>, vector<16xf32>,
          %get3A_1034 = arith.index_cast %sub3A_984 : i32 to index
          %get3A_1035 = arith.constant 112 : index
          %get3A_1036 = tpu.vector_load %arg6[%get3A_1034, %get3A_1035] {strides = array<i32>} : memref<40x128xf32, #tpu.memory_space<vmem>>, vector<16xf32>,
          %swap3A_1037 = arith.index_cast %rem3A_597 : i32 to index
          %swap3A_1038 = arith.index_cast %add3A_983 : i32 to index
          %swap3A_1039 = arith.constant 112 : index
          %swap3A_1040 = tpu.vector_load %arg7[%swap3A_1037, %swap3A_1038, %swap3A_1039] {strides = array<i32>} : memref<4x200x128xf32, #tpu.memory_space<vmem>>, vector<16xf32>,
          tpu.vector_store %arg7[%swap3A_1037, %swap3A_1038, %swap3A_1039], %get3A_1036 {strides = array<i32>} : memref<4x200x128xf32, #tpu.memory_space<vmem>>, vector<16xf32>,
          %ne3A = vector.broadcast %reduce_max3A_969 : i32 to vector<16xi32>
          %ne3A_1041 = arith.cmpi ne, %iota3A, %ne3A : vector<16xi32>
          %and3A_1042 = arith.andi %while3A_962, %ne3A_1041 : vector<16xi1>
          scf.yield %and3A_1042 : vector<16xi1>
        }
      } else {
      }
      %mul3A_798 = arith.constant 208 : i32
      %mul3A_799 = arith.muli %rem3A_597, %mul3A_798 : i32
      %add3A_800 = arith.constant 112 : i32
      %add3A_801 = arith.addi %mul3A_799, %add3A_800 : i32
      %get3A_802 = arith.index_cast %add3A_801 : i32 to index
      %get3A_803 = tpu.vector_load %arg8[%get3A_802] {strides = array<i32>} : memref<832xi32, #tpu.memory_space<vmem>>, vector<16xi32>,
      %ge3A_804 = arith.constant 960 : i32
      %ge3A_805 = vector.broadcast %ge3A_804 : i32 to vector<16xi32>
      %ge3A_806 = arith.cmpi sge, %get3A_803, %ge3A_805 : vector<16xi32>
      %reduce_or3A_807 = arith.constant 1.000000e+00 : f32
      %reduce_or3A_808 = arith.constant 0.000000e+00 : f32
      %reduce_or3A_809 = vector.broadcast %reduce_or3A_807 : f32 to vector<16xf32>
      %reduce_or3A_810 = vector.broadcast %reduce_or3A_808 : f32 to vector<16xf32>
      %reduce_or3A_811 = arith.select %ge3A_806, %reduce_or3A_809, %reduce_or3A_810 : vector<16xi1>, vector<16xf32>
      %reduce_or3A_812 = arith.constant true
      %reduce_or3A_813 = vector.broadcast %reduce_or3A_812 : i1 to vector<16xi1>
      %reduce_or3A_814 = tpu.scan <max>, %reduce_or3A_811 masked %reduce_or3A_813 : vector<16xf32>, vector<16xi1> -> vector<16xf32>
      %reduce_or3A_815 = vector.extract %reduce_or3A_814[15] : f32 from vector<16xf32>
      %reduce_or3A_816 = arith.constant 0.000000e+00 : f32
      %reduce_or3A_817 = arith.cmpf ogt, %reduce_or3A_815, %reduce_or3A_816 : f32
      %convert_element_type3A_818 = arith.extui %reduce_or3A_817 : i1 to i32
      %cond3A_819 = arith.constant 0 : i32
      %cond3A_820 = arith.cmpi ne, %convert_element_type3A_818, %cond3A_819 : i32
      scf.if %cond3A_820 {
        %while3A = scf.while (%while3A_962 = %ge3A_806) : (vector<16xi1>) -> vector<16xi1> {
          %reduce_or3A_963 = arith.constant 1.000000e+00 : f32
          %reduce_or3A_964 = arith.constant 0.000000e+00 : f32
          %reduce_or3A_965 = vector.broadcast %reduce_or3A_963 : f32 to vector<16xf32>
          %reduce_or3A_966 = vector.broadcast %reduce_or3A_964 : f32 to vector<16xf32>
          %reduce_or3A_967 = arith.select %while3A_962, %reduce_or3A_965, %reduce_or3A_966 : vector<16xi1>, vector<16xf32>
          %reduce_or3A_968 = arith.constant true
          %reduce_or3A_969 = vector.broadcast %reduce_or3A_968 : i1 to vector<16xi1>
          %reduce_or3A_970 = tpu.scan <max>, %reduce_or3A_967 masked %reduce_or3A_969 : vector<16xf32>, vector<16xi1> -> vector<16xf32>
          %reduce_or3A_971 = vector.extract %reduce_or3A_970[15] : f32 from vector<16xf32>
          %reduce_or3A_972 = arith.constant 0.000000e+00 : f32
          %reduce_or3A_973 = arith.cmpf ogt, %reduce_or3A_971, %reduce_or3A_972 : f32
          scf.condition(%reduce_or3A_973) %while3A_962 : vector<16xi1>
        } do {
        ^bb0(%while3A_962: vector<16xi1>):
          %jit3A = arith.constant -1 : i32
          %broadcast_in_dim3A = vector.broadcast %jit3A : i32 to vector<16xi32>
          %select_n3A = arith.select %while3A_962, %iota3A, %broadcast_in_dim3A : vector<16xi1>, vector<16xi32>
          %reduce_max3A = arith.constant true
          %reduce_max3A_963 = vector.broadcast %reduce_max3A : i1 to vector<16xi1>
          %reduce_max3A_964 = arith.constant -2147483648 : i32
          %reduce_max3A_965 = vector.broadcast %reduce_max3A_964 : i32 to vector<16xi32>
          %reduce_max3A_966 = arith.xori %select_n3A, %reduce_max3A_965 : vector<16xi32>
          %reduce_max3A_967 = tpu.scan <max>, %reduce_max3A_966 masked %reduce_max3A_963 : vector<16xi32>, vector<16xi1> -> vector<16xi32>
          %reduce_max3A_968 = arith.xori %reduce_max3A_967, %reduce_max3A_965 : vector<16xi32>
          %reduce_max3A_969 = vector.extract %reduce_max3A_968[15] : i32 from vector<16xi32>
          %eq3A = vector.broadcast %reduce_max3A_969 : i32 to vector<16xi32>
          %eq3A_970 = arith.cmpi eq, %iota3A, %eq3A : vector<16xi32>
          %jit3A_971 = arith.constant -1 : i32
          %broadcast_in_dim3A_972 = vector.broadcast %jit3A_971 : i32 to vector<16xi32>
          %select_n3A_973 = arith.select %eq3A_970, %get3A_803, %broadcast_in_dim3A_972 : vector<16xi1>, vector<16xi32>
          %reduce_max3A_974 = arith.constant true
          %reduce_max3A_975 = vector.broadcast %reduce_max3A_974 : i1 to vector<16xi1>
          %reduce_max3A_976 = arith.constant -2147483648 : i32
          %reduce_max3A_977 = vector.broadcast %reduce_max3A_976 : i32 to vector<16xi32>
          %reduce_max3A_978 = arith.xori %select_n3A_973, %reduce_max3A_977 : vector<16xi32>
          %reduce_max3A_979 = tpu.scan <max>, %reduce_max3A_978 masked %reduce_max3A_975 : vector<16xi32>, vector<16xi1> -> vector<16xi32>
          %reduce_max3A_980 = arith.xori %reduce_max3A_979, %reduce_max3A_977 : vector<16xi32>
          %reduce_max3A_981 = vector.extract %reduce_max3A_980[15] : i32 from vector<16xi32>
          %add3A_982 = arith.constant 112 : i32
          %add3A_983 = arith.addi %add3A_982, %reduce_max3A_969 : i32
          %sub3A = arith.constant 960 : i32
          %sub3A_984 = arith.subi %reduce_max3A_981, %sub3A : i32
          %get3A_985 = arith.index_cast %sub3A_984 : i32 to index
          %get3A_986 = arith.constant 0 : index
          %get3A_987 = tpu.vector_load %arg6[%get3A_985, %get3A_986] {strides = array<i32>} : memref<40x128xf32, #tpu.memory_space<vmem>>, vector<16xf32>,
          %swap3A_988 = arith.index_cast %rem3A_597 : i32 to index
          %swap3A_989 = arith.index_cast %add3A_983 : i32 to index
          %swap3A_990 = arith.constant 0 : index
          %swap3A_991 = tpu.vector_load %arg7[%swap3A_988, %swap3A_989, %swap3A_990] {strides = array<i32>} : memref<4x200x128xf32, #tpu.memory_space<vmem>>, vector<16xf32>,
          tpu.vector_store %arg7[%swap3A_988, %swap3A_989, %swap3A_990], %get3A_987 {strides = array<i32>} : memref<4x200x128xf32, #tpu.memory_space<vmem>>, vector<16xf32>,
          %get3A_992 = arith.index_cast %sub3A_984 : i32 to index
          %get3A_993 = arith.constant 16 : index
          %get3A_994 = tpu.vector_load %arg6[%get3A_992, %get3A_993] {strides = array<i32>} : memref<40x128xf32, #tpu.memory_space<vmem>>, vector<16xf32>,
          %swap3A_995 = arith.index_cast %rem3A_597 : i32 to index
          %swap3A_996 = arith.index_cast %add3A_983 : i32 to index
          %swap3A_997 = arith.constant 16 : index
          %swap3A_998 = tpu.vector_load %arg7[%swap3A_995, %swap3A_996, %swap3A_997] {strides = array<i32>} : memref<4x200x128xf32, #tpu.memory_space<vmem>>, vector<16xf32>,
          tpu.vector_store %arg7[%swap3A_995, %swap3A_996, %swap3A_997], %get3A_994 {strides = array<i32>} : memref<4x200x128xf32, #tpu.memory_space<vmem>>, vector<16xf32>,
          %get3A_999 = arith.index_cast %sub3A_984 : i32 to index
          %get3A_1000 = arith.constant 32 : index
          %get3A_1001 = tpu.vector_load %arg6[%get3A_999, %get3A_1000] {strides = array<i32>} : memref<40x128xf32, #tpu.memory_space<vmem>>, vector<16xf32>,
          %swap3A_1002 = arith.index_cast %rem3A_597 : i32 to index
          %swap3A_1003 = arith.index_cast %add3A_983 : i32 to index
          %swap3A_1004 = arith.constant 32 : index
          %swap3A_1005 = tpu.vector_load %arg7[%swap3A_1002, %swap3A_1003, %swap3A_1004] {strides = array<i32>} : memref<4x200x128xf32, #tpu.memory_space<vmem>>, vector<16xf32>,
          tpu.vector_store %arg7[%swap3A_1002, %swap3A_1003, %swap3A_1004], %get3A_1001 {strides = array<i32>} : memref<4x200x128xf32, #tpu.memory_space<vmem>>, vector<16xf32>,
          %get3A_1006 = arith.index_cast %sub3A_984 : i32 to index
          %get3A_1007 = arith.constant 48 : index
          %get3A_1008 = tpu.vector_load %arg6[%get3A_1006, %get3A_1007] {strides = array<i32>} : memref<40x128xf32, #tpu.memory_space<vmem>>, vector<16xf32>,
          %swap3A_1009 = arith.index_cast %rem3A_597 : i32 to index
          %swap3A_1010 = arith.index_cast %add3A_983 : i32 to index
          %swap3A_1011 = arith.constant 48 : index
          %swap3A_1012 = tpu.vector_load %arg7[%swap3A_1009, %swap3A_1010, %swap3A_1011] {strides = array<i32>} : memref<4x200x128xf32, #tpu.memory_space<vmem>>, vector<16xf32>,
          tpu.vector_store %arg7[%swap3A_1009, %swap3A_1010, %swap3A_1011], %get3A_1008 {strides = array<i32>} : memref<4x200x128xf32, #tpu.memory_space<vmem>>, vector<16xf32>,
          %get3A_1013 = arith.index_cast %sub3A_984 : i32 to index
          %get3A_1014 = arith.constant 64 : index
          %get3A_1015 = tpu.vector_load %arg6[%get3A_1013, %get3A_1014] {strides = array<i32>} : memref<40x128xf32, #tpu.memory_space<vmem>>, vector<16xf32>,
          %swap3A_1016 = arith.index_cast %rem3A_597 : i32 to index
          %swap3A_1017 = arith.index_cast %add3A_983 : i32 to index
          %swap3A_1018 = arith.constant 64 : index
          %swap3A_1019 = tpu.vector_load %arg7[%swap3A_1016, %swap3A_1017, %swap3A_1018] {strides = array<i32>} : memref<4x200x128xf32, #tpu.memory_space<vmem>>, vector<16xf32>,
          tpu.vector_store %arg7[%swap3A_1016, %swap3A_1017, %swap3A_1018], %get3A_1015 {strides = array<i32>} : memref<4x200x128xf32, #tpu.memory_space<vmem>>, vector<16xf32>,
          %get3A_1020 = arith.index_cast %sub3A_984 : i32 to index
          %get3A_1021 = arith.constant 80 : index
          %get3A_1022 = tpu.vector_load %arg6[%get3A_1020, %get3A_1021] {strides = array<i32>} : memref<40x128xf32, #tpu.memory_space<vmem>>, vector<16xf32>,
          %swap3A_1023 = arith.index_cast %rem3A_597 : i32 to index
          %swap3A_1024 = arith.index_cast %add3A_983 : i32 to index
          %swap3A_1025 = arith.constant 80 : index
          %swap3A_1026 = tpu.vector_load %arg7[%swap3A_1023, %swap3A_1024, %swap3A_1025] {strides = array<i32>} : memref<4x200x128xf32, #tpu.memory_space<vmem>>, vector<16xf32>,
          tpu.vector_store %arg7[%swap3A_1023, %swap3A_1024, %swap3A_1025], %get3A_1022 {strides = array<i32>} : memref<4x200x128xf32, #tpu.memory_space<vmem>>, vector<16xf32>,
          %get3A_1027 = arith.index_cast %sub3A_984 : i32 to index
          %get3A_1028 = arith.constant 96 : index
          %get3A_1029 = tpu.vector_load %arg6[%get3A_1027, %get3A_1028] {strides = array<i32>} : memref<40x128xf32, #tpu.memory_space<vmem>>, vector<16xf32>,
          %swap3A_1030 = arith.index_cast %rem3A_597 : i32 to index
          %swap3A_1031 = arith.index_cast %add3A_983 : i32 to index
          %swap3A_1032 = arith.constant 96 : index
          %swap3A_1033 = tpu.vector_load %arg7[%swap3A_1030, %swap3A_1031, %swap3A_1032] {strides = array<i32>} : memref<4x200x128xf32, #tpu.memory_space<vmem>>, vector<16xf32>,
          tpu.vector_store %arg7[%swap3A_1030, %swap3A_1031, %swap3A_1032], %get3A_1029 {strides = array<i32>} : memref<4x200x128xf32, #tpu.memory_space<vmem>>, vector<16xf32>,
          %get3A_1034 = arith.index_cast %sub3A_984 : i32 to index
          %get3A_1035 = arith.constant 112 : index
          %get3A_1036 = tpu.vector_load %arg6[%get3A_1034, %get3A_1035] {strides = array<i32>} : memref<40x128xf32, #tpu.memory_space<vmem>>, vector<16xf32>,
          %swap3A_1037 = arith.index_cast %rem3A_597 : i32 to index
          %swap3A_1038 = arith.index_cast %add3A_983 : i32 to index
          %swap3A_1039 = arith.constant 112 : index
          %swap3A_1040 = tpu.vector_load %arg7[%swap3A_1037, %swap3A_1038, %swap3A_1039] {strides = array<i32>} : memref<4x200x128xf32, #tpu.memory_space<vmem>>, vector<16xf32>,
          tpu.vector_store %arg7[%swap3A_1037, %swap3A_1038, %swap3A_1039], %get3A_1036 {strides = array<i32>} : memref<4x200x128xf32, #tpu.memory_space<vmem>>, vector<16xf32>,
          %ne3A = vector.broadcast %reduce_max3A_969 : i32 to vector<16xi32>
          %ne3A_1041 = arith.cmpi ne, %iota3A, %ne3A : vector<16xi32>
          %and3A_1042 = arith.andi %while3A_962, %ne3A_1041 : vector<16xi1>
          scf.yield %and3A_1042 : vector<16xi1>
        }
      } else {
      }
      %mul3A_821 = arith.constant 208 : i32
      %mul3A_822 = arith.muli %rem3A_597, %mul3A_821 : i32
      %add3A_823 = arith.constant 128 : i32
      %add3A_824 = arith.addi %mul3A_822, %add3A_823 : i32
      %get3A_825 = arith.index_cast %add3A_824 : i32 to index
      %get3A_826 = tpu.vector_load %arg8[%get3A_825] {strides = array<i32>} : memref<832xi32, #tpu.memory_space<vmem>>, vector<16xi32>,
      %ge3A_827 = arith.constant 960 : i32
      %ge3A_828 = vector.broadcast %ge3A_827 : i32 to vector<16xi32>
      %ge3A_829 = arith.cmpi sge, %get3A_826, %ge3A_828 : vector<16xi32>
      %reduce_or3A_830 = arith.constant 1.000000e+00 : f32
      %reduce_or3A_831 = arith.constant 0.000000e+00 : f32
      %reduce_or3A_832 = vector.broadcast %reduce_or3A_830 : f32 to vector<16xf32>
      %reduce_or3A_833 = vector.broadcast %reduce_or3A_831 : f32 to vector<16xf32>
      %reduce_or3A_834 = arith.select %ge3A_829, %reduce_or3A_832, %reduce_or3A_833 : vector<16xi1>, vector<16xf32>
      %reduce_or3A_835 = arith.constant true
      %reduce_or3A_836 = vector.broadcast %reduce_or3A_835 : i1 to vector<16xi1>
      %reduce_or3A_837 = tpu.scan <max>, %reduce_or3A_834 masked %reduce_or3A_836 : vector<16xf32>, vector<16xi1> -> vector<16xf32>
      %reduce_or3A_838 = vector.extract %reduce_or3A_837[15] : f32 from vector<16xf32>
      %reduce_or3A_839 = arith.constant 0.000000e+00 : f32
      %reduce_or3A_840 = arith.cmpf ogt, %reduce_or3A_838, %reduce_or3A_839 : f32
      %convert_element_type3A_841 = arith.extui %reduce_or3A_840 : i1 to i32
      %cond3A_842 = arith.constant 0 : i32
      %cond3A_843 = arith.cmpi ne, %convert_element_type3A_841, %cond3A_842 : i32
      scf.if %cond3A_843 {
        %while3A = scf.while (%while3A_962 = %ge3A_829) : (vector<16xi1>) -> vector<16xi1> {
          %reduce_or3A_963 = arith.constant 1.000000e+00 : f32
          %reduce_or3A_964 = arith.constant 0.000000e+00 : f32
          %reduce_or3A_965 = vector.broadcast %reduce_or3A_963 : f32 to vector<16xf32>
          %reduce_or3A_966 = vector.broadcast %reduce_or3A_964 : f32 to vector<16xf32>
          %reduce_or3A_967 = arith.select %while3A_962, %reduce_or3A_965, %reduce_or3A_966 : vector<16xi1>, vector<16xf32>
          %reduce_or3A_968 = arith.constant true
          %reduce_or3A_969 = vector.broadcast %reduce_or3A_968 : i1 to vector<16xi1>
          %reduce_or3A_970 = tpu.scan <max>, %reduce_or3A_967 masked %reduce_or3A_969 : vector<16xf32>, vector<16xi1> -> vector<16xf32>
          %reduce_or3A_971 = vector.extract %reduce_or3A_970[15] : f32 from vector<16xf32>
          %reduce_or3A_972 = arith.constant 0.000000e+00 : f32
          %reduce_or3A_973 = arith.cmpf ogt, %reduce_or3A_971, %reduce_or3A_972 : f32
          scf.condition(%reduce_or3A_973) %while3A_962 : vector<16xi1>
        } do {
        ^bb0(%while3A_962: vector<16xi1>):
          %jit3A = arith.constant -1 : i32
          %broadcast_in_dim3A = vector.broadcast %jit3A : i32 to vector<16xi32>
          %select_n3A = arith.select %while3A_962, %iota3A, %broadcast_in_dim3A : vector<16xi1>, vector<16xi32>
          %reduce_max3A = arith.constant true
          %reduce_max3A_963 = vector.broadcast %reduce_max3A : i1 to vector<16xi1>
          %reduce_max3A_964 = arith.constant -2147483648 : i32
          %reduce_max3A_965 = vector.broadcast %reduce_max3A_964 : i32 to vector<16xi32>
          %reduce_max3A_966 = arith.xori %select_n3A, %reduce_max3A_965 : vector<16xi32>
          %reduce_max3A_967 = tpu.scan <max>, %reduce_max3A_966 masked %reduce_max3A_963 : vector<16xi32>, vector<16xi1> -> vector<16xi32>
          %reduce_max3A_968 = arith.xori %reduce_max3A_967, %reduce_max3A_965 : vector<16xi32>
          %reduce_max3A_969 = vector.extract %reduce_max3A_968[15] : i32 from vector<16xi32>
          %eq3A = vector.broadcast %reduce_max3A_969 : i32 to vector<16xi32>
          %eq3A_970 = arith.cmpi eq, %iota3A, %eq3A : vector<16xi32>
          %jit3A_971 = arith.constant -1 : i32
          %broadcast_in_dim3A_972 = vector.broadcast %jit3A_971 : i32 to vector<16xi32>
          %select_n3A_973 = arith.select %eq3A_970, %get3A_826, %broadcast_in_dim3A_972 : vector<16xi1>, vector<16xi32>
          %reduce_max3A_974 = arith.constant true
          %reduce_max3A_975 = vector.broadcast %reduce_max3A_974 : i1 to vector<16xi1>
          %reduce_max3A_976 = arith.constant -2147483648 : i32
          %reduce_max3A_977 = vector.broadcast %reduce_max3A_976 : i32 to vector<16xi32>
          %reduce_max3A_978 = arith.xori %select_n3A_973, %reduce_max3A_977 : vector<16xi32>
          %reduce_max3A_979 = tpu.scan <max>, %reduce_max3A_978 masked %reduce_max3A_975 : vector<16xi32>, vector<16xi1> -> vector<16xi32>
          %reduce_max3A_980 = arith.xori %reduce_max3A_979, %reduce_max3A_977 : vector<16xi32>
          %reduce_max3A_981 = vector.extract %reduce_max3A_980[15] : i32 from vector<16xi32>
          %add3A_982 = arith.constant 128 : i32
          %add3A_983 = arith.addi %add3A_982, %reduce_max3A_969 : i32
          %sub3A = arith.constant 960 : i32
          %sub3A_984 = arith.subi %reduce_max3A_981, %sub3A : i32
          %get3A_985 = arith.index_cast %sub3A_984 : i32 to index
          %get3A_986 = arith.constant 0 : index
          %get3A_987 = tpu.vector_load %arg6[%get3A_985, %get3A_986] {strides = array<i32>} : memref<40x128xf32, #tpu.memory_space<vmem>>, vector<16xf32>,
          %swap3A_988 = arith.index_cast %rem3A_597 : i32 to index
          %swap3A_989 = arith.index_cast %add3A_983 : i32 to index
          %swap3A_990 = arith.constant 0 : index
          %swap3A_991 = tpu.vector_load %arg7[%swap3A_988, %swap3A_989, %swap3A_990] {strides = array<i32>} : memref<4x200x128xf32, #tpu.memory_space<vmem>>, vector<16xf32>,
          tpu.vector_store %arg7[%swap3A_988, %swap3A_989, %swap3A_990], %get3A_987 {strides = array<i32>} : memref<4x200x128xf32, #tpu.memory_space<vmem>>, vector<16xf32>,
          %get3A_992 = arith.index_cast %sub3A_984 : i32 to index
          %get3A_993 = arith.constant 16 : index
          %get3A_994 = tpu.vector_load %arg6[%get3A_992, %get3A_993] {strides = array<i32>} : memref<40x128xf32, #tpu.memory_space<vmem>>, vector<16xf32>,
          %swap3A_995 = arith.index_cast %rem3A_597 : i32 to index
          %swap3A_996 = arith.index_cast %add3A_983 : i32 to index
          %swap3A_997 = arith.constant 16 : index
          %swap3A_998 = tpu.vector_load %arg7[%swap3A_995, %swap3A_996, %swap3A_997] {strides = array<i32>} : memref<4x200x128xf32, #tpu.memory_space<vmem>>, vector<16xf32>,
          tpu.vector_store %arg7[%swap3A_995, %swap3A_996, %swap3A_997], %get3A_994 {strides = array<i32>} : memref<4x200x128xf32, #tpu.memory_space<vmem>>, vector<16xf32>,
          %get3A_999 = arith.index_cast %sub3A_984 : i32 to index
          %get3A_1000 = arith.constant 32 : index
          %get3A_1001 = tpu.vector_load %arg6[%get3A_999, %get3A_1000] {strides = array<i32>} : memref<40x128xf32, #tpu.memory_space<vmem>>, vector<16xf32>,
          %swap3A_1002 = arith.index_cast %rem3A_597 : i32 to index
          %swap3A_1003 = arith.index_cast %add3A_983 : i32 to index
          %swap3A_1004 = arith.constant 32 : index
          %swap3A_1005 = tpu.vector_load %arg7[%swap3A_1002, %swap3A_1003, %swap3A_1004] {strides = array<i32>} : memref<4x200x128xf32, #tpu.memory_space<vmem>>, vector<16xf32>,
          tpu.vector_store %arg7[%swap3A_1002, %swap3A_1003, %swap3A_1004], %get3A_1001 {strides = array<i32>} : memref<4x200x128xf32, #tpu.memory_space<vmem>>, vector<16xf32>,
          %get3A_1006 = arith.index_cast %sub3A_984 : i32 to index
          %get3A_1007 = arith.constant 48 : index
          %get3A_1008 = tpu.vector_load %arg6[%get3A_1006, %get3A_1007] {strides = array<i32>} : memref<40x128xf32, #tpu.memory_space<vmem>>, vector<16xf32>,
          %swap3A_1009 = arith.index_cast %rem3A_597 : i32 to index
          %swap3A_1010 = arith.index_cast %add3A_983 : i32 to index
          %swap3A_1011 = arith.constant 48 : index
          %swap3A_1012 = tpu.vector_load %arg7[%swap3A_1009, %swap3A_1010, %swap3A_1011] {strides = array<i32>} : memref<4x200x128xf32, #tpu.memory_space<vmem>>, vector<16xf32>,
          tpu.vector_store %arg7[%swap3A_1009, %swap3A_1010, %swap3A_1011], %get3A_1008 {strides = array<i32>} : memref<4x200x128xf32, #tpu.memory_space<vmem>>, vector<16xf32>,
          %get3A_1013 = arith.index_cast %sub3A_984 : i32 to index
          %get3A_1014 = arith.constant 64 : index
          %get3A_1015 = tpu.vector_load %arg6[%get3A_1013, %get3A_1014] {strides = array<i32>} : memref<40x128xf32, #tpu.memory_space<vmem>>, vector<16xf32>,
          %swap3A_1016 = arith.index_cast %rem3A_597 : i32 to index
          %swap3A_1017 = arith.index_cast %add3A_983 : i32 to index
          %swap3A_1018 = arith.constant 64 : index
          %swap3A_1019 = tpu.vector_load %arg7[%swap3A_1016, %swap3A_1017, %swap3A_1018] {strides = array<i32>} : memref<4x200x128xf32, #tpu.memory_space<vmem>>, vector<16xf32>,
          tpu.vector_store %arg7[%swap3A_1016, %swap3A_1017, %swap3A_1018], %get3A_1015 {strides = array<i32>} : memref<4x200x128xf32, #tpu.memory_space<vmem>>, vector<16xf32>,
          %get3A_1020 = arith.index_cast %sub3A_984 : i32 to index
          %get3A_1021 = arith.constant 80 : index
          %get3A_1022 = tpu.vector_load %arg6[%get3A_1020, %get3A_1021] {strides = array<i32>} : memref<40x128xf32, #tpu.memory_space<vmem>>, vector<16xf32>,
          %swap3A_1023 = arith.index_cast %rem3A_597 : i32 to index
          %swap3A_1024 = arith.index_cast %add3A_983 : i32 to index
          %swap3A_1025 = arith.constant 80 : index
          %swap3A_1026 = tpu.vector_load %arg7[%swap3A_1023, %swap3A_1024, %swap3A_1025] {strides = array<i32>} : memref<4x200x128xf32, #tpu.memory_space<vmem>>, vector<16xf32>,
          tpu.vector_store %arg7[%swap3A_1023, %swap3A_1024, %swap3A_1025], %get3A_1022 {strides = array<i32>} : memref<4x200x128xf32, #tpu.memory_space<vmem>>, vector<16xf32>,
          %get3A_1027 = arith.index_cast %sub3A_984 : i32 to index
          %get3A_1028 = arith.constant 96 : index
          %get3A_1029 = tpu.vector_load %arg6[%get3A_1027, %get3A_1028] {strides = array<i32>} : memref<40x128xf32, #tpu.memory_space<vmem>>, vector<16xf32>,
          %swap3A_1030 = arith.index_cast %rem3A_597 : i32 to index
          %swap3A_1031 = arith.index_cast %add3A_983 : i32 to index
          %swap3A_1032 = arith.constant 96 : index
          %swap3A_1033 = tpu.vector_load %arg7[%swap3A_1030, %swap3A_1031, %swap3A_1032] {strides = array<i32>} : memref<4x200x128xf32, #tpu.memory_space<vmem>>, vector<16xf32>,
          tpu.vector_store %arg7[%swap3A_1030, %swap3A_1031, %swap3A_1032], %get3A_1029 {strides = array<i32>} : memref<4x200x128xf32, #tpu.memory_space<vmem>>, vector<16xf32>,
          %get3A_1034 = arith.index_cast %sub3A_984 : i32 to index
          %get3A_1035 = arith.constant 112 : index
          %get3A_1036 = tpu.vector_load %arg6[%get3A_1034, %get3A_1035] {strides = array<i32>} : memref<40x128xf32, #tpu.memory_space<vmem>>, vector<16xf32>,
          %swap3A_1037 = arith.index_cast %rem3A_597 : i32 to index
          %swap3A_1038 = arith.index_cast %add3A_983 : i32 to index
          %swap3A_1039 = arith.constant 112 : index
          %swap3A_1040 = tpu.vector_load %arg7[%swap3A_1037, %swap3A_1038, %swap3A_1039] {strides = array<i32>} : memref<4x200x128xf32, #tpu.memory_space<vmem>>, vector<16xf32>,
          tpu.vector_store %arg7[%swap3A_1037, %swap3A_1038, %swap3A_1039], %get3A_1036 {strides = array<i32>} : memref<4x200x128xf32, #tpu.memory_space<vmem>>, vector<16xf32>,
          %ne3A = vector.broadcast %reduce_max3A_969 : i32 to vector<16xi32>
          %ne3A_1041 = arith.cmpi ne, %iota3A, %ne3A : vector<16xi32>
          %and3A_1042 = arith.andi %while3A_962, %ne3A_1041 : vector<16xi1>
          scf.yield %and3A_1042 : vector<16xi1>
        }
      } else {
      }
      %mul3A_844 = arith.constant 208 : i32
      %mul3A_845 = arith.muli %rem3A_597, %mul3A_844 : i32
      %add3A_846 = arith.constant 144 : i32
      %add3A_847 = arith.addi %mul3A_845, %add3A_846 : i32
      %get3A_848 = arith.index_cast %add3A_847 : i32 to index
      %get3A_849 = tpu.vector_load %arg8[%get3A_848] {strides = array<i32>} : memref<832xi32, #tpu.memory_space<vmem>>, vector<16xi32>,
      %ge3A_850 = arith.constant 960 : i32
      %ge3A_851 = vector.broadcast %ge3A_850 : i32 to vector<16xi32>
      %ge3A_852 = arith.cmpi sge, %get3A_849, %ge3A_851 : vector<16xi32>
      %reduce_or3A_853 = arith.constant 1.000000e+00 : f32
      %reduce_or3A_854 = arith.constant 0.000000e+00 : f32
      %reduce_or3A_855 = vector.broadcast %reduce_or3A_853 : f32 to vector<16xf32>
      %reduce_or3A_856 = vector.broadcast %reduce_or3A_854 : f32 to vector<16xf32>
      %reduce_or3A_857 = arith.select %ge3A_852, %reduce_or3A_855, %reduce_or3A_856 : vector<16xi1>, vector<16xf32>
      %reduce_or3A_858 = arith.constant true
      %reduce_or3A_859 = vector.broadcast %reduce_or3A_858 : i1 to vector<16xi1>
      %reduce_or3A_860 = tpu.scan <max>, %reduce_or3A_857 masked %reduce_or3A_859 : vector<16xf32>, vector<16xi1> -> vector<16xf32>
      %reduce_or3A_861 = vector.extract %reduce_or3A_860[15] : f32 from vector<16xf32>
      %reduce_or3A_862 = arith.constant 0.000000e+00 : f32
      %reduce_or3A_863 = arith.cmpf ogt, %reduce_or3A_861, %reduce_or3A_862 : f32
      %convert_element_type3A_864 = arith.extui %reduce_or3A_863 : i1 to i32
      %cond3A_865 = arith.constant 0 : i32
      %cond3A_866 = arith.cmpi ne, %convert_element_type3A_864, %cond3A_865 : i32
      scf.if %cond3A_866 {
        %while3A = scf.while (%while3A_962 = %ge3A_852) : (vector<16xi1>) -> vector<16xi1> {
          %reduce_or3A_963 = arith.constant 1.000000e+00 : f32
          %reduce_or3A_964 = arith.constant 0.000000e+00 : f32
          %reduce_or3A_965 = vector.broadcast %reduce_or3A_963 : f32 to vector<16xf32>
          %reduce_or3A_966 = vector.broadcast %reduce_or3A_964 : f32 to vector<16xf32>
          %reduce_or3A_967 = arith.select %while3A_962, %reduce_or3A_965, %reduce_or3A_966 : vector<16xi1>, vector<16xf32>
          %reduce_or3A_968 = arith.constant true
          %reduce_or3A_969 = vector.broadcast %reduce_or3A_968 : i1 to vector<16xi1>
          %reduce_or3A_970 = tpu.scan <max>, %reduce_or3A_967 masked %reduce_or3A_969 : vector<16xf32>, vector<16xi1> -> vector<16xf32>
          %reduce_or3A_971 = vector.extract %reduce_or3A_970[15] : f32 from vector<16xf32>
          %reduce_or3A_972 = arith.constant 0.000000e+00 : f32
          %reduce_or3A_973 = arith.cmpf ogt, %reduce_or3A_971, %reduce_or3A_972 : f32
          scf.condition(%reduce_or3A_973) %while3A_962 : vector<16xi1>
        } do {
        ^bb0(%while3A_962: vector<16xi1>):
          %jit3A = arith.constant -1 : i32
          %broadcast_in_dim3A = vector.broadcast %jit3A : i32 to vector<16xi32>
          %select_n3A = arith.select %while3A_962, %iota3A, %broadcast_in_dim3A : vector<16xi1>, vector<16xi32>
          %reduce_max3A = arith.constant true
          %reduce_max3A_963 = vector.broadcast %reduce_max3A : i1 to vector<16xi1>
          %reduce_max3A_964 = arith.constant -2147483648 : i32
          %reduce_max3A_965 = vector.broadcast %reduce_max3A_964 : i32 to vector<16xi32>
          %reduce_max3A_966 = arith.xori %select_n3A, %reduce_max3A_965 : vector<16xi32>
          %reduce_max3A_967 = tpu.scan <max>, %reduce_max3A_966 masked %reduce_max3A_963 : vector<16xi32>, vector<16xi1> -> vector<16xi32>
          %reduce_max3A_968 = arith.xori %reduce_max3A_967, %reduce_max3A_965 : vector<16xi32>
          %reduce_max3A_969 = vector.extract %reduce_max3A_968[15] : i32 from vector<16xi32>
          %eq3A = vector.broadcast %reduce_max3A_969 : i32 to vector<16xi32>
          %eq3A_970 = arith.cmpi eq, %iota3A, %eq3A : vector<16xi32>
          %jit3A_971 = arith.constant -1 : i32
          %broadcast_in_dim3A_972 = vector.broadcast %jit3A_971 : i32 to vector<16xi32>
          %select_n3A_973 = arith.select %eq3A_970, %get3A_849, %broadcast_in_dim3A_972 : vector<16xi1>, vector<16xi32>
          %reduce_max3A_974 = arith.constant true
          %reduce_max3A_975 = vector.broadcast %reduce_max3A_974 : i1 to vector<16xi1>
          %reduce_max3A_976 = arith.constant -2147483648 : i32
          %reduce_max3A_977 = vector.broadcast %reduce_max3A_976 : i32 to vector<16xi32>
          %reduce_max3A_978 = arith.xori %select_n3A_973, %reduce_max3A_977 : vector<16xi32>
          %reduce_max3A_979 = tpu.scan <max>, %reduce_max3A_978 masked %reduce_max3A_975 : vector<16xi32>, vector<16xi1> -> vector<16xi32>
          %reduce_max3A_980 = arith.xori %reduce_max3A_979, %reduce_max3A_977 : vector<16xi32>
          %reduce_max3A_981 = vector.extract %reduce_max3A_980[15] : i32 from vector<16xi32>
          %add3A_982 = arith.constant 144 : i32
          %add3A_983 = arith.addi %add3A_982, %reduce_max3A_969 : i32
          %sub3A = arith.constant 960 : i32
          %sub3A_984 = arith.subi %reduce_max3A_981, %sub3A : i32
          %get3A_985 = arith.index_cast %sub3A_984 : i32 to index
          %get3A_986 = arith.constant 0 : index
          %get3A_987 = tpu.vector_load %arg6[%get3A_985, %get3A_986] {strides = array<i32>} : memref<40x128xf32, #tpu.memory_space<vmem>>, vector<16xf32>,
          %swap3A_988 = arith.index_cast %rem3A_597 : i32 to index
          %swap3A_989 = arith.index_cast %add3A_983 : i32 to index
          %swap3A_990 = arith.constant 0 : index
          %swap3A_991 = tpu.vector_load %arg7[%swap3A_988, %swap3A_989, %swap3A_990] {strides = array<i32>} : memref<4x200x128xf32, #tpu.memory_space<vmem>>, vector<16xf32>,
          tpu.vector_store %arg7[%swap3A_988, %swap3A_989, %swap3A_990], %get3A_987 {strides = array<i32>} : memref<4x200x128xf32, #tpu.memory_space<vmem>>, vector<16xf32>,
          %get3A_992 = arith.index_cast %sub3A_984 : i32 to index
          %get3A_993 = arith.constant 16 : index
          %get3A_994 = tpu.vector_load %arg6[%get3A_992, %get3A_993] {strides = array<i32>} : memref<40x128xf32, #tpu.memory_space<vmem>>, vector<16xf32>,
          %swap3A_995 = arith.index_cast %rem3A_597 : i32 to index
          %swap3A_996 = arith.index_cast %add3A_983 : i32 to index
          %swap3A_997 = arith.constant 16 : index
          %swap3A_998 = tpu.vector_load %arg7[%swap3A_995, %swap3A_996, %swap3A_997] {strides = array<i32>} : memref<4x200x128xf32, #tpu.memory_space<vmem>>, vector<16xf32>,
          tpu.vector_store %arg7[%swap3A_995, %swap3A_996, %swap3A_997], %get3A_994 {strides = array<i32>} : memref<4x200x128xf32, #tpu.memory_space<vmem>>, vector<16xf32>,
          %get3A_999 = arith.index_cast %sub3A_984 : i32 to index
          %get3A_1000 = arith.constant 32 : index
          %get3A_1001 = tpu.vector_load %arg6[%get3A_999, %get3A_1000] {strides = array<i32>} : memref<40x128xf32, #tpu.memory_space<vmem>>, vector<16xf32>,
          %swap3A_1002 = arith.index_cast %rem3A_597 : i32 to index
          %swap3A_1003 = arith.index_cast %add3A_983 : i32 to index
          %swap3A_1004 = arith.constant 32 : index
          %swap3A_1005 = tpu.vector_load %arg7[%swap3A_1002, %swap3A_1003, %swap3A_1004] {strides = array<i32>} : memref<4x200x128xf32, #tpu.memory_space<vmem>>, vector<16xf32>,
          tpu.vector_store %arg7[%swap3A_1002, %swap3A_1003, %swap3A_1004], %get3A_1001 {strides = array<i32>} : memref<4x200x128xf32, #tpu.memory_space<vmem>>, vector<16xf32>,
          %get3A_1006 = arith.index_cast %sub3A_984 : i32 to index
          %get3A_1007 = arith.constant 48 : index
          %get3A_1008 = tpu.vector_load %arg6[%get3A_1006, %get3A_1007] {strides = array<i32>} : memref<40x128xf32, #tpu.memory_space<vmem>>, vector<16xf32>,
          %swap3A_1009 = arith.index_cast %rem3A_597 : i32 to index
          %swap3A_1010 = arith.index_cast %add3A_983 : i32 to index
          %swap3A_1011 = arith.constant 48 : index
          %swap3A_1012 = tpu.vector_load %arg7[%swap3A_1009, %swap3A_1010, %swap3A_1011] {strides = array<i32>} : memref<4x200x128xf32, #tpu.memory_space<vmem>>, vector<16xf32>,
          tpu.vector_store %arg7[%swap3A_1009, %swap3A_1010, %swap3A_1011], %get3A_1008 {strides = array<i32>} : memref<4x200x128xf32, #tpu.memory_space<vmem>>, vector<16xf32>,
          %get3A_1013 = arith.index_cast %sub3A_984 : i32 to index
          %get3A_1014 = arith.constant 64 : index
          %get3A_1015 = tpu.vector_load %arg6[%get3A_1013, %get3A_1014] {strides = array<i32>} : memref<40x128xf32, #tpu.memory_space<vmem>>, vector<16xf32>,
          %swap3A_1016 = arith.index_cast %rem3A_597 : i32 to index
          %swap3A_1017 = arith.index_cast %add3A_983 : i32 to index
          %swap3A_1018 = arith.constant 64 : index
          %swap3A_1019 = tpu.vector_load %arg7[%swap3A_1016, %swap3A_1017, %swap3A_1018] {strides = array<i32>} : memref<4x200x128xf32, #tpu.memory_space<vmem>>, vector<16xf32>,
          tpu.vector_store %arg7[%swap3A_1016, %swap3A_1017, %swap3A_1018], %get3A_1015 {strides = array<i32>} : memref<4x200x128xf32, #tpu.memory_space<vmem>>, vector<16xf32>,
          %get3A_1020 = arith.index_cast %sub3A_984 : i32 to index
          %get3A_1021 = arith.constant 80 : index
          %get3A_1022 = tpu.vector_load %arg6[%get3A_1020, %get3A_1021] {strides = array<i32>} : memref<40x128xf32, #tpu.memory_space<vmem>>, vector<16xf32>,
          %swap3A_1023 = arith.index_cast %rem3A_597 : i32 to index
          %swap3A_1024 = arith.index_cast %add3A_983 : i32 to index
          %swap3A_1025 = arith.constant 80 : index
          %swap3A_1026 = tpu.vector_load %arg7[%swap3A_1023, %swap3A_1024, %swap3A_1025] {strides = array<i32>} : memref<4x200x128xf32, #tpu.memory_space<vmem>>, vector<16xf32>,
          tpu.vector_store %arg7[%swap3A_1023, %swap3A_1024, %swap3A_1025], %get3A_1022 {strides = array<i32>} : memref<4x200x128xf32, #tpu.memory_space<vmem>>, vector<16xf32>,
          %get3A_1027 = arith.index_cast %sub3A_984 : i32 to index
          %get3A_1028 = arith.constant 96 : index
          %get3A_1029 = tpu.vector_load %arg6[%get3A_1027, %get3A_1028] {strides = array<i32>} : memref<40x128xf32, #tpu.memory_space<vmem>>, vector<16xf32>,
          %swap3A_1030 = arith.index_cast %rem3A_597 : i32 to index
          %swap3A_1031 = arith.index_cast %add3A_983 : i32 to index
          %swap3A_1032 = arith.constant 96 : index
          %swap3A_1033 = tpu.vector_load %arg7[%swap3A_1030, %swap3A_1031, %swap3A_1032] {strides = array<i32>} : memref<4x200x128xf32, #tpu.memory_space<vmem>>, vector<16xf32>,
          tpu.vector_store %arg7[%swap3A_1030, %swap3A_1031, %swap3A_1032], %get3A_1029 {strides = array<i32>} : memref<4x200x128xf32, #tpu.memory_space<vmem>>, vector<16xf32>,
          %get3A_1034 = arith.index_cast %sub3A_984 : i32 to index
          %get3A_1035 = arith.constant 112 : index
          %get3A_1036 = tpu.vector_load %arg6[%get3A_1034, %get3A_1035] {strides = array<i32>} : memref<40x128xf32, #tpu.memory_space<vmem>>, vector<16xf32>,
          %swap3A_1037 = arith.index_cast %rem3A_597 : i32 to index
          %swap3A_1038 = arith.index_cast %add3A_983 : i32 to index
          %swap3A_1039 = arith.constant 112 : index
          %swap3A_1040 = tpu.vector_load %arg7[%swap3A_1037, %swap3A_1038, %swap3A_1039] {strides = array<i32>} : memref<4x200x128xf32, #tpu.memory_space<vmem>>, vector<16xf32>,
          tpu.vector_store %arg7[%swap3A_1037, %swap3A_1038, %swap3A_1039], %get3A_1036 {strides = array<i32>} : memref<4x200x128xf32, #tpu.memory_space<vmem>>, vector<16xf32>,
          %ne3A = vector.broadcast %reduce_max3A_969 : i32 to vector<16xi32>
          %ne3A_1041 = arith.cmpi ne, %iota3A, %ne3A : vector<16xi32>
          %and3A_1042 = arith.andi %while3A_962, %ne3A_1041 : vector<16xi1>
          scf.yield %and3A_1042 : vector<16xi1>
        }
      } else {
      }
      %mul3A_867 = arith.constant 208 : i32
      %mul3A_868 = arith.muli %rem3A_597, %mul3A_867 : i32
      %add3A_869 = arith.constant 160 : i32
      %add3A_870 = arith.addi %mul3A_868, %add3A_869 : i32
      %get3A_871 = arith.index_cast %add3A_870 : i32 to index
      %get3A_872 = tpu.vector_load %arg8[%get3A_871] {strides = array<i32>} : memref<832xi32, #tpu.memory_space<vmem>>, vector<16xi32>,
      %ge3A_873 = arith.constant 960 : i32
      %ge3A_874 = vector.broadcast %ge3A_873 : i32 to vector<16xi32>
      %ge3A_875 = arith.cmpi sge, %get3A_872, %ge3A_874 : vector<16xi32>
      %reduce_or3A_876 = arith.constant 1.000000e+00 : f32
      %reduce_or3A_877 = arith.constant 0.000000e+00 : f32
      %reduce_or3A_878 = vector.broadcast %reduce_or3A_876 : f32 to vector<16xf32>
      %reduce_or3A_879 = vector.broadcast %reduce_or3A_877 : f32 to vector<16xf32>
      %reduce_or3A_880 = arith.select %ge3A_875, %reduce_or3A_878, %reduce_or3A_879 : vector<16xi1>, vector<16xf32>
      %reduce_or3A_881 = arith.constant true
      %reduce_or3A_882 = vector.broadcast %reduce_or3A_881 : i1 to vector<16xi1>
      %reduce_or3A_883 = tpu.scan <max>, %reduce_or3A_880 masked %reduce_or3A_882 : vector<16xf32>, vector<16xi1> -> vector<16xf32>
      %reduce_or3A_884 = vector.extract %reduce_or3A_883[15] : f32 from vector<16xf32>
      %reduce_or3A_885 = arith.constant 0.000000e+00 : f32
      %reduce_or3A_886 = arith.cmpf ogt, %reduce_or3A_884, %reduce_or3A_885 : f32
      %convert_element_type3A_887 = arith.extui %reduce_or3A_886 : i1 to i32
      %cond3A_888 = arith.constant 0 : i32
      %cond3A_889 = arith.cmpi ne, %convert_element_type3A_887, %cond3A_888 : i32
      scf.if %cond3A_889 {
        %while3A = scf.while (%while3A_962 = %ge3A_875) : (vector<16xi1>) -> vector<16xi1> {
          %reduce_or3A_963 = arith.constant 1.000000e+00 : f32
          %reduce_or3A_964 = arith.constant 0.000000e+00 : f32
          %reduce_or3A_965 = vector.broadcast %reduce_or3A_963 : f32 to vector<16xf32>
          %reduce_or3A_966 = vector.broadcast %reduce_or3A_964 : f32 to vector<16xf32>
          %reduce_or3A_967 = arith.select %while3A_962, %reduce_or3A_965, %reduce_or3A_966 : vector<16xi1>, vector<16xf32>
          %reduce_or3A_968 = arith.constant true
          %reduce_or3A_969 = vector.broadcast %reduce_or3A_968 : i1 to vector<16xi1>
          %reduce_or3A_970 = tpu.scan <max>, %reduce_or3A_967 masked %reduce_or3A_969 : vector<16xf32>, vector<16xi1> -> vector<16xf32>
          %reduce_or3A_971 = vector.extract %reduce_or3A_970[15] : f32 from vector<16xf32>
          %reduce_or3A_972 = arith.constant 0.000000e+00 : f32
          %reduce_or3A_973 = arith.cmpf ogt, %reduce_or3A_971, %reduce_or3A_972 : f32
          scf.condition(%reduce_or3A_973) %while3A_962 : vector<16xi1>
        } do {
        ^bb0(%while3A_962: vector<16xi1>):
          %jit3A = arith.constant -1 : i32
          %broadcast_in_dim3A = vector.broadcast %jit3A : i32 to vector<16xi32>
          %select_n3A = arith.select %while3A_962, %iota3A, %broadcast_in_dim3A : vector<16xi1>, vector<16xi32>
          %reduce_max3A = arith.constant true
          %reduce_max3A_963 = vector.broadcast %reduce_max3A : i1 to vector<16xi1>
          %reduce_max3A_964 = arith.constant -2147483648 : i32
          %reduce_max3A_965 = vector.broadcast %reduce_max3A_964 : i32 to vector<16xi32>
          %reduce_max3A_966 = arith.xori %select_n3A, %reduce_max3A_965 : vector<16xi32>
          %reduce_max3A_967 = tpu.scan <max>, %reduce_max3A_966 masked %reduce_max3A_963 : vector<16xi32>, vector<16xi1> -> vector<16xi32>
          %reduce_max3A_968 = arith.xori %reduce_max3A_967, %reduce_max3A_965 : vector<16xi32>
          %reduce_max3A_969 = vector.extract %reduce_max3A_968[15] : i32 from vector<16xi32>
          %eq3A = vector.broadcast %reduce_max3A_969 : i32 to vector<16xi32>
          %eq3A_970 = arith.cmpi eq, %iota3A, %eq3A : vector<16xi32>
          %jit3A_971 = arith.constant -1 : i32
          %broadcast_in_dim3A_972 = vector.broadcast %jit3A_971 : i32 to vector<16xi32>
          %select_n3A_973 = arith.select %eq3A_970, %get3A_872, %broadcast_in_dim3A_972 : vector<16xi1>, vector<16xi32>
          %reduce_max3A_974 = arith.constant true
          %reduce_max3A_975 = vector.broadcast %reduce_max3A_974 : i1 to vector<16xi1>
          %reduce_max3A_976 = arith.constant -2147483648 : i32
          %reduce_max3A_977 = vector.broadcast %reduce_max3A_976 : i32 to vector<16xi32>
          %reduce_max3A_978 = arith.xori %select_n3A_973, %reduce_max3A_977 : vector<16xi32>
          %reduce_max3A_979 = tpu.scan <max>, %reduce_max3A_978 masked %reduce_max3A_975 : vector<16xi32>, vector<16xi1> -> vector<16xi32>
          %reduce_max3A_980 = arith.xori %reduce_max3A_979, %reduce_max3A_977 : vector<16xi32>
          %reduce_max3A_981 = vector.extract %reduce_max3A_980[15] : i32 from vector<16xi32>
          %add3A_982 = arith.constant 160 : i32
          %add3A_983 = arith.addi %add3A_982, %reduce_max3A_969 : i32
          %sub3A = arith.constant 960 : i32
          %sub3A_984 = arith.subi %reduce_max3A_981, %sub3A : i32
          %get3A_985 = arith.index_cast %sub3A_984 : i32 to index
          %get3A_986 = arith.constant 0 : index
          %get3A_987 = tpu.vector_load %arg6[%get3A_985, %get3A_986] {strides = array<i32>} : memref<40x128xf32, #tpu.memory_space<vmem>>, vector<16xf32>,
          %swap3A_988 = arith.index_cast %rem3A_597 : i32 to index
          %swap3A_989 = arith.index_cast %add3A_983 : i32 to index
          %swap3A_990 = arith.constant 0 : index
          %swap3A_991 = tpu.vector_load %arg7[%swap3A_988, %swap3A_989, %swap3A_990] {strides = array<i32>} : memref<4x200x128xf32, #tpu.memory_space<vmem>>, vector<16xf32>,
          tpu.vector_store %arg7[%swap3A_988, %swap3A_989, %swap3A_990], %get3A_987 {strides = array<i32>} : memref<4x200x128xf32, #tpu.memory_space<vmem>>, vector<16xf32>,
          %get3A_992 = arith.index_cast %sub3A_984 : i32 to index
          %get3A_993 = arith.constant 16 : index
          %get3A_994 = tpu.vector_load %arg6[%get3A_992, %get3A_993] {strides = array<i32>} : memref<40x128xf32, #tpu.memory_space<vmem>>, vector<16xf32>,
          %swap3A_995 = arith.index_cast %rem3A_597 : i32 to index
          %swap3A_996 = arith.index_cast %add3A_983 : i32 to index
          %swap3A_997 = arith.constant 16 : index
          %swap3A_998 = tpu.vector_load %arg7[%swap3A_995, %swap3A_996, %swap3A_997] {strides = array<i32>} : memref<4x200x128xf32, #tpu.memory_space<vmem>>, vector<16xf32>,
          tpu.vector_store %arg7[%swap3A_995, %swap3A_996, %swap3A_997], %get3A_994 {strides = array<i32>} : memref<4x200x128xf32, #tpu.memory_space<vmem>>, vector<16xf32>,
          %get3A_999 = arith.index_cast %sub3A_984 : i32 to index
          %get3A_1000 = arith.constant 32 : index
          %get3A_1001 = tpu.vector_load %arg6[%get3A_999, %get3A_1000] {strides = array<i32>} : memref<40x128xf32, #tpu.memory_space<vmem>>, vector<16xf32>,
          %swap3A_1002 = arith.index_cast %rem3A_597 : i32 to index
          %swap3A_1003 = arith.index_cast %add3A_983 : i32 to index
          %swap3A_1004 = arith.constant 32 : index
          %swap3A_1005 = tpu.vector_load %arg7[%swap3A_1002, %swap3A_1003, %swap3A_1004] {strides = array<i32>} : memref<4x200x128xf32, #tpu.memory_space<vmem>>, vector<16xf32>,
          tpu.vector_store %arg7[%swap3A_1002, %swap3A_1003, %swap3A_1004], %get3A_1001 {strides = array<i32>} : memref<4x200x128xf32, #tpu.memory_space<vmem>>, vector<16xf32>,
          %get3A_1006 = arith.index_cast %sub3A_984 : i32 to index
          %get3A_1007 = arith.constant 48 : index
          %get3A_1008 = tpu.vector_load %arg6[%get3A_1006, %get3A_1007] {strides = array<i32>} : memref<40x128xf32, #tpu.memory_space<vmem>>, vector<16xf32>,
          %swap3A_1009 = arith.index_cast %rem3A_597 : i32 to index
          %swap3A_1010 = arith.index_cast %add3A_983 : i32 to index
          %swap3A_1011 = arith.constant 48 : index
          %swap3A_1012 = tpu.vector_load %arg7[%swap3A_1009, %swap3A_1010, %swap3A_1011] {strides = array<i32>} : memref<4x200x128xf32, #tpu.memory_space<vmem>>, vector<16xf32>,
          tpu.vector_store %arg7[%swap3A_1009, %swap3A_1010, %swap3A_1011], %get3A_1008 {strides = array<i32>} : memref<4x200x128xf32, #tpu.memory_space<vmem>>, vector<16xf32>,
          %get3A_1013 = arith.index_cast %sub3A_984 : i32 to index
          %get3A_1014 = arith.constant 64 : index
          %get3A_1015 = tpu.vector_load %arg6[%get3A_1013, %get3A_1014] {strides = array<i32>} : memref<40x128xf32, #tpu.memory_space<vmem>>, vector<16xf32>,
          %swap3A_1016 = arith.index_cast %rem3A_597 : i32 to index
          %swap3A_1017 = arith.index_cast %add3A_983 : i32 to index
          %swap3A_1018 = arith.constant 64 : index
          %swap3A_1019 = tpu.vector_load %arg7[%swap3A_1016, %swap3A_1017, %swap3A_1018] {strides = array<i32>} : memref<4x200x128xf32, #tpu.memory_space<vmem>>, vector<16xf32>,
          tpu.vector_store %arg7[%swap3A_1016, %swap3A_1017, %swap3A_1018], %get3A_1015 {strides = array<i32>} : memref<4x200x128xf32, #tpu.memory_space<vmem>>, vector<16xf32>,
          %get3A_1020 = arith.index_cast %sub3A_984 : i32 to index
          %get3A_1021 = arith.constant 80 : index
          %get3A_1022 = tpu.vector_load %arg6[%get3A_1020, %get3A_1021] {strides = array<i32>} : memref<40x128xf32, #tpu.memory_space<vmem>>, vector<16xf32>,
          %swap3A_1023 = arith.index_cast %rem3A_597 : i32 to index
          %swap3A_1024 = arith.index_cast %add3A_983 : i32 to index
          %swap3A_1025 = arith.constant 80 : index
          %swap3A_1026 = tpu.vector_load %arg7[%swap3A_1023, %swap3A_1024, %swap3A_1025] {strides = array<i32>} : memref<4x200x128xf32, #tpu.memory_space<vmem>>, vector<16xf32>,
          tpu.vector_store %arg7[%swap3A_1023, %swap3A_1024, %swap3A_1025], %get3A_1022 {strides = array<i32>} : memref<4x200x128xf32, #tpu.memory_space<vmem>>, vector<16xf32>,
          %get3A_1027 = arith.index_cast %sub3A_984 : i32 to index
          %get3A_1028 = arith.constant 96 : index
          %get3A_1029 = tpu.vector_load %arg6[%get3A_1027, %get3A_1028] {strides = array<i32>} : memref<40x128xf32, #tpu.memory_space<vmem>>, vector<16xf32>,
          %swap3A_1030 = arith.index_cast %rem3A_597 : i32 to index
          %swap3A_1031 = arith.index_cast %add3A_983 : i32 to index
          %swap3A_1032 = arith.constant 96 : index
          %swap3A_1033 = tpu.vector_load %arg7[%swap3A_1030, %swap3A_1031, %swap3A_1032] {strides = array<i32>} : memref<4x200x128xf32, #tpu.memory_space<vmem>>, vector<16xf32>,
          tpu.vector_store %arg7[%swap3A_1030, %swap3A_1031, %swap3A_1032], %get3A_1029 {strides = array<i32>} : memref<4x200x128xf32, #tpu.memory_space<vmem>>, vector<16xf32>,
          %get3A_1034 = arith.index_cast %sub3A_984 : i32 to index
          %get3A_1035 = arith.constant 112 : index
          %get3A_1036 = tpu.vector_load %arg6[%get3A_1034, %get3A_1035] {strides = array<i32>} : memref<40x128xf32, #tpu.memory_space<vmem>>, vector<16xf32>,
          %swap3A_1037 = arith.index_cast %rem3A_597 : i32 to index
          %swap3A_1038 = arith.index_cast %add3A_983 : i32 to index
          %swap3A_1039 = arith.constant 112 : index
          %swap3A_1040 = tpu.vector_load %arg7[%swap3A_1037, %swap3A_1038, %swap3A_1039] {strides = array<i32>} : memref<4x200x128xf32, #tpu.memory_space<vmem>>, vector<16xf32>,
          tpu.vector_store %arg7[%swap3A_1037, %swap3A_1038, %swap3A_1039], %get3A_1036 {strides = array<i32>} : memref<4x200x128xf32, #tpu.memory_space<vmem>>, vector<16xf32>,
          %ne3A = vector.broadcast %reduce_max3A_969 : i32 to vector<16xi32>
          %ne3A_1041 = arith.cmpi ne, %iota3A, %ne3A : vector<16xi32>
          %and3A_1042 = arith.andi %while3A_962, %ne3A_1041 : vector<16xi1>
          scf.yield %and3A_1042 : vector<16xi1>
        }
      } else {
      }
      %mul3A_890 = arith.constant 208 : i32
      %mul3A_891 = arith.muli %rem3A_597, %mul3A_890 : i32
      %add3A_892 = arith.constant 176 : i32
      %add3A_893 = arith.addi %mul3A_891, %add3A_892 : i32
      %get3A_894 = arith.index_cast %add3A_893 : i32 to index
      %get3A_895 = tpu.vector_load %arg8[%get3A_894] {strides = array<i32>} : memref<832xi32, #tpu.memory_space<vmem>>, vector<16xi32>,
      %ge3A_896 = arith.constant 960 : i32
      %ge3A_897 = vector.broadcast %ge3A_896 : i32 to vector<16xi32>
      %ge3A_898 = arith.cmpi sge, %get3A_895, %ge3A_897 : vector<16xi32>
      %reduce_or3A_899 = arith.constant 1.000000e+00 : f32
      %reduce_or3A_900 = arith.constant 0.000000e+00 : f32
      %reduce_or3A_901 = vector.broadcast %reduce_or3A_899 : f32 to vector<16xf32>
      %reduce_or3A_902 = vector.broadcast %reduce_or3A_900 : f32 to vector<16xf32>
      %reduce_or3A_903 = arith.select %ge3A_898, %reduce_or3A_901, %reduce_or3A_902 : vector<16xi1>, vector<16xf32>
      %reduce_or3A_904 = arith.constant true
      %reduce_or3A_905 = vector.broadcast %reduce_or3A_904 : i1 to vector<16xi1>
      %reduce_or3A_906 = tpu.scan <max>, %reduce_or3A_903 masked %reduce_or3A_905 : vector<16xf32>, vector<16xi1> -> vector<16xf32>
      %reduce_or3A_907 = vector.extract %reduce_or3A_906[15] : f32 from vector<16xf32>
      %reduce_or3A_908 = arith.constant 0.000000e+00 : f32
      %reduce_or3A_909 = arith.cmpf ogt, %reduce_or3A_907, %reduce_or3A_908 : f32
      %convert_element_type3A_910 = arith.extui %reduce_or3A_909 : i1 to i32
      %cond3A_911 = arith.constant 0 : i32
      %cond3A_912 = arith.cmpi ne, %convert_element_type3A_910, %cond3A_911 : i32
      scf.if %cond3A_912 {
        %while3A = scf.while (%while3A_962 = %ge3A_898) : (vector<16xi1>) -> vector<16xi1> {
          %reduce_or3A_963 = arith.constant 1.000000e+00 : f32
          %reduce_or3A_964 = arith.constant 0.000000e+00 : f32
          %reduce_or3A_965 = vector.broadcast %reduce_or3A_963 : f32 to vector<16xf32>
          %reduce_or3A_966 = vector.broadcast %reduce_or3A_964 : f32 to vector<16xf32>
          %reduce_or3A_967 = arith.select %while3A_962, %reduce_or3A_965, %reduce_or3A_966 : vector<16xi1>, vector<16xf32>
          %reduce_or3A_968 = arith.constant true
          %reduce_or3A_969 = vector.broadcast %reduce_or3A_968 : i1 to vector<16xi1>
          %reduce_or3A_970 = tpu.scan <max>, %reduce_or3A_967 masked %reduce_or3A_969 : vector<16xf32>, vector<16xi1> -> vector<16xf32>
          %reduce_or3A_971 = vector.extract %reduce_or3A_970[15] : f32 from vector<16xf32>
          %reduce_or3A_972 = arith.constant 0.000000e+00 : f32
          %reduce_or3A_973 = arith.cmpf ogt, %reduce_or3A_971, %reduce_or3A_972 : f32
          scf.condition(%reduce_or3A_973) %while3A_962 : vector<16xi1>
        } do {
        ^bb0(%while3A_962: vector<16xi1>):
          %jit3A = arith.constant -1 : i32
          %broadcast_in_dim3A = vector.broadcast %jit3A : i32 to vector<16xi32>
          %select_n3A = arith.select %while3A_962, %iota3A, %broadcast_in_dim3A : vector<16xi1>, vector<16xi32>
          %reduce_max3A = arith.constant true
          %reduce_max3A_963 = vector.broadcast %reduce_max3A : i1 to vector<16xi1>
          %reduce_max3A_964 = arith.constant -2147483648 : i32
          %reduce_max3A_965 = vector.broadcast %reduce_max3A_964 : i32 to vector<16xi32>
          %reduce_max3A_966 = arith.xori %select_n3A, %reduce_max3A_965 : vector<16xi32>
          %reduce_max3A_967 = tpu.scan <max>, %reduce_max3A_966 masked %reduce_max3A_963 : vector<16xi32>, vector<16xi1> -> vector<16xi32>
          %reduce_max3A_968 = arith.xori %reduce_max3A_967, %reduce_max3A_965 : vector<16xi32>
          %reduce_max3A_969 = vector.extract %reduce_max3A_968[15] : i32 from vector<16xi32>
          %eq3A = vector.broadcast %reduce_max3A_969 : i32 to vector<16xi32>
          %eq3A_970 = arith.cmpi eq, %iota3A, %eq3A : vector<16xi32>
          %jit3A_971 = arith.constant -1 : i32
          %broadcast_in_dim3A_972 = vector.broadcast %jit3A_971 : i32 to vector<16xi32>
          %select_n3A_973 = arith.select %eq3A_970, %get3A_895, %broadcast_in_dim3A_972 : vector<16xi1>, vector<16xi32>
          %reduce_max3A_974 = arith.constant true
          %reduce_max3A_975 = vector.broadcast %reduce_max3A_974 : i1 to vector<16xi1>
          %reduce_max3A_976 = arith.constant -2147483648 : i32
          %reduce_max3A_977 = vector.broadcast %reduce_max3A_976 : i32 to vector<16xi32>
          %reduce_max3A_978 = arith.xori %select_n3A_973, %reduce_max3A_977 : vector<16xi32>
          %reduce_max3A_979 = tpu.scan <max>, %reduce_max3A_978 masked %reduce_max3A_975 : vector<16xi32>, vector<16xi1> -> vector<16xi32>
          %reduce_max3A_980 = arith.xori %reduce_max3A_979, %reduce_max3A_977 : vector<16xi32>
          %reduce_max3A_981 = vector.extract %reduce_max3A_980[15] : i32 from vector<16xi32>
          %add3A_982 = arith.constant 176 : i32
          %add3A_983 = arith.addi %add3A_982, %reduce_max3A_969 : i32
          %sub3A = arith.constant 960 : i32
          %sub3A_984 = arith.subi %reduce_max3A_981, %sub3A : i32
          %get3A_985 = arith.index_cast %sub3A_984 : i32 to index
          %get3A_986 = arith.constant 0 : index
          %get3A_987 = tpu.vector_load %arg6[%get3A_985, %get3A_986] {strides = array<i32>} : memref<40x128xf32, #tpu.memory_space<vmem>>, vector<16xf32>,
          %swap3A_988 = arith.index_cast %rem3A_597 : i32 to index
          %swap3A_989 = arith.index_cast %add3A_983 : i32 to index
          %swap3A_990 = arith.constant 0 : index
          %swap3A_991 = tpu.vector_load %arg7[%swap3A_988, %swap3A_989, %swap3A_990] {strides = array<i32>} : memref<4x200x128xf32, #tpu.memory_space<vmem>>, vector<16xf32>,
          tpu.vector_store %arg7[%swap3A_988, %swap3A_989, %swap3A_990], %get3A_987 {strides = array<i32>} : memref<4x200x128xf32, #tpu.memory_space<vmem>>, vector<16xf32>,
          %get3A_992 = arith.index_cast %sub3A_984 : i32 to index
          %get3A_993 = arith.constant 16 : index
          %get3A_994 = tpu.vector_load %arg6[%get3A_992, %get3A_993] {strides = array<i32>} : memref<40x128xf32, #tpu.memory_space<vmem>>, vector<16xf32>,
          %swap3A_995 = arith.index_cast %rem3A_597 : i32 to index
          %swap3A_996 = arith.index_cast %add3A_983 : i32 to index
          %swap3A_997 = arith.constant 16 : index
          %swap3A_998 = tpu.vector_load %arg7[%swap3A_995, %swap3A_996, %swap3A_997] {strides = array<i32>} : memref<4x200x128xf32, #tpu.memory_space<vmem>>, vector<16xf32>,
          tpu.vector_store %arg7[%swap3A_995, %swap3A_996, %swap3A_997], %get3A_994 {strides = array<i32>} : memref<4x200x128xf32, #tpu.memory_space<vmem>>, vector<16xf32>,
          %get3A_999 = arith.index_cast %sub3A_984 : i32 to index
          %get3A_1000 = arith.constant 32 : index
          %get3A_1001 = tpu.vector_load %arg6[%get3A_999, %get3A_1000] {strides = array<i32>} : memref<40x128xf32, #tpu.memory_space<vmem>>, vector<16xf32>,
          %swap3A_1002 = arith.index_cast %rem3A_597 : i32 to index
          %swap3A_1003 = arith.index_cast %add3A_983 : i32 to index
          %swap3A_1004 = arith.constant 32 : index
          %swap3A_1005 = tpu.vector_load %arg7[%swap3A_1002, %swap3A_1003, %swap3A_1004] {strides = array<i32>} : memref<4x200x128xf32, #tpu.memory_space<vmem>>, vector<16xf32>,
          tpu.vector_store %arg7[%swap3A_1002, %swap3A_1003, %swap3A_1004], %get3A_1001 {strides = array<i32>} : memref<4x200x128xf32, #tpu.memory_space<vmem>>, vector<16xf32>,
          %get3A_1006 = arith.index_cast %sub3A_984 : i32 to index
          %get3A_1007 = arith.constant 48 : index
          %get3A_1008 = tpu.vector_load %arg6[%get3A_1006, %get3A_1007] {strides = array<i32>} : memref<40x128xf32, #tpu.memory_space<vmem>>, vector<16xf32>,
          %swap3A_1009 = arith.index_cast %rem3A_597 : i32 to index
          %swap3A_1010 = arith.index_cast %add3A_983 : i32 to index
          %swap3A_1011 = arith.constant 48 : index
          %swap3A_1012 = tpu.vector_load %arg7[%swap3A_1009, %swap3A_1010, %swap3A_1011] {strides = array<i32>} : memref<4x200x128xf32, #tpu.memory_space<vmem>>, vector<16xf32>,
          tpu.vector_store %arg7[%swap3A_1009, %swap3A_1010, %swap3A_1011], %get3A_1008 {strides = array<i32>} : memref<4x200x128xf32, #tpu.memory_space<vmem>>, vector<16xf32>,
          %get3A_1013 = arith.index_cast %sub3A_984 : i32 to index
          %get3A_1014 = arith.constant 64 : index
          %get3A_1015 = tpu.vector_load %arg6[%get3A_1013, %get3A_1014] {strides = array<i32>} : memref<40x128xf32, #tpu.memory_space<vmem>>, vector<16xf32>,
          %swap3A_1016 = arith.index_cast %rem3A_597 : i32 to index
          %swap3A_1017 = arith.index_cast %add3A_983 : i32 to index
          %swap3A_1018 = arith.constant 64 : index
          %swap3A_1019 = tpu.vector_load %arg7[%swap3A_1016, %swap3A_1017, %swap3A_1018] {strides = array<i32>} : memref<4x200x128xf32, #tpu.memory_space<vmem>>, vector<16xf32>,
          tpu.vector_store %arg7[%swap3A_1016, %swap3A_1017, %swap3A_1018], %get3A_1015 {strides = array<i32>} : memref<4x200x128xf32, #tpu.memory_space<vmem>>, vector<16xf32>,
          %get3A_1020 = arith.index_cast %sub3A_984 : i32 to index
          %get3A_1021 = arith.constant 80 : index
          %get3A_1022 = tpu.vector_load %arg6[%get3A_1020, %get3A_1021] {strides = array<i32>} : memref<40x128xf32, #tpu.memory_space<vmem>>, vector<16xf32>,
          %swap3A_1023 = arith.index_cast %rem3A_597 : i32 to index
          %swap3A_1024 = arith.index_cast %add3A_983 : i32 to index
          %swap3A_1025 = arith.constant 80 : index
          %swap3A_1026 = tpu.vector_load %arg7[%swap3A_1023, %swap3A_1024, %swap3A_1025] {strides = array<i32>} : memref<4x200x128xf32, #tpu.memory_space<vmem>>, vector<16xf32>,
          tpu.vector_store %arg7[%swap3A_1023, %swap3A_1024, %swap3A_1025], %get3A_1022 {strides = array<i32>} : memref<4x200x128xf32, #tpu.memory_space<vmem>>, vector<16xf32>,
          %get3A_1027 = arith.index_cast %sub3A_984 : i32 to index
          %get3A_1028 = arith.constant 96 : index
          %get3A_1029 = tpu.vector_load %arg6[%get3A_1027, %get3A_1028] {strides = array<i32>} : memref<40x128xf32, #tpu.memory_space<vmem>>, vector<16xf32>,
          %swap3A_1030 = arith.index_cast %rem3A_597 : i32 to index
          %swap3A_1031 = arith.index_cast %add3A_983 : i32 to index
          %swap3A_1032 = arith.constant 96 : index
          %swap3A_1033 = tpu.vector_load %arg7[%swap3A_1030, %swap3A_1031, %swap3A_1032] {strides = array<i32>} : memref<4x200x128xf32, #tpu.memory_space<vmem>>, vector<16xf32>,
          tpu.vector_store %arg7[%swap3A_1030, %swap3A_1031, %swap3A_1032], %get3A_1029 {strides = array<i32>} : memref<4x200x128xf32, #tpu.memory_space<vmem>>, vector<16xf32>,
          %get3A_1034 = arith.index_cast %sub3A_984 : i32 to index
          %get3A_1035 = arith.constant 112 : index
          %get3A_1036 = tpu.vector_load %arg6[%get3A_1034, %get3A_1035] {strides = array<i32>} : memref<40x128xf32, #tpu.memory_space<vmem>>, vector<16xf32>,
          %swap3A_1037 = arith.index_cast %rem3A_597 : i32 to index
          %swap3A_1038 = arith.index_cast %add3A_983 : i32 to index
          %swap3A_1039 = arith.constant 112 : index
          %swap3A_1040 = tpu.vector_load %arg7[%swap3A_1037, %swap3A_1038, %swap3A_1039] {strides = array<i32>} : memref<4x200x128xf32, #tpu.memory_space<vmem>>, vector<16xf32>,
          tpu.vector_store %arg7[%swap3A_1037, %swap3A_1038, %swap3A_1039], %get3A_1036 {strides = array<i32>} : memref<4x200x128xf32, #tpu.memory_space<vmem>>, vector<16xf32>,
          %ne3A = vector.broadcast %reduce_max3A_969 : i32 to vector<16xi32>
          %ne3A_1041 = arith.cmpi ne, %iota3A, %ne3A : vector<16xi32>
          %and3A_1042 = arith.andi %while3A_962, %ne3A_1041 : vector<16xi1>
          scf.yield %and3A_1042 : vector<16xi1>
        }
      } else {
      }
      %mul3A_913 = arith.constant 208 : i32
      %mul3A_914 = arith.muli %rem3A_597, %mul3A_913 : i32
      %add3A_915 = arith.constant 192 : i32
      %add3A_916 = arith.addi %mul3A_914, %add3A_915 : i32
      %get3A_917 = arith.index_cast %add3A_916 : i32 to index
      %get3A_918 = tpu.vector_load %arg8[%get3A_917] {strides = array<i32>} : memref<832xi32, #tpu.memory_space<vmem>>, vector<16xi32>,
      %ge3A_919 = arith.constant 960 : i32
      %ge3A_920 = vector.broadcast %ge3A_919 : i32 to vector<16xi32>
      %ge3A_921 = arith.cmpi sge, %get3A_918, %ge3A_920 : vector<16xi32>
      %lt3A_922 = arith.constant 8 : i32
      %lt3A_923 = vector.broadcast %lt3A_922 : i32 to vector<16xi32>
      %lt3A_924 = arith.cmpi slt, %iota3A, %lt3A_923 : vector<16xi32>
      %and3A = arith.andi %ge3A_921, %lt3A_924 : vector<16xi1>
      %reduce_or3A_925 = arith.constant 1.000000e+00 : f32
      %reduce_or3A_926 = arith.constant 0.000000e+00 : f32
      %reduce_or3A_927 = vector.broadcast %reduce_or3A_925 : f32 to vector<16xf32>
      %reduce_or3A_928 = vector.broadcast %reduce_or3A_926 : f32 to vector<16xf32>
      %reduce_or3A_929 = arith.select %and3A, %reduce_or3A_927, %reduce_or3A_928 : vector<16xi1>, vector<16xf32>
      %reduce_or3A_930 = arith.constant true
      %reduce_or3A_931 = vector.broadcast %reduce_or3A_930 : i1 to vector<16xi1>
      %reduce_or3A_932 = tpu.scan <max>, %reduce_or3A_929 masked %reduce_or3A_931 : vector<16xf32>, vector<16xi1> -> vector<16xf32>
      %reduce_or3A_933 = vector.extract %reduce_or3A_932[15] : f32 from vector<16xf32>
      %reduce_or3A_934 = arith.constant 0.000000e+00 : f32
      %reduce_or3A_935 = arith.cmpf ogt, %reduce_or3A_933, %reduce_or3A_934 : f32
      %convert_element_type3A_936 = arith.extui %reduce_or3A_935 : i1 to i32
      %cond3A_937 = arith.constant 0 : i32
      %cond3A_938 = arith.cmpi ne, %convert_element_type3A_936, %cond3A_937 : i32
      scf.if %cond3A_938 {
        %while3A = scf.while (%while3A_962 = %and3A) : (vector<16xi1>) -> vector<16xi1> {
          %reduce_or3A_963 = arith.constant 1.000000e+00 : f32
          %reduce_or3A_964 = arith.constant 0.000000e+00 : f32
          %reduce_or3A_965 = vector.broadcast %reduce_or3A_963 : f32 to vector<16xf32>
          %reduce_or3A_966 = vector.broadcast %reduce_or3A_964 : f32 to vector<16xf32>
          %reduce_or3A_967 = arith.select %while3A_962, %reduce_or3A_965, %reduce_or3A_966 : vector<16xi1>, vector<16xf32>
          %reduce_or3A_968 = arith.constant true
          %reduce_or3A_969 = vector.broadcast %reduce_or3A_968 : i1 to vector<16xi1>
          %reduce_or3A_970 = tpu.scan <max>, %reduce_or3A_967 masked %reduce_or3A_969 : vector<16xf32>, vector<16xi1> -> vector<16xf32>
          %reduce_or3A_971 = vector.extract %reduce_or3A_970[15] : f32 from vector<16xf32>
          %reduce_or3A_972 = arith.constant 0.000000e+00 : f32
          %reduce_or3A_973 = arith.cmpf ogt, %reduce_or3A_971, %reduce_or3A_972 : f32
          scf.condition(%reduce_or3A_973) %while3A_962 : vector<16xi1>
        } do {
        ^bb0(%while3A_962: vector<16xi1>):
          %jit3A = arith.constant -1 : i32
          %broadcast_in_dim3A = vector.broadcast %jit3A : i32 to vector<16xi32>
          %select_n3A = arith.select %while3A_962, %iota3A, %broadcast_in_dim3A : vector<16xi1>, vector<16xi32>
          %reduce_max3A = arith.constant true
          %reduce_max3A_963 = vector.broadcast %reduce_max3A : i1 to vector<16xi1>
          %reduce_max3A_964 = arith.constant -2147483648 : i32
          %reduce_max3A_965 = vector.broadcast %reduce_max3A_964 : i32 to vector<16xi32>
          %reduce_max3A_966 = arith.xori %select_n3A, %reduce_max3A_965 : vector<16xi32>
          %reduce_max3A_967 = tpu.scan <max>, %reduce_max3A_966 masked %reduce_max3A_963 : vector<16xi32>, vector<16xi1> -> vector<16xi32>
          %reduce_max3A_968 = arith.xori %reduce_max3A_967, %reduce_max3A_965 : vector<16xi32>
          %reduce_max3A_969 = vector.extract %reduce_max3A_968[15] : i32 from vector<16xi32>
          %eq3A = vector.broadcast %reduce_max3A_969 : i32 to vector<16xi32>
          %eq3A_970 = arith.cmpi eq, %iota3A, %eq3A : vector<16xi32>
          %jit3A_971 = arith.constant -1 : i32
          %broadcast_in_dim3A_972 = vector.broadcast %jit3A_971 : i32 to vector<16xi32>
          %select_n3A_973 = arith.select %eq3A_970, %get3A_918, %broadcast_in_dim3A_972 : vector<16xi1>, vector<16xi32>
          %reduce_max3A_974 = arith.constant true
          %reduce_max3A_975 = vector.broadcast %reduce_max3A_974 : i1 to vector<16xi1>
          %reduce_max3A_976 = arith.constant -2147483648 : i32
          %reduce_max3A_977 = vector.broadcast %reduce_max3A_976 : i32 to vector<16xi32>
          %reduce_max3A_978 = arith.xori %select_n3A_973, %reduce_max3A_977 : vector<16xi32>
          %reduce_max3A_979 = tpu.scan <max>, %reduce_max3A_978 masked %reduce_max3A_975 : vector<16xi32>, vector<16xi1> -> vector<16xi32>
          %reduce_max3A_980 = arith.xori %reduce_max3A_979, %reduce_max3A_977 : vector<16xi32>
          %reduce_max3A_981 = vector.extract %reduce_max3A_980[15] : i32 from vector<16xi32>
          %add3A_982 = arith.constant 192 : i32
          %add3A_983 = arith.addi %add3A_982, %reduce_max3A_969 : i32
          %sub3A = arith.constant 960 : i32
          %sub3A_984 = arith.subi %reduce_max3A_981, %sub3A : i32
          %get3A_985 = arith.index_cast %sub3A_984 : i32 to index
          %get3A_986 = arith.constant 0 : index
          %get3A_987 = tpu.vector_load %arg6[%get3A_985, %get3A_986] {strides = array<i32>} : memref<40x128xf32, #tpu.memory_space<vmem>>, vector<16xf32>,
          %swap3A_988 = arith.index_cast %rem3A_597 : i32 to index
          %swap3A_989 = arith.index_cast %add3A_983 : i32 to index
          %swap3A_990 = arith.constant 0 : index
          %swap3A_991 = tpu.vector_load %arg7[%swap3A_988, %swap3A_989, %swap3A_990] {strides = array<i32>} : memref<4x200x128xf32, #tpu.memory_space<vmem>>, vector<16xf32>,
          tpu.vector_store %arg7[%swap3A_988, %swap3A_989, %swap3A_990], %get3A_987 {strides = array<i32>} : memref<4x200x128xf32, #tpu.memory_space<vmem>>, vector<16xf32>,
          %get3A_992 = arith.index_cast %sub3A_984 : i32 to index
          %get3A_993 = arith.constant 16 : index
          %get3A_994 = tpu.vector_load %arg6[%get3A_992, %get3A_993] {strides = array<i32>} : memref<40x128xf32, #tpu.memory_space<vmem>>, vector<16xf32>,
          %swap3A_995 = arith.index_cast %rem3A_597 : i32 to index
          %swap3A_996 = arith.index_cast %add3A_983 : i32 to index
          %swap3A_997 = arith.constant 16 : index
          %swap3A_998 = tpu.vector_load %arg7[%swap3A_995, %swap3A_996, %swap3A_997] {strides = array<i32>} : memref<4x200x128xf32, #tpu.memory_space<vmem>>, vector<16xf32>,
          tpu.vector_store %arg7[%swap3A_995, %swap3A_996, %swap3A_997], %get3A_994 {strides = array<i32>} : memref<4x200x128xf32, #tpu.memory_space<vmem>>, vector<16xf32>,
          %get3A_999 = arith.index_cast %sub3A_984 : i32 to index
          %get3A_1000 = arith.constant 32 : index
          %get3A_1001 = tpu.vector_load %arg6[%get3A_999, %get3A_1000] {strides = array<i32>} : memref<40x128xf32, #tpu.memory_space<vmem>>, vector<16xf32>,
          %swap3A_1002 = arith.index_cast %rem3A_597 : i32 to index
          %swap3A_1003 = arith.index_cast %add3A_983 : i32 to index
          %swap3A_1004 = arith.constant 32 : index
          %swap3A_1005 = tpu.vector_load %arg7[%swap3A_1002, %swap3A_1003, %swap3A_1004] {strides = array<i32>} : memref<4x200x128xf32, #tpu.memory_space<vmem>>, vector<16xf32>,
          tpu.vector_store %arg7[%swap3A_1002, %swap3A_1003, %swap3A_1004], %get3A_1001 {strides = array<i32>} : memref<4x200x128xf32, #tpu.memory_space<vmem>>, vector<16xf32>,
          %get3A_1006 = arith.index_cast %sub3A_984 : i32 to index
          %get3A_1007 = arith.constant 48 : index
          %get3A_1008 = tpu.vector_load %arg6[%get3A_1006, %get3A_1007] {strides = array<i32>} : memref<40x128xf32, #tpu.memory_space<vmem>>, vector<16xf32>,
          %swap3A_1009 = arith.index_cast %rem3A_597 : i32 to index
          %swap3A_1010 = arith.index_cast %add3A_983 : i32 to index
          %swap3A_1011 = arith.constant 48 : index
          %swap3A_1012 = tpu.vector_load %arg7[%swap3A_1009, %swap3A_1010, %swap3A_1011] {strides = array<i32>} : memref<4x200x128xf32, #tpu.memory_space<vmem>>, vector<16xf32>,
          tpu.vector_store %arg7[%swap3A_1009, %swap3A_1010, %swap3A_1011], %get3A_1008 {strides = array<i32>} : memref<4x200x128xf32, #tpu.memory_space<vmem>>, vector<16xf32>,
          %get3A_1013 = arith.index_cast %sub3A_984 : i32 to index
          %get3A_1014 = arith.constant 64 : index
          %get3A_1015 = tpu.vector_load %arg6[%get3A_1013, %get3A_1014] {strides = array<i32>} : memref<40x128xf32, #tpu.memory_space<vmem>>, vector<16xf32>,
          %swap3A_1016 = arith.index_cast %rem3A_597 : i32 to index
          %swap3A_1017 = arith.index_cast %add3A_983 : i32 to index
          %swap3A_1018 = arith.constant 64 : index
          %swap3A_1019 = tpu.vector_load %arg7[%swap3A_1016, %swap3A_1017, %swap3A_1018] {strides = array<i32>} : memref<4x200x128xf32, #tpu.memory_space<vmem>>, vector<16xf32>,
          tpu.vector_store %arg7[%swap3A_1016, %swap3A_1017, %swap3A_1018], %get3A_1015 {strides = array<i32>} : memref<4x200x128xf32, #tpu.memory_space<vmem>>, vector<16xf32>,
          %get3A_1020 = arith.index_cast %sub3A_984 : i32 to index
          %get3A_1021 = arith.constant 80 : index
          %get3A_1022 = tpu.vector_load %arg6[%get3A_1020, %get3A_1021] {strides = array<i32>} : memref<40x128xf32, #tpu.memory_space<vmem>>, vector<16xf32>,
          %swap3A_1023 = arith.index_cast %rem3A_597 : i32 to index
          %swap3A_1024 = arith.index_cast %add3A_983 : i32 to index
          %swap3A_1025 = arith.constant 80 : index
          %swap3A_1026 = tpu.vector_load %arg7[%swap3A_1023, %swap3A_1024, %swap3A_1025] {strides = array<i32>} : memref<4x200x128xf32, #tpu.memory_space<vmem>>, vector<16xf32>,
          tpu.vector_store %arg7[%swap3A_1023, %swap3A_1024, %swap3A_1025], %get3A_1022 {strides = array<i32>} : memref<4x200x128xf32, #tpu.memory_space<vmem>>, vector<16xf32>,
          %get3A_1027 = arith.index_cast %sub3A_984 : i32 to index
          %get3A_1028 = arith.constant 96 : index
          %get3A_1029 = tpu.vector_load %arg6[%get3A_1027, %get3A_1028] {strides = array<i32>} : memref<40x128xf32, #tpu.memory_space<vmem>>, vector<16xf32>,
          %swap3A_1030 = arith.index_cast %rem3A_597 : i32 to index
          %swap3A_1031 = arith.index_cast %add3A_983 : i32 to index
          %swap3A_1032 = arith.constant 96 : index
          %swap3A_1033 = tpu.vector_load %arg7[%swap3A_1030, %swap3A_1031, %swap3A_1032] {strides = array<i32>} : memref<4x200x128xf32, #tpu.memory_space<vmem>>, vector<16xf32>,
          tpu.vector_store %arg7[%swap3A_1030, %swap3A_1031, %swap3A_1032], %get3A_1029 {strides = array<i32>} : memref<4x200x128xf32, #tpu.memory_space<vmem>>, vector<16xf32>,
          %get3A_1034 = arith.index_cast %sub3A_984 : i32 to index
          %get3A_1035 = arith.constant 112 : index
          %get3A_1036 = tpu.vector_load %arg6[%get3A_1034, %get3A_1035] {strides = array<i32>} : memref<40x128xf32, #tpu.memory_space<vmem>>, vector<16xf32>,
          %swap3A_1037 = arith.index_cast %rem3A_597 : i32 to index
          %swap3A_1038 = arith.index_cast %add3A_983 : i32 to index
          %swap3A_1039 = arith.constant 112 : index
          %swap3A_1040 = tpu.vector_load %arg7[%swap3A_1037, %swap3A_1038, %swap3A_1039] {strides = array<i32>} : memref<4x200x128xf32, #tpu.memory_space<vmem>>, vector<16xf32>,
          tpu.vector_store %arg7[%swap3A_1037, %swap3A_1038, %swap3A_1039], %get3A_1036 {strides = array<i32>} : memref<4x200x128xf32, #tpu.memory_space<vmem>>, vector<16xf32>,
          %ne3A = vector.broadcast %reduce_max3A_969 : i32 to vector<16xi32>
          %ne3A_1041 = arith.cmpi ne, %iota3A, %ne3A : vector<16xi32>
          %and3A_1042 = arith.andi %while3A_962, %ne3A_1041 : vector<16xi1>
          scf.yield %and3A_1042 : vector<16xi1>
        }
      } else {
      }
      %scan3A_939 = arith.constant 0 : i32
      %scan3A_940 = arith.constant 0 : i32
      %scan3A_941 = arith.constant 100 : i32
      %scan3A_942 = arith.addi %scan3A_940, %scan3A_941 : i32
      %scan3A_943 = arith.constant 4 : i32
      scf.for %scan3A_962 = %scan3A_940 to %scan3A_942 step %scan3A_943  : i32 {
        %mul3A_963 = arith.constant 2 : i32
        %mul3A_964 = arith.muli %mul3A_963, %scan3A_962 : i32
        %add3A_965 = arith.constant 1 : i32
        %add3A_966 = arith.addi %mul3A_964, %add3A_965 : i32
        %get3A_967 = arith.index_cast %rem3A_597 : i32 to index
        %get3A_968 = arith.index_cast %add3A_966 : i32 to index
        %get3A_969 = arith.constant 0 : index
        %get3A_970 = tpu.vector_load %arg7[%get3A_967, %get3A_968, %get3A_969] {strides = array<i32>} : memref<4x200x128xf32, #tpu.memory_space<vmem>>, vector<16xf32>,
        %add3A_971 = arith.constant 1.000000e+00 : f32
        %add3A_972 = vector.broadcast %add3A_971 : f32 to vector<16xf32>
        %add3A_973 = arith.addf %get3A_970, %add3A_972 : vector<16xf32>
        %mul3A_974 = arith.constant 2 : i32
        %mul3A_975 = arith.muli %mul3A_974, %scan3A_962 : i32
        %add3A_976 = arith.constant 1 : i32
        %add3A_977 = arith.addi %mul3A_975, %add3A_976 : i32
        %swap3A_978 = arith.index_cast %rem3A_597 : i32 to index
        %swap3A_979 = arith.index_cast %add3A_977 : i32 to index
        %swap3A_980 = arith.constant 0 : index
        %swap3A_981 = tpu.vector_load %arg7[%swap3A_978, %swap3A_979, %swap3A_980] {strides = array<i32>} : memref<4x200x128xf32, #tpu.memory_space<vmem>>, vector<16xf32>,
        tpu.vector_store %arg7[%swap3A_978, %swap3A_979, %swap3A_980], %add3A_973 {strides = array<i32>} : memref<4x200x128xf32, #tpu.memory_space<vmem>>, vector<16xf32>,
        %mul3A_982 = arith.constant 2 : i32
        %mul3A_983 = arith.muli %mul3A_982, %scan3A_962 : i32
        %add3A_984 = arith.constant 1 : i32
        %add3A_985 = arith.addi %mul3A_983, %add3A_984 : i32
        %get3A_986 = arith.index_cast %rem3A_597 : i32 to index
        %get3A_987 = arith.index_cast %add3A_985 : i32 to index
        %get3A_988 = arith.constant 16 : index
        %get3A_989 = tpu.vector_load %arg7[%get3A_986, %get3A_987, %get3A_988] {strides = array<i32>} : memref<4x200x128xf32, #tpu.memory_space<vmem>>, vector<16xf32>,
        %add3A_990 = arith.constant 1.000000e+00 : f32
        %add3A_991 = vector.broadcast %add3A_990 : f32 to vector<16xf32>
        %add3A_992 = arith.addf %get3A_989, %add3A_991 : vector<16xf32>
        %mul3A_993 = arith.constant 2 : i32
        %mul3A_994 = arith.muli %mul3A_993, %scan3A_962 : i32
        %add3A_995 = arith.constant 1 : i32
        %add3A_996 = arith.addi %mul3A_994, %add3A_995 : i32
        %swap3A_997 = arith.index_cast %rem3A_597 : i32 to index
        %swap3A_998 = arith.index_cast %add3A_996 : i32 to index
        %swap3A_999 = arith.constant 16 : index
        %swap3A_1000 = tpu.vector_load %arg7[%swap3A_997, %swap3A_998, %swap3A_999] {strides = array<i32>} : memref<4x200x128xf32, #tpu.memory_space<vmem>>, vector<16xf32>,
        tpu.vector_store %arg7[%swap3A_997, %swap3A_998, %swap3A_999], %add3A_992 {strides = array<i32>} : memref<4x200x128xf32, #tpu.memory_space<vmem>>, vector<16xf32>,
        %mul3A_1001 = arith.constant 2 : i32
        %mul3A_1002 = arith.muli %mul3A_1001, %scan3A_962 : i32
        %add3A_1003 = arith.constant 1 : i32
        %add3A_1004 = arith.addi %mul3A_1002, %add3A_1003 : i32
        %get3A_1005 = arith.index_cast %rem3A_597 : i32 to index
        %get3A_1006 = arith.index_cast %add3A_1004 : i32 to index
        %get3A_1007 = arith.constant 32 : index
        %get3A_1008 = tpu.vector_load %arg7[%get3A_1005, %get3A_1006, %get3A_1007] {strides = array<i32>} : memref<4x200x128xf32, #tpu.memory_space<vmem>>, vector<16xf32>,
        %add3A_1009 = arith.constant 1.000000e+00 : f32
        %add3A_1010 = vector.broadcast %add3A_1009 : f32 to vector<16xf32>
        %add3A_1011 = arith.addf %get3A_1008, %add3A_1010 : vector<16xf32>
        %mul3A_1012 = arith.constant 2 : i32
        %mul3A_1013 = arith.muli %mul3A_1012, %scan3A_962 : i32
        %add3A_1014 = arith.constant 1 : i32
        %add3A_1015 = arith.addi %mul3A_1013, %add3A_1014 : i32
        %swap3A_1016 = arith.index_cast %rem3A_597 : i32 to index
        %swap3A_1017 = arith.index_cast %add3A_1015 : i32 to index
        %swap3A_1018 = arith.constant 32 : index
        %swap3A_1019 = tpu.vector_load %arg7[%swap3A_1016, %swap3A_1017, %swap3A_1018] {strides = array<i32>} : memref<4x200x128xf32, #tpu.memory_space<vmem>>, vector<16xf32>,
        tpu.vector_store %arg7[%swap3A_1016, %swap3A_1017, %swap3A_1018], %add3A_1011 {strides = array<i32>} : memref<4x200x128xf32, #tpu.memory_space<vmem>>, vector<16xf32>,
        %mul3A_1020 = arith.constant 2 : i32
        %mul3A_1021 = arith.muli %mul3A_1020, %scan3A_962 : i32
        %add3A_1022 = arith.constant 1 : i32
        %add3A_1023 = arith.addi %mul3A_1021, %add3A_1022 : i32
        %get3A_1024 = arith.index_cast %rem3A_597 : i32 to index
        %get3A_1025 = arith.index_cast %add3A_1023 : i32 to index
        %get3A_1026 = arith.constant 48 : index
        %get3A_1027 = tpu.vector_load %arg7[%get3A_1024, %get3A_1025, %get3A_1026] {strides = array<i32>} : memref<4x200x128xf32, #tpu.memory_space<vmem>>, vector<16xf32>,
        %add3A_1028 = arith.constant 1.000000e+00 : f32
        %add3A_1029 = vector.broadcast %add3A_1028 : f32 to vector<16xf32>
        %add3A_1030 = arith.addf %get3A_1027, %add3A_1029 : vector<16xf32>
        %mul3A_1031 = arith.constant 2 : i32
        %mul3A_1032 = arith.muli %mul3A_1031, %scan3A_962 : i32
        %add3A_1033 = arith.constant 1 : i32
        %add3A_1034 = arith.addi %mul3A_1032, %add3A_1033 : i32
        %swap3A_1035 = arith.index_cast %rem3A_597 : i32 to index
        %swap3A_1036 = arith.index_cast %add3A_1034 : i32 to index
        %swap3A_1037 = arith.constant 48 : index
        %swap3A_1038 = tpu.vector_load %arg7[%swap3A_1035, %swap3A_1036, %swap3A_1037] {strides = array<i32>} : memref<4x200x128xf32, #tpu.memory_space<vmem>>, vector<16xf32>,
        tpu.vector_store %arg7[%swap3A_1035, %swap3A_1036, %swap3A_1037], %add3A_1030 {strides = array<i32>} : memref<4x200x128xf32, #tpu.memory_space<vmem>>, vector<16xf32>,
        %mul3A_1039 = arith.constant 2 : i32
        %mul3A_1040 = arith.muli %mul3A_1039, %scan3A_962 : i32
        %add3A_1041 = arith.constant 1 : i32
        %add3A_1042 = arith.addi %mul3A_1040, %add3A_1041 : i32
        %get3A_1043 = arith.index_cast %rem3A_597 : i32 to index
        %get3A_1044 = arith.index_cast %add3A_1042 : i32 to index
        %get3A_1045 = arith.constant 64 : index
        %get3A_1046 = tpu.vector_load %arg7[%get3A_1043, %get3A_1044, %get3A_1045] {strides = array<i32>} : memref<4x200x128xf32, #tpu.memory_space<vmem>>, vector<16xf32>,
        %add3A_1047 = arith.constant 1.000000e+00 : f32
        %add3A_1048 = vector.broadcast %add3A_1047 : f32 to vector<16xf32>
        %add3A_1049 = arith.addf %get3A_1046, %add3A_1048 : vector<16xf32>
        %mul3A_1050 = arith.constant 2 : i32
        %mul3A_1051 = arith.muli %mul3A_1050, %scan3A_962 : i32
        %add3A_1052 = arith.constant 1 : i32
        %add3A_1053 = arith.addi %mul3A_1051, %add3A_1052 : i32
        %swap3A_1054 = arith.index_cast %rem3A_597 : i32 to index
        %swap3A_1055 = arith.index_cast %add3A_1053 : i32 to index
        %swap3A_1056 = arith.constant 64 : index
        %swap3A_1057 = tpu.vector_load %arg7[%swap3A_1054, %swap3A_1055, %swap3A_1056] {strides = array<i32>} : memref<4x200x128xf32, #tpu.memory_space<vmem>>, vector<16xf32>,
        tpu.vector_store %arg7[%swap3A_1054, %swap3A_1055, %swap3A_1056], %add3A_1049 {strides = array<i32>} : memref<4x200x128xf32, #tpu.memory_space<vmem>>, vector<16xf32>,
        %mul3A_1058 = arith.constant 2 : i32
        %mul3A_1059 = arith.muli %mul3A_1058, %scan3A_962 : i32
        %add3A_1060 = arith.constant 1 : i32
        %add3A_1061 = arith.addi %mul3A_1059, %add3A_1060 : i32
        %get3A_1062 = arith.index_cast %rem3A_597 : i32 to index
        %get3A_1063 = arith.index_cast %add3A_1061 : i32 to index
        %get3A_1064 = arith.constant 80 : index
        %get3A_1065 = tpu.vector_load %arg7[%get3A_1062, %get3A_1063, %get3A_1064] {strides = array<i32>} : memref<4x200x128xf32, #tpu.memory_space<vmem>>, vector<16xf32>,
        %add3A_1066 = arith.constant 1.000000e+00 : f32
        %add3A_1067 = vector.broadcast %add3A_1066 : f32 to vector<16xf32>
        %add3A_1068 = arith.addf %get3A_1065, %add3A_1067 : vector<16xf32>
        %mul3A_1069 = arith.constant 2 : i32
        %mul3A_1070 = arith.muli %mul3A_1069, %scan3A_962 : i32
        %add3A_1071 = arith.constant 1 : i32
        %add3A_1072 = arith.addi %mul3A_1070, %add3A_1071 : i32
        %swap3A_1073 = arith.index_cast %rem3A_597 : i32 to index
        %swap3A_1074 = arith.index_cast %add3A_1072 : i32 to index
        %swap3A_1075 = arith.constant 80 : index
        %swap3A_1076 = tpu.vector_load %arg7[%swap3A_1073, %swap3A_1074, %swap3A_1075] {strides = array<i32>} : memref<4x200x128xf32, #tpu.memory_space<vmem>>, vector<16xf32>,
        tpu.vector_store %arg7[%swap3A_1073, %swap3A_1074, %swap3A_1075], %add3A_1068 {strides = array<i32>} : memref<4x200x128xf32, #tpu.memory_space<vmem>>, vector<16xf32>,
        %mul3A_1077 = arith.constant 2 : i32
        %mul3A_1078 = arith.muli %mul3A_1077, %scan3A_962 : i32
        %add3A_1079 = arith.constant 1 : i32
        %add3A_1080 = arith.addi %mul3A_1078, %add3A_1079 : i32
        %get3A_1081 = arith.index_cast %rem3A_597 : i32 to index
        %get3A_1082 = arith.index_cast %add3A_1080 : i32 to index
        %get3A_1083 = arith.constant 96 : index
        %get3A_1084 = tpu.vector_load %arg7[%get3A_1081, %get3A_1082, %get3A_1083] {strides = array<i32>} : memref<4x200x128xf32, #tpu.memory_space<vmem>>, vector<16xf32>,
        %add3A_1085 = arith.constant 1.000000e+00 : f32
        %add3A_1086 = vector.broadcast %add3A_1085 : f32 to vector<16xf32>
        %add3A_1087 = arith.addf %get3A_1084, %add3A_1086 : vector<16xf32>
        %mul3A_1088 = arith.constant 2 : i32
        %mul3A_1089 = arith.muli %mul3A_1088, %scan3A_962 : i32
        %add3A_1090 = arith.constant 1 : i32
        %add3A_1091 = arith.addi %mul3A_1089, %add3A_1090 : i32
        %swap3A_1092 = arith.index_cast %rem3A_597 : i32 to index
        %swap3A_1093 = arith.index_cast %add3A_1091 : i32 to index
        %swap3A_1094 = arith.constant 96 : index
        %swap3A_1095 = tpu.vector_load %arg7[%swap3A_1092, %swap3A_1093, %swap3A_1094] {strides = array<i32>} : memref<4x200x128xf32, #tpu.memory_space<vmem>>, vector<16xf32>,
        tpu.vector_store %arg7[%swap3A_1092, %swap3A_1093, %swap3A_1094], %add3A_1087 {strides = array<i32>} : memref<4x200x128xf32, #tpu.memory_space<vmem>>, vector<16xf32>,
        %mul3A_1096 = arith.constant 2 : i32
        %mul3A_1097 = arith.muli %mul3A_1096, %scan3A_962 : i32
        %add3A_1098 = arith.constant 1 : i32
        %add3A_1099 = arith.addi %mul3A_1097, %add3A_1098 : i32
        %get3A_1100 = arith.index_cast %rem3A_597 : i32 to index
        %get3A_1101 = arith.index_cast %add3A_1099 : i32 to index
        %get3A_1102 = arith.constant 112 : index
        %get3A_1103 = tpu.vector_load %arg7[%get3A_1100, %get3A_1101, %get3A_1102] {strides = array<i32>} : memref<4x200x128xf32, #tpu.memory_space<vmem>>, vector<16xf32>,
        %add3A_1104 = arith.constant 1.000000e+00 : f32
        %add3A_1105 = vector.broadcast %add3A_1104 : f32 to vector<16xf32>
        %add3A_1106 = arith.addf %get3A_1103, %add3A_1105 : vector<16xf32>
        %mul3A_1107 = arith.constant 2 : i32
        %mul3A_1108 = arith.muli %mul3A_1107, %scan3A_962 : i32
        %add3A_1109 = arith.constant 1 : i32
        %add3A_1110 = arith.addi %mul3A_1108, %add3A_1109 : i32
        %swap3A_1111 = arith.index_cast %rem3A_597 : i32 to index
        %swap3A_1112 = arith.index_cast %add3A_1110 : i32 to index
        %swap3A_1113 = arith.constant 112 : index
        %swap3A_1114 = tpu.vector_load %arg7[%swap3A_1111, %swap3A_1112, %swap3A_1113] {strides = array<i32>} : memref<4x200x128xf32, #tpu.memory_space<vmem>>, vector<16xf32>,
        tpu.vector_store %arg7[%swap3A_1111, %swap3A_1112, %swap3A_1113], %add3A_1106 {strides = array<i32>} : memref<4x200x128xf32, #tpu.memory_space<vmem>>, vector<16xf32>,
        %scan3A_1115 = arith.constant 1 : i32
        %scan3A_1116 = arith.addi %scan3A_962, %scan3A_1115 : i32
        %mul3A_1117 = arith.constant 2 : i32
        %mul3A_1118 = arith.muli %mul3A_1117, %scan3A_1116 : i32
        %add3A_1119 = arith.constant 1 : i32
        %add3A_1120 = arith.addi %mul3A_1118, %add3A_1119 : i32
        %get3A_1121 = arith.index_cast %rem3A_597 : i32 to index
        %get3A_1122 = arith.index_cast %add3A_1120 : i32 to index
        %get3A_1123 = arith.constant 0 : index
        %get3A_1124 = tpu.vector_load %arg7[%get3A_1121, %get3A_1122, %get3A_1123] {strides = array<i32>} : memref<4x200x128xf32, #tpu.memory_space<vmem>>, vector<16xf32>,
        %add3A_1125 = arith.constant 1.000000e+00 : f32
        %add3A_1126 = vector.broadcast %add3A_1125 : f32 to vector<16xf32>
        %add3A_1127 = arith.addf %get3A_1124, %add3A_1126 : vector<16xf32>
        %mul3A_1128 = arith.constant 2 : i32
        %mul3A_1129 = arith.muli %mul3A_1128, %scan3A_1116 : i32
        %add3A_1130 = arith.constant 1 : i32
        %add3A_1131 = arith.addi %mul3A_1129, %add3A_1130 : i32
        %swap3A_1132 = arith.index_cast %rem3A_597 : i32 to index
        %swap3A_1133 = arith.index_cast %add3A_1131 : i32 to index
        %swap3A_1134 = arith.constant 0 : index
        %swap3A_1135 = tpu.vector_load %arg7[%swap3A_1132, %swap3A_1133, %swap3A_1134] {strides = array<i32>} : memref<4x200x128xf32, #tpu.memory_space<vmem>>, vector<16xf32>,
        tpu.vector_store %arg7[%swap3A_1132, %swap3A_1133, %swap3A_1134], %add3A_1127 {strides = array<i32>} : memref<4x200x128xf32, #tpu.memory_space<vmem>>, vector<16xf32>,
        %mul3A_1136 = arith.constant 2 : i32
        %mul3A_1137 = arith.muli %mul3A_1136, %scan3A_1116 : i32
        %add3A_1138 = arith.constant 1 : i32
        %add3A_1139 = arith.addi %mul3A_1137, %add3A_1138 : i32
        %get3A_1140 = arith.index_cast %rem3A_597 : i32 to index
        %get3A_1141 = arith.index_cast %add3A_1139 : i32 to index
        %get3A_1142 = arith.constant 16 : index
        %get3A_1143 = tpu.vector_load %arg7[%get3A_1140, %get3A_1141, %get3A_1142] {strides = array<i32>} : memref<4x200x128xf32, #tpu.memory_space<vmem>>, vector<16xf32>,
        %add3A_1144 = arith.constant 1.000000e+00 : f32
        %add3A_1145 = vector.broadcast %add3A_1144 : f32 to vector<16xf32>
        %add3A_1146 = arith.addf %get3A_1143, %add3A_1145 : vector<16xf32>
        %mul3A_1147 = arith.constant 2 : i32
        %mul3A_1148 = arith.muli %mul3A_1147, %scan3A_1116 : i32
        %add3A_1149 = arith.constant 1 : i32
        %add3A_1150 = arith.addi %mul3A_1148, %add3A_1149 : i32
        %swap3A_1151 = arith.index_cast %rem3A_597 : i32 to index
        %swap3A_1152 = arith.index_cast %add3A_1150 : i32 to index
        %swap3A_1153 = arith.constant 16 : index
        %swap3A_1154 = tpu.vector_load %arg7[%swap3A_1151, %swap3A_1152, %swap3A_1153] {strides = array<i32>} : memref<4x200x128xf32, #tpu.memory_space<vmem>>, vector<16xf32>,
        tpu.vector_store %arg7[%swap3A_1151, %swap3A_1152, %swap3A_1153], %add3A_1146 {strides = array<i32>} : memref<4x200x128xf32, #tpu.memory_space<vmem>>, vector<16xf32>,
        %mul3A_1155 = arith.constant 2 : i32
        %mul3A_1156 = arith.muli %mul3A_1155, %scan3A_1116 : i32
        %add3A_1157 = arith.constant 1 : i32
        %add3A_1158 = arith.addi %mul3A_1156, %add3A_1157 : i32
        %get3A_1159 = arith.index_cast %rem3A_597 : i32 to index
        %get3A_1160 = arith.index_cast %add3A_1158 : i32 to index
        %get3A_1161 = arith.constant 32 : index
        %get3A_1162 = tpu.vector_load %arg7[%get3A_1159, %get3A_1160, %get3A_1161] {strides = array<i32>} : memref<4x200x128xf32, #tpu.memory_space<vmem>>, vector<16xf32>,
        %add3A_1163 = arith.constant 1.000000e+00 : f32
        %add3A_1164 = vector.broadcast %add3A_1163 : f32 to vector<16xf32>
        %add3A_1165 = arith.addf %get3A_1162, %add3A_1164 : vector<16xf32>
        %mul3A_1166 = arith.constant 2 : i32
        %mul3A_1167 = arith.muli %mul3A_1166, %scan3A_1116 : i32
        %add3A_1168 = arith.constant 1 : i32
        %add3A_1169 = arith.addi %mul3A_1167, %add3A_1168 : i32
        %swap3A_1170 = arith.index_cast %rem3A_597 : i32 to index
        %swap3A_1171 = arith.index_cast %add3A_1169 : i32 to index
        %swap3A_1172 = arith.constant 32 : index
        %swap3A_1173 = tpu.vector_load %arg7[%swap3A_1170, %swap3A_1171, %swap3A_1172] {strides = array<i32>} : memref<4x200x128xf32, #tpu.memory_space<vmem>>, vector<16xf32>,
        tpu.vector_store %arg7[%swap3A_1170, %swap3A_1171, %swap3A_1172], %add3A_1165 {strides = array<i32>} : memref<4x200x128xf32, #tpu.memory_space<vmem>>, vector<16xf32>,
        %mul3A_1174 = arith.constant 2 : i32
        %mul3A_1175 = arith.muli %mul3A_1174, %scan3A_1116 : i32
        %add3A_1176 = arith.constant 1 : i32
        %add3A_1177 = arith.addi %mul3A_1175, %add3A_1176 : i32
        %get3A_1178 = arith.index_cast %rem3A_597 : i32 to index
        %get3A_1179 = arith.index_cast %add3A_1177 : i32 to index
        %get3A_1180 = arith.constant 48 : index
        %get3A_1181 = tpu.vector_load %arg7[%get3A_1178, %get3A_1179, %get3A_1180] {strides = array<i32>} : memref<4x200x128xf32, #tpu.memory_space<vmem>>, vector<16xf32>,
        %add3A_1182 = arith.constant 1.000000e+00 : f32
        %add3A_1183 = vector.broadcast %add3A_1182 : f32 to vector<16xf32>
        %add3A_1184 = arith.addf %get3A_1181, %add3A_1183 : vector<16xf32>
        %mul3A_1185 = arith.constant 2 : i32
        %mul3A_1186 = arith.muli %mul3A_1185, %scan3A_1116 : i32
        %add3A_1187 = arith.constant 1 : i32
        %add3A_1188 = arith.addi %mul3A_1186, %add3A_1187 : i32
        %swap3A_1189 = arith.index_cast %rem3A_597 : i32 to index
        %swap3A_1190 = arith.index_cast %add3A_1188 : i32 to index
        %swap3A_1191 = arith.constant 48 : index
        %swap3A_1192 = tpu.vector_load %arg7[%swap3A_1189, %swap3A_1190, %swap3A_1191] {strides = array<i32>} : memref<4x200x128xf32, #tpu.memory_space<vmem>>, vector<16xf32>,
        tpu.vector_store %arg7[%swap3A_1189, %swap3A_1190, %swap3A_1191], %add3A_1184 {strides = array<i32>} : memref<4x200x128xf32, #tpu.memory_space<vmem>>, vector<16xf32>,
        %mul3A_1193 = arith.constant 2 : i32
        %mul3A_1194 = arith.muli %mul3A_1193, %scan3A_1116 : i32
        %add3A_1195 = arith.constant 1 : i32
        %add3A_1196 = arith.addi %mul3A_1194, %add3A_1195 : i32
        %get3A_1197 = arith.index_cast %rem3A_597 : i32 to index
        %get3A_1198 = arith.index_cast %add3A_1196 : i32 to index
        %get3A_1199 = arith.constant 64 : index
        %get3A_1200 = tpu.vector_load %arg7[%get3A_1197, %get3A_1198, %get3A_1199] {strides = array<i32>} : memref<4x200x128xf32, #tpu.memory_space<vmem>>, vector<16xf32>,
        %add3A_1201 = arith.constant 1.000000e+00 : f32
        %add3A_1202 = vector.broadcast %add3A_1201 : f32 to vector<16xf32>
        %add3A_1203 = arith.addf %get3A_1200, %add3A_1202 : vector<16xf32>
        %mul3A_1204 = arith.constant 2 : i32
        %mul3A_1205 = arith.muli %mul3A_1204, %scan3A_1116 : i32
        %add3A_1206 = arith.constant 1 : i32
        %add3A_1207 = arith.addi %mul3A_1205, %add3A_1206 : i32
        %swap3A_1208 = arith.index_cast %rem3A_597 : i32 to index
        %swap3A_1209 = arith.index_cast %add3A_1207 : i32 to index
        %swap3A_1210 = arith.constant 64 : index
        %swap3A_1211 = tpu.vector_load %arg7[%swap3A_1208, %swap3A_1209, %swap3A_1210] {strides = array<i32>} : memref<4x200x128xf32, #tpu.memory_space<vmem>>, vector<16xf32>,
        tpu.vector_store %arg7[%swap3A_1208, %swap3A_1209, %swap3A_1210], %add3A_1203 {strides = array<i32>} : memref<4x200x128xf32, #tpu.memory_space<vmem>>, vector<16xf32>,
        %mul3A_1212 = arith.constant 2 : i32
        %mul3A_1213 = arith.muli %mul3A_1212, %scan3A_1116 : i32
        %add3A_1214 = arith.constant 1 : i32
        %add3A_1215 = arith.addi %mul3A_1213, %add3A_1214 : i32
        %get3A_1216 = arith.index_cast %rem3A_597 : i32 to index
        %get3A_1217 = arith.index_cast %add3A_1215 : i32 to index
        %get3A_1218 = arith.constant 80 : index
        %get3A_1219 = tpu.vector_load %arg7[%get3A_1216, %get3A_1217, %get3A_1218] {strides = array<i32>} : memref<4x200x128xf32, #tpu.memory_space<vmem>>, vector<16xf32>,
        %add3A_1220 = arith.constant 1.000000e+00 : f32
        %add3A_1221 = vector.broadcast %add3A_1220 : f32 to vector<16xf32>
        %add3A_1222 = arith.addf %get3A_1219, %add3A_1221 : vector<16xf32>
        %mul3A_1223 = arith.constant 2 : i32
        %mul3A_1224 = arith.muli %mul3A_1223, %scan3A_1116 : i32
        %add3A_1225 = arith.constant 1 : i32
        %add3A_1226 = arith.addi %mul3A_1224, %add3A_1225 : i32
        %swap3A_1227 = arith.index_cast %rem3A_597 : i32 to index
        %swap3A_1228 = arith.index_cast %add3A_1226 : i32 to index
        %swap3A_1229 = arith.constant 80 : index
        %swap3A_1230 = tpu.vector_load %arg7[%swap3A_1227, %swap3A_1228, %swap3A_1229] {strides = array<i32>} : memref<4x200x128xf32, #tpu.memory_space<vmem>>, vector<16xf32>,
        tpu.vector_store %arg7[%swap3A_1227, %swap3A_1228, %swap3A_1229], %add3A_1222 {strides = array<i32>} : memref<4x200x128xf32, #tpu.memory_space<vmem>>, vector<16xf32>,
        %mul3A_1231 = arith.constant 2 : i32
        %mul3A_1232 = arith.muli %mul3A_1231, %scan3A_1116 : i32
        %add3A_1233 = arith.constant 1 : i32
        %add3A_1234 = arith.addi %mul3A_1232, %add3A_1233 : i32
        %get3A_1235 = arith.index_cast %rem3A_597 : i32 to index
        %get3A_1236 = arith.index_cast %add3A_1234 : i32 to index
        %get3A_1237 = arith.constant 96 : index
        %get3A_1238 = tpu.vector_load %arg7[%get3A_1235, %get3A_1236, %get3A_1237] {strides = array<i32>} : memref<4x200x128xf32, #tpu.memory_space<vmem>>, vector<16xf32>,
        %add3A_1239 = arith.constant 1.000000e+00 : f32
        %add3A_1240 = vector.broadcast %add3A_1239 : f32 to vector<16xf32>
        %add3A_1241 = arith.addf %get3A_1238, %add3A_1240 : vector<16xf32>
        %mul3A_1242 = arith.constant 2 : i32
        %mul3A_1243 = arith.muli %mul3A_1242, %scan3A_1116 : i32
        %add3A_1244 = arith.constant 1 : i32
        %add3A_1245 = arith.addi %mul3A_1243, %add3A_1244 : i32
        %swap3A_1246 = arith.index_cast %rem3A_597 : i32 to index
        %swap3A_1247 = arith.index_cast %add3A_1245 : i32 to index
        %swap3A_1248 = arith.constant 96 : index
        %swap3A_1249 = tpu.vector_load %arg7[%swap3A_1246, %swap3A_1247, %swap3A_1248] {strides = array<i32>} : memref<4x200x128xf32, #tpu.memory_space<vmem>>, vector<16xf32>,
        tpu.vector_store %arg7[%swap3A_1246, %swap3A_1247, %swap3A_1248], %add3A_1241 {strides = array<i32>} : memref<4x200x128xf32, #tpu.memory_space<vmem>>, vector<16xf32>,
        %mul3A_1250 = arith.constant 2 : i32
        %mul3A_1251 = arith.muli %mul3A_1250, %scan3A_1116 : i32
        %add3A_1252 = arith.constant 1 : i32
        %add3A_1253 = arith.addi %mul3A_1251, %add3A_1252 : i32
        %get3A_1254 = arith.index_cast %rem3A_597 : i32 to index
        %get3A_1255 = arith.index_cast %add3A_1253 : i32 to index
        %get3A_1256 = arith.constant 112 : index
        %get3A_1257 = tpu.vector_load %arg7[%get3A_1254, %get3A_1255, %get3A_1256] {strides = array<i32>} : memref<4x200x128xf32, #tpu.memory_space<vmem>>, vector<16xf32>,
        %add3A_1258 = arith.constant 1.000000e+00 : f32
        %add3A_1259 = vector.broadcast %add3A_1258 : f32 to vector<16xf32>
        %add3A_1260 = arith.addf %get3A_1257, %add3A_1259 : vector<16xf32>
        %mul3A_1261 = arith.constant 2 : i32
        %mul3A_1262 = arith.muli %mul3A_1261, %scan3A_1116 : i32
        %add3A_1263 = arith.constant 1 : i32
        %add3A_1264 = arith.addi %mul3A_1262, %add3A_1263 : i32
        %swap3A_1265 = arith.index_cast %rem3A_597 : i32 to index
        %swap3A_1266 = arith.index_cast %add3A_1264 : i32 to index
        %swap3A_1267 = arith.constant 112 : index
        %swap3A_1268 = tpu.vector_load %arg7[%swap3A_1265, %swap3A_1266, %swap3A_1267] {strides = array<i32>} : memref<4x200x128xf32, #tpu.memory_space<vmem>>, vector<16xf32>,
        tpu.vector_store %arg7[%swap3A_1265, %swap3A_1266, %swap3A_1267], %add3A_1260 {strides = array<i32>} : memref<4x200x128xf32, #tpu.memory_space<vmem>>, vector<16xf32>,
        %scan3A_1269 = arith.constant 2 : i32
        %scan3A_1270 = arith.addi %scan3A_962, %scan3A_1269 : i32
        %mul3A_1271 = arith.constant 2 : i32
        %mul3A_1272 = arith.muli %mul3A_1271, %scan3A_1270 : i32
        %add3A_1273 = arith.constant 1 : i32
        %add3A_1274 = arith.addi %mul3A_1272, %add3A_1273 : i32
        %get3A_1275 = arith.index_cast %rem3A_597 : i32 to index
        %get3A_1276 = arith.index_cast %add3A_1274 : i32 to index
        %get3A_1277 = arith.constant 0 : index
        %get3A_1278 = tpu.vector_load %arg7[%get3A_1275, %get3A_1276, %get3A_1277] {strides = array<i32>} : memref<4x200x128xf32, #tpu.memory_space<vmem>>, vector<16xf32>,
        %add3A_1279 = arith.constant 1.000000e+00 : f32
        %add3A_1280 = vector.broadcast %add3A_1279 : f32 to vector<16xf32>
        %add3A_1281 = arith.addf %get3A_1278, %add3A_1280 : vector<16xf32>
        %mul3A_1282 = arith.constant 2 : i32
        %mul3A_1283 = arith.muli %mul3A_1282, %scan3A_1270 : i32
        %add3A_1284 = arith.constant 1 : i32
        %add3A_1285 = arith.addi %mul3A_1283, %add3A_1284 : i32
        %swap3A_1286 = arith.index_cast %rem3A_597 : i32 to index
        %swap3A_1287 = arith.index_cast %add3A_1285 : i32 to index
        %swap3A_1288 = arith.constant 0 : index
        %swap3A_1289 = tpu.vector_load %arg7[%swap3A_1286, %swap3A_1287, %swap3A_1288] {strides = array<i32>} : memref<4x200x128xf32, #tpu.memory_space<vmem>>, vector<16xf32>,
        tpu.vector_store %arg7[%swap3A_1286, %swap3A_1287, %swap3A_1288], %add3A_1281 {strides = array<i32>} : memref<4x200x128xf32, #tpu.memory_space<vmem>>, vector<16xf32>,
        %mul3A_1290 = arith.constant 2 : i32
        %mul3A_1291 = arith.muli %mul3A_1290, %scan3A_1270 : i32
        %add3A_1292 = arith.constant 1 : i32
        %add3A_1293 = arith.addi %mul3A_1291, %add3A_1292 : i32
        %get3A_1294 = arith.index_cast %rem3A_597 : i32 to index
        %get3A_1295 = arith.index_cast %add3A_1293 : i32 to index
        %get3A_1296 = arith.constant 16 : index
        %get3A_1297 = tpu.vector_load %arg7[%get3A_1294, %get3A_1295, %get3A_1296] {strides = array<i32>} : memref<4x200x128xf32, #tpu.memory_space<vmem>>, vector<16xf32>,
        %add3A_1298 = arith.constant 1.000000e+00 : f32
        %add3A_1299 = vector.broadcast %add3A_1298 : f32 to vector<16xf32>
        %add3A_1300 = arith.addf %get3A_1297, %add3A_1299 : vector<16xf32>
        %mul3A_1301 = arith.constant 2 : i32
        %mul3A_1302 = arith.muli %mul3A_1301, %scan3A_1270 : i32
        %add3A_1303 = arith.constant 1 : i32
        %add3A_1304 = arith.addi %mul3A_1302, %add3A_1303 : i32
        %swap3A_1305 = arith.index_cast %rem3A_597 : i32 to index
        %swap3A_1306 = arith.index_cast %add3A_1304 : i32 to index
        %swap3A_1307 = arith.constant 16 : index
        %swap3A_1308 = tpu.vector_load %arg7[%swap3A_1305, %swap3A_1306, %swap3A_1307] {strides = array<i32>} : memref<4x200x128xf32, #tpu.memory_space<vmem>>, vector<16xf32>,
        tpu.vector_store %arg7[%swap3A_1305, %swap3A_1306, %swap3A_1307], %add3A_1300 {strides = array<i32>} : memref<4x200x128xf32, #tpu.memory_space<vmem>>, vector<16xf32>,
        %mul3A_1309 = arith.constant 2 : i32
        %mul3A_1310 = arith.muli %mul3A_1309, %scan3A_1270 : i32
        %add3A_1311 = arith.constant 1 : i32
        %add3A_1312 = arith.addi %mul3A_1310, %add3A_1311 : i32
        %get3A_1313 = arith.index_cast %rem3A_597 : i32 to index
        %get3A_1314 = arith.index_cast %add3A_1312 : i32 to index
        %get3A_1315 = arith.constant 32 : index
        %get3A_1316 = tpu.vector_load %arg7[%get3A_1313, %get3A_1314, %get3A_1315] {strides = array<i32>} : memref<4x200x128xf32, #tpu.memory_space<vmem>>, vector<16xf32>,
        %add3A_1317 = arith.constant 1.000000e+00 : f32
        %add3A_1318 = vector.broadcast %add3A_1317 : f32 to vector<16xf32>
        %add3A_1319 = arith.addf %get3A_1316, %add3A_1318 : vector<16xf32>
        %mul3A_1320 = arith.constant 2 : i32
        %mul3A_1321 = arith.muli %mul3A_1320, %scan3A_1270 : i32
        %add3A_1322 = arith.constant 1 : i32
        %add3A_1323 = arith.addi %mul3A_1321, %add3A_1322 : i32
        %swap3A_1324 = arith.index_cast %rem3A_597 : i32 to index
        %swap3A_1325 = arith.index_cast %add3A_1323 : i32 to index
        %swap3A_1326 = arith.constant 32 : index
        %swap3A_1327 = tpu.vector_load %arg7[%swap3A_1324, %swap3A_1325, %swap3A_1326] {strides = array<i32>} : memref<4x200x128xf32, #tpu.memory_space<vmem>>, vector<16xf32>,
        tpu.vector_store %arg7[%swap3A_1324, %swap3A_1325, %swap3A_1326], %add3A_1319 {strides = array<i32>} : memref<4x200x128xf32, #tpu.memory_space<vmem>>, vector<16xf32>,
        %mul3A_1328 = arith.constant 2 : i32
        %mul3A_1329 = arith.muli %mul3A_1328, %scan3A_1270 : i32
        %add3A_1330 = arith.constant 1 : i32
        %add3A_1331 = arith.addi %mul3A_1329, %add3A_1330 : i32
        %get3A_1332 = arith.index_cast %rem3A_597 : i32 to index
        %get3A_1333 = arith.index_cast %add3A_1331 : i32 to index
        %get3A_1334 = arith.constant 48 : index
        %get3A_1335 = tpu.vector_load %arg7[%get3A_1332, %get3A_1333, %get3A_1334] {strides = array<i32>} : memref<4x200x128xf32, #tpu.memory_space<vmem>>, vector<16xf32>,
        %add3A_1336 = arith.constant 1.000000e+00 : f32
        %add3A_1337 = vector.broadcast %add3A_1336 : f32 to vector<16xf32>
        %add3A_1338 = arith.addf %get3A_1335, %add3A_1337 : vector<16xf32>
        %mul3A_1339 = arith.constant 2 : i32
        %mul3A_1340 = arith.muli %mul3A_1339, %scan3A_1270 : i32
        %add3A_1341 = arith.constant 1 : i32
        %add3A_1342 = arith.addi %mul3A_1340, %add3A_1341 : i32
        %swap3A_1343 = arith.index_cast %rem3A_597 : i32 to index
        %swap3A_1344 = arith.index_cast %add3A_1342 : i32 to index
        %swap3A_1345 = arith.constant 48 : index
        %swap3A_1346 = tpu.vector_load %arg7[%swap3A_1343, %swap3A_1344, %swap3A_1345] {strides = array<i32>} : memref<4x200x128xf32, #tpu.memory_space<vmem>>, vector<16xf32>,
        tpu.vector_store %arg7[%swap3A_1343, %swap3A_1344, %swap3A_1345], %add3A_1338 {strides = array<i32>} : memref<4x200x128xf32, #tpu.memory_space<vmem>>, vector<16xf32>,
        %mul3A_1347 = arith.constant 2 : i32
        %mul3A_1348 = arith.muli %mul3A_1347, %scan3A_1270 : i32
        %add3A_1349 = arith.constant 1 : i32
        %add3A_1350 = arith.addi %mul3A_1348, %add3A_1349 : i32
        %get3A_1351 = arith.index_cast %rem3A_597 : i32 to index
        %get3A_1352 = arith.index_cast %add3A_1350 : i32 to index
        %get3A_1353 = arith.constant 64 : index
        %get3A_1354 = tpu.vector_load %arg7[%get3A_1351, %get3A_1352, %get3A_1353] {strides = array<i32>} : memref<4x200x128xf32, #tpu.memory_space<vmem>>, vector<16xf32>,
        %add3A_1355 = arith.constant 1.000000e+00 : f32
        %add3A_1356 = vector.broadcast %add3A_1355 : f32 to vector<16xf32>
        %add3A_1357 = arith.addf %get3A_1354, %add3A_1356 : vector<16xf32>
        %mul3A_1358 = arith.constant 2 : i32
        %mul3A_1359 = arith.muli %mul3A_1358, %scan3A_1270 : i32
        %add3A_1360 = arith.constant 1 : i32
        %add3A_1361 = arith.addi %mul3A_1359, %add3A_1360 : i32
        %swap3A_1362 = arith.index_cast %rem3A_597 : i32 to index
        %swap3A_1363 = arith.index_cast %add3A_1361 : i32 to index
        %swap3A_1364 = arith.constant 64 : index
        %swap3A_1365 = tpu.vector_load %arg7[%swap3A_1362, %swap3A_1363, %swap3A_1364] {strides = array<i32>} : memref<4x200x128xf32, #tpu.memory_space<vmem>>, vector<16xf32>,
        tpu.vector_store %arg7[%swap3A_1362, %swap3A_1363, %swap3A_1364], %add3A_1357 {strides = array<i32>} : memref<4x200x128xf32, #tpu.memory_space<vmem>>, vector<16xf32>,
        %mul3A_1366 = arith.constant 2 : i32
        %mul3A_1367 = arith.muli %mul3A_1366, %scan3A_1270 : i32
        %add3A_1368 = arith.constant 1 : i32
        %add3A_1369 = arith.addi %mul3A_1367, %add3A_1368 : i32
        %get3A_1370 = arith.index_cast %rem3A_597 : i32 to index
        %get3A_1371 = arith.index_cast %add3A_1369 : i32 to index
        %get3A_1372 = arith.constant 80 : index
        %get3A_1373 = tpu.vector_load %arg7[%get3A_1370, %get3A_1371, %get3A_1372] {strides = array<i32>} : memref<4x200x128xf32, #tpu.memory_space<vmem>>, vector<16xf32>,
        %add3A_1374 = arith.constant 1.000000e+00 : f32
        %add3A_1375 = vector.broadcast %add3A_1374 : f32 to vector<16xf32>
        %add3A_1376 = arith.addf %get3A_1373, %add3A_1375 : vector<16xf32>
        %mul3A_1377 = arith.constant 2 : i32
        %mul3A_1378 = arith.muli %mul3A_1377, %scan3A_1270 : i32
        %add3A_1379 = arith.constant 1 : i32
        %add3A_1380 = arith.addi %mul3A_1378, %add3A_1379 : i32
        %swap3A_1381 = arith.index_cast %rem3A_597 : i32 to index
        %swap3A_1382 = arith.index_cast %add3A_1380 : i32 to index
        %swap3A_1383 = arith.constant 80 : index
        %swap3A_1384 = tpu.vector_load %arg7[%swap3A_1381, %swap3A_1382, %swap3A_1383] {strides = array<i32>} : memref<4x200x128xf32, #tpu.memory_space<vmem>>, vector<16xf32>,
        tpu.vector_store %arg7[%swap3A_1381, %swap3A_1382, %swap3A_1383], %add3A_1376 {strides = array<i32>} : memref<4x200x128xf32, #tpu.memory_space<vmem>>, vector<16xf32>,
        %mul3A_1385 = arith.constant 2 : i32
        %mul3A_1386 = arith.muli %mul3A_1385, %scan3A_1270 : i32
        %add3A_1387 = arith.constant 1 : i32
        %add3A_1388 = arith.addi %mul3A_1386, %add3A_1387 : i32
        %get3A_1389 = arith.index_cast %rem3A_597 : i32 to index
        %get3A_1390 = arith.index_cast %add3A_1388 : i32 to index
        %get3A_1391 = arith.constant 96 : index
        %get3A_1392 = tpu.vector_load %arg7[%get3A_1389, %get3A_1390, %get3A_1391] {strides = array<i32>} : memref<4x200x128xf32, #tpu.memory_space<vmem>>, vector<16xf32>,
        %add3A_1393 = arith.constant 1.000000e+00 : f32
        %add3A_1394 = vector.broadcast %add3A_1393 : f32 to vector<16xf32>
        %add3A_1395 = arith.addf %get3A_1392, %add3A_1394 : vector<16xf32>
        %mul3A_1396 = arith.constant 2 : i32
        %mul3A_1397 = arith.muli %mul3A_1396, %scan3A_1270 : i32
        %add3A_1398 = arith.constant 1 : i32
        %add3A_1399 = arith.addi %mul3A_1397, %add3A_1398 : i32
        %swap3A_1400 = arith.index_cast %rem3A_597 : i32 to index
        %swap3A_1401 = arith.index_cast %add3A_1399 : i32 to index
        %swap3A_1402 = arith.constant 96 : index
        %swap3A_1403 = tpu.vector_load %arg7[%swap3A_1400, %swap3A_1401, %swap3A_1402] {strides = array<i32>} : memref<4x200x128xf32, #tpu.memory_space<vmem>>, vector<16xf32>,
        tpu.vector_store %arg7[%swap3A_1400, %swap3A_1401, %swap3A_1402], %add3A_1395 {strides = array<i32>} : memref<4x200x128xf32, #tpu.memory_space<vmem>>, vector<16xf32>,
        %mul3A_1404 = arith.constant 2 : i32
        %mul3A_1405 = arith.muli %mul3A_1404, %scan3A_1270 : i32
        %add3A_1406 = arith.constant 1 : i32
        %add3A_1407 = arith.addi %mul3A_1405, %add3A_1406 : i32
        %get3A_1408 = arith.index_cast %rem3A_597 : i32 to index
        %get3A_1409 = arith.index_cast %add3A_1407 : i32 to index
        %get3A_1410 = arith.constant 112 : index
        %get3A_1411 = tpu.vector_load %arg7[%get3A_1408, %get3A_1409, %get3A_1410] {strides = array<i32>} : memref<4x200x128xf32, #tpu.memory_space<vmem>>, vector<16xf32>,
        %add3A_1412 = arith.constant 1.000000e+00 : f32
        %add3A_1413 = vector.broadcast %add3A_1412 : f32 to vector<16xf32>
        %add3A_1414 = arith.addf %get3A_1411, %add3A_1413 : vector<16xf32>
        %mul3A_1415 = arith.constant 2 : i32
        %mul3A_1416 = arith.muli %mul3A_1415, %scan3A_1270 : i32
        %add3A_1417 = arith.constant 1 : i32
        %add3A_1418 = arith.addi %mul3A_1416, %add3A_1417 : i32
        %swap3A_1419 = arith.index_cast %rem3A_597 : i32 to index
        %swap3A_1420 = arith.index_cast %add3A_1418 : i32 to index
        %swap3A_1421 = arith.constant 112 : index
        %swap3A_1422 = tpu.vector_load %arg7[%swap3A_1419, %swap3A_1420, %swap3A_1421] {strides = array<i32>} : memref<4x200x128xf32, #tpu.memory_space<vmem>>, vector<16xf32>,
        tpu.vector_store %arg7[%swap3A_1419, %swap3A_1420, %swap3A_1421], %add3A_1414 {strides = array<i32>} : memref<4x200x128xf32, #tpu.memory_space<vmem>>, vector<16xf32>,
        %scan3A_1423 = arith.constant 3 : i32
        %scan3A_1424 = arith.addi %scan3A_962, %scan3A_1423 : i32
        %mul3A_1425 = arith.constant 2 : i32
        %mul3A_1426 = arith.muli %mul3A_1425, %scan3A_1424 : i32
        %add3A_1427 = arith.constant 1 : i32
        %add3A_1428 = arith.addi %mul3A_1426, %add3A_1427 : i32
        %get3A_1429 = arith.index_cast %rem3A_597 : i32 to index
        %get3A_1430 = arith.index_cast %add3A_1428 : i32 to index
        %get3A_1431 = arith.constant 0 : index
        %get3A_1432 = tpu.vector_load %arg7[%get3A_1429, %get3A_1430, %get3A_1431] {strides = array<i32>} : memref<4x200x128xf32, #tpu.memory_space<vmem>>, vector<16xf32>,
        %add3A_1433 = arith.constant 1.000000e+00 : f32
        %add3A_1434 = vector.broadcast %add3A_1433 : f32 to vector<16xf32>
        %add3A_1435 = arith.addf %get3A_1432, %add3A_1434 : vector<16xf32>
        %mul3A_1436 = arith.constant 2 : i32
        %mul3A_1437 = arith.muli %mul3A_1436, %scan3A_1424 : i32
        %add3A_1438 = arith.constant 1 : i32
        %add3A_1439 = arith.addi %mul3A_1437, %add3A_1438 : i32
        %swap3A_1440 = arith.index_cast %rem3A_597 : i32 to index
        %swap3A_1441 = arith.index_cast %add3A_1439 : i32 to index
        %swap3A_1442 = arith.constant 0 : index
        %swap3A_1443 = tpu.vector_load %arg7[%swap3A_1440, %swap3A_1441, %swap3A_1442] {strides = array<i32>} : memref<4x200x128xf32, #tpu.memory_space<vmem>>, vector<16xf32>,
        tpu.vector_store %arg7[%swap3A_1440, %swap3A_1441, %swap3A_1442], %add3A_1435 {strides = array<i32>} : memref<4x200x128xf32, #tpu.memory_space<vmem>>, vector<16xf32>,
        %mul3A_1444 = arith.constant 2 : i32
        %mul3A_1445 = arith.muli %mul3A_1444, %scan3A_1424 : i32
        %add3A_1446 = arith.constant 1 : i32
        %add3A_1447 = arith.addi %mul3A_1445, %add3A_1446 : i32
        %get3A_1448 = arith.index_cast %rem3A_597 : i32 to index
        %get3A_1449 = arith.index_cast %add3A_1447 : i32 to index
        %get3A_1450 = arith.constant 16 : index
        %get3A_1451 = tpu.vector_load %arg7[%get3A_1448, %get3A_1449, %get3A_1450] {strides = array<i32>} : memref<4x200x128xf32, #tpu.memory_space<vmem>>, vector<16xf32>,
        %add3A_1452 = arith.constant 1.000000e+00 : f32
        %add3A_1453 = vector.broadcast %add3A_1452 : f32 to vector<16xf32>
        %add3A_1454 = arith.addf %get3A_1451, %add3A_1453 : vector<16xf32>
        %mul3A_1455 = arith.constant 2 : i32
        %mul3A_1456 = arith.muli %mul3A_1455, %scan3A_1424 : i32
        %add3A_1457 = arith.constant 1 : i32
        %add3A_1458 = arith.addi %mul3A_1456, %add3A_1457 : i32
        %swap3A_1459 = arith.index_cast %rem3A_597 : i32 to index
        %swap3A_1460 = arith.index_cast %add3A_1458 : i32 to index
        %swap3A_1461 = arith.constant 16 : index
        %swap3A_1462 = tpu.vector_load %arg7[%swap3A_1459, %swap3A_1460, %swap3A_1461] {strides = array<i32>} : memref<4x200x128xf32, #tpu.memory_space<vmem>>, vector<16xf32>,
        tpu.vector_store %arg7[%swap3A_1459, %swap3A_1460, %swap3A_1461], %add3A_1454 {strides = array<i32>} : memref<4x200x128xf32, #tpu.memory_space<vmem>>, vector<16xf32>,
        %mul3A_1463 = arith.constant 2 : i32
        %mul3A_1464 = arith.muli %mul3A_1463, %scan3A_1424 : i32
        %add3A_1465 = arith.constant 1 : i32
        %add3A_1466 = arith.addi %mul3A_1464, %add3A_1465 : i32
        %get3A_1467 = arith.index_cast %rem3A_597 : i32 to index
        %get3A_1468 = arith.index_cast %add3A_1466 : i32 to index
        %get3A_1469 = arith.constant 32 : index
        %get3A_1470 = tpu.vector_load %arg7[%get3A_1467, %get3A_1468, %get3A_1469] {strides = array<i32>} : memref<4x200x128xf32, #tpu.memory_space<vmem>>, vector<16xf32>,
        %add3A_1471 = arith.constant 1.000000e+00 : f32
        %add3A_1472 = vector.broadcast %add3A_1471 : f32 to vector<16xf32>
        %add3A_1473 = arith.addf %get3A_1470, %add3A_1472 : vector<16xf32>
        %mul3A_1474 = arith.constant 2 : i32
        %mul3A_1475 = arith.muli %mul3A_1474, %scan3A_1424 : i32
        %add3A_1476 = arith.constant 1 : i32
        %add3A_1477 = arith.addi %mul3A_1475, %add3A_1476 : i32
        %swap3A_1478 = arith.index_cast %rem3A_597 : i32 to index
        %swap3A_1479 = arith.index_cast %add3A_1477 : i32 to index
        %swap3A_1480 = arith.constant 32 : index
        %swap3A_1481 = tpu.vector_load %arg7[%swap3A_1478, %swap3A_1479, %swap3A_1480] {strides = array<i32>} : memref<4x200x128xf32, #tpu.memory_space<vmem>>, vector<16xf32>,
        tpu.vector_store %arg7[%swap3A_1478, %swap3A_1479, %swap3A_1480], %add3A_1473 {strides = array<i32>} : memref<4x200x128xf32, #tpu.memory_space<vmem>>, vector<16xf32>,
        %mul3A_1482 = arith.constant 2 : i32
        %mul3A_1483 = arith.muli %mul3A_1482, %scan3A_1424 : i32
        %add3A_1484 = arith.constant 1 : i32
        %add3A_1485 = arith.addi %mul3A_1483, %add3A_1484 : i32
        %get3A_1486 = arith.index_cast %rem3A_597 : i32 to index
        %get3A_1487 = arith.index_cast %add3A_1485 : i32 to index
        %get3A_1488 = arith.constant 48 : index
        %get3A_1489 = tpu.vector_load %arg7[%get3A_1486, %get3A_1487, %get3A_1488] {strides = array<i32>} : memref<4x200x128xf32, #tpu.memory_space<vmem>>, vector<16xf32>,
        %add3A_1490 = arith.constant 1.000000e+00 : f32
        %add3A_1491 = vector.broadcast %add3A_1490 : f32 to vector<16xf32>
        %add3A_1492 = arith.addf %get3A_1489, %add3A_1491 : vector<16xf32>
        %mul3A_1493 = arith.constant 2 : i32
        %mul3A_1494 = arith.muli %mul3A_1493, %scan3A_1424 : i32
        %add3A_1495 = arith.constant 1 : i32
        %add3A_1496 = arith.addi %mul3A_1494, %add3A_1495 : i32
        %swap3A_1497 = arith.index_cast %rem3A_597 : i32 to index
        %swap3A_1498 = arith.index_cast %add3A_1496 : i32 to index
        %swap3A_1499 = arith.constant 48 : index
        %swap3A_1500 = tpu.vector_load %arg7[%swap3A_1497, %swap3A_1498, %swap3A_1499] {strides = array<i32>} : memref<4x200x128xf32, #tpu.memory_space<vmem>>, vector<16xf32>,
        tpu.vector_store %arg7[%swap3A_1497, %swap3A_1498, %swap3A_1499], %add3A_1492 {strides = array<i32>} : memref<4x200x128xf32, #tpu.memory_space<vmem>>, vector<16xf32>,
        %mul3A_1501 = arith.constant 2 : i32
        %mul3A_1502 = arith.muli %mul3A_1501, %scan3A_1424 : i32
        %add3A_1503 = arith.constant 1 : i32
        %add3A_1504 = arith.addi %mul3A_1502, %add3A_1503 : i32
        %get3A_1505 = arith.index_cast %rem3A_597 : i32 to index
        %get3A_1506 = arith.index_cast %add3A_1504 : i32 to index
        %get3A_1507 = arith.constant 64 : index
        %get3A_1508 = tpu.vector_load %arg7[%get3A_1505, %get3A_1506, %get3A_1507] {strides = array<i32>} : memref<4x200x128xf32, #tpu.memory_space<vmem>>, vector<16xf32>,
        %add3A_1509 = arith.constant 1.000000e+00 : f32
        %add3A_1510 = vector.broadcast %add3A_1509 : f32 to vector<16xf32>
        %add3A_1511 = arith.addf %get3A_1508, %add3A_1510 : vector<16xf32>
        %mul3A_1512 = arith.constant 2 : i32
        %mul3A_1513 = arith.muli %mul3A_1512, %scan3A_1424 : i32
        %add3A_1514 = arith.constant 1 : i32
        %add3A_1515 = arith.addi %mul3A_1513, %add3A_1514 : i32
        %swap3A_1516 = arith.index_cast %rem3A_597 : i32 to index
        %swap3A_1517 = arith.index_cast %add3A_1515 : i32 to index
        %swap3A_1518 = arith.constant 64 : index
        %swap3A_1519 = tpu.vector_load %arg7[%swap3A_1516, %swap3A_1517, %swap3A_1518] {strides = array<i32>} : memref<4x200x128xf32, #tpu.memory_space<vmem>>, vector<16xf32>,
        tpu.vector_store %arg7[%swap3A_1516, %swap3A_1517, %swap3A_1518], %add3A_1511 {strides = array<i32>} : memref<4x200x128xf32, #tpu.memory_space<vmem>>, vector<16xf32>,
        %mul3A_1520 = arith.constant 2 : i32
        %mul3A_1521 = arith.muli %mul3A_1520, %scan3A_1424 : i32
        %add3A_1522 = arith.constant 1 : i32
        %add3A_1523 = arith.addi %mul3A_1521, %add3A_1522 : i32
        %get3A_1524 = arith.index_cast %rem3A_597 : i32 to index
        %get3A_1525 = arith.index_cast %add3A_1523 : i32 to index
        %get3A_1526 = arith.constant 80 : index
        %get3A_1527 = tpu.vector_load %arg7[%get3A_1524, %get3A_1525, %get3A_1526] {strides = array<i32>} : memref<4x200x128xf32, #tpu.memory_space<vmem>>, vector<16xf32>,
        %add3A_1528 = arith.constant 1.000000e+00 : f32
        %add3A_1529 = vector.broadcast %add3A_1528 : f32 to vector<16xf32>
        %add3A_1530 = arith.addf %get3A_1527, %add3A_1529 : vector<16xf32>
        %mul3A_1531 = arith.constant 2 : i32
        %mul3A_1532 = arith.muli %mul3A_1531, %scan3A_1424 : i32
        %add3A_1533 = arith.constant 1 : i32
        %add3A_1534 = arith.addi %mul3A_1532, %add3A_1533 : i32
        %swap3A_1535 = arith.index_cast %rem3A_597 : i32 to index
        %swap3A_1536 = arith.index_cast %add3A_1534 : i32 to index
        %swap3A_1537 = arith.constant 80 : index
        %swap3A_1538 = tpu.vector_load %arg7[%swap3A_1535, %swap3A_1536, %swap3A_1537] {strides = array<i32>} : memref<4x200x128xf32, #tpu.memory_space<vmem>>, vector<16xf32>,
        tpu.vector_store %arg7[%swap3A_1535, %swap3A_1536, %swap3A_1537], %add3A_1530 {strides = array<i32>} : memref<4x200x128xf32, #tpu.memory_space<vmem>>, vector<16xf32>,
        %mul3A_1539 = arith.constant 2 : i32
        %mul3A_1540 = arith.muli %mul3A_1539, %scan3A_1424 : i32
        %add3A_1541 = arith.constant 1 : i32
        %add3A_1542 = arith.addi %mul3A_1540, %add3A_1541 : i32
        %get3A_1543 = arith.index_cast %rem3A_597 : i32 to index
        %get3A_1544 = arith.index_cast %add3A_1542 : i32 to index
        %get3A_1545 = arith.constant 96 : index
        %get3A_1546 = tpu.vector_load %arg7[%get3A_1543, %get3A_1544, %get3A_1545] {strides = array<i32>} : memref<4x200x128xf32, #tpu.memory_space<vmem>>, vector<16xf32>,
        %add3A_1547 = arith.constant 1.000000e+00 : f32
        %add3A_1548 = vector.broadcast %add3A_1547 : f32 to vector<16xf32>
        %add3A_1549 = arith.addf %get3A_1546, %add3A_1548 : vector<16xf32>
        %mul3A_1550 = arith.constant 2 : i32
        %mul3A_1551 = arith.muli %mul3A_1550, %scan3A_1424 : i32
        %add3A_1552 = arith.constant 1 : i32
        %add3A_1553 = arith.addi %mul3A_1551, %add3A_1552 : i32
        %swap3A_1554 = arith.index_cast %rem3A_597 : i32 to index
        %swap3A_1555 = arith.index_cast %add3A_1553 : i32 to index
        %swap3A_1556 = arith.constant 96 : index
        %swap3A_1557 = tpu.vector_load %arg7[%swap3A_1554, %swap3A_1555, %swap3A_1556] {strides = array<i32>} : memref<4x200x128xf32, #tpu.memory_space<vmem>>, vector<16xf32>,
        tpu.vector_store %arg7[%swap3A_1554, %swap3A_1555, %swap3A_1556], %add3A_1549 {strides = array<i32>} : memref<4x200x128xf32, #tpu.memory_space<vmem>>, vector<16xf32>,
        %mul3A_1558 = arith.constant 2 : i32
        %mul3A_1559 = arith.muli %mul3A_1558, %scan3A_1424 : i32
        %add3A_1560 = arith.constant 1 : i32
        %add3A_1561 = arith.addi %mul3A_1559, %add3A_1560 : i32
        %get3A_1562 = arith.index_cast %rem3A_597 : i32 to index
        %get3A_1563 = arith.index_cast %add3A_1561 : i32 to index
        %get3A_1564 = arith.constant 112 : index
        %get3A_1565 = tpu.vector_load %arg7[%get3A_1562, %get3A_1563, %get3A_1564] {strides = array<i32>} : memref<4x200x128xf32, #tpu.memory_space<vmem>>, vector<16xf32>,
        %add3A_1566 = arith.constant 1.000000e+00 : f32
        %add3A_1567 = vector.broadcast %add3A_1566 : f32 to vector<16xf32>
        %add3A_1568 = arith.addf %get3A_1565, %add3A_1567 : vector<16xf32>
        %mul3A_1569 = arith.constant 2 : i32
        %mul3A_1570 = arith.muli %mul3A_1569, %scan3A_1424 : i32
        %add3A_1571 = arith.constant 1 : i32
        %add3A_1572 = arith.addi %mul3A_1570, %add3A_1571 : i32
        %swap3A_1573 = arith.index_cast %rem3A_597 : i32 to index
        %swap3A_1574 = arith.index_cast %add3A_1572 : i32 to index
        %swap3A_1575 = arith.constant 112 : index
        %swap3A_1576 = tpu.vector_load %arg7[%swap3A_1573, %swap3A_1574, %swap3A_1575] {strides = array<i32>} : memref<4x200x128xf32, #tpu.memory_space<vmem>>, vector<16xf32>,
        tpu.vector_store %arg7[%swap3A_1573, %swap3A_1574, %swap3A_1575], %add3A_1568 {strides = array<i32>} : memref<4x200x128xf32, #tpu.memory_space<vmem>>, vector<16xf32>,
      }
      %scan3A_944 = arith.constant 100 : i32
      %mul3A_945 = arith.constant 200 : i32
      %mul3A_946 = arith.muli %scan3A_595, %mul3A_945 : i32
      %add3A_947 = arith.addi %mul3A_2, %mul3A_946 : i32
      %dma_start3A_948 = arith.constant 0 : i32
      %dma_start3A_949 = arith.constant 0 : i32
      %dma_start3A_950 = tpu.memref_slice %arg7[%rem3A_597, %dma_start3A_948, %dma_start3A_949] : memref<4x200x128xf32, #tpu.memory_space<vmem>> -> memref<1x200x128xf32, #tpu.memory_space<vmem>>
      %dma_start3A_951 = tpu.memref_squeeze %dma_start3A_950 : memref<1x200x128xf32, #tpu.memory_space<vmem>> -> memref<200x128xf32, #tpu.memory_space<vmem>>
      %dma_start3A_952 = arith.constant 0 : i32
      %dma_start3A_953 = tpu.memref_slice %arg4[%add3A_947, %dma_start3A_952] : memref<819200x128xf32, #tpu.memory_space<hbm>> -> memref<200x128xf32, #tpu.memory_space<hbm>>
      %dma_start3A_954 = tpu.memref_slice %arg12[%rem3A_597] : memref<4x!tpu.dma_semaphore, #tpu.memory_space<semaphore_mem>> -> memref<1x!tpu.dma_semaphore, #tpu.memory_space<semaphore_mem>>
      %dma_start3A_955 = tpu.memref_squeeze %dma_start3A_954 : memref<1x!tpu.dma_semaphore, #tpu.memory_space<semaphore_mem>> -> memref<!tpu.dma_semaphore, #tpu.memory_space<semaphore_mem>>
      %dma_start3A_956 = arith.constant 0 : i32
      %dma_start3A_957 = tpu.memref_slice %arg4[%add3A_947, %dma_start3A_956] : memref<819200x128xf32, #tpu.memory_space<hbm>> -> memref<200x128xf32, #tpu.memory_space<hbm>>
      %dma_start3A_958 = arith.constant 0 : i32
      %dma_start3A_959 = arith.constant 0 : i32
      %dma_start3A_960 = tpu.memref_slice %arg7[%rem3A_597, %dma_start3A_958, %dma_start3A_959] : memref<4x200x128xf32, #tpu.memory_space<vmem>> -> memref<1x200x128xf32, #tpu.memory_space<vmem>>
      %dma_start3A_961 = tpu.memref_squeeze %dma_start3A_960 : memref<1x200x128xf32, #tpu.memory_space<vmem>> -> memref<200x128xf32, #tpu.memory_space<vmem>>
      tpu.enqueue_dma source(%dma_start3A_961 : memref<200x128xf32, #tpu.memory_space<vmem>>) target(%dma_start3A_957 : memref<200x128xf32, #tpu.memory_space<hbm>>) target_semaphore(%dma_start3A_955 : memref<!tpu.dma_semaphore, #tpu.memory_space<semaphore_mem>>)
    }
    %scan3A_522 = arith.constant 128 : i32
    %add3A_523 = arith.constant 24800 : i32
    %add3A_524 = arith.addi %mul3A_2, %add3A_523 : i32
    %dma_wait3A_525 = arith.constant 0 : i32
    %dma_wait3A_526 = arith.constant 0 : i32
    %dma_wait3A_527 = arith.constant 0 : i32
    %dma_wait3A_528 = arith.constant 0 : i32
    %dma_wait3A_529 = tpu.memref_slice %arg7[%dma_wait3A_525, %dma_wait3A_527, %dma_wait3A_528] : memref<4x200x128xf32, #tpu.memory_space<vmem>> -> memref<1x200x128xf32, #tpu.memory_space<vmem>>
    %dma_wait3A_530 = tpu.memref_squeeze %dma_wait3A_529 : memref<1x200x128xf32, #tpu.memory_space<vmem>> -> memref<200x128xf32, #tpu.memory_space<vmem>>
    %dma_wait3A_531 = arith.constant 0 : i32
    %dma_wait3A_532 = tpu.memref_slice %arg4[%add3A_524, %dma_wait3A_531] : memref<819200x128xf32, #tpu.memory_space<hbm>> -> memref<200x128xf32, #tpu.memory_space<hbm>>
    %dma_wait3A_533 = tpu.memref_slice %arg12[%dma_wait3A_526] : memref<4x!tpu.dma_semaphore, #tpu.memory_space<semaphore_mem>> -> memref<1x!tpu.dma_semaphore, #tpu.memory_space<semaphore_mem>>
    %dma_wait3A_534 = tpu.memref_squeeze %dma_wait3A_533 : memref<1x!tpu.dma_semaphore, #tpu.memory_space<semaphore_mem>> -> memref<!tpu.dma_semaphore, #tpu.memory_space<semaphore_mem>>
    %dma_wait3A_535 = arith.constant 0 : i32
    %dma_wait3A_536 = tpu.memref_slice %arg4[%add3A_524, %dma_wait3A_535] : memref<819200x128xf32, #tpu.memory_space<hbm>> -> memref<200x128xf32, #tpu.memory_space<hbm>>
    %dma_wait3A_537 = arith.constant 0 : i32
    %dma_wait3A_538 = arith.constant 0 : i32
    %dma_wait3A_539 = tpu.memref_slice %arg7[%dma_wait3A_525, %dma_wait3A_537, %dma_wait3A_538] : memref<4x200x128xf32, #tpu.memory_space<vmem>> -> memref<1x200x128xf32, #tpu.memory_space<vmem>>
    %dma_wait3A_540 = tpu.memref_squeeze %dma_wait3A_539 : memref<1x200x128xf32, #tpu.memory_space<vmem>> -> memref<200x128xf32, #tpu.memory_space<vmem>>
    tpu.wait_dma2 semaphore(%dma_wait3A_534 : memref<!tpu.dma_semaphore, #tpu.memory_space<semaphore_mem>>) src(%dma_wait3A_540 : memref<200x128xf32, #tpu.memory_space<vmem>>) dst(%dma_wait3A_536 : memref<200x128xf32, #tpu.memory_space<hbm>>)
    %add3A_541 = arith.constant 25000 : i32
    %add3A_542 = arith.addi %mul3A_2, %add3A_541 : i32
    %dma_wait3A_543 = arith.constant 1 : i32
    %dma_wait3A_544 = arith.constant 1 : i32
    %dma_wait3A_545 = arith.constant 0 : i32
    %dma_wait3A_546 = arith.constant 0 : i32
    %dma_wait3A_547 = tpu.memref_slice %arg7[%dma_wait3A_543, %dma_wait3A_545, %dma_wait3A_546] : memref<4x200x128xf32, #tpu.memory_space<vmem>> -> memref<1x200x128xf32, #tpu.memory_space<vmem>>
    %dma_wait3A_548 = tpu.memref_squeeze %dma_wait3A_547 : memref<1x200x128xf32, #tpu.memory_space<vmem>> -> memref<200x128xf32, #tpu.memory_space<vmem>>
    %dma_wait3A_549 = arith.constant 0 : i32
    %dma_wait3A_550 = tpu.memref_slice %arg4[%add3A_542, %dma_wait3A_549] : memref<819200x128xf32, #tpu.memory_space<hbm>> -> memref<200x128xf32, #tpu.memory_space<hbm>>
    %dma_wait3A_551 = tpu.memref_slice %arg12[%dma_wait3A_544] : memref<4x!tpu.dma_semaphore, #tpu.memory_space<semaphore_mem>> -> memref<1x!tpu.dma_semaphore, #tpu.memory_space<semaphore_mem>>
    %dma_wait3A_552 = tpu.memref_squeeze %dma_wait3A_551 : memref<1x!tpu.dma_semaphore, #tpu.memory_space<semaphore_mem>> -> memref<!tpu.dma_semaphore, #tpu.memory_space<semaphore_mem>>
    %dma_wait3A_553 = arith.constant 0 : i32
    %dma_wait3A_554 = tpu.memref_slice %arg4[%add3A_542, %dma_wait3A_553] : memref<819200x128xf32, #tpu.memory_space<hbm>> -> memref<200x128xf32, #tpu.memory_space<hbm>>
    %dma_wait3A_555 = arith.constant 0 : i32
    %dma_wait3A_556 = arith.constant 0 : i32
    %dma_wait3A_557 = tpu.memref_slice %arg7[%dma_wait3A_543, %dma_wait3A_555, %dma_wait3A_556] : memref<4x200x128xf32, #tpu.memory_space<vmem>> -> memref<1x200x128xf32, #tpu.memory_space<vmem>>
    %dma_wait3A_558 = tpu.memref_squeeze %dma_wait3A_557 : memref<1x200x128xf32, #tpu.memory_space<vmem>> -> memref<200x128xf32, #tpu.memory_space<vmem>>
    tpu.wait_dma2 semaphore(%dma_wait3A_552 : memref<!tpu.dma_semaphore, #tpu.memory_space<semaphore_mem>>) src(%dma_wait3A_558 : memref<200x128xf32, #tpu.memory_space<vmem>>) dst(%dma_wait3A_554 : memref<200x128xf32, #tpu.memory_space<hbm>>)
    %add3A_559 = arith.constant 25200 : i32
    %add3A_560 = arith.addi %mul3A_2, %add3A_559 : i32
    %dma_wait3A_561 = arith.constant 2 : i32
    %dma_wait3A_562 = arith.constant 2 : i32
    %dma_wait3A_563 = arith.constant 0 : i32
    %dma_wait3A_564 = arith.constant 0 : i32
    %dma_wait3A_565 = tpu.memref_slice %arg7[%dma_wait3A_561, %dma_wait3A_563, %dma_wait3A_564] : memref<4x200x128xf32, #tpu.memory_space<vmem>> -> memref<1x200x128xf32, #tpu.memory_space<vmem>>
    %dma_wait3A_566 = tpu.memref_squeeze %dma_wait3A_565 : memref<1x200x128xf32, #tpu.memory_space<vmem>> -> memref<200x128xf32, #tpu.memory_space<vmem>>
    %dma_wait3A_567 = arith.constant 0 : i32
    %dma_wait3A_568 = tpu.memref_slice %arg4[%add3A_560, %dma_wait3A_567] : memref<819200x128xf32, #tpu.memory_space<hbm>> -> memref<200x128xf32, #tpu.memory_space<hbm>>
    %dma_wait3A_569 = tpu.memref_slice %arg12[%dma_wait3A_562] : memref<4x!tpu.dma_semaphore, #tpu.memory_space<semaphore_mem>> -> memref<1x!tpu.dma_semaphore, #tpu.memory_space<semaphore_mem>>
    %dma_wait3A_570 = tpu.memref_squeeze %dma_wait3A_569 : memref<1x!tpu.dma_semaphore, #tpu.memory_space<semaphore_mem>> -> memref<!tpu.dma_semaphore, #tpu.memory_space<semaphore_mem>>
    %dma_wait3A_571 = arith.constant 0 : i32
    %dma_wait3A_572 = tpu.memref_slice %arg4[%add3A_560, %dma_wait3A_571] : memref<819200x128xf32, #tpu.memory_space<hbm>> -> memref<200x128xf32, #tpu.memory_space<hbm>>
    %dma_wait3A_573 = arith.constant 0 : i32
    %dma_wait3A_574 = arith.constant 0 : i32
    %dma_wait3A_575 = tpu.memref_slice %arg7[%dma_wait3A_561, %dma_wait3A_573, %dma_wait3A_574] : memref<4x200x128xf32, #tpu.memory_space<vmem>> -> memref<1x200x128xf32, #tpu.memory_space<vmem>>
    %dma_wait3A_576 = tpu.memref_squeeze %dma_wait3A_575 : memref<1x200x128xf32, #tpu.memory_space<vmem>> -> memref<200x128xf32, #tpu.memory_space<vmem>>
    tpu.wait_dma2 semaphore(%dma_wait3A_570 : memref<!tpu.dma_semaphore, #tpu.memory_space<semaphore_mem>>) src(%dma_wait3A_576 : memref<200x128xf32, #tpu.memory_space<vmem>>) dst(%dma_wait3A_572 : memref<200x128xf32, #tpu.memory_space<hbm>>)
    %add3A_577 = arith.constant 25400 : i32
    %add3A_578 = arith.addi %mul3A_2, %add3A_577 : i32
    %dma_wait3A_579 = arith.constant 3 : i32
    %dma_wait3A_580 = arith.constant 3 : i32
    %dma_wait3A_581 = arith.constant 0 : i32
    %dma_wait3A_582 = arith.constant 0 : i32
    %dma_wait3A_583 = tpu.memref_slice %arg7[%dma_wait3A_579, %dma_wait3A_581, %dma_wait3A_582] : memref<4x200x128xf32, #tpu.memory_space<vmem>> -> memref<1x200x128xf32, #tpu.memory_space<vmem>>
    %dma_wait3A_584 = tpu.memref_squeeze %dma_wait3A_583 : memref<1x200x128xf32, #tpu.memory_space<vmem>> -> memref<200x128xf32, #tpu.memory_space<vmem>>
    %dma_wait3A_585 = arith.constant 0 : i32
    %dma_wait3A_586 = tpu.memref_slice %arg4[%add3A_578, %dma_wait3A_585] : memref<819200x128xf32, #tpu.memory_space<hbm>> -> memref<200x128xf32, #tpu.memory_space<hbm>>
    %dma_wait3A_587 = tpu.memref_slice %arg12[%dma_wait3A_580] : memref<4x!tpu.dma_semaphore, #tpu.memory_space<semaphore_mem>> -> memref<1x!tpu.dma_semaphore, #tpu.memory_space<semaphore_mem>>
    %dma_wait3A_588 = tpu.memref_squeeze %dma_wait3A_587 : memref<1x!tpu.dma_semaphore, #tpu.memory_space<semaphore_mem>> -> memref<!tpu.dma_semaphore, #tpu.memory_space<semaphore_mem>>
    %dma_wait3A_589 = arith.constant 0 : i32
    %dma_wait3A_590 = tpu.memref_slice %arg4[%add3A_578, %dma_wait3A_589] : memref<819200x128xf32, #tpu.memory_space<hbm>> -> memref<200x128xf32, #tpu.memory_space<hbm>>
    %dma_wait3A_591 = arith.constant 0 : i32
    %dma_wait3A_592 = arith.constant 0 : i32
    %dma_wait3A_593 = tpu.memref_slice %arg7[%dma_wait3A_579, %dma_wait3A_591, %dma_wait3A_592] : memref<4x200x128xf32, #tpu.memory_space<vmem>> -> memref<1x200x128xf32, #tpu.memory_space<vmem>>
    %dma_wait3A_594 = tpu.memref_squeeze %dma_wait3A_593 : memref<1x200x128xf32, #tpu.memory_space<vmem>> -> memref<200x128xf32, #tpu.memory_space<vmem>>
    tpu.wait_dma2 semaphore(%dma_wait3A_588 : memref<!tpu.dma_semaphore, #tpu.memory_space<semaphore_mem>>) src(%dma_wait3A_594 : memref<200x128xf32, #tpu.memory_space<vmem>>) dst(%dma_wait3A_590 : memref<200x128xf32, #tpu.memory_space<hbm>>)
    return
  }
}

</mosaic_0001>

<sc_bundles>
// kernel: kernel.3.cloned.1.call-start
scs
__scs_entry_jumppad:
0x0: {  	(pc) =	sbr.rel $0x88, $3  }
0x1: {  	(tag) =	ssettag $0x0;
	lr =	simm.s32 $0x1  }
0x2: {  	[smem:$0x3F9F] =	sst lr;
	_ =	strace $0xD0000000  }
0x3: {  	_ = 	snop  }
0x4: {  	_ = 	snop  }
0x5: {  	_ = 	snop  }
0x6: {  	_ = 	snop  }
0x7: {  	_ = 	snop  }
__scs_overlays_trampoline_lowered:
0x8: {  	[smem:$0x3FAE] =	sst s0  }
0x9: {  	[smem:$0x3FAF] =	sst s1  }
0xa: {  	[smem:$0x3FB0] =	sst s2  }
0xb: {  	[smem:$0x3FB1] =	sst s3  }
0xc: {  	[smem:$0x3FB2] =	sst s4  }
0xd: {  	[smem:$0x3FB3] =	sst s5  }
0xe: {  	[smem:$0x3FB4] =	sst s6  }
0xf: {  	[smem:$0x3FB5] =	sst s7  }
0x10: {  	[smem:$0x3FB6] =	sst s8  }
0x11: {  	[smem:$0x3FB7] =	sst s9;
	s0 =	simm.s32 @!p0 $0x0  }
0x12: {  	s1 =	sld [smem:$0x3F9D];
	s0 =	simm.s32 @p0 $0x1  }
0x13: {  	[smem:$0x3FB8] =	sst s0;
	s0 =	simm.s32 @!p1 $0x0  }
0x14: {  	s2 =	sld [smem:$0x3F9C];
	s0 =	simm.s32 @p1 $0x1  }
0x15: {  	[smem:$0x3FB9] =	sst s0;
	s0 =	simm.s32 @!p2 $0x0  }
0x16: {  	s3 =	sld [smem:$0x3FDB];
	s0 =	simm.s32 @p2 $0x1  }
0x17: {  	s4 =	simm.s32 $0x1BF5;
	[smem:$0x3FBB] =	sst s0  }
0x18: {  	s0 =	sld [smem:$0x3F9E];
	_ =	swait.ge [sflag:s4], $0x0  }
0x19: {  	s7 =	sld [smem:$0x3F9F]  }
0x1a: {  	s8 =	sadd.s32 $0xFFFFE003, lr  }
0x1b: {  	s9 =	sadd.s32 $0xFFFFFEF7, lr;
	s5 =	simm.s32 $0xFFFFFFFF;
	p2 =	slt.u32 s8, $0xFFFFF086  }
0x1c: {  	p1 =	slt.u32 s9, $0xF7A;
	s5 =	simm.s32 @!p2 $0x0  }
0x1d: {  	s5 =	simm.s32 @p1 $0x1;
	p0 =	seq.s32 s7, s2  }
0x1e: {  	s7 =	smul.u32 @!p0 $0xF7A, s2;
	p2 =	seq.s32 @!p0 s5, $0x0  }
0x1f: {  	s9 =	smul.u32 $0xF7A, s1;
	s8 =	simm.s32 @!p0 $0x1BF5;
	p2 =	por !p2, p0  }
0x20: {  	[sflag:s8] =	ssyncset.s32 @!p0 $0xFFFFF086;
	s6 =	sadd.s32 @!p0 s3, s7;
	s7 =	simm.s32 @!p0 $0x108  }
0x21: {  	s3 =	sadd.s32 s3, s9;
	s6 =	sadd.s32 @!p0 $0x88, s6;
	s7 =	simm.s32 @p2 $0x1082  }
0x22: {  	[simem:s7], [sflag:s8] =	dma.local @!p0 [hbm:s6], $0xF7A  }
0x23: {  	s9 =	sor.u32 $0xD0000000, s2;
	s6 =	simm.s32 $0x108;
	_ =	swait.ge @!p0 [sflag:s8], $0x0  }
0x24: {  	s3 =	sadd.s32 $0x88, s3;
	s6 =	simm.s32 @!p1 $0x1082;
	[sflag:s4] =	ssyncset.s32 $0xFFFFF086  }
0x25: {  	[simem:s6], [sflag:s4] =	dma.local [hbm:s3], $0xF7A  }
0x26: {  	[smem:$0x3F9F] =	sst s1;
	(tag) =	ssettag s2;
	_ =	strace s9  }
0x27: {  	s1 =	sld [smem:$0x3FAF]  }
0x28: {  	s2 =	sld [smem:$0x3FB0]  }
0x29: {  	s4 =	sld [smem:$0x3FB2]  }
0x2a: {  	p0 =	seq.s32 s5, $0x0;
	s5 =	sld [smem:$0x3FB3]  }
0x2b: {  	s6 =	sld [smem:$0x3FB4]  }
0x2c: {  	s7 =	sld [smem:$0x3FB5]  }
0x2d: {  	s3 =	simm.s32 $0x108;
	s8 =	sld [smem:$0x3FB6]  }
0x2e: {  	s3 =	simm.s32 @!p0 $0x1082;
	s9 =	sld [smem:$0x3FB7]  }
0x2f: {  	lr =	sadd.s32 s0, s3;
	s0 =	sld [smem:$0x3FAE]  }
0x30: {  	s3 =	sld [smem:$0x3FB1]  }
0x31: {  	[smem:$0x3FBA] =	sst s10  }
0x32: {  	s10 =	sld [smem:$0x3FB8];
	_ =	sdelay $0x3  }
0x33: {  	p0 =	seq.s32 s10, $0x1;
	s10 =	sld [smem:$0x3FBA];
	_ =	sdelay $0x3  }
0x34: {  	[smem:$0x3FBA] =	sst s10  }
0x35: {  	s10 =	sld [smem:$0x3FB9];
	_ =	sdelay $0x3  }
0x36: {  	p1 =	seq.s32 s10, $0x1;
	s10 =	sld [smem:$0x3FBA];
	_ =	sdelay $0x3  }
0x37: {  	[smem:$0x3FBA] =	sst s10  }
0x38: {  	s10 =	sld [smem:$0x3FBB]  }
0x39: {  	_ = 	snop;
	(pc) =	sbr.ind lr, $3  }
0x3a: {  	_ = 	snop  }
0x3b: {  	_ = 	snop  }
0x3c: {  	p2 =	seq.s32 s10, $0x1;
	s10 =	sld [smem:$0x3FBA]  }
0x3d: {  	_ =	shalt  }
0x3e: {  	_ =	shalt  }
0x3f: {  	_ =	shalt  }
0x40: {  	_ =	shalt  }
0x41: {  	_ =	shalt  }
0x42: {  	_ =	shalt  }
0x43: {  	_ =	shalt  }
0x44: {  	_ =	shalt  }
0x45: {  	_ =	shalt  }
0x46: {  	_ =	shalt  }
0x47: {  	_ =	shalt  }
0x48: {  	_ =	shalt  }
0x49: {  	_ =	shalt  }
0x4a: {  	_ =	shalt  }
0x4b: {  	_ =	shalt  }
0x4c: {  	_ =	shalt  }
0x4d: {  	_ =	shalt  }
0x4e: {  	_ =	shalt  }
0x4f: {  	_ =	shalt  }
0x50: {  	_ =	shalt  }
0x51: {  	_ =	shalt  }
0x52: {  	_ =	shalt  }
0x53: {  	_ =	shalt  }
0x54: {  	_ =	shalt  }
0x55: {  	_ =	shalt  }
0x56: {  	_ =	shalt  }
0x57: {  	_ =	shalt  }
0x58: {  	_ =	shalt  }
0x59: {  	_ =	shalt  }
0x5a: {  	_ =	shalt  }
0x5b: {  	_ =	shalt  }
0x5c: {  	_ =	shalt  }
0x5d: {  	_ =	shalt  }
0x5e: {  	_ =	shalt  }
0x5f: {  	_ =	shalt  }
0x60: {  	_ =	shalt  }
0x61: {  	_ =	shalt  }
0x62: {  	_ =	shalt  }
0x63: {  	_ =	shalt  }
0x64: {  	_ =	shalt  }
0x65: {  	_ =	shalt  }
0x66: {  	_ =	shalt  }
0x67: {  	_ =	shalt  }
0x68: {  	_ =	shalt  }
0x69: {  	_ =	shalt  }
0x6a: {  	_ =	shalt  }
0x6b: {  	_ =	shalt  }
0x6c: {  	_ =	shalt  }
0x6d: {  	_ =	shalt  }
0x6e: {  	_ =	shalt  }
0x6f: {  	_ =	shalt  }
0x70: {  	_ =	shalt  }
0x71: {  	_ =	shalt  }
0x72: {  	_ =	shalt  }
0x73: {  	_ =	shalt  }
0x74: {  	_ =	shalt  }
0x75: {  	_ =	shalt  }
0x76: {  	_ =	shalt  }
0x77: {  	_ =	shalt  }
0x78: {  	_ =	shalt  }
0x79: {  	_ =	shalt  }
0x7a: {  	_ =	shalt  }
0x7b: {  	_ =	shalt  }
0x7c: {  	_ =	shalt  }
0x7d: {  	_ =	shalt  }
0x7e: {  	_ =	shalt  }
0x7f: {  	_ =	shalt  }
0x80: {  	_ =	shalt  }
0x81: {  	_ =	shalt  }
0x82: {  	_ =	shalt  }
0x83: {  	_ =	shalt  }
0x84: {  	_ =	shalt  }
0x85: {  	_ =	shalt  }
0x86: {  	_ =	shalt  }
0x87: {  	_ =	shalt  }
.Lfunc_end0:
.L_simem_size_0:
called_computation_lowered:
.L_overlay_start_0:
0x88: {  	s2 =	sld [smem:$0x3FD9]  }
0x89: {  	s3 =	sld [smem:$0x3FFE];
	_ =	sdelay $0x1  }
0x8a: {  	s1 =	srdreg.scid  }
0x8b: {  	s0 =	sand.u32 $0x1, s1  }
0x8c: {  	s17 =	sshll.u32 s0, $0xA;
	s2 =	sadd.s32 s3, s2  }
0x8d: {  	s2 =	sadd.s32 s2, s17  }
0x8e: {  	[smem:$0x3FC6] =	sst s2  }
0x8f: {  	_ = 	snop  }
0x90: {  	s2 =	sld [smem:$0x3FC8]  }
0x91: {  	s18 =	sld [smem:$0x3FD0];
	(tm) =	ssettm $0x1  }
0x92: {  	s4 =	sld [smem:$0x3FFB];
	_ =	sdelay $0x3  }
0x93: {  	_ =	strace s4  }
0x94: {  	s4 =	sld [smem:$0x3FFC];
	_ =	sdelay $0x3  }
0x95: {  	_ =	strace s4  }
0x96: {  	s4 =	sld [smem:$0x3FFD];
	_ =	sdelay $0x3  }
0x97: {  	_ =	strace s4  }
0x98: {  	_ =	strace $0x8FFFFFFF  }
0x99: {  	s19 =	sld [smem:$0x3FDB];
	_ =	sdelay $0x1  }
0x9a: {  	s5 =	simm.s32 $_scs_section_size  }
0x9b: {  	s6 =	simm.s32 $_size__tile_overlayer_lowered;
	s7 =	simm.s32 $_tile_overlayer_lowered  }
0x9c: {  	s22 =	simm.s32 $0x1BFF;
	s21 =	sshll.u32 s7, $0x1;
	s4 =	sadd.s32 s5, s19  }
0x9d: {  	s8 =	simm.s32 $0x0;
	s20 =	sshll.u32 s6, $0x1;
	s6 =	sadd.s32 s21, s4  }
0x9e: {  	[timem:s8], [sflag:s22] =	dma.local [hbm:s6], s20  }
0x9f: {  	_ =	swait.ge [sflag:s22], s20  }
0xa0: {  	s5 =	ssub.s32 $0x0, s20;
	[sflag:s22] =	ssyncset.done $0x0  }
0xa1: {  	[sflag:s22] =	ssyncadd.s32 s5;
	_ =	sdelay $0x1  }
0xa2: {  	s23 =	simm.s32 $0x1B8B  }
0xa3: {  	_ =	swait.ge [sflag:s23], $0x1  }
0xa4: {  	[sflag:s23] =	ssyncset.done $0x0  }
0xa5: {  	s25 =	simm.s32 $0x1B8E;
	s24 =	sld [smem:$0x3FFE];
	[sflag:s23] =	ssyncadd.s32 $0xFFFFFFFF  }
0xa6: {  	s26 =	simm.s32 $execute0_lowered;
	[smem:$0x3FD2] =	sst s25  }
0xa7: {  	s6 =	sshll.u32 s26, $0x1;
	_ =	strace $0x80000046;
	[dreg:$0x1] =	wrdreg $0xFFFFFFFF  }
0xa8: {  	s28 =	simm.s32 $_size_execute0_lowered;
	s4 =	sadd.s32 s4, s6;
	[dreg:$0x0] =	wrdreg $0x0  }
0xa9: {  	s6 =	sshll.u32 s28, $0x1;
	[dreg:$0x2] =	wrdreg s4  }
0xaa: {  	[dreg:$0x3] =	wrdreg s6  }
0xab: {  	[dreg:$0x4] =	wrdreg $0xC0  }
0xac: {  	_ =	task [dreg:s8], $0x5FFFF  }
0xad: {  	[dreg:$0x1] =	wrdreg $0xFFFFFFFF  }
0xae: {  	[dreg:$0x0] =	wrdreg $0x60  }
0xaf: {  	[dreg:$0x2] =	wrdreg s2  }
0xb0: {  	[dreg:$0x3] =	wrdreg s24  }
0xb1: {  	[dreg:$0x4] =	wrdreg s18  }
0xb2: {  	[dreg:$0x5] =	wrdreg $0x0  }
0xb3: {  	[dreg:$0x6] =	wrdreg $0x9  }
0xb4: {  	_ =	task.clear_ibuf [dreg:s8], $0x7FFFF;
	_ =	strace $0x90000046  }
0xb5: {  	s29 =	simm.s32 $0x9;
	_ =	strace $0x80000048  }
0xb6: {  	_ =	swait.ge [sflag:s29], $0x1  }
0xb7: {  	[sflag:s29] =	ssyncadd.s32 $0xFFFFFFFF  }
0xb8: {  	_ =	strace $0x90000048  }
0xb9: {  	_ =	sfence  }
0xba: {  	s30 =	sld [smem:$0x0];
	_ =	sdelay $0x2  }
0xbb: {  	s31 =	sshll.u32 s1, $0xD;
	s1 =	sshrl.u32 s1, $0x2  }
0xbc: {  	s3 =	sand.u32 $0x4000, s31;
	s1 =	sadd.s32 s1, s30  }
0xbd: {  	s0 =	sor.u32 s3, s0;
	s1 =	sshll.u32 s1, $0x11  }
0xbe: {  	s0 =	sor.u32 s1, s0  }
0xbf: {  	s0 =	sadd.s32 $0x8F2B, s0  }
0xc0: {  	[sflag:s0] =	ssyncadd.remote.s32 $0x1  }
0xc1: {  	_ =	sfence.sel $0xFFFF  }
0xc2: {  	[dreg:$0x0] =	wrdreg $0xFFFFFFFF;
	(pc) =	sbr.abs _section_cstart, $3  }
0xc3: {  	[dreg:$0x1] =	wrdreg $0xFFFFFFFF  }
0xc4: {  	_ =	task.clear_ibuf [dreg:s8], $0x2FFFF;
	_ =	strace $0x9FFFFFFF  }
0xc5: {  	(tm) =	ssettm $0x7FFFFFFF  }
tec
execute0_lowered:
.L_overlay_start_1:
0x0: {  	(tag) =	ssettag $0x1  }
0x1: {  	s10 =	rddreg [dreg:$0x0]  }
0x2: {  	s0 =	rddreg [dreg:$0x1]  }
0x3: {  	s3 =	rddreg [dreg:$0x2];
	s1 =	srdreg.scid  }
0x4: {  	s8 =	stileid.u32;
	s4 =	rddreg [dreg:$0x3];
	s5 =	simm.s32 $0x0  }
0x5: {  	s15 =	simm.s32 $0xD;
	s20 =	simm.s32 $0x1;
	s21 =	simm.s32 $0x80  }
0x6: {  	s24 =	simm.s32 $0x48;
	s28 =	simm.s32 $0x2;
	s16 =	simm.s32 $0xA  }
0x7: {  	s17 =	simm.s32 $0xB;
	s18 =	simm.s32 $0xC;
	s19 =	simm.s32 $0x0  }
0x8: {  	s1 =	sand.u32 $0x1, s1;
	s2 =	sshll.u32 s8, $0x1;
	[smem:$0x7FF] =	sst s5  }
0x9: {  	s7 =	sadd.s32 $0x400, s0;
	s31 =	sshll.u32 s8, $0x6;
	s2 =	sor.u32 s1, s2  }
0xa: {  	s10 =	sadd.s32 $0x3C00, s10;
	s30 =	ssub.s32 $0x2, s1;
	s6 =	smul.u32 $0x6400, s2  }
0xb: {  	s14 =	sshrl.u32 s4, $0x3;
	_ =	strace $0x80000047;
	s1 =	sshrl.u32 s30, $0x1  }
0xc: {  	s8 =	sor.u32 $0x1C0D, s31;
	s0 =	ssub.s32 s30, s1;
	s9 =	sshrl.u32 s6, $0x3  }
0xd: {  	v0 =	vlaneseq.u32;
	s2 =	simm.s32 $0xD600;
	s13 =	smax.u32 s0, $0x1;
	s9 =	sadd.s32 s7, s9  }
0xe: {  	v1 =	vimm.f32 $0.0e+00;
	vm0 =	vcmask $0x1F00;
	v2 =	vor.u32 $0x80000000, v0;
	s0 =	simm.s32 $0x9;
	s11 =	sadd.s32 $0x19, s9;
	s12 =	sadd.s32 $0x32, s9  }
.LBB2_1:
0xf: {  	s1 =	rddreg [dreg:$0x0]  }
0x10: {  	[spmem:s14], [sflag:s8] =	dma.local [hbm:s1], $0x3C00  }
0x11: {  	_ =	swait.ge [sflag:s15], $0x3C00  }
0x12: {  	[sflag:s15] =	ssyncset.done $0x0  }
0x13: {  	s29 =	simm.s32 $0x1E00;
	[sflag:s15] =	ssyncadd.s32 $0xFFFFC400  }
0x14: {  	[tilespmem:s29], [sflag:$0xD] =	stream.linear.gather [hbm4b:s10+s5], $0x1400, $0x38;
	[tilespmem:$0x1C800] =	vst v63  }
0x15: {  	_ =	swait.ge [sflag:s15], $0x1400  }
0x16: {  	[sflag:s15] =	ssyncset.done $0x0  }
0x17: {  	s30 =	simm.s32 $0x1C200;
	[sflag:s15] =	ssyncadd.s32 $0xFFFFEC00  }
0x18: {  	[tilespmem:s30], [sflag:$0x1] =	stream.linear.gather [hbm4b:s9+s5], $0xC8, $0x38;
	[tilespmem:$0x1C800] =	vst v63  }
0x19: {  	s31 =	simm.s32 $0x1C2D0  }
0x1a: {  	[tilespmem:s31], [sflag:$0x2] =	stream.linear.gather [hbm4b:s11+s5], $0xC8, $0x38;
	[tilespmem:$0x1C800] =	vst v63  }
0x1b: {  	s22 =	simm.s32 $0x1C3A0  }
0x1c: {  	[tilespmem:s22], [sflag:$0x3] =	stream.linear.gather [hbm4b:s12+s5], $0xC8, $0x38;
	[tilespmem:$0x1C800] =	vst v63  }
0x1d: {  	_ =	swait.ge [sflag:s20], $0xC8  }
0x1e: {  	[sflag:s20] =	ssyncset.done $0x0  }
0x1f: {  	[sflag:s20] =	ssyncadd.s32 $0xFFFFFF38  }
0x20: {  	v3 =	vld [tilespmem:$0x1C200]  }
0x21: {  	v4 =	vld [tilespmem:$0x1C210]  }
0x22: {  	v5 =	vld [tilespmem:$0x1C220]  }
0x23: {  	v6 =	vld [tilespmem:$0x1C230]  }
0x24: {  	v7 =	vld [tilespmem:$0x1C240]  }
0x25: {  	v8 =	vld [tilespmem:$0x1C250];
	vm1 =	vlt.s32 v3, $0x3BF  }
0x26: {  	v9 =	vld [tilespmem:$0x1C260];
	v3 =	vnsel vm1, $0x3BF, v3;
	vm1 =	vlt.s32 v4, $0x3BF  }
0x27: {  	v46 =	vld [tilespmem:$0x1C270];
	[tilespmem:$0x1C580] =	vst v3;
	v3 =	vnsel vm1, $0x3BF, v4;
	vm1 =	vlt.s32 v5, $0x3BF  }
0x28: {  	v47 =	vld [tilespmem:$0x1C280];
	[tilespmem:$0x1C590] =	vst v3;
	v3 =	vnsel vm1, $0x3BF, v5;
	vm1 =	vlt.s32 v6, $0x3BF  }
0x29: {  	v48 =	vld [tilespmem:$0x1C290];
	[tilespmem:$0x1C5A0] =	vst v3;
	v3 =	vnsel vm1, $0x3BF, v6;
	vm1 =	vlt.s32 v7, $0x3BF  }
0x2a: {  	v49 =	vld [tilespmem:$0x1C2A0];
	[tilespmem:$0x1C5B0] =	vst v3;
	v3 =	vnsel vm1, $0x3BF, v7;
	vm1 =	vlt.s32 v8, $0x3BF  }
0x2b: {  	v50 =	vld [tilespmem:$0x1C2B0];
	[tilespmem:$0x1C5C0] =	vst v3;
	v3 =	vnsel vm1, $0x3BF, v8;
	vm1 =	vlt.s32 v9, $0x3BF  }
0x2c: {  	v51 =	vld [tilespmem:$0x1C2C0];
	[tilespmem:$0x1C5D0] =	vst v3;
	v3 =	vnsel vm1, $0x3BF, v9;
	vm1 =	vlt.s32 v46, $0x3BF  }
0x2d: {  	[tilespmem:$0x1C5E0] =	vst v3;
	v3 =	vnsel vm1, $0x3BF, v46;
	vm1 =	vlt.s32 v47, $0x3BF  }
0x2e: {  	[tilespmem:$0x1C5F0] =	vst v3;
	v3 =	vnsel vm1, $0x3BF, v47;
	vm1 =	vlt.s32 v48, $0x3BF  }
0x2f: {  	[tilespmem:$0x1C600] =	vst v3;
	v3 =	vnsel vm1, $0x3BF, v48;
	vm1 =	vlt.s32 v49, $0x3BF  }
0x30: {  	[tilespmem:$0x1C610] =	vst v3;
	v3 =	vnsel vm1, $0x3BF, v49;
	vm1 =	vlt.s32 v50, $0x3BF  }
0x31: {  	[tilespmem:$0x1C620] =	vst v3;
	v3 =	vnsel vm1, $0x3BF, v50;
	vm1 =	vlt.s32 v51, $0x3BF  }
0x32: {  	[tilespmem:$0x1C630] =	vst v3;
	v3 =	vnsel vm1, $0x3BF, v51  }
0x33: {  	s23 =	simm.s32 $0x1C580;
	s22 =	simm.s32 $0x3200;
	[tilespmem:$0x1C640] =	vst v3  }
0x34: {  	[tilespmem:s22], [sflag:$0x5] =	stream.indirect.gather [spmem:s4], $0x80, s23, s21, $0xb8;
	[tilespmem:$0x1C800] =	vst v63  }
0x35: {  	s25 =	simm.s32 $0x1C600;
	s26 =	simm.s32 $0x7200  }
0x36: {  	[tilespmem:s26], [sflag:$0x5] =	stream.indirect.gather [spmem:s4], $0x80, s25, s24, $0xb8;
	[tilespmem:$0x1C800] =	vst v63  }
0x37: {  	_ =	swait.ge [sflag:s28], $0xC8  }
0x38: {  	[sflag:s28] =	ssyncset.done $0x0  }
0x39: {  	[sflag:s28] =	ssyncadd.s32 $0xFFFFFF38  }
0x3a: {  	v3 =	vld [tilespmem:$0x1C2D0]  }
0x3b: {  	v52 =	vld [tilespmem:$0x1C2E0]  }
0x3c: {  	v53 =	vld [tilespmem:$0x1C2F0]  }
0x3d: {  	v54 =	vld [tilespmem:$0x1C300]  }
0x3e: {  	v55 =	vld [tilespmem:$0x1C310]  }
0x3f: {  	v56 =	vld [tilespmem:$0x1C320];
	vm1 =	vlt.s32 v3, $0x3BF  }
0x40: {  	v57 =	vld [tilespmem:$0x1C330];
	v3 =	vnsel vm1, $0x3BF, v3;
	vm1 =	vlt.s32 v52, $0x3BF  }
0x41: {  	v58 =	vld [tilespmem:$0x1C340];
	[tilespmem:$0x1C650] =	vst v3;
	v3 =	vnsel vm1, $0x3BF, v52;
	vm1 =	vlt.s32 v53, $0x3BF  }
0x42: {  	v59 =	vld [tilespmem:$0x1C350];
	[tilespmem:$0x1C660] =	vst v3;
	v3 =	vnsel vm1, $0x3BF, v53;
	vm1 =	vlt.s32 v54, $0x3BF  }
0x43: {  	v60 =	vld [tilespmem:$0x1C360];
	[tilespmem:$0x1C670] =	vst v3;
	v3 =	vnsel vm1, $0x3BF, v54;
	vm1 =	vlt.s32 v55, $0x3BF  }
0x44: {  	v61 =	vld [tilespmem:$0x1C370];
	[tilespmem:$0x1C680] =	vst v3;
	v3 =	vnsel vm1, $0x3BF, v55;
	vm1 =	vlt.s32 v56, $0x3BF  }
0x45: {  	v62 =	vld [tilespmem:$0x1C380];
	[tilespmem:$0x1C690] =	vst v3;
	v3 =	vnsel vm1, $0x3BF, v56;
	vm1 =	vlt.s32 v57, $0x3BF  }
0x46: {  	v63 =	vld [tilespmem:$0x1C390];
	[tilespmem:$0x1C6A0] =	vst v3;
	v3 =	vnsel vm1, $0x3BF, v57;
	vm1 =	vlt.s32 v58, $0x3BF  }
0x47: {  	[tilespmem:$0x1C6B0] =	vst v3;
	v3 =	vnsel vm1, $0x3BF, v58;
	vm1 =	vlt.s32 v59, $0x3BF  }
0x48: {  	[tilespmem:$0x1C6C0] =	vst v3;
	v3 =	vnsel vm1, $0x3BF, v59;
	vm1 =	vlt.s32 v60, $0x3BF  }
0x49: {  	[tilespmem:$0x1C6D0] =	vst v3;
	v3 =	vnsel vm1, $0x3BF, v60;
	vm1 =	vlt.s32 v61, $0x3BF  }
0x4a: {  	[tilespmem:$0x1C6E0] =	vst v3;
	v3 =	vnsel vm1, $0x3BF, v61;
	vm1 =	vlt.s32 v62, $0x3BF  }
0x4b: {  	[tilespmem:$0x1C6F0] =	vst v3;
	v3 =	vnsel vm1, $0x3BF, v62;
	vm1 =	vlt.s32 v63, $0x3BF  }
0x4c: {  	[tilespmem:$0x1C700] =	vst v3;
	v3 =	vnsel vm1, $0x3BF, v63  }
0x4d: {  	s29 =	simm.s32 $0x1C650;
	s30 =	simm.s32 $0x9600;
	[tilespmem:$0x1C710] =	vst v3  }
0x4e: {  	[tilespmem:s30], [sflag:$0x6] =	stream.indirect.gather [spmem:s4], $0x80, s29, s21, $0xb8;
	[tilespmem:$0x1C800] =	vst v63  }
0x4f: {  	s31 =	simm.s32 $0x1C6D0;
	s22 =	simm.s32 $0x0;
	s23 =	simm.s32 $0x0  }
0x50: {  	[tilespmem:s2], [sflag:$0x6] =	stream.indirect.gather [spmem:s4], $0x80, s31, s24, $0xb8;
	[tilespmem:$0x1C800] =	vst v63  }
.LBB2_2:
0x51: {  	p0 =	sgt.u32 s23, $0x7C  }
.Ltmp0:
0x52: {  	_ = 	snop;
	(pc) =	sbr.rel @p0 .LBB2_4-.Ltmp0, $1  }
0x53: {  	_ =	sdelay $0x3  }
0x54: {  	s1 =	sadd.s32 $0x3, s23  }
0x55: {  	s25 =	sand.u32 $0x3, s1;
	s1 =	smul.u32 $0xC8, s1  }
0x56: {  	s26 =	smul.u32 $0x340, s25  }
.Ltmp1:
0x57: {  	_ = 	snop;
	(pc) =	sbr.rel .LBB2_5-.Ltmp1, $4  }
0x58: {  	s1 =	sadd.s32 s6, s1  }
0x59: {  	s26 =	sshrl.u32 s26, $0x2;
	s1 =	sshrl.u32 s1, $0x3  }
0x5a: {  	s25 =	sadd.s32 $0x1, s25;
	s26 =	sadd.s32 $0x1C200, s26;
	s1 =	sadd.s32 s7, s1  }
0x5b: {  	[tilespmem:s26], [sflag:s25] =	stream.linear.gather [hbm4b:s1+s5], $0xC8, $0x38;
	[tilespmem:$0x1C800] =	vst v63  }
.LBB2_4:
0x5c: {  	p0 =	sne.s32 s23, $0x7D  }
.Ltmp2:
0x5d: {  	_ = 	snop;
	(pc) =	sbr.rel @p0 .LBB2_6-.Ltmp2, $1  }
0x5e: {  	_ =	sdelay $0x3  }
.LBB2_5:
0x5f: {  	s25 =	sadd.s32 $0x2, s23  }
0x60: {  	s1 =	sand.u32 $0x3, s25  }
0x61: {  	s26 =	sadd.s32 $0x1, s1  }
0x62: {  	s29 =	smul.u32 $0xAB, s25;
	_ =	swait.ge [sflag:s26], $0xC8  }
0x63: {  	s30 =	smul.u32 $0xD0, s1;
	[sflag:s26] =	ssyncset.done $0x0  }
0x64: {  	s29 =	sshrl.u32 s29, $0x9;
	[sflag:s26] =	ssyncadd.s32 $0xFFFFFF38  }
0x65: {  	s26 =	sand.u32 $0x7F, s29;
	v3 =	vld [tilespmem:s30+$0x1C200]  }
0x66: {  	s26 =	smul.u32 $0x3, s26;
	_ =	sdelay $0x1  }
0x67: {  	s25 =	ssub.s32 s25, s26  }
0x68: {  	s25 =	sand.u32 $0xFF, s25  }
0x69: {  	s25 =	smul.u32 $0xD0, s25;
	vm1 =	vlt.s32 v3, $0x3BF  }
0x6a: {  	v3 =	vnsel vm1, $0x3BF, v3  }
0x6b: {  	[tilespmem:s25+$0x1C580] =	vst v3  }
0x6c: {  	v3 =	vld [tilespmem:s30+$0x1C210];
	_ =	sdelay $0x4  }
0x6d: {  	vm1 =	vlt.s32 v3, $0x3BF  }
0x6e: {  	v3 =	vnsel vm1, $0x3BF, v3  }
0x6f: {  	[tilespmem:s25+$0x1C590] =	vst v3  }
0x70: {  	v3 =	vld [tilespmem:s30+$0x1C220];
	_ =	sdelay $0x4  }
0x71: {  	vm1 =	vlt.s32 v3, $0x3BF  }
0x72: {  	v3 =	vnsel vm1, $0x3BF, v3  }
0x73: {  	[tilespmem:s25+$0x1C5A0] =	vst v3  }
0x74: {  	v3 =	vld [tilespmem:s30+$0x1C230];
	_ =	sdelay $0x4  }
0x75: {  	vm1 =	vlt.s32 v3, $0x3BF  }
0x76: {  	v3 =	vnsel vm1, $0x3BF, v3  }
0x77: {  	[tilespmem:s25+$0x1C5B0] =	vst v3  }
0x78: {  	v3 =	vld [tilespmem:s30+$0x1C240];
	_ =	sdelay $0x4  }
0x79: {  	vm1 =	vlt.s32 v3, $0x3BF  }
0x7a: {  	v3 =	vnsel vm1, $0x3BF, v3  }
0x7b: {  	[tilespmem:s25+$0x1C5C0] =	vst v3  }
0x7c: {  	v3 =	vld [tilespmem:s30+$0x1C250];
	_ =	sdelay $0x4  }
0x7d: {  	vm1 =	vlt.s32 v3, $0x3BF  }
0x7e: {  	v3 =	vnsel vm1, $0x3BF, v3  }
0x7f: {  	[tilespmem:s25+$0x1C5D0] =	vst v3  }
0x80: {  	v3 =	vld [tilespmem:s30+$0x1C260];
	_ =	sdelay $0x4  }
0x81: {  	vm1 =	vlt.s32 v3, $0x3BF  }
0x82: {  	v3 =	vnsel vm1, $0x3BF, v3  }
0x83: {  	[tilespmem:s25+$0x1C5E0] =	vst v3  }
0x84: {  	v3 =	vld [tilespmem:s30+$0x1C270];
	_ =	sdelay $0x4  }
0x85: {  	vm1 =	vlt.s32 v3, $0x3BF  }
0x86: {  	v3 =	vnsel vm1, $0x3BF, v3  }
0x87: {  	[tilespmem:s25+$0x1C5F0] =	vst v3  }
0x88: {  	v3 =	vld [tilespmem:s30+$0x1C280];
	_ =	sdelay $0x3  }
0x89: {  	s26 =	sadd.s32 $0x80, s25  }
0x8a: {  	s31 =	sand.u32 $0x70, s25;
	s29 =	sand.u32 $0x780, s26;
	vm1 =	vlt.s32 v3, $0x3BF  }
0x8b: {  	s29 =	sor.u32 s31, s29;
	v3 =	vnsel vm1, $0x3BF, v3  }
0x8c: {  	[tilespmem:s29+$0x1C580] =	vst v3  }
0x8d: {  	v3 =	vld [tilespmem:s30+$0x1C290];
	_ =	sdelay $0x4  }
0x8e: {  	vm1 =	vlt.s32 v3, $0x3BF  }
0x8f: {  	v3 =	vnsel vm1, $0x3BF, v3  }
0x90: {  	[tilespmem:s25+$0x1C610] =	vst v3  }
0x91: {  	v3 =	vld [tilespmem:s30+$0x1C2A0];
	_ =	sdelay $0x4  }
0x92: {  	vm1 =	vlt.s32 v3, $0x3BF  }
0x93: {  	v3 =	vnsel vm1, $0x3BF, v3  }
0x94: {  	[tilespmem:s25+$0x1C620] =	vst v3  }
0x95: {  	v3 =	vld [tilespmem:s30+$0x1C2B0];
	_ =	sdelay $0x4  }
0x96: {  	vm1 =	vlt.s32 v3, $0x3BF  }
0x97: {  	v3 =	vnsel vm1, $0x3BF, v3  }
0x98: {  	[tilespmem:s25+$0x1C630] =	vst v3  }
0x99: {  	v3 =	vld [tilespmem:s30+$0x1C2C0];
	_ =	sdelay $0x4  }
0x9a: {  	vm1 =	vlt.s32 v3, $0x3BF  }
0x9b: {  	p0 =	slt.u32 s23, $0x2;
	v3 =	vnsel vm1, $0x3BF, v3  }
0x9c: {  	s31 =	smul.u32 $0x19000, s1;
	s29 =	sadd.s32 @!p0 $0x9, s1;
	[tilespmem:s25+$0x1C640] =	vst v3  }
0x9d: {  	_ =	swait.ge @!p0 [sflag:s29], $0x6400  }
0x9e: {  	s1 =	sadd.s32 $0x5, s1;
	s30 =	sshrl.u32 s31, $0x2;
	[sflag:s29] =	ssyncset.done @!p0 $0x0  }
0x9f: {  	s31 =	sadd.s32 $0x3200, s30;
	s25 =	sadd.s32 $0x1C580, s25;
	[sflag:s29] =	ssyncadd.s32 @!p0 $0xFFFF9C00  }
0xa0: {  	[tilespmem:s31], [sflag:s1] =	stream.indirect.gather [spmem:s4], $0x80, s25, s21, $0xb8;
	[tilespmem:$0x1C800] =	vst v63  }
0xa1: {  	s26 =	sadd.s32 $0x1C580, s26;
	s31 =	sadd.s32 $0x7200, s30  }
0xa2: {  	[tilespmem:s31], [sflag:s1] =	stream.indirect.gather [spmem:s4], $0x80, s26, s24, $0xb8;
	[tilespmem:$0x1C800] =	vst v63  }
.LBB2_6:
0xa3: {  	s25 =	sand.u32 $0x3, s23  }
0xa4: {  	s1 =	sadd.s32 $0x5, s25  }
0xa5: {  	_ =	swait.ge [sflag:s1], $0x4000  }
0xa6: {  	[sflag:s1] =	ssyncset.done $0x0  }
0xa7: {  	[sflag:s1] =	ssyncadd.s32 $0xFFFFC000  }
0xa8: {  	_ =	swait.ge [sflag:s1], $0x2400  }
0xa9: {  	s29 =	smul.u32 $0xD0, s25;
	[sflag:s1] =	ssyncset.done $0x0  }
0xaa: {  	[sflag:s1] =	ssyncadd.s32 $0xFFFFDC00  }
0xab: {  	v3 =	vld [tilespmem:s29+$0x1C200];
	_ =	sdelay $0x4  }
0xac: {  	vm1 =	vgt.s32 v3, $0x3BF  }
0xad: {  	v4 =	vsel vm1, $0x3F800000, v1  }
0xae: {  	(xrf0) =	vmax.scan.msk.f32 $0xffff, v4;
	_ =	sdelay $0x5  }
0xaf: {  	v4, _, _ =	vpop (xrf0)  }
0xb0: {  	(v2sf) =	vpush v4, $0xF;
	_ =	sdelay $0xe  }
0xb1: {  	s30 =	spop (v2sf)  }
0xb2: {  	p0 =	sgt.f32 s30, $0.0e+00  }
.Ltmp3:
0xb3: {  	_ = 	snop;
	(pc) =	sbr.rel @!p0 .LBB2_9-.Ltmp3, $3  }
0xb4: {  	_ = 	snop  }
0xb5: {  	s31 =	smul.u32 $0x19000, s25;
	_ =	sdelay $0x1  }
0xb6: {  	s26 =	sshrl.u32 s31, $0x2  }
0xb7: {  	s1 =	sadd.s32 $0x3200, s26  }
0xb8: {  	v3 =	vxor.u32 $0x80000000, v3;
	v4 =	vmov s1  }
.LBB2_8:
0xb9: {  	v5 =	vnsel vm1, $0x7FFFFFFF, v2  }
0xba: {  	(xrf0) =	vmax.scan.msk.u32 $0xffff, v5;
	_ =	sdelay $0x5  }
0xbb: {  	v5, _, _ =	vpop (xrf0)  }
0xbc: {  	(v2sf) =	vpush v5, $0xF;
	_ =	sdelay $0xe  }
0xbd: {  	s1 =	spop (v2sf)  }
0xbe: {  	s30 =	sxor.u32 $0x80000000, s1  }
0xbf: {  	v5 =	vmov s30  }
0xc0: {  	vm2 =	veq.s32 v5, v0  }
0xc1: {  	v6 =	vnsel vm2, $0x7FFFFFFF, v3  }
0xc2: {  	(xrf0) =	vmax.scan.msk.u32 $0xffff, v6;
	_ =	sdelay $0x5  }
0xc3: {  	v6, _, _ =	vpop (xrf0)  }
0xc4: {  	(v2sf) =	vpush v6, $0xF;
	_ =	sdelay $0xe  }
0xc5: {  	s31 =	spop (v2sf)  }
0xc6: {  	s30 =	sshll.u32 s31, $0x9  }
0xc7: {  	s30 =	sshra.s32 s30, $0x2  }
0xc8: {  	v6 =	vld [tilespmem:s30+$0xFFFE3E00];
	_ =	sdelay $0x2  }
0xc9: {  	s1 =	sshll.u32 s1, $0x9  }
0xca: {  	s1 =	sshra.s32 s1, $0x2  }
0xcb: {  	[tilespmem:v4+s1+$0x0 ss:$0x1] =	vst.idx.msk $0xffff, v6  }
0xcc: {  	v6 =	vld [tilespmem:s30+$0xFFFE3E10];
	_ =	sdelay $0x4  }
0xcd: {  	[tilespmem:v4+s1+$0x10 ss:$0x1] =	vst.idx.msk $0xffff, v6  }
0xce: {  	v6 =	vld [tilespmem:s30+$0xFFFE3E20];
	_ =	sdelay $0x3  }
0xcf: {  	vm2 =	vne.s32 v5, v0  }
0xd0: {  	vm1 =	vmand vm1, vm2;
	[tilespmem:v4+s1+$0x20 ss:$0x1] =	vst.idx.msk $0xffff, v6  }
0xd1: {  	v5 =	vsel vm1, $0x3F800000, v1;
	v6 =	vld [tilespmem:s30+$0xFFFE3E30]  }
0xd2: {  	(xrf0) =	vmax.scan.msk.f32 $0xffff, v5;
	_ =	sdelay $0x3  }
0xd3: {  	[tilespmem:v4+s1+$0x30 ss:$0x1] =	vst.idx.msk $0xffff, v6  }
0xd4: {  	v5 =	vld [tilespmem:s30+$0xFFFE3E40]  }
0xd5: {  	v6, _, _ =	vpop (xrf0)  }
0xd6: {  	(v2sf) =	vpush v6, $0xF;
	_ =	sdelay $0x2  }
0xd7: {  	[tilespmem:v4+s1+$0x40 ss:$0x1] =	vst.idx.msk $0xffff, v5  }
0xd8: {  	v5 =	vld [tilespmem:s30+$0xFFFE3E50];
	_ =	sdelay $0x4  }
0xd9: {  	[tilespmem:v4+s1+$0x50 ss:$0x1] =	vst.idx.msk $0xffff, v5  }
0xda: {  	v5 =	vld [tilespmem:s30+$0xFFFE3E60];
	_ =	sdelay $0x4  }
0xdb: {  	s31 =	spop (v2sf);
	[tilespmem:v4+s1+$0x60 ss:$0x1] =	vst.idx.msk $0xffff, v5  }
0xdc: {  	p0 =	sgt.f32 s31, $0.0e+00;
	v5 =	vld [tilespmem:s30+$0xFFFE3E70]  }
.Ltmp4:
0xdd: {  	_ = 	snop;
	(pc) =	sbr.rel @p0 .LBB2_8-.Ltmp4, $2  }
0xde: {  	_ =	sdelay $0x2  }
0xdf: {  	[tilespmem:v4+s1+$0x70 ss:$0x1] =	vst.idx.msk $0xffff, v5  }
.LBB2_9:
0xe0: {  	v3 =	vld [tilespmem:s29+$0x1C210];
	_ =	sdelay $0x4  }
0xe1: {  	vm1 =	vgt.s32 v3, $0x3BF  }
0xe2: {  	v4 =	vsel vm1, $0x3F800000, v1  }
0xe3: {  	(xrf0) =	vmax.scan.msk.f32 $0xffff, v4;
	_ =	sdelay $0x5  }
0xe4: {  	v4, _, _ =	vpop (xrf0)  }
0xe5: {  	(v2sf) =	vpush v4, $0xF;
	_ =	sdelay $0xe  }
0xe6: {  	s1 =	spop (v2sf)  }
0xe7: {  	p0 =	sgt.f32 s1, $0.0e+00  }
.Ltmp5:
0xe8: {  	_ = 	snop;
	(pc) =	sbr.rel @!p0 .LBB2_12-.Ltmp5, $1  }
0xe9: {  	_ =	sdelay $0x3  }
0xea: {  	s1 =	sadd.s32 $0x3200, s26  }
0xeb: {  	v3 =	vxor.u32 $0x80000000, v3;
	v4 =	vmov s1  }
.LBB2_11:
0xec: {  	v5 =	vnsel vm1, $0x7FFFFFFF, v2  }
0xed: {  	(xrf0) =	vmax.scan.msk.u32 $0xffff, v5;
	_ =	sdelay $0x5  }
0xee: {  	v5, _, _ =	vpop (xrf0)  }
0xef: {  	(v2sf) =	vpush v5, $0xF;
	_ =	sdelay $0xe  }
0xf0: {  	s1 =	spop (v2sf)  }
0xf1: {  	s30 =	sxor.u32 $0x80000000, s1  }
0xf2: {  	v5 =	vmov s30  }
0xf3: {  	vm2 =	veq.s32 v5, v0  }
0xf4: {  	v6 =	vnsel vm2, $0x7FFFFFFF, v3  }
0xf5: {  	(xrf0) =	vmax.scan.msk.u32 $0xffff, v6;
	_ =	sdelay $0x5  }
0xf6: {  	v6, _, _ =	vpop (xrf0)  }
0xf7: {  	(v2sf) =	vpush v6, $0xF;
	_ =	sdelay $0xe  }
0xf8: {  	s31 =	spop (v2sf)  }
0xf9: {  	s30 =	sshll.u32 s31, $0x9  }
0xfa: {  	s30 =	sshra.s32 s30, $0x2  }
0xfb: {  	v6 =	vld [tilespmem:s30+$0xFFFE3E00];
	_ =	sdelay $0x2  }
0xfc: {  	s1 =	sshll.u32 s1, $0x9  }
0xfd: {  	s1 =	sshra.s32 s1, $0x2  }
0xfe: {  	[tilespmem:v4+s1+$0x800 ss:$0x1] =	vst.idx.msk $0xffff, v6  }
0xff: {  	v6 =	vld [tilespmem:s30+$0xFFFE3E10];
	_ =	sdelay $0x4  }
0x100: {  	[tilespmem:v4+s1+$0x810 ss:$0x1] =	vst.idx.msk $0xffff, v6  }
0x101: {  	v6 =	vld [tilespmem:s30+$0xFFFE3E20];
	_ =	sdelay $0x3  }
0x102: {  	vm2 =	vne.s32 v5, v0  }
0x103: {  	vm1 =	vmand vm1, vm2;
	[tilespmem:v4+s1+$0x820 ss:$0x1] =	vst.idx.msk $0xffff, v6  }
0x104: {  	v5 =	vsel vm1, $0x3F800000, v1;
	v6 =	vld [tilespmem:s30+$0xFFFE3E30]  }
0x105: {  	(xrf0) =	vmax.scan.msk.f32 $0xffff, v5;
	_ =	sdelay $0x3  }
0x106: {  	[tilespmem:v4+s1+$0x830 ss:$0x1] =	vst.idx.msk $0xffff, v6  }
0x107: {  	v5 =	vld [tilespmem:s30+$0xFFFE3E40]  }
0x108: {  	v6, _, _ =	vpop (xrf0)  }
0x109: {  	(v2sf) =	vpush v6, $0xF;
	_ =	sdelay $0x2  }
0x10a: {  	[tilespmem:v4+s1+$0x840 ss:$0x1] =	vst.idx.msk $0xffff, v5  }
0x10b: {  	v5 =	vld [tilespmem:s30+$0xFFFE3E50];
	_ =	sdelay $0x4  }
0x10c: {  	[tilespmem:v4+s1+$0x850 ss:$0x1] =	vst.idx.msk $0xffff, v5  }
0x10d: {  	v5 =	vld [tilespmem:s30+$0xFFFE3E60];
	_ =	sdelay $0x4  }
0x10e: {  	s31 =	spop (v2sf);
	[tilespmem:v4+s1+$0x860 ss:$0x1] =	vst.idx.msk $0xffff, v5  }
0x10f: {  	p0 =	sgt.f32 s31, $0.0e+00;
	v5 =	vld [tilespmem:s30+$0xFFFE3E70]  }
.Ltmp6:
0x110: {  	_ = 	snop;
	(pc) =	sbr.rel @p0 .LBB2_11-.Ltmp6, $2  }
0x111: {  	_ =	sdelay $0x2  }
0x112: {  	[tilespmem:v4+s1+$0x870 ss:$0x1] =	vst.idx.msk $0xffff, v5  }
.LBB2_12:
0x113: {  	v3 =	vld [tilespmem:s29+$0x1C220];
	_ =	sdelay $0x4  }
0x114: {  	vm1 =	vgt.s32 v3, $0x3BF  }
0x115: {  	v4 =	vsel vm1, $0x3F800000, v1  }
0x116: {  	(xrf0) =	vmax.scan.msk.f32 $0xffff, v4;
	_ =	sdelay $0x5  }
0x117: {  	v4, _, _ =	vpop (xrf0)  }
0x118: {  	(v2sf) =	vpush v4, $0xF;
	_ =	sdelay $0xe  }
0x119: {  	s1 =	spop (v2sf)  }
0x11a: {  	p0 =	sgt.f32 s1, $0.0e+00  }
.Ltmp7:
0x11b: {  	_ = 	snop;
	(pc) =	sbr.rel @!p0 .LBB2_15-.Ltmp7, $1  }
0x11c: {  	_ =	sdelay $0x3  }
0x11d: {  	s1 =	sadd.s32 $0x3200, s26  }
0x11e: {  	v3 =	vxor.u32 $0x80000000, v3;
	v4 =	vmov s1  }
.LBB2_14:
0x11f: {  	v5 =	vnsel vm1, $0x7FFFFFFF, v2  }
0x120: {  	(xrf0) =	vmax.scan.msk.u32 $0xffff, v5;
	_ =	sdelay $0x5  }
0x121: {  	v5, _, _ =	vpop (xrf0)  }
0x122: {  	(v2sf) =	vpush v5, $0xF;
	_ =	sdelay $0xe  }
0x123: {  	s1 =	spop (v2sf)  }
0x124: {  	s30 =	sxor.u32 $0x80000000, s1  }
0x125: {  	v5 =	vmov s30  }
0x126: {  	vm2 =	veq.s32 v5, v0  }
0x127: {  	v6 =	vnsel vm2, $0x7FFFFFFF, v3  }
0x128: {  	(xrf0) =	vmax.scan.msk.u32 $0xffff, v6;
	_ =	sdelay $0x5  }
0x129: {  	v6, _, _ =	vpop (xrf0)  }
0x12a: {  	(v2sf) =	vpush v6, $0xF;
	_ =	sdelay $0xe  }
0x12b: {  	s31 =	spop (v2sf)  }
0x12c: {  	s30 =	sshll.u32 s31, $0x9  }
0x12d: {  	s30 =	sshra.s32 s30, $0x2  }
0x12e: {  	v6 =	vld [tilespmem:s30+$0xFFFE3E00];
	_ =	sdelay $0x2  }
0x12f: {  	s1 =	sshll.u32 s1, $0x9  }
0x130: {  	s1 =	sshra.s32 s1, $0x2  }
0x131: {  	[tilespmem:v4+s1+$0x1000 ss:$0x1] =	vst.idx.msk $0xffff, v6  }
0x132: {  	v6 =	vld [tilespmem:s30+$0xFFFE3E10];
	_ =	sdelay $0x4  }
0x133: {  	[tilespmem:v4+s1+$0x1010 ss:$0x1] =	vst.idx.msk $0xffff, v6  }
0x134: {  	v6 =	vld [tilespmem:s30+$0xFFFE3E20];
	_ =	sdelay $0x3  }
0x135: {  	vm2 =	vne.s32 v5, v0  }
0x136: {  	vm1 =	vmand vm1, vm2;
	[tilespmem:v4+s1+$0x1020 ss:$0x1] =	vst.idx.msk $0xffff, v6  }
0x137: {  	v5 =	vsel vm1, $0x3F800000, v1;
	v6 =	vld [tilespmem:s30+$0xFFFE3E30]  }
0x138: {  	(xrf0) =	vmax.scan.msk.f32 $0xffff, v5;
	_ =	sdelay $0x3  }
0x139: {  	[tilespmem:v4+s1+$0x1030 ss:$0x1] =	vst.idx.msk $0xffff, v6  }
0x13a: {  	v5 =	vld [tilespmem:s30+$0xFFFE3E40]  }
0x13b: {  	v6, _, _ =	vpop (xrf0)  }
0x13c: {  	(v2sf) =	vpush v6, $0xF;
	_ =	sdelay $0x2  }
0x13d: {  	[tilespmem:v4+s1+$0x1040 ss:$0x1] =	vst.idx.msk $0xffff, v5  }
0x13e: {  	v5 =	vld [tilespmem:s30+$0xFFFE3E50];
	_ =	sdelay $0x4  }
0x13f: {  	[tilespmem:v4+s1+$0x1050 ss:$0x1] =	vst.idx.msk $0xffff, v5  }
0x140: {  	v5 =	vld [tilespmem:s30+$0xFFFE3E60];
	_ =	sdelay $0x4  }
0x141: {  	s31 =	spop (v2sf);
	[tilespmem:v4+s1+$0x1060 ss:$0x1] =	vst.idx.msk $0xffff, v5  }
0x142: {  	p0 =	sgt.f32 s31, $0.0e+00;
	v5 =	vld [tilespmem:s30+$0xFFFE3E70]  }
.Ltmp8:
0x143: {  	_ = 	snop;
	(pc) =	sbr.rel @p0 .LBB2_14-.Ltmp8, $2  }
0x144: {  	_ =	sdelay $0x2  }
0x145: {  	[tilespmem:v4+s1+$0x1070 ss:$0x1] =	vst.idx.msk $0xffff, v5  }
.LBB2_15:
0x146: {  	v3 =	vld [tilespmem:s29+$0x1C230];
	_ =	sdelay $0x4  }
0x147: {  	vm1 =	vgt.s32 v3, $0x3BF  }
0x148: {  	v4 =	vsel vm1, $0x3F800000, v1  }
0x149: {  	(xrf0) =	vmax.scan.msk.f32 $0xffff, v4;
	_ =	sdelay $0x5  }
0x14a: {  	v4, _, _ =	vpop (xrf0)  }
0x14b: {  	(v2sf) =	vpush v4, $0xF;
	_ =	sdelay $0xe  }
0x14c: {  	s1 =	spop (v2sf)  }
0x14d: {  	p0 =	sgt.f32 s1, $0.0e+00  }
.Ltmp9:
0x14e: {  	_ = 	snop;
	(pc) =	sbr.rel @!p0 .LBB2_18-.Ltmp9, $1  }
0x14f: {  	_ =	sdelay $0x3  }
0x150: {  	s1 =	sadd.s32 $0x3200, s26  }
0x151: {  	v3 =	vxor.u32 $0x80000000, v3;
	v4 =	vmov s1  }
.LBB2_17:
0x152: {  	v5 =	vnsel vm1, $0x7FFFFFFF, v2  }
0x153: {  	(xrf0) =	vmax.scan.msk.u32 $0xffff, v5;
	_ =	sdelay $0x5  }
0x154: {  	v5, _, _ =	vpop (xrf0)  }
0x155: {  	(v2sf) =	vpush v5, $0xF;
	_ =	sdelay $0xe  }
0x156: {  	s1 =	spop (v2sf)  }
0x157: {  	s30 =	sxor.u32 $0x80000000, s1  }
0x158: {  	v5 =	vmov s30  }
0x159: {  	vm2 =	veq.s32 v5, v0  }
0x15a: {  	v6 =	vnsel vm2, $0x7FFFFFFF, v3  }
0x15b: {  	(xrf0) =	vmax.scan.msk.u32 $0xffff, v6;
	_ =	sdelay $0x5  }
0x15c: {  	v6, _, _ =	vpop (xrf0)  }
0x15d: {  	(v2sf) =	vpush v6, $0xF;
	_ =	sdelay $0xe  }
0x15e: {  	s31 =	spop (v2sf)  }
0x15f: {  	s30 =	sshll.u32 s31, $0x9  }
0x160: {  	s30 =	sshra.s32 s30, $0x2  }
0x161: {  	v6 =	vld [tilespmem:s30+$0xFFFE3E00];
	_ =	sdelay $0x2  }
0x162: {  	s1 =	sshll.u32 s1, $0x9  }
0x163: {  	s1 =	sshra.s32 s1, $0x2  }
0x164: {  	[tilespmem:v4+s1+$0x1800 ss:$0x1] =	vst.idx.msk $0xffff, v6  }
0x165: {  	v6 =	vld [tilespmem:s30+$0xFFFE3E10];
	_ =	sdelay $0x4  }
0x166: {  	[tilespmem:v4+s1+$0x1810 ss:$0x1] =	vst.idx.msk $0xffff, v6  }
0x167: {  	v6 =	vld [tilespmem:s30+$0xFFFE3E20];
	_ =	sdelay $0x3  }
0x168: {  	vm2 =	vne.s32 v5, v0  }
0x169: {  	vm1 =	vmand vm1, vm2;
	[tilespmem:v4+s1+$0x1820 ss:$0x1] =	vst.idx.msk $0xffff, v6  }
0x16a: {  	v5 =	vsel vm1, $0x3F800000, v1;
	v6 =	vld [tilespmem:s30+$0xFFFE3E30]  }
0x16b: {  	(xrf0) =	vmax.scan.msk.f32 $0xffff, v5;
	_ =	sdelay $0x3  }
0x16c: {  	[tilespmem:v4+s1+$0x1830 ss:$0x1] =	vst.idx.msk $0xffff, v6  }
0x16d: {  	v5 =	vld [tilespmem:s30+$0xFFFE3E40]  }
0x16e: {  	v6, _, _ =	vpop (xrf0)  }
0x16f: {  	(v2sf) =	vpush v6, $0xF;
	_ =	sdelay $0x2  }
0x170: {  	[tilespmem:v4+s1+$0x1840 ss:$0x1] =	vst.idx.msk $0xffff, v5  }
0x171: {  	v5 =	vld [tilespmem:s30+$0xFFFE3E50];
	_ =	sdelay $0x4  }
0x172: {  	[tilespmem:v4+s1+$0x1850 ss:$0x1] =	vst.idx.msk $0xffff, v5  }
0x173: {  	v5 =	vld [tilespmem:s30+$0xFFFE3E60];
	_ =	sdelay $0x4  }
0x174: {  	s31 =	spop (v2sf);
	[tilespmem:v4+s1+$0x1860 ss:$0x1] =	vst.idx.msk $0xffff, v5  }
0x175: {  	p0 =	sgt.f32 s31, $0.0e+00;
	v5 =	vld [tilespmem:s30+$0xFFFE3E70]  }
.Ltmp10:
0x176: {  	_ = 	snop;
	(pc) =	sbr.rel @p0 .LBB2_17-.Ltmp10, $2  }
0x177: {  	_ =	sdelay $0x2  }
0x178: {  	[tilespmem:v4+s1+$0x1870 ss:$0x1] =	vst.idx.msk $0xffff, v5  }
.LBB2_18:
0x179: {  	v3 =	vld [tilespmem:s29+$0x1C240];
	_ =	sdelay $0x4  }
0x17a: {  	vm1 =	vgt.s32 v3, $0x3BF  }
0x17b: {  	v4 =	vsel vm1, $0x3F800000, v1  }
0x17c: {  	(xrf0) =	vmax.scan.msk.f32 $0xffff, v4;
	_ =	sdelay $0x5  }
0x17d: {  	v4, _, _ =	vpop (xrf0)  }
0x17e: {  	(v2sf) =	vpush v4, $0xF;
	_ =	sdelay $0xe  }
0x17f: {  	s1 =	spop (v2sf)  }
0x180: {  	p0 =	sgt.f32 s1, $0.0e+00  }
.Ltmp11:
0x181: {  	_ = 	snop;
	(pc) =	sbr.rel @!p0 .LBB2_21-.Ltmp11, $1  }
0x182: {  	_ =	sdelay $0x3  }
0x183: {  	s1 =	sadd.s32 $0x3200, s26  }
0x184: {  	v3 =	vxor.u32 $0x80000000, v3;
	v4 =	vmov s1  }
.LBB2_20:
0x185: {  	v5 =	vnsel vm1, $0x7FFFFFFF, v2  }
0x186: {  	(xrf0) =	vmax.scan.msk.u32 $0xffff, v5;
	_ =	sdelay $0x5  }
0x187: {  	v5, _, _ =	vpop (xrf0)  }
0x188: {  	(v2sf) =	vpush v5, $0xF;
	_ =	sdelay $0xe  }
0x189: {  	s1 =	spop (v2sf)  }
0x18a: {  	s30 =	sxor.u32 $0x80000000, s1  }
0x18b: {  	v5 =	vmov s30  }
0x18c: {  	vm2 =	veq.s32 v5, v0  }
0x18d: {  	v6 =	vnsel vm2, $0x7FFFFFFF, v3  }
0x18e: {  	(xrf0) =	vmax.scan.msk.u32 $0xffff, v6;
	_ =	sdelay $0x5  }
0x18f: {  	v6, _, _ =	vpop (xrf0)  }
0x190: {  	(v2sf) =	vpush v6, $0xF;
	_ =	sdelay $0xe  }
0x191: {  	s31 =	spop (v2sf)  }
0x192: {  	s30 =	sshll.u32 s31, $0x9  }
0x193: {  	s30 =	sshra.s32 s30, $0x2  }
0x194: {  	v6 =	vld [tilespmem:s30+$0xFFFE3E00];
	_ =	sdelay $0x2  }
0x195: {  	s1 =	sshll.u32 s1, $0x9  }
0x196: {  	s1 =	sshra.s32 s1, $0x2  }
0x197: {  	[tilespmem:v4+s1+$0x2000 ss:$0x1] =	vst.idx.msk $0xffff, v6  }
0x198: {  	v6 =	vld [tilespmem:s30+$0xFFFE3E10];
	_ =	sdelay $0x4  }
0x199: {  	[tilespmem:v4+s1+$0x2010 ss:$0x1] =	vst.idx.msk $0xffff, v6  }
0x19a: {  	v6 =	vld [tilespmem:s30+$0xFFFE3E20];
	_ =	sdelay $0x3  }
0x19b: {  	vm2 =	vne.s32 v5, v0  }
0x19c: {  	vm1 =	vmand vm1, vm2;
	[tilespmem:v4+s1+$0x2020 ss:$0x1] =	vst.idx.msk $0xffff, v6  }
0x19d: {  	v5 =	vsel vm1, $0x3F800000, v1;
	v6 =	vld [tilespmem:s30+$0xFFFE3E30]  }
0x19e: {  	(xrf0) =	vmax.scan.msk.f32 $0xffff, v5;
	_ =	sdelay $0x3  }
0x19f: {  	[tilespmem:v4+s1+$0x2030 ss:$0x1] =	vst.idx.msk $0xffff, v6  }
0x1a0: {  	v5 =	vld [tilespmem:s30+$0xFFFE3E40]  }
0x1a1: {  	v6, _, _ =	vpop (xrf0)  }
0x1a2: {  	(v2sf) =	vpush v6, $0xF;
	_ =	sdelay $0x2  }
0x1a3: {  	[tilespmem:v4+s1+$0x2040 ss:$0x1] =	vst.idx.msk $0xffff, v5  }
0x1a4: {  	v5 =	vld [tilespmem:s30+$0xFFFE3E50];
	_ =	sdelay $0x4  }
0x1a5: {  	[tilespmem:v4+s1+$0x2050 ss:$0x1] =	vst.idx.msk $0xffff, v5  }
0x1a6: {  	v5 =	vld [tilespmem:s30+$0xFFFE3E60];
	_ =	sdelay $0x4  }
0x1a7: {  	s31 =	spop (v2sf);
	[tilespmem:v4+s1+$0x2060 ss:$0x1] =	vst.idx.msk $0xffff, v5  }
0x1a8: {  	p0 =	sgt.f32 s31, $0.0e+00;
	v5 =	vld [tilespmem:s30+$0xFFFE3E70]  }
.Ltmp12:
0x1a9: {  	_ = 	snop;
	(pc) =	sbr.rel @p0 .LBB2_20-.Ltmp12, $2  }
0x1aa: {  	_ =	sdelay $0x2  }
0x1ab: {  	[tilespmem:v4+s1+$0x2070 ss:$0x1] =	vst.idx.msk $0xffff, v5  }
.LBB2_21:
0x1ac: {  	v3 =	vld [tilespmem:s29+$0x1C250];
	_ =	sdelay $0x4  }
0x1ad: {  	vm1 =	vgt.s32 v3, $0x3BF  }
0x1ae: {  	v4 =	vsel vm1, $0x3F800000, v1  }
0x1af: {  	(xrf0) =	vmax.scan.msk.f32 $0xffff, v4;
	_ =	sdelay $0x5  }
0x1b0: {  	v4, _, _ =	vpop (xrf0)  }
0x1b1: {  	(v2sf) =	vpush v4, $0xF;
	_ =	sdelay $0xe  }
0x1b2: {  	s1 =	spop (v2sf)  }
0x1b3: {  	p0 =	sgt.f32 s1, $0.0e+00  }
.Ltmp13:
0x1b4: {  	_ = 	snop;
	(pc) =	sbr.rel @!p0 .LBB2_24-.Ltmp13, $1  }
0x1b5: {  	_ =	sdelay $0x3  }
0x1b6: {  	s1 =	sadd.s32 $0x3200, s26  }
0x1b7: {  	v3 =	vxor.u32 $0x80000000, v3;
	v4 =	vmov s1  }
.LBB2_23:
0x1b8: {  	v5 =	vnsel vm1, $0x7FFFFFFF, v2  }
0x1b9: {  	(xrf0) =	vmax.scan.msk.u32 $0xffff, v5;
	_ =	sdelay $0x5  }
0x1ba: {  	v5, _, _ =	vpop (xrf0)  }
0x1bb: {  	(v2sf) =	vpush v5, $0xF;
	_ =	sdelay $0xe  }
0x1bc: {  	s1 =	spop (v2sf)  }
0x1bd: {  	s30 =	sxor.u32 $0x80000000, s1  }
0x1be: {  	v5 =	vmov s30  }
0x1bf: {  	vm2 =	veq.s32 v5, v0  }
0x1c0: {  	v6 =	vnsel vm2, $0x7FFFFFFF, v3  }
0x1c1: {  	(xrf0) =	vmax.scan.msk.u32 $0xffff, v6;
	_ =	sdelay $0x5  }
0x1c2: {  	v6, _, _ =	vpop (xrf0)  }
0x1c3: {  	(v2sf) =	vpush v6, $0xF;
	_ =	sdelay $0xe  }
0x1c4: {  	s31 =	spop (v2sf)  }
0x1c5: {  	s30 =	sshll.u32 s31, $0x9  }
0x1c6: {  	s30 =	sshra.s32 s30, $0x2  }
0x1c7: {  	v6 =	vld [tilespmem:s30+$0xFFFE3E00];
	_ =	sdelay $0x2  }
0x1c8: {  	s1 =	sshll.u32 s1, $0x9  }
0x1c9: {  	s1 =	sshra.s32 s1, $0x2  }
0x1ca: {  	[tilespmem:v4+s1+$0x2800 ss:$0x1] =	vst.idx.msk $0xffff, v6  }
0x1cb: {  	v6 =	vld [tilespmem:s30+$0xFFFE3E10];
	_ =	sdelay $0x4  }
0x1cc: {  	[tilespmem:v4+s1+$0x2810 ss:$0x1] =	vst.idx.msk $0xffff, v6  }
0x1cd: {  	v6 =	vld [tilespmem:s30+$0xFFFE3E20];
	_ =	sdelay $0x3  }
0x1ce: {  	vm2 =	vne.s32 v5, v0  }
0x1cf: {  	vm1 =	vmand vm1, vm2;
	[tilespmem:v4+s1+$0x2820 ss:$0x1] =	vst.idx.msk $0xffff, v6  }
0x1d0: {  	v5 =	vsel vm1, $0x3F800000, v1;
	v6 =	vld [tilespmem:s30+$0xFFFE3E30]  }
0x1d1: {  	(xrf0) =	vmax.scan.msk.f32 $0xffff, v5;
	_ =	sdelay $0x3  }
0x1d2: {  	[tilespmem:v4+s1+$0x2830 ss:$0x1] =	vst.idx.msk $0xffff, v6  }
0x1d3: {  	v5 =	vld [tilespmem:s30+$0xFFFE3E40]  }
0x1d4: {  	v6, _, _ =	vpop (xrf0)  }
0x1d5: {  	(v2sf) =	vpush v6, $0xF;
	_ =	sdelay $0x2  }
0x1d6: {  	[tilespmem:v4+s1+$0x2840 ss:$0x1] =	vst.idx.msk $0xffff, v5  }
0x1d7: {  	v5 =	vld [tilespmem:s30+$0xFFFE3E50];
	_ =	sdelay $0x4  }
0x1d8: {  	[tilespmem:v4+s1+$0x2850 ss:$0x1] =	vst.idx.msk $0xffff, v5  }
0x1d9: {  	v5 =	vld [tilespmem:s30+$0xFFFE3E60];
	_ =	sdelay $0x4  }
0x1da: {  	s31 =	spop (v2sf);
	[tilespmem:v4+s1+$0x2860 ss:$0x1] =	vst.idx.msk $0xffff, v5  }
0x1db: {  	p0 =	sgt.f32 s31, $0.0e+00;
	v5 =	vld [tilespmem:s30+$0xFFFE3E70]  }
.Ltmp14:
0x1dc: {  	_ = 	snop;
	(pc) =	sbr.rel @p0 .LBB2_23-.Ltmp14, $2  }
0x1dd: {  	_ =	sdelay $0x2  }
0x1de: {  	[tilespmem:v4+s1+$0x2870 ss:$0x1] =	vst.idx.msk $0xffff, v5  }
.LBB2_24:
0x1df: {  	v3 =	vld [tilespmem:s29+$0x1C260];
	_ =	sdelay $0x4  }
0x1e0: {  	vm1 =	vgt.s32 v3, $0x3BF  }
0x1e1: {  	v4 =	vsel vm1, $0x3F800000, v1  }
0x1e2: {  	(xrf0) =	vmax.scan.msk.f32 $0xffff, v4;
	_ =	sdelay $0x5  }
0x1e3: {  	v4, _, _ =	vpop (xrf0)  }
0x1e4: {  	(v2sf) =	vpush v4, $0xF;
	_ =	sdelay $0xe  }
0x1e5: {  	s1 =	spop (v2sf)  }
0x1e6: {  	p0 =	sgt.f32 s1, $0.0e+00  }
.Ltmp15:
0x1e7: {  	_ = 	snop;
	(pc) =	sbr.rel @!p0 .LBB2_27-.Ltmp15, $1  }
0x1e8: {  	_ =	sdelay $0x3  }
0x1e9: {  	s1 =	sadd.s32 $0x3200, s26  }
0x1ea: {  	v3 =	vxor.u32 $0x80000000, v3;
	v4 =	vmov s1  }
.LBB2_26:
0x1eb: {  	v5 =	vnsel vm1, $0x7FFFFFFF, v2  }
0x1ec: {  	(xrf0) =	vmax.scan.msk.u32 $0xffff, v5;
	_ =	sdelay $0x5  }
0x1ed: {  	v5, _, _ =	vpop (xrf0)  }
0x1ee: {  	(v2sf) =	vpush v5, $0xF;
	_ =	sdelay $0xe  }
0x1ef: {  	s1 =	spop (v2sf)  }
0x1f0: {  	s30 =	sxor.u32 $0x80000000, s1  }
0x1f1: {  	v5 =	vmov s30  }
0x1f2: {  	vm2 =	veq.s32 v5, v0  }
0x1f3: {  	v6 =	vnsel vm2, $0x7FFFFFFF, v3  }
0x1f4: {  	(xrf0) =	vmax.scan.msk.u32 $0xffff, v6;
	_ =	sdelay $0x5  }
0x1f5: {  	v6, _, _ =	vpop (xrf0)  }
0x1f6: {  	(v2sf) =	vpush v6, $0xF;
	_ =	sdelay $0xe  }
0x1f7: {  	s31 =	spop (v2sf)  }
0x1f8: {  	s30 =	sshll.u32 s31, $0x9  }
0x1f9: {  	s30 =	sshra.s32 s30, $0x2  }
0x1fa: {  	v6 =	vld [tilespmem:s30+$0xFFFE3E00];
	_ =	sdelay $0x2  }
0x1fb: {  	s1 =	sshll.u32 s1, $0x9  }
0x1fc: {  	s1 =	sshra.s32 s1, $0x2  }
0x1fd: {  	[tilespmem:v4+s1+$0x3000 ss:$0x1] =	vst.idx.msk $0xffff, v6  }
0x1fe: {  	v6 =	vld [tilespmem:s30+$0xFFFE3E10];
	_ =	sdelay $0x4  }
0x1ff: {  	[tilespmem:v4+s1+$0x3010 ss:$0x1] =	vst.idx.msk $0xffff, v6  }
0x200: {  	v6 =	vld [tilespmem:s30+$0xFFFE3E20];
	_ =	sdelay $0x3  }
0x201: {  	vm2 =	vne.s32 v5, v0  }
0x202: {  	vm1 =	vmand vm1, vm2;
	[tilespmem:v4+s1+$0x3020 ss:$0x1] =	vst.idx.msk $0xffff, v6  }
0x203: {  	v5 =	vsel vm1, $0x3F800000, v1;
	v6 =	vld [tilespmem:s30+$0xFFFE3E30]  }
0x204: {  	(xrf0) =	vmax.scan.msk.f32 $0xffff, v5;
	_ =	sdelay $0x3  }
0x205: {  	[tilespmem:v4+s1+$0x3030 ss:$0x1] =	vst.idx.msk $0xffff, v6  }
0x206: {  	v5 =	vld [tilespmem:s30+$0xFFFE3E40]  }
0x207: {  	v6, _, _ =	vpop (xrf0)  }
0x208: {  	(v2sf) =	vpush v6, $0xF;
	_ =	sdelay $0x2  }
0x209: {  	[tilespmem:v4+s1+$0x3040 ss:$0x1] =	vst.idx.msk $0xffff, v5  }
0x20a: {  	v5 =	vld [tilespmem:s30+$0xFFFE3E50];
	_ =	sdelay $0x4  }
0x20b: {  	[tilespmem:v4+s1+$0x3050 ss:$0x1] =	vst.idx.msk $0xffff, v5  }
0x20c: {  	v5 =	vld [tilespmem:s30+$0xFFFE3E60];
	_ =	sdelay $0x4  }
0x20d: {  	s31 =	spop (v2sf);
	[tilespmem:v4+s1+$0x3060 ss:$0x1] =	vst.idx.msk $0xffff, v5  }
0x20e: {  	p0 =	sgt.f32 s31, $0.0e+00;
	v5 =	vld [tilespmem:s30+$0xFFFE3E70]  }
.Ltmp16:
0x20f: {  	_ = 	snop;
	(pc) =	sbr.rel @p0 .LBB2_26-.Ltmp16, $2  }
0x210: {  	_ =	sdelay $0x2  }
0x211: {  	[tilespmem:v4+s1+$0x3070 ss:$0x1] =	vst.idx.msk $0xffff, v5  }
.LBB2_27:
0x212: {  	v3 =	vld [tilespmem:s29+$0x1C270];
	_ =	sdelay $0x4  }
0x213: {  	vm1 =	vgt.s32 v3, $0x3BF  }
0x214: {  	v4 =	vsel vm1, $0x3F800000, v1  }
0x215: {  	(xrf0) =	vmax.scan.msk.f32 $0xffff, v4;
	_ =	sdelay $0x5  }
0x216: {  	v4, _, _ =	vpop (xrf0)  }
0x217: {  	(v2sf) =	vpush v4, $0xF;
	_ =	sdelay $0xe  }
0x218: {  	s1 =	spop (v2sf)  }
0x219: {  	p0 =	sgt.f32 s1, $0.0e+00  }
.Ltmp17:
0x21a: {  	_ = 	snop;
	(pc) =	sbr.rel @!p0 .LBB2_30-.Ltmp17, $1  }
0x21b: {  	_ =	sdelay $0x3  }
0x21c: {  	s1 =	sadd.s32 $0x3200, s26  }
0x21d: {  	v3 =	vxor.u32 $0x80000000, v3;
	v4 =	vmov s1  }
.LBB2_29:
0x21e: {  	v5 =	vnsel vm1, $0x7FFFFFFF, v2  }
0x21f: {  	(xrf0) =	vmax.scan.msk.u32 $0xffff, v5;
	_ =	sdelay $0x5  }
0x220: {  	v5, _, _ =	vpop (xrf0)  }
0x221: {  	(v2sf) =	vpush v5, $0xF;
	_ =	sdelay $0xe  }
0x222: {  	s1 =	spop (v2sf)  }
0x223: {  	s30 =	sxor.u32 $0x80000000, s1  }
0x224: {  	v5 =	vmov s30  }
0x225: {  	vm2 =	veq.s32 v5, v0  }
0x226: {  	v6 =	vnsel vm2, $0x7FFFFFFF, v3  }
0x227: {  	(xrf0) =	vmax.scan.msk.u32 $0xffff, v6;
	_ =	sdelay $0x5  }
0x228: {  	v6, _, _ =	vpop (xrf0)  }
0x229: {  	(v2sf) =	vpush v6, $0xF;
	_ =	sdelay $0xe  }
0x22a: {  	s31 =	spop (v2sf)  }
0x22b: {  	s30 =	sshll.u32 s31, $0x9  }
0x22c: {  	s30 =	sshra.s32 s30, $0x2  }
0x22d: {  	v6 =	vld [tilespmem:s30+$0xFFFE3E00];
	_ =	sdelay $0x2  }
0x22e: {  	s1 =	sshll.u32 s1, $0x9  }
0x22f: {  	s1 =	sshra.s32 s1, $0x2  }
0x230: {  	[tilespmem:v4+s1+$0x3800 ss:$0x1] =	vst.idx.msk $0xffff, v6  }
0x231: {  	v6 =	vld [tilespmem:s30+$0xFFFE3E10];
	_ =	sdelay $0x4  }
0x232: {  	[tilespmem:v4+s1+$0x3810 ss:$0x1] =	vst.idx.msk $0xffff, v6  }
0x233: {  	v6 =	vld [tilespmem:s30+$0xFFFE3E20];
	_ =	sdelay $0x3  }
0x234: {  	vm2 =	vne.s32 v5, v0  }
0x235: {  	vm1 =	vmand vm1, vm2;
	[tilespmem:v4+s1+$0x3820 ss:$0x1] =	vst.idx.msk $0xffff, v6  }
0x236: {  	v5 =	vsel vm1, $0x3F800000, v1;
	v6 =	vld [tilespmem:s30+$0xFFFE3E30]  }
0x237: {  	(xrf0) =	vmax.scan.msk.f32 $0xffff, v5;
	_ =	sdelay $0x3  }
0x238: {  	[tilespmem:v4+s1+$0x3830 ss:$0x1] =	vst.idx.msk $0xffff, v6  }
0x239: {  	v5 =	vld [tilespmem:s30+$0xFFFE3E40]  }
0x23a: {  	v6, _, _ =	vpop (xrf0)  }
0x23b: {  	(v2sf) =	vpush v6, $0xF;
	_ =	sdelay $0x2  }
0x23c: {  	[tilespmem:v4+s1+$0x3840 ss:$0x1] =	vst.idx.msk $0xffff, v5  }
0x23d: {  	v5 =	vld [tilespmem:s30+$0xFFFE3E50];
	_ =	sdelay $0x4  }
0x23e: {  	[tilespmem:v4+s1+$0x3850 ss:$0x1] =	vst.idx.msk $0xffff, v5  }
0x23f: {  	v5 =	vld [tilespmem:s30+$0xFFFE3E60];
	_ =	sdelay $0x4  }
0x240: {  	s31 =	spop (v2sf);
	[tilespmem:v4+s1+$0x3860 ss:$0x1] =	vst.idx.msk $0xffff, v5  }
0x241: {  	p0 =	sgt.f32 s31, $0.0e+00;
	v5 =	vld [tilespmem:s30+$0xFFFE3E70]  }
.Ltmp18:
0x242: {  	_ = 	snop;
	(pc) =	sbr.rel @p0 .LBB2_29-.Ltmp18, $2  }
0x243: {  	_ =	sdelay $0x2  }
0x244: {  	[tilespmem:v4+s1+$0x3870 ss:$0x1] =	vst.idx.msk $0xffff, v5  }
.LBB2_30:
0x245: {  	s1 =	sand.u32 $0x3F0, s29  }
0x246: {  	v3 =	vld [tilespmem:s1+$0x1C280];
	_ =	sdelay $0x4  }
0x247: {  	vm1 =	vgt.s32 v3, $0x3BF  }
0x248: {  	v4 =	vsel vm1, $0x3F800000, v1  }
0x249: {  	(xrf0) =	vmax.scan.msk.f32 $0xffff, v4;
	_ =	sdelay $0x5  }
0x24a: {  	v4, _, _ =	vpop (xrf0)  }
0x24b: {  	(v2sf) =	vpush v4, $0xF;
	_ =	sdelay $0xe  }
0x24c: {  	s31 =	spop (v2sf)  }
0x24d: {  	p0 =	sgt.f32 s31, $0.0e+00  }
.Ltmp19:
0x24e: {  	_ = 	snop;
	(pc) =	sbr.rel @!p0 .LBB2_33-.Ltmp19, $1  }
0x24f: {  	_ =	sdelay $0x3  }
0x250: {  	s1 =	sadd.s32 $0x3200, s26  }
0x251: {  	v3 =	vxor.u32 $0x80000000, v3;
	v4 =	vmov s1  }
.LBB2_32:
0x252: {  	v5 =	vnsel vm1, $0x7FFFFFFF, v2  }
0x253: {  	(xrf0) =	vmax.scan.msk.u32 $0xffff, v5;
	_ =	sdelay $0x5  }
0x254: {  	v5, _, _ =	vpop (xrf0)  }
0x255: {  	(v2sf) =	vpush v5, $0xF;
	_ =	sdelay $0xe  }
0x256: {  	s1 =	spop (v2sf)  }
0x257: {  	s30 =	sxor.u32 $0x80000000, s1  }
0x258: {  	v5 =	vmov s30  }
0x259: {  	vm2 =	veq.s32 v5, v0  }
0x25a: {  	v6 =	vnsel vm2, $0x7FFFFFFF, v3  }
0x25b: {  	(xrf0) =	vmax.scan.msk.u32 $0xffff, v6;
	_ =	sdelay $0x5  }
0x25c: {  	v6, _, _ =	vpop (xrf0)  }
0x25d: {  	(v2sf) =	vpush v6, $0xF;
	_ =	sdelay $0xe  }
0x25e: {  	s31 =	spop (v2sf)  }
0x25f: {  	s30 =	sshll.u32 s31, $0x9  }
0x260: {  	s30 =	sshra.s32 s30, $0x2  }
0x261: {  	v6 =	vld [tilespmem:s30+$0xFFFE3E00];
	_ =	sdelay $0x2  }
0x262: {  	s1 =	sshll.u32 s1, $0x9  }
0x263: {  	s1 =	sshra.s32 s1, $0x2  }
0x264: {  	[tilespmem:v4+s1+$0x4000 ss:$0x1] =	vst.idx.msk $0xffff, v6  }
0x265: {  	v6 =	vld [tilespmem:s30+$0xFFFE3E10];
	_ =	sdelay $0x4  }
0x266: {  	[tilespmem:v4+s1+$0x4010 ss:$0x1] =	vst.idx.msk $0xffff, v6  }
0x267: {  	v6 =	vld [tilespmem:s30+$0xFFFE3E20];
	_ =	sdelay $0x3  }
0x268: {  	vm2 =	vne.s32 v5, v0  }
0x269: {  	vm1 =	vmand vm1, vm2;
	[tilespmem:v4+s1+$0x4020 ss:$0x1] =	vst.idx.msk $0xffff, v6  }
0x26a: {  	v5 =	vsel vm1, $0x3F800000, v1;
	v6 =	vld [tilespmem:s30+$0xFFFE3E30]  }
0x26b: {  	(xrf0) =	vmax.scan.msk.f32 $0xffff, v5;
	_ =	sdelay $0x3  }
0x26c: {  	[tilespmem:v4+s1+$0x4030 ss:$0x1] =	vst.idx.msk $0xffff, v6  }
0x26d: {  	v5 =	vld [tilespmem:s30+$0xFFFE3E40]  }
0x26e: {  	v6, _, _ =	vpop (xrf0)  }
0x26f: {  	(v2sf) =	vpush v6, $0xF;
	_ =	sdelay $0x2  }
0x270: {  	[tilespmem:v4+s1+$0x4040 ss:$0x1] =	vst.idx.msk $0xffff, v5  }
0x271: {  	v5 =	vld [tilespmem:s30+$0xFFFE3E50];
	_ =	sdelay $0x4  }
0x272: {  	[tilespmem:v4+s1+$0x4050 ss:$0x1] =	vst.idx.msk $0xffff, v5  }
0x273: {  	v5 =	vld [tilespmem:s30+$0xFFFE3E60];
	_ =	sdelay $0x4  }
0x274: {  	s31 =	spop (v2sf);
	[tilespmem:v4+s1+$0x4060 ss:$0x1] =	vst.idx.msk $0xffff, v5  }
0x275: {  	p0 =	sgt.f32 s31, $0.0e+00;
	v5 =	vld [tilespmem:s30+$0xFFFE3E70]  }
.Ltmp20:
0x276: {  	_ = 	snop;
	(pc) =	sbr.rel @p0 .LBB2_32-.Ltmp20, $2  }
0x277: {  	_ =	sdelay $0x2  }
0x278: {  	[tilespmem:v4+s1+$0x4070 ss:$0x1] =	vst.idx.msk $0xffff, v5  }
.LBB2_33:
0x279: {  	v3 =	vld [tilespmem:s29+$0x1C290];
	_ =	sdelay $0x4  }
0x27a: {  	vm1 =	vgt.s32 v3, $0x3BF  }
0x27b: {  	v4 =	vsel vm1, $0x3F800000, v1  }
0x27c: {  	(xrf0) =	vmax.scan.msk.f32 $0xffff, v4;
	_ =	sdelay $0x5  }
0x27d: {  	v4, _, _ =	vpop (xrf0)  }
0x27e: {  	(v2sf) =	vpush v4, $0xF;
	_ =	sdelay $0xe  }
0x27f: {  	s1 =	spop (v2sf)  }
0x280: {  	p0 =	sgt.f32 s1, $0.0e+00  }
.Ltmp21:
0x281: {  	_ = 	snop;
	(pc) =	sbr.rel @!p0 .LBB2_36-.Ltmp21, $1  }
0x282: {  	_ =	sdelay $0x3  }
0x283: {  	s1 =	sadd.s32 $0x3200, s26  }
0x284: {  	v3 =	vxor.u32 $0x80000000, v3;
	v4 =	vmov s1  }
.LBB2_35:
0x285: {  	v5 =	vnsel vm1, $0x7FFFFFFF, v2  }
0x286: {  	(xrf0) =	vmax.scan.msk.u32 $0xffff, v5;
	_ =	sdelay $0x5  }
0x287: {  	v5, _, _ =	vpop (xrf0)  }
0x288: {  	(v2sf) =	vpush v5, $0xF;
	_ =	sdelay $0xe  }
0x289: {  	s1 =	spop (v2sf)  }
0x28a: {  	s30 =	sxor.u32 $0x80000000, s1  }
0x28b: {  	v5 =	vmov s30  }
0x28c: {  	vm2 =	veq.s32 v5, v0  }
0x28d: {  	v6 =	vnsel vm2, $0x7FFFFFFF, v3  }
0x28e: {  	(xrf0) =	vmax.scan.msk.u32 $0xffff, v6;
	_ =	sdelay $0x5  }
0x28f: {  	v6, _, _ =	vpop (xrf0)  }
0x290: {  	(v2sf) =	vpush v6, $0xF;
	_ =	sdelay $0xe  }
0x291: {  	s31 =	spop (v2sf)  }
0x292: {  	s30 =	sshll.u32 s31, $0x9  }
0x293: {  	s30 =	sshra.s32 s30, $0x2  }
0x294: {  	v6 =	vld [tilespmem:s30+$0xFFFE3E00];
	_ =	sdelay $0x2  }
0x295: {  	s1 =	sshll.u32 s1, $0x9  }
0x296: {  	s1 =	sshra.s32 s1, $0x2  }
0x297: {  	[tilespmem:v4+s1+$0x4800 ss:$0x1] =	vst.idx.msk $0xffff, v6  }
0x298: {  	v6 =	vld [tilespmem:s30+$0xFFFE3E10];
	_ =	sdelay $0x4  }
0x299: {  	[tilespmem:v4+s1+$0x4810 ss:$0x1] =	vst.idx.msk $0xffff, v6  }
0x29a: {  	v6 =	vld [tilespmem:s30+$0xFFFE3E20];
	_ =	sdelay $0x3  }
0x29b: {  	vm2 =	vne.s32 v5, v0  }
0x29c: {  	vm1 =	vmand vm1, vm2;
	[tilespmem:v4+s1+$0x4820 ss:$0x1] =	vst.idx.msk $0xffff, v6  }
0x29d: {  	v5 =	vsel vm1, $0x3F800000, v1;
	v6 =	vld [tilespmem:s30+$0xFFFE3E30]  }
0x29e: {  	(xrf0) =	vmax.scan.msk.f32 $0xffff, v5;
	_ =	sdelay $0x3  }
0x29f: {  	[tilespmem:v4+s1+$0x4830 ss:$0x1] =	vst.idx.msk $0xffff, v6  }
0x2a0: {  	v5 =	vld [tilespmem:s30+$0xFFFE3E40]  }
0x2a1: {  	v6, _, _ =	vpop (xrf0)  }
0x2a2: {  	(v2sf) =	vpush v6, $0xF;
	_ =	sdelay $0x2  }
0x2a3: {  	[tilespmem:v4+s1+$0x4840 ss:$0x1] =	vst.idx.msk $0xffff, v5  }
0x2a4: {  	v5 =	vld [tilespmem:s30+$0xFFFE3E50];
	_ =	sdelay $0x4  }
0x2a5: {  	[tilespmem:v4+s1+$0x4850 ss:$0x1] =	vst.idx.msk $0xffff, v5  }
0x2a6: {  	v5 =	vld [tilespmem:s30+$0xFFFE3E60];
	_ =	sdelay $0x4  }
0x2a7: {  	s31 =	spop (v2sf);
	[tilespmem:v4+s1+$0x4860 ss:$0x1] =	vst.idx.msk $0xffff, v5  }
0x2a8: {  	p0 =	sgt.f32 s31, $0.0e+00;
	v5 =	vld [tilespmem:s30+$0xFFFE3E70]  }
.Ltmp22:
0x2a9: {  	_ = 	snop;
	(pc) =	sbr.rel @p0 .LBB2_35-.Ltmp22, $2  }
0x2aa: {  	_ =	sdelay $0x2  }
0x2ab: {  	[tilespmem:v4+s1+$0x4870 ss:$0x1] =	vst.idx.msk $0xffff, v5  }
.LBB2_36:
0x2ac: {  	v3 =	vld [tilespmem:s29+$0x1C2A0];
	_ =	sdelay $0x4  }
0x2ad: {  	vm1 =	vgt.s32 v3, $0x3BF  }
0x2ae: {  	v4 =	vsel vm1, $0x3F800000, v1  }
0x2af: {  	(xrf0) =	vmax.scan.msk.f32 $0xffff, v4;
	_ =	sdelay $0x5  }
0x2b0: {  	v4, _, _ =	vpop (xrf0)  }
0x2b1: {  	(v2sf) =	vpush v4, $0xF;
	_ =	sdelay $0xe  }
0x2b2: {  	s1 =	spop (v2sf)  }
0x2b3: {  	p0 =	sgt.f32 s1, $0.0e+00  }
.Ltmp23:
0x2b4: {  	_ = 	snop;
	(pc) =	sbr.rel @!p0 .LBB2_39-.Ltmp23, $1  }
0x2b5: {  	_ =	sdelay $0x3  }
0x2b6: {  	s1 =	sadd.s32 $0x3200, s26  }
0x2b7: {  	v3 =	vxor.u32 $0x80000000, v3;
	v4 =	vmov s1  }
.LBB2_38:
0x2b8: {  	v5 =	vnsel vm1, $0x7FFFFFFF, v2  }
0x2b9: {  	(xrf0) =	vmax.scan.msk.u32 $0xffff, v5;
	_ =	sdelay $0x5  }
0x2ba: {  	v5, _, _ =	vpop (xrf0)  }
0x2bb: {  	(v2sf) =	vpush v5, $0xF;
	_ =	sdelay $0xe  }
0x2bc: {  	s1 =	spop (v2sf)  }
0x2bd: {  	s30 =	sxor.u32 $0x80000000, s1  }
0x2be: {  	v5 =	vmov s30  }
0x2bf: {  	vm2 =	veq.s32 v5, v0  }
0x2c0: {  	v6 =	vnsel vm2, $0x7FFFFFFF, v3  }
0x2c1: {  	(xrf0) =	vmax.scan.msk.u32 $0xffff, v6;
	_ =	sdelay $0x5  }
0x2c2: {  	v6, _, _ =	vpop (xrf0)  }
0x2c3: {  	(v2sf) =	vpush v6, $0xF;
	_ =	sdelay $0xe  }
0x2c4: {  	s31 =	spop (v2sf)  }
0x2c5: {  	s30 =	sshll.u32 s31, $0x9  }
0x2c6: {  	s30 =	sshra.s32 s30, $0x2  }
0x2c7: {  	v6 =	vld [tilespmem:s30+$0xFFFE3E00];
	_ =	sdelay $0x2  }
0x2c8: {  	s1 =	sshll.u32 s1, $0x9  }
0x2c9: {  	s1 =	sshra.s32 s1, $0x2  }
0x2ca: {  	[tilespmem:v4+s1+$0x5000 ss:$0x1] =	vst.idx.msk $0xffff, v6  }
0x2cb: {  	v6 =	vld [tilespmem:s30+$0xFFFE3E10];
	_ =	sdelay $0x4  }
0x2cc: {  	[tilespmem:v4+s1+$0x5010 ss:$0x1] =	vst.idx.msk $0xffff, v6  }
0x2cd: {  	v6 =	vld [tilespmem:s30+$0xFFFE3E20];
	_ =	sdelay $0x3  }
0x2ce: {  	vm2 =	vne.s32 v5, v0  }
0x2cf: {  	vm1 =	vmand vm1, vm2;
	[tilespmem:v4+s1+$0x5020 ss:$0x1] =	vst.idx.msk $0xffff, v6  }
0x2d0: {  	v5 =	vsel vm1, $0x3F800000, v1;
	v6 =	vld [tilespmem:s30+$0xFFFE3E30]  }
0x2d1: {  	(xrf0) =	vmax.scan.msk.f32 $0xffff, v5;
	_ =	sdelay $0x3  }
0x2d2: {  	[tilespmem:v4+s1+$0x5030 ss:$0x1] =	vst.idx.msk $0xffff, v6  }
0x2d3: {  	v5 =	vld [tilespmem:s30+$0xFFFE3E40]  }
0x2d4: {  	v6, _, _ =	vpop (xrf0)  }
0x2d5: {  	(v2sf) =	vpush v6, $0xF;
	_ =	sdelay $0x2  }
0x2d6: {  	[tilespmem:v4+s1+$0x5040 ss:$0x1] =	vst.idx.msk $0xffff, v5  }
0x2d7: {  	v5 =	vld [tilespmem:s30+$0xFFFE3E50];
	_ =	sdelay $0x4  }
0x2d8: {  	[tilespmem:v4+s1+$0x5050 ss:$0x1] =	vst.idx.msk $0xffff, v5  }
0x2d9: {  	v5 =	vld [tilespmem:s30+$0xFFFE3E60];
	_ =	sdelay $0x4  }
0x2da: {  	s31 =	spop (v2sf);
	[tilespmem:v4+s1+$0x5060 ss:$0x1] =	vst.idx.msk $0xffff, v5  }
0x2db: {  	p0 =	sgt.f32 s31, $0.0e+00;
	v5 =	vld [tilespmem:s30+$0xFFFE3E70]  }
.Ltmp24:
0x2dc: {  	_ = 	snop;
	(pc) =	sbr.rel @p0 .LBB2_38-.Ltmp24, $2  }
0x2dd: {  	_ =	sdelay $0x2  }
0x2de: {  	[tilespmem:v4+s1+$0x5070 ss:$0x1] =	vst.idx.msk $0xffff, v5  }
.LBB2_39:
0x2df: {  	v3 =	vld [tilespmem:s29+$0x1C2B0];
	_ =	sdelay $0x4  }
0x2e0: {  	vm1 =	vgt.s32 v3, $0x3BF  }
0x2e1: {  	v4 =	vsel vm1, $0x3F800000, v1  }
0x2e2: {  	(xrf0) =	vmax.scan.msk.f32 $0xffff, v4;
	_ =	sdelay $0x5  }
0x2e3: {  	v4, _, _ =	vpop (xrf0)  }
0x2e4: {  	(v2sf) =	vpush v4, $0xF;
	_ =	sdelay $0xe  }
0x2e5: {  	s1 =	spop (v2sf)  }
0x2e6: {  	p0 =	sgt.f32 s1, $0.0e+00  }
.Ltmp25:
0x2e7: {  	_ = 	snop;
	(pc) =	sbr.rel @!p0 .LBB2_42-.Ltmp25, $1  }
0x2e8: {  	_ =	sdelay $0x3  }
0x2e9: {  	s1 =	sadd.s32 $0x3200, s26  }
0x2ea: {  	v3 =	vxor.u32 $0x80000000, v3;
	v4 =	vmov s1  }
.LBB2_41:
0x2eb: {  	v5 =	vnsel vm1, $0x7FFFFFFF, v2  }
0x2ec: {  	(xrf0) =	vmax.scan.msk.u32 $0xffff, v5;
	_ =	sdelay $0x5  }
0x2ed: {  	v5, _, _ =	vpop (xrf0)  }
0x2ee: {  	(v2sf) =	vpush v5, $0xF;
	_ =	sdelay $0xe  }
0x2ef: {  	s1 =	spop (v2sf)  }
0x2f0: {  	s30 =	sxor.u32 $0x80000000, s1  }
0x2f1: {  	v5 =	vmov s30  }
0x2f2: {  	vm2 =	veq.s32 v5, v0  }
0x2f3: {  	v6 =	vnsel vm2, $0x7FFFFFFF, v3  }
0x2f4: {  	(xrf0) =	vmax.scan.msk.u32 $0xffff, v6;
	_ =	sdelay $0x5  }
0x2f5: {  	v6, _, _ =	vpop (xrf0)  }
0x2f6: {  	(v2sf) =	vpush v6, $0xF;
	_ =	sdelay $0xe  }
0x2f7: {  	s31 =	spop (v2sf)  }
0x2f8: {  	s30 =	sshll.u32 s31, $0x9  }
0x2f9: {  	s30 =	sshra.s32 s30, $0x2  }
0x2fa: {  	v6 =	vld [tilespmem:s30+$0xFFFE3E00];
	_ =	sdelay $0x2  }
0x2fb: {  	s1 =	sshll.u32 s1, $0x9  }
0x2fc: {  	s1 =	sshra.s32 s1, $0x2  }
0x2fd: {  	[tilespmem:v4+s1+$0x5800 ss:$0x1] =	vst.idx.msk $0xffff, v6  }
0x2fe: {  	v6 =	vld [tilespmem:s30+$0xFFFE3E10];
	_ =	sdelay $0x4  }
0x2ff: {  	[tilespmem:v4+s1+$0x5810 ss:$0x1] =	vst.idx.msk $0xffff, v6  }
0x300: {  	v6 =	vld [tilespmem:s30+$0xFFFE3E20];
	_ =	sdelay $0x3  }
0x301: {  	vm2 =	vne.s32 v5, v0  }
0x302: {  	vm1 =	vmand vm1, vm2;
	[tilespmem:v4+s1+$0x5820 ss:$0x1] =	vst.idx.msk $0xffff, v6  }
0x303: {  	v5 =	vsel vm1, $0x3F800000, v1;
	v6 =	vld [tilespmem:s30+$0xFFFE3E30]  }
0x304: {  	(xrf0) =	vmax.scan.msk.f32 $0xffff, v5;
	_ =	sdelay $0x3  }
0x305: {  	[tilespmem:v4+s1+$0x5830 ss:$0x1] =	vst.idx.msk $0xffff, v6  }
0x306: {  	v5 =	vld [tilespmem:s30+$0xFFFE3E40]  }
0x307: {  	v6, _, _ =	vpop (xrf0)  }
0x308: {  	(v2sf) =	vpush v6, $0xF;
	_ =	sdelay $0x2  }
0x309: {  	[tilespmem:v4+s1+$0x5840 ss:$0x1] =	vst.idx.msk $0xffff, v5  }
0x30a: {  	v5 =	vld [tilespmem:s30+$0xFFFE3E50];
	_ =	sdelay $0x4  }
0x30b: {  	[tilespmem:v4+s1+$0x5850 ss:$0x1] =	vst.idx.msk $0xffff, v5  }
0x30c: {  	v5 =	vld [tilespmem:s30+$0xFFFE3E60];
	_ =	sdelay $0x4  }
0x30d: {  	s31 =	spop (v2sf);
	[tilespmem:v4+s1+$0x5860 ss:$0x1] =	vst.idx.msk $0xffff, v5  }
0x30e: {  	p0 =	sgt.f32 s31, $0.0e+00;
	v5 =	vld [tilespmem:s30+$0xFFFE3E70]  }
.Ltmp26:
0x30f: {  	_ = 	snop;
	(pc) =	sbr.rel @p0 .LBB2_41-.Ltmp26, $2  }
0x310: {  	_ =	sdelay $0x2  }
0x311: {  	[tilespmem:v4+s1+$0x5870 ss:$0x1] =	vst.idx.msk $0xffff, v5  }
.LBB2_42:
0x312: {  	v3 =	vld [tilespmem:s29+$0x1C2C0];
	_ =	sdelay $0x4  }
0x313: {  	v4 =	vsel vm0, $0x3F800000, v1;
	vm1 =	vgt.s32 v3, $0x3BF  }
0x314: {  	v4 =	vnsel vm1, $0x0, v4  }
0x315: {  	(xrf0) =	vmax.scan.msk.f32 $0xffff, v4;
	_ =	sdelay $0x5  }
0x316: {  	v4, _, _ =	vpop (xrf0)  }
0x317: {  	(v2sf) =	vpush v4, $0xF;
	_ =	sdelay $0xe  }
0x318: {  	s1 =	spop (v2sf)  }
0x319: {  	p0 =	sgt.f32 s1, $0.0e+00  }
.Ltmp27:
0x31a: {  	_ = 	snop;
	(pc) =	sbr.rel @!p0 .LBB2_45-.Ltmp27, $1  }
0x31b: {  	_ =	sdelay $0x3  }
0x31c: {  	vm2 =	vmmov $0xff;
	s1 =	sadd.s32 $0x3200, s26  }
0x31d: {  	v3 =	vxor.u32 $0x80000000, v3;
	vm1 =	vmand vm1, vm2;
	v4 =	vmov s1  }
.LBB2_44:
0x31e: {  	v5 =	vnsel vm1, $0x7FFFFFFF, v2  }
0x31f: {  	(xrf0) =	vmax.scan.msk.u32 $0xffff, v5;
	_ =	sdelay $0x5  }
0x320: {  	v5, _, _ =	vpop (xrf0)  }
0x321: {  	(v2sf) =	vpush v5, $0xF;
	_ =	sdelay $0xe  }
0x322: {  	s1 =	spop (v2sf)  }
0x323: {  	s29 =	sxor.u32 $0x80000000, s1  }
0x324: {  	v5 =	vmov s29  }
0x325: {  	vm2 =	veq.s32 v5, v0  }
0x326: {  	v6 =	vnsel vm2, $0x7FFFFFFF, v3  }
0x327: {  	(xrf0) =	vmax.scan.msk.u32 $0xffff, v6;
	_ =	sdelay $0x5  }
0x328: {  	v6, _, _ =	vpop (xrf0)  }
0x329: {  	(v2sf) =	vpush v6, $0xF;
	_ =	sdelay $0xe  }
0x32a: {  	s30 =	spop (v2sf)  }
0x32b: {  	s29 =	sshll.u32 s30, $0x9  }
0x32c: {  	s29 =	sshra.s32 s29, $0x2  }
0x32d: {  	v6 =	vld [tilespmem:s29+$0xFFFE3E00];
	_ =	sdelay $0x2  }
0x32e: {  	s1 =	sshll.u32 s1, $0x9  }
0x32f: {  	s1 =	sshra.s32 s1, $0x2  }
0x330: {  	[tilespmem:v4+s1+$0x6000 ss:$0x1] =	vst.idx.msk $0xffff, v6  }
0x331: {  	v6 =	vld [tilespmem:s29+$0xFFFE3E10];
	_ =	sdelay $0x4  }
0x332: {  	[tilespmem:v4+s1+$0x6010 ss:$0x1] =	vst.idx.msk $0xffff, v6  }
0x333: {  	v6 =	vld [tilespmem:s29+$0xFFFE3E20];
	_ =	sdelay $0x3  }
0x334: {  	vm2 =	vne.s32 v5, v0  }
0x335: {  	vm1 =	vmand vm1, vm2;
	[tilespmem:v4+s1+$0x6020 ss:$0x1] =	vst.idx.msk $0xffff, v6  }
0x336: {  	v5 =	vsel vm1, $0x3F800000, v1;
	v6 =	vld [tilespmem:s29+$0xFFFE3E30]  }
0x337: {  	(xrf0) =	vmax.scan.msk.f32 $0xffff, v5;
	_ =	sdelay $0x3  }
0x338: {  	[tilespmem:v4+s1+$0x6030 ss:$0x1] =	vst.idx.msk $0xffff, v6  }
0x339: {  	v5 =	vld [tilespmem:s29+$0xFFFE3E40]  }
0x33a: {  	v6, _, _ =	vpop (xrf0)  }
0x33b: {  	(v2sf) =	vpush v6, $0xF;
	_ =	sdelay $0x2  }
0x33c: {  	[tilespmem:v4+s1+$0x6040 ss:$0x1] =	vst.idx.msk $0xffff, v5  }
0x33d: {  	v5 =	vld [tilespmem:s29+$0xFFFE3E50];
	_ =	sdelay $0x4  }
0x33e: {  	[tilespmem:v4+s1+$0x6050 ss:$0x1] =	vst.idx.msk $0xffff, v5  }
0x33f: {  	v5 =	vld [tilespmem:s29+$0xFFFE3E60];
	_ =	sdelay $0x4  }
0x340: {  	s31 =	spop (v2sf);
	[tilespmem:v4+s1+$0x6060 ss:$0x1] =	vst.idx.msk $0xffff, v5  }
0x341: {  	p0 =	sgt.f32 s31, $0.0e+00;
	v5 =	vld [tilespmem:s29+$0xFFFE3E70]  }
.Ltmp28:
0x342: {  	_ = 	snop;
	(pc) =	sbr.rel @p0 .LBB2_44-.Ltmp28, $2  }
0x343: {  	_ =	sdelay $0x2  }
0x344: {  	[tilespmem:v4+s1+$0x6070 ss:$0x1] =	vst.idx.msk $0xffff, v5  }
.LBB2_45:
0x345: {  	s1 =	sand.u32 $0x3, s22  }
0x346: {  	s1 =	smul.u32 $0x19000, s1;
	_ =	sdelay $0x1  }
0x347: {  	s1 =	sshrl.u32 s1, $0x2  }
0x348: {  	s29 =	sadd.s32 $0x3480, s1  }
0x349: {  	v3 =	vld [tilespmem:s29+$0x120]  }
0x34a: {  	v4 =	vld [tilespmem:s29+$0xFFFFFF20]  }
0x34b: {  	v5 =	vld [tilespmem:s29+$0xFFFFFF10]  }
0x34c: {  	v6 =	vld [tilespmem:s29+$0xFFFFFF00]  }
0x34d: {  	v7 =	vld [tilespmem:s29+$0xFFFFFF30]  }
0x34e: {  	v8 =	vld [tilespmem:s29+$0xFFFFFE70]  }
0x34f: {  	v9 =	vld [tilespmem:s29+$0xFFFFFF40]  }
0x350: {  	v15 =	vld [tilespmem:s29+$0xFFFFFE60]  }
0x351: {  	v10 =	vld [tilespmem:s29+$0xFFFFFF50]  }
0x352: {  	v11 =	vld [tilespmem:s29+$0xFFFFFF60]  }
0x353: {  	v12 =	vld [tilespmem:s29+$0x150]  }
0x354: {  	v13 =	vld [tilespmem:s29+$0x160]  }
0x355: {  	v14 =	vld [tilespmem:s29+$0xFFFFFE00]  }
0x356: {  	v16 =	vld [tilespmem:s29+$0xFFFFFF70]  }
0x357: {  	v17 =	vld [tilespmem:s29+$0x0];
	v3 =	vadd.f32 $1.000000000e+00, v3  }
0x358: {  	v18 =	vld [tilespmem:s29+$0x10];
	v12 =	vadd.f32 $1.000000000e+00, v12  }
0x359: {  	v19 =	vld [tilespmem:s29+$0x20];
	v20 =	vadd.f32 $1.000000000e+00, v11;
	[tilespmem:s29+$0x120] =	vst v3  }
0x35a: {  	v21 =	vld [tilespmem:s29+$0xFFFFFE30];
	v9 =	vadd.f32 $1.000000000e+00, v9;
	[tilespmem:s29+$0x150] =	vst v12  }
0x35b: {  	v22 =	vld [tilespmem:s29+$0xFFFFFE20];
	v3 =	vadd.f32 $1.000000000e+00, v13;
	[tilespmem:s29+$0xFFFFFF60] =	vst v20  }
0x35c: {  	v13 =	vadd.f32 $1.000000000e+00, v14;
	v14 =	vld [tilespmem:s29+$0x30];
	[tilespmem:s29+$0xFFFFFF40] =	vst v9  }
0x35d: {  	v12 =	vadd.f32 $1.000000000e+00, v16;
	v16 =	vld [tilespmem:s29+$0x40];
	[tilespmem:s29+$0x160] =	vst v3  }
0x35e: {  	[tilespmem:s29+$0xFFFFFE00] =	vst v13;
	v3 =	vadd.f32 $1.000000000e+00, v17;
	v13 =	vld [tilespmem:s29+$0x50]  }
0x35f: {  	v25 =	vld [tilespmem:s29+$0x130];
	[tilespmem:s29+$0xFFFFFF70] =	vst v12;
	v12 =	vadd.f32 $1.000000000e+00, v18  }
0x360: {  	v23 =	vld [tilespmem:s29+$0xFFFFFE10];
	v24 =	vadd.f32 $1.000000000e+00, v7;
	[tilespmem:s29+$0x0] =	vst v3;
	v3 =	vadd.f32 $1.000000000e+00, v19  }
0x361: {  	v11 =	vadd.f32 $1.000000000e+00, v4;
	v17 =	vld [tilespmem:s29+$0x170];
	[tilespmem:s29+$0x10] =	vst v12;
	v12 =	vadd.f32 $1.000000000e+00, v14  }
0x362: {  	v4 =	vadd.f32 $1.000000000e+00, v21;
	v18 =	vld [tilespmem:s29+$0xFFFFFE50];
	[tilespmem:s29+$0x20] =	vst v3;
	v3 =	vadd.f32 $1.000000000e+00, v16  }
0x363: {  	v19 =	vld [tilespmem:s29+$0xFFFFFE40];
	v16 =	vadd.f32 $1.000000000e+00, v10;
	[tilespmem:s29+$0x30] =	vst v12;
	v10 =	vadd.f32 $1.000000000e+00, v13  }
0x364: {  	v9 =	vadd.f32 $1.000000000e+00, v25;
	v14 =	vld [tilespmem:s29+$0x110];
	v12 =	vadd.f32 $1.000000000e+00, v5;
	[tilespmem:s29+$0x40] =	vst v3  }
0x365: {  	[tilespmem:s29+$0x50] =	vst v10;
	v10 =	vadd.f32 $1.000000000e+00, v8;
	v8 =	vadd.f32 $1.000000000e+00, v15;
	v15 =	vld [tilespmem:s29+$0x140]  }
0x366: {  	v13 =	vadd.f32 $1.000000000e+00, v6;
	v3 =	vadd.f32 $1.000000000e+00, v17;
	[tilespmem:s29+$0xFFFFFF50] =	vst v16;
	v16 =	vld [tilespmem:s29+$0x100]  }
0x367: {  	[tilespmem:s29+$0xFFFFFF30] =	vst v24;
	v7 =	vadd.f32 $1.000000000e+00, v18;
	v5 =	vadd.f32 $1.000000000e+00, v22;
	v17 =	vld [tilespmem:s29+$0x70]  }
0x368: {  	s26 =	sadd.s32 $0x3200, s26;
	s1 =	simm.s32 $0x0;
	s30 =	sadd.s32 $0x400, s29;
	v6 =	vadd.f32 $1.000000000e+00, v23;
	v18 =	vld [tilespmem:s29+$0x60];
	[tilespmem:s29+$0x170] =	vst v3;
	v3 =	vadd.f32 $1.000000000e+00, v19  }
.LBB2_46:
0x369: {  	v19 =	vld [tilespmem:s30+$0x120];
	s1 =	sadd.s32 $0x4, s1;
	[tilespmem:s29+$0xFFFFFF20] =	vst v11;
	v11 =	vadd.f32 $1.000000000e+00, v14  }
0x36a: {  	v14 =	vld [tilespmem:s30+$0xFFFFFF20];
	p0 =	slt.u32 s1, $0x60;
	[tilespmem:s29+$0xFFFFFF10] =	vst v12;
	v12 =	vadd.f32 $1.000000000e+00, v15  }
0x36b: {  	v15 =	vld [tilespmem:s30+$0xFFFFFF10];
	[tilespmem:s29+$0xFFFFFF00] =	vst v13;
	v13 =	vadd.f32 $1.000000000e+00, v16  }
0x36c: {  	v16 =	vld [tilespmem:s30+$0xFFFFFF00];
	v17 =	vadd.f32 $1.000000000e+00, v17;
	[tilespmem:s29+$0x140] =	vst v12  }
0x36d: {  	v12 =	vld [tilespmem:s30+$0xFFFFFF30];
	[tilespmem:s29+$0xFFFFFE70] =	vst v10;
	v10 =	vadd.f32 $1.000000000e+00, v18  }
0x36e: {  	v18 =	vld [tilespmem:s30+$0xFFFFFE70];
	v19 =	vadd.f32 $1.000000000e+00, v19;
	[tilespmem:s29+$0x100] =	vst v13  }
0x36f: {  	v13 =	vld [tilespmem:s30+$0xFFFFFF40];
	[tilespmem:s29+$0xFFFFFE60] =	vst v8  }
0x370: {  	v8 =	vld [tilespmem:s30+$0xFFFFFE60];
	[tilespmem:s29+$0x70] =	vst v17  }
0x371: {  	v17 =	vld [tilespmem:s30+$0xFFFFFF50];
	[tilespmem:s29+$0xFFFFFE50] =	vst v7  }
0x372: {  	v7 =	vld [tilespmem:s30+$0xFFFFFF60];
	[tilespmem:s29+$0x60] =	vst v10  }
0x373: {  	v10 =	vld [tilespmem:s30+$0x150];
	[tilespmem:s29+$0xFFFFFE40] =	vst v3  }
0x374: {  	v3 =	vld [tilespmem:s30+$0x160];
	[tilespmem:s29+$0xFFFFFE30] =	vst v4  }
0x375: {  	v4 =	vld [tilespmem:s30+$0xFFFFFE00];
	[tilespmem:s29+$0xFFFFFE20] =	vst v5  }
0x376: {  	v5 =	vld [tilespmem:s30+$0xFFFFFF70];
	[tilespmem:s29+$0x110] =	vst v11  }
0x377: {  	v11 =	vld [tilespmem:s30+$0x0];
	[tilespmem:s29+$0xFFFFFE10] =	vst v6  }
0x378: {  	v6 =	vld [tilespmem:s30+$0x10];
	v10 =	vadd.f32 $1.000000000e+00, v10;
	[tilespmem:s29+$0x130] =	vst v9;
	s29 =	smov.u32 s30  }
0x379: {  	v9 =	vld [tilespmem:s30+$0x20];
	[tilespmem:s30+$0x120] =	vst v19;
	v3 =	vadd.f32 $1.000000000e+00, v3  }
0x37a: {  	v19 =	vadd.f32 $1.000000000e+00, v7;
	v4 =	vadd.f32 $1.000000000e+00, v4;
	v7 =	vld [tilespmem:s30+$0x30];
	[tilespmem:s30+$0x150] =	vst v10  }
0x37b: {  	v17 =	vadd.f32 $1.000000000e+00, v17;
	v5 =	vadd.f32 $1.000000000e+00, v5;
	v10 =	vld [tilespmem:s30+$0x40];
	[tilespmem:s30+$0x160] =	vst v3  }
0x37c: {  	v20 =	vadd.f32 $1.000000000e+00, v13;
	[tilespmem:s30+$0xFFFFFE00] =	vst v4;
	v3 =	vadd.f32 $1.000000000e+00, v11;
	v4 =	vld [tilespmem:s30+$0x50]  }
0x37d: {  	v21 =	vadd.f32 $1.000000000e+00, v12;
	[tilespmem:s30+$0xFFFFFF70] =	vst v5;
	v5 =	vadd.f32 $1.000000000e+00, v6;
	v6 =	vld [tilespmem:s30+$0x170]  }
0x37e: {  	v11 =	vadd.f32 $1.000000000e+00, v14;
	v22 =	vld [tilespmem:s30+$0xFFFFFE50];
	[tilespmem:s30+$0x0] =	vst v3;
	v3 =	vadd.f32 $1.000000000e+00, v9  }
0x37f: {  	v12 =	vadd.f32 $1.000000000e+00, v15;
	v9 =	vld [tilespmem:s30+$0xFFFFFE40];
	[tilespmem:s30+$0x10] =	vst v5;
	v5 =	vadd.f32 $1.000000000e+00, v7  }
0x380: {  	v13 =	vadd.f32 $1.000000000e+00, v16;
	v15 =	vld [tilespmem:s30+$0xFFFFFE30];
	[tilespmem:s30+$0x20] =	vst v3;
	v3 =	vadd.f32 $1.000000000e+00, v10  }
0x381: {  	v10 =	vadd.f32 $1.000000000e+00, v18;
	v16 =	vld [tilespmem:s30+$0xFFFFFE20];
	[tilespmem:s30+$0x30] =	vst v5;
	v4 =	vadd.f32 $1.000000000e+00, v4  }
0x382: {  	v8 =	vadd.f32 $1.000000000e+00, v8;
	v18 =	vld [tilespmem:s30+$0xFFFFFE10];
	[tilespmem:s30+$0x40] =	vst v3;
	v5 =	vadd.f32 $1.000000000e+00, v6  }
0x383: {  	v7 =	vadd.f32 $1.000000000e+00, v22;
	[tilespmem:s30+$0x50] =	vst v4;
	v22 =	vld [tilespmem:s30+$0x130]  }
.Ltmp29:
0x384: {  	v3 =	vadd.f32 $1.000000000e+00, v9;
	v14 =	vld [tilespmem:s30+$0x110];
	[tilespmem:s30+$0x170] =	vst v5;
	(pc) =	sbr.rel @p0 .LBB2_46-.Ltmp29, $4  }
0x385: {  	v4 =	vadd.f32 $1.000000000e+00, v15;
	[tilespmem:s30+$0xFFFFFF60] =	vst v19;
	v15 =	vld [tilespmem:s30+$0x140]  }
0x386: {  	v5 =	vadd.f32 $1.000000000e+00, v16;
	[tilespmem:s30+$0xFFFFFF50] =	vst v17;
	v16 =	vld [tilespmem:s30+$0x100]  }
0x387: {  	v6 =	vadd.f32 $1.000000000e+00, v18;
	[tilespmem:s30+$0xFFFFFF40] =	vst v20;
	v17 =	vld [tilespmem:s30+$0x70]  }
0x388: {  	s30 =	sadd.s32 $0x400, s30;
	[tilespmem:s29+$0xFFFFFF30] =	vst v21;
	v18 =	vld [tilespmem:s29+$0x60];
	v9 =	vadd.f32 $1.000000000e+00, v22  }
0x389: {  	[tilespmem:s29+$0xFFFFFF20] =	vst v11  }
0x38a: {  	[tilespmem:s29+$0xFFFFFF10] =	vst v12  }
0x38b: {  	[tilespmem:s29+$0xFFFFFF00] =	vst v13  }
0x38c: {  	[tilespmem:s29+$0xFFFFFE70] =	vst v10  }
0x38d: {  	[tilespmem:s29+$0xFFFFFE60] =	vst v8  }
0x38e: {  	[tilespmem:s29+$0xFFFFFE50] =	vst v7  }
0x38f: {  	[tilespmem:s29+$0xFFFFFE40] =	vst v3  }
0x390: {  	[tilespmem:s29+$0xFFFFFE30] =	vst v4  }
0x391: {  	[tilespmem:s29+$0xFFFFFE20] =	vst v5  }
0x392: {  	v3 =	vadd.f32 $1.000000000e+00, v14;
	[tilespmem:s29+$0xFFFFFE10] =	vst v6  }
0x393: {  	s1 =	smul.u32 $0xC8, s23;
	s23 =	sadd.s32 $0x1, s23;
	v60 =	vadd.f32 $1.000000000e+00, v15;
	[tilespmem:s29+$0x130] =	vst v9  }
0x394: {  	p0 =	sne.s32 s23, $0x80;
	v61 =	vadd.f32 $1.000000000e+00, v16;
	[tilespmem:s29+$0x110] =	vst v3  }
.Ltmp30:
0x395: {  	[tilespmem:s29+$0x140] =	vst v60;
	v62 =	vadd.f32 $1.000000000e+00, v17;
	(pc) =	sbr.rel @p0 .LBB2_2-.Ltmp30, $4  }
0x396: {  	s1 =	sadd.s32 s6, s1;
	[tilespmem:s29+$0x100] =	vst v61;
	v63 =	vadd.f32 $1.000000000e+00, v18  }
0x397: {  	s1 =	sshll.u32 s1, $0x4;
	[tilespmem:s29+$0x70] =	vst v62  }
0x398: {  	s25 =	sadd.s32 $0x9, s25;
	s22 =	sadd.s32 $0x1, s22;
	s1 =	sadd.s32 s3, s1;
	[tilespmem:s29+$0x60] =	vst v63  }
0x399: {  	[hbm4b:s1+s5] =	stream.linear.scatter [tilespmem:s26], [sflag:s25], $0x6400, $0x38;
	[tilespmem:$0x1C800] =	vst v63  }
0x39a: {  	_ =	swait.ge [sflag:s0], $0x6400  }
0x39b: {  	[sflag:s0] =	ssyncset.done $0x0  }
0x39c: {  	[sflag:s0] =	ssyncadd.s32 $0xFFFF9C00  }
0x39d: {  	_ =	swait.ge [sflag:s16], $0x6400  }
0x39e: {  	[sflag:s16] =	ssyncset.done $0x0  }
0x39f: {  	s19 =	sadd.s32 $0x1, s19;
	[sflag:s16] =	ssyncadd.s32 $0xFFFF9C00  }
0x3a0: {  	p0 =	sne.s32 s19, s13;
	_ =	swait.ge [sflag:s17], $0x6400  }
.Ltmp31:
0x3a1: {  	[sflag:s17] =	ssyncset.done $0x0;
	(pc) =	sbr.rel @p0 .LBB2_1-.Ltmp31, $4  }
0x3a2: {  	[sflag:s17] =	ssyncadd.s32 $0xFFFF9C00  }
0x3a3: {  	_ =	swait.ge [sflag:s18], $0x6400  }
0x3a4: {  	[sflag:s18] =	ssyncset.done $0x0  }
0x3a5: {  	[sflag:s18] =	ssyncadd.s32 $0xFFFF9C00  }
0x3a6: {  	_ =	sfence.sel $0x180000  }
0x3a7: {  	[bflag:$0x0] =	sbarrier.arrive $0xFFFF  }
0x3a8: {  	_ =	strace $0x90000047  }
0x3a9: {  	s0 =	stileid.u32;
	[bflag:$0x2] =	sbarrier.arrive $0xFFFF  }
0x3aa: {  	p0 =	sne.s32 s0, $0x0;
	s0 =	rddreg [dreg:$0x4]  }
0x3ab: {  	s0 =	sadd.s32 @!p0 $0x100000, s0  }
0x3ac: {  	[sflag:s0] =	ssyncadd.tile.s32 @!p0 $0x1;
	_ =	shalt  }
.Lfunc_end2:
_tile_overlayer_lowered:
.L_overlay_start_2:
0x3ad: {  	(tag) =	ssettag $0x2  }
0x3ae: {  	s0 =	rddreg [dreg:$0x0];
	s2 =	stileid.u32  }
0x3af: {  	s1 =	rddreg [dreg:$0x1];
	p0 =	sne.s32 s2, $0x0  }
0x3b0: {  	s3 =	rddreg [dreg:$0x2];
	[bflag:$0x3] =	sbarrier.arrive $0xFFFF;
	s2 =	simm.s32 @!p0 $0x1C0D  }
0x3b1: {  	[timem:s3], [sflag:s2] =	dma.local @!p0 [hbm:s0], s1  }
0x3b2: {  	s0 =	simm.s32 @!p0 $0xD  }
0x3b3: {  	_ =	swait.ge @!p0 [sflag:s0], s1  }
0x3b4: {  	s1 =	ssub.s32 @!p0 $0x0, s1;
	[sflag:s0] =	ssyncset.done @!p0 $0x0  }
0x3b5: {  	[sflag:s0] =	ssyncadd.s32 @!p0 s1  }
0x3b6: {  	[bflag:$0x3] =	sbarrier.arrive $0xFFFF  }
0x3b7: {  	_ =	shalt  }

</sc_bundles>
